<compile_context>
chip_gen: v7x
topology: tpu7x:2x2x1
jax: 0.10.2.dev20260603
libtpu: 0.0.44.dev20260713+nightly
codegen_flags: <defaults>
</compile_context>

<pallas_src>
import functools

import jax
import jax.numpy as jnp
from jax import lax
from jax.experimental import pallas as pl
from jax.experimental.pallas import tpu as pltpu
from jax.experimental.pallas import tpu_sc as plsc

N0, N1, N2 = 10000, 4000, 1024
E1, E2 = 160000, 32768
D = 128
NC, NS = 2, 16
NW = NC * NS
CH = 128

R1 = 4096
R2 = 1024
E1P = 163840
KA, KB = 40, 40


def _segsum_sc(table, src, dst, n_rows, n_tbl, k0, k1):
    rows_per_sub = n_rows // NS
    t0 = ((n_tbl // NS) // 8) * 8
    t_last = n_tbl - (NS - 1) * t0
    mesh = plsc.VectorSubcoreMesh(
        core_axis_name="c", subcore_axis_name="s",
        num_cores=NC, num_subcores=NS)

    @functools.partial(
        pl.kernel,
        out_type=jax.ShapeDtypeStruct((NC * n_rows, D), jnp.float32),
        mesh=mesh,
        scratch_types=[
            pltpu.VMEM((2, CH), jnp.int32),
            pltpu.VMEM((2, CH), jnp.int32),
            pltpu.VMEM((2, CH, D), jnp.float32),
            pltpu.VMEM_SHARED((n_tbl, D), jnp.float32),
            pltpu.VMEM_SHARED((n_rows, D), jnp.float32),
            pltpu.SemaphoreType.DMA,
            pltpu.SemaphoreType.DMA,
            pltpu.SemaphoreType.DMA,
            pltpu.SemaphoreType.DMA,
        ],
    )
    def k(table_hbm, src_hbm, dst_hbm, zero_hbm, out_hbm,
          sidx, didx, rows, tbl, acc, si0, si1, sg0, sg1):
        si = (si0, si1)
        sg = (sg0, sg1)
        cid = lax.axis_index("c")
        sid = lax.axis_index("s")
        rbase = sid * rows_per_sub

        @pl.when(sid < NS - 1)
        def _():
            pltpu.sync_copy(table_hbm.at[pl.ds(sid * t0, t0)],
                            tbl.at[pl.ds(sid * t0, t0)])

        @pl.when(sid == NS - 1)
        def _():
            pltpu.sync_copy(table_hbm.at[pl.ds((NS - 1) * t0, t_last)],
                            tbl.at[pl.ds((NS - 1) * t0, t_last)])

        pltpu.sync_copy(zero_hbm.at[pl.ds(rbase, rows_per_sub)],
                        acc.at[pl.ds(rbase, rows_per_sub)])
        plsc.subcore_barrier()

        def wait_gather(p):
            pltpu.make_async_copy(tbl.at[sidx.at[p]], rows.at[p],
                                  sg[p]).wait()

        def stage(cbase, j, p):
            off = (cbase + j) * CH
            d1 = pltpu.async_copy(src_hbm.at[pl.ds(off, CH)], sidx.at[p],
                                  si[p])
            d2 = pltpu.async_copy(dst_hbm.at[pl.ds(off, CH)], didx.at[p],
                                  si[p])
            d1.wait()
            d2.wait()
            pltpu.async_copy(tbl.at[sidx.at[p]], rows.at[p], sg[p])

        def drain(p):
            wait_gather(p)
            pltpu.sync_copy(rows.at[p], acc.at[didx.at[p]], add=True)

        def run_chunks(cbase, n):
            n2 = n // 2
            stage(cbase, 0, 0)
            stage(cbase, 1, 1)

            def body(i, carry):
                drain(0)

                @pl.when(i < n2 - 1)
                def _():
                    stage(cbase, 2 * i + 2, 0)

                drain(1)

                @pl.when(i < n2 - 1)
                def _():
                    stage(cbase, 2 * i + 3, 1)

                return carry

            lax.fori_loop(0, n2, body, 0)

        if k0 == k1:
            run_chunks((cid * NS + sid) * k0, k0)
        else:
            @pl.when(cid == 0)
            def _():
                run_chunks(sid * k0, k0)

            @pl.when(cid == 1)
            def _():
                run_chunks(NS * k0 + sid * k1, k1)

        plsc.subcore_barrier()
        pltpu.sync_copy(acc.at[pl.ds(rbase, rows_per_sub)],
                        out_hbm.at[pl.ds(cid * n_rows + rbase, rows_per_sub)])

    zeros = jnp.zeros((n_rows, D), jnp.float32)
    return k(table, src, dst, zeros)


def _deg_sc(dst1p, dst2):
    rps1 = R1 // NS
    rps2 = R2 // NS
    kk1 = E1P // CH // NW
    kk2 = E2 // CH // NW
    mesh = plsc.VectorSubcoreMesh(
        core_axis_name="c", subcore_axis_name="s",
        num_cores=NC, num_subcores=NS)

    @functools.partial(
        pl.kernel,
        out_type=[jax.ShapeDtypeStruct((NC * R1, D), jnp.float32),
                  jax.ShapeDtypeStruct((NC * R2, D), jnp.float32)],
        mesh=mesh,
        scratch_types=[
            pltpu.VMEM((4, CH), jnp.int32),
            pltpu.VMEM((CH, D), jnp.float32),
            pltpu.VMEM_SHARED((R1, D), jnp.float32),
            pltpu.VMEM_SHARED((R2, D), jnp.float32),
            pltpu.SemaphoreType.DMA,
            pltpu.SemaphoreType.DMA,
            pltpu.SemaphoreType.DMA,
            pltpu.SemaphoreType.DMA,
            pltpu.SemaphoreType.DMA,
            pltpu.SemaphoreType.DMA,
            pltpu.SemaphoreType.DMA,
            pltpu.SemaphoreType.DMA,
        ],
    )
    def k(dst1_hbm, dst2_hbm, zero_hbm, ones_hbm, deg1_hbm, deg2_hbm,
          didx, onesbuf, dacc1, dacc2, si0, si1, si2, si3,
          ss0, ss1, ss2, ss3):
        si = (si0, si1, si2, si3)
        ss = (ss0, ss1, ss2, ss3)
        cid = lax.axis_index("c")
        sid = lax.axis_index("s")
        wid = cid * NS + sid
        pltpu.sync_copy(zero_hbm.at[pl.ds(sid * rps1, rps1)],
                        dacc1.at[pl.ds(sid * rps1, rps1)])
        pltpu.sync_copy(zero_hbm.at[pl.ds(sid * rps2, rps2)],
                        dacc2.at[pl.ds(sid * rps2, rps2)])
        pltpu.sync_copy(ones_hbm, onesbuf)
        plsc.subcore_barrier()

        def run(dst_hbm, dacc, cbase, n):
            def issue(j, p):
                off = (cbase + j) * CH
                pltpu.async_copy(dst_hbm.at[pl.ds(off, CH)], didx.at[p],
                                 si[p])

            def wait_idx(p):
                pltpu.make_async_copy(dst_hbm.at[pl.ds(0, CH)],
                                      didx.at[p], si[p]).wait()

            def wait_scatter(p):
                pltpu.make_async_copy(onesbuf, dacc.at[didx.at[p]],
                                      ss[p]).wait()

            n4 = n // 4
            for p in range(4):
                issue(p, p)

            def body(i, carry):
                for p in range(4):
                    wait_idx(p)
                    pltpu.async_copy(onesbuf, dacc.at[didx.at[p]], ss[p],
                                     add=True)

                @pl.when(i < n4 - 1)
                def _():
                    for p in range(4):
                        wait_scatter(p)
                        issue(4 * i + 4 + p, p)

                return carry

            lax.fori_loop(0, n4, body, 0)
            for p in range(4):
                wait_scatter(p)

        run(dst1_hbm, dacc1, wid * kk1, kk1)
        run(dst2_hbm, dacc2, wid * kk2, kk2)
        plsc.subcore_barrier()
        pltpu.sync_copy(dacc1.at[pl.ds(sid * rps1, rps1)],
                        deg1_hbm.at[pl.ds(cid * R1 + sid * rps1, rps1)])
        pltpu.sync_copy(dacc2.at[pl.ds(sid * rps2, rps2)],
                        deg2_hbm.at[pl.ds(cid * R2 + sid * rps2, rps2)])

    zeros = jnp.zeros((R1, D), jnp.float32)
    ones = jnp.ones((CH, D), jnp.float32)
    return k(dst1p, dst2, zeros, ones)


def _deg_col(degp, n_rows, n):
    d = degp[:, 0:1]
    return (d[:n_rows] + d[n_rows:])[:n]


def _pad_rows(v, rows):
    return jnp.concatenate(
        [v, jnp.zeros((rows - v.shape[0], v.shape[1]), v.dtype)], axis=0)


def _tc_prep_body(x_ref, xb_ref, xtb_ref):
    xs = x_ref[:]
    xt = xs[:N1]
    m_all = jnp.mean(xs, axis=0, keepdims=True)
    m_tgt = jnp.mean(xt, axis=0, keepdims=True)
    xb_ref[:] = _pad_rows(jnp.sign(xt - m_all), R1)
    xtb_ref[:] = jnp.sign(xt - m_tgt)


def _tc_l1a_body(segp_ref, degp_ref, xtb_ref, agg_ref):
    sp = segp_ref[:]
    seg = (sp[:R1] + sp[R1:])[:N1]
    deg = _deg_col(degp_ref[:], R1, N1)
    agg = (seg + xtb_ref[:]) / (deg + 1.0)
    agg_ref[:] = _pad_rows(agg, R1)


def _tc_l1b_body(seg2p_ref, degp_ref, agg_ref, wa_ref, ba_ref, wb_ref,
                 bb_ref, xb2_ref, xtb2_ref):
    s2 = (seg2p_ref[:][:R1] + seg2p_ref[:][R1:])[:N1]
    deg = _deg_col(degp_ref[:], R1, N1)
    agg = agg_ref[:N1]
    agg2 = jnp.dot((s2 + agg) / (deg + 1.0), wa_ref[:],
                   preferred_element_type=jnp.float32) + ba_ref[:]
    h2 = jnp.maximum(
        jnp.dot(agg2, wb_ref[:], preferred_element_type=jnp.float32)
        + bb_ref[:], 0.0)
    ht = h2[:N2]
    m_all = jnp.mean(h2, axis=0, keepdims=True)
    m_tgt = jnp.mean(ht, axis=0, keepdims=True)
    xb2_ref[:] = jnp.sign(ht - m_all)
    xtb2_ref[:] = jnp.sign(ht - m_tgt)


def _tc_l2a_body(seg3p_ref, degp_ref, xtb2_ref, agg3_ref):
    sp = seg3p_ref[:]
    seg = sp[:R2] + sp[R2:]
    deg = _deg_col(degp_ref[:], R2, N2)
    agg3_ref[:] = (seg + xtb2_ref[:]) / (deg + 1.0)


def _tc_l2b_body(seg4p_ref, degp_ref, agg3_ref, wa_ref, ba_ref, wb_ref,
                 bb_ref, out_ref):
    s4 = seg4p_ref[:][:R2] + seg4p_ref[:][R2:]
    deg = _deg_col(degp_ref[:], R2, N2)
    agg3 = agg3_ref[:]
    agg2 = jnp.dot((s4 + agg3) / (deg + 1.0), wa_ref[:],
                   preferred_element_type=jnp.float32) + ba_ref[:]
    o = jnp.dot(agg2, wb_ref[:],
                preferred_element_type=jnp.float32) + bb_ref[:]
    m = jnp.max(o, axis=-1, keepdims=True)
    ls = o - m
    out_ref[:] = ls - jnp.log(jnp.sum(jnp.exp(ls), axis=-1, keepdims=True))


def kernel(x, edge_index1, edge_index2, W1a, b1a, W1b, b1b, W2a, b2a, W2b,
           b2b):
    src1, dst1 = edge_index1[0], edge_index1[1]
    src2, dst2 = edge_index2[0], edge_index2[1]
    npad = E1P - E1
    src1p = jnp.concatenate([src1, jnp.zeros((npad,), jnp.int32)])
    dst1p = jnp.concatenate([dst1, jnp.full((npad,), N1, jnp.int32)])

    k2 = E2 // CH // NW

    deg1p, deg2p = _deg_sc(dst1p, dst2)

    xb, xtb = pl.pallas_call(
        _tc_prep_body,
        out_shape=[jax.ShapeDtypeStruct((R1, D), jnp.float32),
                   jax.ShapeDtypeStruct((N1, D), jnp.float32)],
    )(x)

    seg1p = _segsum_sc(xb, src1p, dst1p, R1, N1, KA, KB)

    agg = pl.pallas_call(
        _tc_l1a_body,
        out_shape=jax.ShapeDtypeStruct((R1, D), jnp.float32),
    )(seg1p, deg1p, xtb)

    seg2p = _segsum_sc(agg, src1p, dst1p, R1, N1, KA, KB)

    xb2, xtb2 = pl.pallas_call(
        _tc_l1b_body,
        out_shape=[jax.ShapeDtypeStruct((R2, D), jnp.float32),
                   jax.ShapeDtypeStruct((N2, D), jnp.float32)],
    )(seg2p, deg1p, agg, W1a, b1a, W1b, b1b)

    seg3p = _segsum_sc(xb2, src2, dst2, R2, N2, k2, k2)

    agg3 = pl.pallas_call(
        _tc_l2a_body,
        out_shape=jax.ShapeDtypeStruct((R2, D), jnp.float32),
    )(seg3p, deg2p, xtb2)

    seg4p = _segsum_sc(agg3, src2, dst2, R2, N2, k2, k2)

    out = pl.pallas_call(
        _tc_l2b_body,
        out_shape=jax.ShapeDtypeStruct((N2, D), jnp.float32),
    )(seg4p, deg2p, agg3, W2a, b2a, W2b, b2b)
    return out

# --- scband reference (transcript-rebuilt; emitter-appended) ---
"""Pipeline reference for scband-neighbor-sampling-gcn-63582695850942 (READ-ONLY COPY).

The authoritative reference and input builder live on the scoring server;
editing this copy changes nothing except your own understanding.
"""

import jax, jax.numpy as jnp
import numpy as np

N0, N1, N2 = 10000, 4000, 1024
E1, E2 = 160000, 32768
D_IN, D_HID, D_OUT = 128, 128, 128


def bin_active(x):
    # BinActive0: sign forward, clipped straight-through backward
    s = jnp.sign(x)
    ste = jnp.clip(x, -1.0, 1.0)
    return ste + jax.lax.stop_gradient(s - ste)


def norm_bin(v):
    v = v - v.mean(axis=0, keepdims=True)
    v = v / (v.std(axis=0, keepdims=True, ddof=1) + 0.0001)
    return bin_active(v)


def gcn_layer(x, edge_index, n_tgt, Wa, ba, Wb, bb, apply_relu):
    x_target = x[:n_tgt]
    xb = norm_bin(x)
    xtb = norm_bin(x_target)
    src = edge_index[0]
    dst = edge_index[1]
    ones = jnp.ones(src.shape[0], jnp.float32)
    deg = jax.ops.segment_sum(ones, dst, num_segments=n_tgt)[:, None]
    # conv1: bipartite mean aggregation with self (target) term
    agg = (jax.ops.segment_sum(xb[src], dst, num_segments=n_tgt) + xtb) / (deg + 1.0)
    h = agg @ Wa + ba
    # conv2 (indBiGCNConv1): aggregation over the target-sized graph
    src2 = src % n_tgt
    agg2 = (jax.ops.segment_sum(h[src2], dst, num_segments=n_tgt) + h) / (deg + 1.0)
    h2 = agg2 @ Wb + bb
    if apply_relu:
        h2 = jax.nn.relu(h2)
    return h2


def setup_inputs(seed: int = 0):
    key = jax.random.key(seed)
    ks = jax.random.split(key, 12)
    x = jax.random.normal(ks[0], (N0, D_IN), dtype=jnp.float32)
    edge_index1 = jax.random.randint(ks[1], (2, E1), 0, N1, dtype=jnp.int32)
    edge_index2 = jax.random.randint(ks[2], (2, E2), 0, N2, dtype=jnp.int32)
    W1a = jax.random.normal(ks[3], (D_IN, D_HID), dtype=jnp.float32) / np.sqrt(D_IN)
    b1a = jnp.zeros((D_HID,), jnp.float32)
    W1b = jax.random.normal(ks[4], (D_HID, D_HID), dtype=jnp.float32) / np.sqrt(D_HID)
    b1b = jnp.zeros((D_HID,), jnp.float32)
    W2a = jax.random.normal(ks[5], (D_HID, D_OUT), dtype=jnp.float32) / np.sqrt(D_HID)
    b2a = jnp.zeros((D_OUT,), jnp.float32)
    W2b = jax.random.normal(ks[6], (D_OUT, D_OUT), dtype=jnp.float32) / np.sqrt(D_OUT)
    b2b = jnp.zeros((D_OUT,), jnp.float32)
    return {"x": x, "edge_index1": edge_index1, "edge_index2": edge_index2,
            "W1a": W1a, "b1a": b1a, "W1b": W1b, "b1b": b1b,
            "W2a": W2a, "b2a": b2a, "W2b": W2b, "b2b": b2b}


def reference(x, edge_index1, edge_index2, W1a, b1a, W1b, b1b, W2a, b2a, W2b, b2b):
    h = gcn_layer(x, edge_index1, N1, W1a, b1a, W1b, b1b, apply_relu=True)
    out = gcn_layer(h, edge_index2, N2, W2a, b2a, W2b, b2b, apply_relu=False)
    return jax.nn.log_softmax(out, axis=-1)

if __name__ == "__main__":
    import jax
    _d = setup_inputs()
    print(jax.jit(kernel)(*tuple(_d.values())))

</pallas_src>

<mosaic_0001>
#map = affine_map<(d0, d1) -> (0, 0)>
#map1 = affine_map<(d0, d1) -> (0)>
module attributes {stable_mosaic.version = 14 : i64} {
  func.func @k(%arg0: i32, %arg1: i32, %arg2: memref<4096x128xf32, #tpu.memory_space<hbm>>, %arg3: memref<163840xi32, #tpu.memory_space<hbm>>, %arg4: memref<163840xi32, #tpu.memory_space<hbm>>, %arg5: memref<4096x128xf32, #tpu.memory_space<hbm>>, %arg6: memref<8192x128xf32, #tpu.memory_space<hbm>>, %arg7: memref<2x128xi32, #tpu.memory_space<vmem>>, %arg8: memref<2x128xi32, #tpu.memory_space<vmem>>, %arg9: memref<2x128x128xf32, #tpu.memory_space<vmem>>, %arg10: memref<4000x128xf32, #tpu.memory_space<vmem_shared>>, %arg11: memref<4096x128xf32, #tpu.memory_space<vmem_shared>>, %arg12: memref<!tpu.dma_semaphore, #tpu.memory_space<semaphore_mem>>, %arg13: memref<!tpu.dma_semaphore, #tpu.memory_space<semaphore_mem>>, %arg14: memref<!tpu.dma_semaphore, #tpu.memory_space<semaphore_mem>>, %arg15: memref<!tpu.dma_semaphore, #tpu.memory_space<semaphore_mem>>) attributes {dimension_semantics = [#tpu.dimension_semantics<core_parallel>, #tpu.dimension_semantics<subcore_parallel>], iteration_bounds = array<i64: 2, 16>, scalar_prefetch = 0 : i64, scratch_operands = 9 : i64, tpu.core_type = #tpu.core_type<sc_vector_subcore>, window_params = [{transform_indices = #map}, {transform_indices = #map1}, {transform_indices = #map1}, {transform_indices = #map}, {transform_indices = #map}]} {
    %mul3A = arith.constant 256 : i32
    %mul3A_0 = arith.muli %arg1, %mul3A : i32
    %lt3A = arith.constant 15 : i32
    %lt3A_1 = arith.cmpi slt, %arg1, %lt3A : i32
    %convert_element_type3A = arith.extui %lt3A_1 : i1 to i32
    %cond3A = arith.constant 0 : i32
    %cond3A_2 = arith.cmpi ne, %convert_element_type3A, %cond3A : i32
    scf.if %cond3A_2 {
      %mul3A_122 = arith.constant 248 : i32
      %mul3A_123 = arith.muli %arg1, %mul3A_122 : i32
      %mul3A_124 = arith.constant 248 : i32
      %mul3A_125 = arith.muli %arg1, %mul3A_124 : i32
      "tpu.region"() ({
        %run_scoped3A = tpu.sem_alloc : memref<!tpu.dma_semaphore, #tpu.memory_space<semaphore_mem>>
        %dma_start3A_126 = arith.constant 0 : i32
        %dma_start3A_127 = tpu.memref_slice %arg10[%mul3A_125, %dma_start3A_126] : memref<4000x128xf32, #tpu.memory_space<vmem_shared>> -> memref<248x128xf32, #tpu.memory_space<vmem_shared>>
        %dma_start3A_128 = arith.constant 0 : i32
        %dma_start3A_129 = tpu.memref_slice %arg2[%mul3A_123, %dma_start3A_128] : memref<4096x128xf32, #tpu.memory_space<hbm>> -> memref<248x128xf32, #tpu.memory_space<hbm>>
        tpu.enqueue_dma source(%dma_start3A_129 : memref<248x128xf32, #tpu.memory_space<hbm>>) target(%dma_start3A_127 : memref<248x128xf32, #tpu.memory_space<vmem_shared>>) target_semaphore(%run_scoped3A : memref<!tpu.dma_semaphore, #tpu.memory_space<semaphore_mem>>)
        %dma_wait3A_130 = arith.constant 0 : i32
        %dma_wait3A_131 = tpu.memref_slice %arg10[%mul3A_125, %dma_wait3A_130] : memref<4000x128xf32, #tpu.memory_space<vmem_shared>> -> memref<248x128xf32, #tpu.memory_space<vmem_shared>>
        %dma_wait3A_132 = arith.constant 0 : i32
        %dma_wait3A_133 = tpu.memref_slice %arg2[%mul3A_123, %dma_wait3A_132] : memref<4096x128xf32, #tpu.memory_space<hbm>> -> memref<248x128xf32, #tpu.memory_space<hbm>>
        tpu.wait_dma2 semaphore(%run_scoped3A : memref<!tpu.dma_semaphore, #tpu.memory_space<semaphore_mem>>) src(%dma_wait3A_133 : memref<248x128xf32, #tpu.memory_space<hbm>>) dst(%dma_wait3A_131 : memref<248x128xf32, #tpu.memory_space<vmem_shared>>)
        tpu.yield
      }) : () -> ()
    } else {
    }
    %eq3A = arith.constant 15 : i32
    %eq3A_3 = arith.cmpi eq, %arg1, %eq3A : i32
    %convert_element_type3A_4 = arith.extui %eq3A_3 : i1 to i32
    %cond3A_5 = arith.constant 0 : i32
    %cond3A_6 = arith.cmpi ne, %convert_element_type3A_4, %cond3A_5 : i32
    scf.if %cond3A_6 {
      "tpu.region"() ({
        %run_scoped3A = tpu.sem_alloc : memref<!tpu.dma_semaphore, #tpu.memory_space<semaphore_mem>>
        %dma_start3A_122 = arith.constant 3720 : i32
        %dma_start3A_123 = arith.constant 0 : i32
        %dma_start3A_124 = tpu.memref_slice %arg10[%dma_start3A_122, %dma_start3A_123] : memref<4000x128xf32, #tpu.memory_space<vmem_shared>> -> memref<280x128xf32, #tpu.memory_space<vmem_shared>>
        %dma_start3A_125 = arith.constant 3720 : i32
        %dma_start3A_126 = arith.constant 0 : i32
        %dma_start3A_127 = tpu.memref_slice %arg2[%dma_start3A_125, %dma_start3A_126] : memref<4096x128xf32, #tpu.memory_space<hbm>> -> memref<280x128xf32, #tpu.memory_space<hbm>>
        tpu.enqueue_dma source(%dma_start3A_127 : memref<280x128xf32, #tpu.memory_space<hbm>>) target(%dma_start3A_124 : memref<280x128xf32, #tpu.memory_space<vmem_shared>>) target_semaphore(%run_scoped3A : memref<!tpu.dma_semaphore, #tpu.memory_space<semaphore_mem>>)
        %dma_wait3A_128 = arith.constant 3720 : i32
        %dma_wait3A_129 = arith.constant 0 : i32
        %dma_wait3A_130 = tpu.memref_slice %arg10[%dma_wait3A_128, %dma_wait3A_129] : memref<4000x128xf32, #tpu.memory_space<vmem_shared>> -> memref<280x128xf32, #tpu.memory_space<vmem_shared>>
        %dma_wait3A_131 = arith.constant 3720 : i32
        %dma_wait3A_132 = arith.constant 0 : i32
        %dma_wait3A_133 = tpu.memref_slice %arg2[%dma_wait3A_131, %dma_wait3A_132] : memref<4096x128xf32, #tpu.memory_space<hbm>> -> memref<280x128xf32, #tpu.memory_space<hbm>>
        tpu.wait_dma2 semaphore(%run_scoped3A : memref<!tpu.dma_semaphore, #tpu.memory_space<semaphore_mem>>) src(%dma_wait3A_133 : memref<280x128xf32, #tpu.memory_space<hbm>>) dst(%dma_wait3A_130 : memref<280x128xf32, #tpu.memory_space<vmem_shared>>)
        tpu.yield
      }) : () -> ()
    } else {
    }
    "tpu.region"() ({
      %run_scoped3A = tpu.sem_alloc : memref<!tpu.dma_semaphore, #tpu.memory_space<semaphore_mem>>
      %dma_start3A_122 = arith.constant 0 : i32
      %dma_start3A_123 = tpu.memref_slice %arg11[%mul3A_0, %dma_start3A_122] : memref<4096x128xf32, #tpu.memory_space<vmem_shared>> -> memref<256x128xf32, #tpu.memory_space<vmem_shared>>
      %dma_start3A_124 = arith.constant 0 : i32
      %dma_start3A_125 = tpu.memref_slice %arg5[%mul3A_0, %dma_start3A_124] : memref<4096x128xf32, #tpu.memory_space<hbm>> -> memref<256x128xf32, #tpu.memory_space<hbm>>
      tpu.enqueue_dma source(%dma_start3A_125 : memref<256x128xf32, #tpu.memory_space<hbm>>) target(%dma_start3A_123 : memref<256x128xf32, #tpu.memory_space<vmem_shared>>) target_semaphore(%run_scoped3A : memref<!tpu.dma_semaphore, #tpu.memory_space<semaphore_mem>>)
      %dma_wait3A_126 = arith.constant 0 : i32
      %dma_wait3A_127 = tpu.memref_slice %arg11[%mul3A_0, %dma_wait3A_126] : memref<4096x128xf32, #tpu.memory_space<vmem_shared>> -> memref<256x128xf32, #tpu.memory_space<vmem_shared>>
      %dma_wait3A_128 = arith.constant 0 : i32
      %dma_wait3A_129 = tpu.memref_slice %arg5[%mul3A_0, %dma_wait3A_128] : memref<4096x128xf32, #tpu.memory_space<hbm>> -> memref<256x128xf32, #tpu.memory_space<hbm>>
      tpu.wait_dma2 semaphore(%run_scoped3A : memref<!tpu.dma_semaphore, #tpu.memory_space<semaphore_mem>>) src(%dma_wait3A_129 : memref<256x128xf32, #tpu.memory_space<hbm>>) dst(%dma_wait3A_127 : memref<256x128xf32, #tpu.memory_space<vmem_shared>>)
      tpu.yield
    }) : () -> ()
    %barrier3A = arith.constant 0 : index
    tpu.barrier barrier_id(%barrier3A)
    %mul3A_7 = arith.constant 16 : i32
    %mul3A_8 = arith.muli %arg0, %mul3A_7 : i32
    %add3A = arith.addi %mul3A_8, %arg1 : i32
    %mul3A_9 = arith.constant 40 : i32
    %mul3A_10 = arith.muli %add3A, %mul3A_9 : i32
    %add3A_11 = arith.constant 0 : i32
    %add3A_12 = arith.addi %mul3A_10, %add3A_11 : i32
    %mul3A_13 = arith.constant 128 : i32
    %mul3A_14 = arith.muli %add3A_12, %mul3A_13 : i32
    %dma_start3A = arith.constant 0 : i32
    %dma_start3A_15 = arith.constant 0 : i32
    %dma_start3A_16 = tpu.memref_slice %arg7[%dma_start3A, %dma_start3A_15] : memref<2x128xi32, #tpu.memory_space<vmem>> -> memref<1x128xi32, #tpu.memory_space<vmem>>
    %dma_start3A_17 = tpu.memref_squeeze %dma_start3A_16 : memref<1x128xi32, #tpu.memory_space<vmem>> -> memref<128xi32, #tpu.memory_space<vmem>>
    %dma_start3A_18 = tpu.memref_slice %arg3[%mul3A_14] : memref<163840xi32, #tpu.memory_space<hbm>> -> memref<128xi32, #tpu.memory_space<hbm>>
    %dma_start3A_19 = arith.constant 0 : i32
    %dma_start3A_20 = tpu.memref_slice %arg7[%dma_start3A, %dma_start3A_19] : memref<2x128xi32, #tpu.memory_space<vmem>> -> memref<1x128xi32, #tpu.memory_space<vmem>>
    %dma_start3A_21 = tpu.memref_squeeze %dma_start3A_20 : memref<1x128xi32, #tpu.memory_space<vmem>> -> memref<128xi32, #tpu.memory_space<vmem>>
    %dma_start3A_22 = tpu.memref_slice %arg3[%mul3A_14] : memref<163840xi32, #tpu.memory_space<hbm>> -> memref<128xi32, #tpu.memory_space<hbm>>
    tpu.enqueue_dma source(%dma_start3A_22 : memref<128xi32, #tpu.memory_space<hbm>>) target(%dma_start3A_21 : memref<128xi32, #tpu.memory_space<vmem>>) target_semaphore(%arg12 : memref<!tpu.dma_semaphore, #tpu.memory_space<semaphore_mem>>)
    %dma_start3A_23 = arith.constant 0 : i32
    %dma_start3A_24 = arith.constant 0 : i32
    %dma_start3A_25 = tpu.memref_slice %arg8[%dma_start3A_23, %dma_start3A_24] : memref<2x128xi32, #tpu.memory_space<vmem>> -> memref<1x128xi32, #tpu.memory_space<vmem>>
    %dma_start3A_26 = tpu.memref_squeeze %dma_start3A_25 : memref<1x128xi32, #tpu.memory_space<vmem>> -> memref<128xi32, #tpu.memory_space<vmem>>
    %dma_start3A_27 = tpu.memref_slice %arg4[%mul3A_14] : memref<163840xi32, #tpu.memory_space<hbm>> -> memref<128xi32, #tpu.memory_space<hbm>>
    %dma_start3A_28 = arith.constant 0 : i32
    %dma_start3A_29 = tpu.memref_slice %arg8[%dma_start3A_23, %dma_start3A_28] : memref<2x128xi32, #tpu.memory_space<vmem>> -> memref<1x128xi32, #tpu.memory_space<vmem>>
    %dma_start3A_30 = tpu.memref_squeeze %dma_start3A_29 : memref<1x128xi32, #tpu.memory_space<vmem>> -> memref<128xi32, #tpu.memory_space<vmem>>
    %dma_start3A_31 = tpu.memref_slice %arg4[%mul3A_14] : memref<163840xi32, #tpu.memory_space<hbm>> -> memref<128xi32, #tpu.memory_space<hbm>>
    tpu.enqueue_dma source(%dma_start3A_31 : memref<128xi32, #tpu.memory_space<hbm>>) target(%dma_start3A_30 : memref<128xi32, #tpu.memory_space<vmem>>) target_semaphore(%arg12 : memref<!tpu.dma_semaphore, #tpu.memory_space<semaphore_mem>>)
    %dma_wait3A = arith.constant 0 : i32
    %dma_wait3A_32 = arith.constant 0 : i32
    %dma_wait3A_33 = tpu.memref_slice %arg7[%dma_wait3A, %dma_wait3A_32] : memref<2x128xi32, #tpu.memory_space<vmem>> -> memref<1x128xi32, #tpu.memory_space<vmem>>
    %dma_wait3A_34 = tpu.memref_squeeze %dma_wait3A_33 : memref<1x128xi32, #tpu.memory_space<vmem>> -> memref<128xi32, #tpu.memory_space<vmem>>
    %dma_wait3A_35 = tpu.memref_slice %arg3[%mul3A_14] : memref<163840xi32, #tpu.memory_space<hbm>> -> memref<128xi32, #tpu.memory_space<hbm>>
    %dma_wait3A_36 = arith.constant 0 : i32
    %dma_wait3A_37 = tpu.memref_slice %arg7[%dma_wait3A, %dma_wait3A_36] : memref<2x128xi32, #tpu.memory_space<vmem>> -> memref<1x128xi32, #tpu.memory_space<vmem>>
    %dma_wait3A_38 = tpu.memref_squeeze %dma_wait3A_37 : memref<1x128xi32, #tpu.memory_space<vmem>> -> memref<128xi32, #tpu.memory_space<vmem>>
    %dma_wait3A_39 = tpu.memref_slice %arg3[%mul3A_14] : memref<163840xi32, #tpu.memory_space<hbm>> -> memref<128xi32, #tpu.memory_space<hbm>>
    tpu.wait_dma2 semaphore(%arg12 : memref<!tpu.dma_semaphore, #tpu.memory_space<semaphore_mem>>) src(%dma_wait3A_39 : memref<128xi32, #tpu.memory_space<hbm>>) dst(%dma_wait3A_38 : memref<128xi32, #tpu.memory_space<vmem>>)
    %dma_wait3A_40 = arith.constant 0 : i32
    %dma_wait3A_41 = arith.constant 0 : i32
    %dma_wait3A_42 = tpu.memref_slice %arg8[%dma_wait3A_40, %dma_wait3A_41] : memref<2x128xi32, #tpu.memory_space<vmem>> -> memref<1x128xi32, #tpu.memory_space<vmem>>
    %dma_wait3A_43 = tpu.memref_squeeze %dma_wait3A_42 : memref<1x128xi32, #tpu.memory_space<vmem>> -> memref<128xi32, #tpu.memory_space<vmem>>
    %dma_wait3A_44 = tpu.memref_slice %arg4[%mul3A_14] : memref<163840xi32, #tpu.memory_space<hbm>> -> memref<128xi32, #tpu.memory_space<hbm>>
    %dma_wait3A_45 = arith.constant 0 : i32
    %dma_wait3A_46 = tpu.memref_slice %arg8[%dma_wait3A_40, %dma_wait3A_45] : memref<2x128xi32, #tpu.memory_space<vmem>> -> memref<1x128xi32, #tpu.memory_space<vmem>>
    %dma_wait3A_47 = tpu.memref_squeeze %dma_wait3A_46 : memref<1x128xi32, #tpu.memory_space<vmem>> -> memref<128xi32, #tpu.memory_space<vmem>>
    %dma_wait3A_48 = tpu.memref_slice %arg4[%mul3A_14] : memref<163840xi32, #tpu.memory_space<hbm>> -> memref<128xi32, #tpu.memory_space<hbm>>
    tpu.wait_dma2 semaphore(%arg12 : memref<!tpu.dma_semaphore, #tpu.memory_space<semaphore_mem>>) src(%dma_wait3A_48 : memref<128xi32, #tpu.memory_space<hbm>>) dst(%dma_wait3A_47 : memref<128xi32, #tpu.memory_space<vmem>>)
    %dma_start3A_49 = arith.constant 0 : i32
    %dma_start3A_50 = arith.constant 0 : i32
    %dma_start3A_51 = arith.constant 0 : i32
    %dma_start3A_52 = arith.constant 0 : i32
    %dma_start3A_53 = tpu.memref_slice %arg9[%dma_start3A_50, %dma_start3A_51, %dma_start3A_52] : memref<2x128x128xf32, #tpu.memory_space<vmem>> -> memref<1x128x128xf32, #tpu.memory_space<vmem>>
    %dma_start3A_54 = tpu.memref_squeeze %dma_start3A_53 : memref<1x128x128xf32, #tpu.memory_space<vmem>> -> memref<128x128xf32, #tpu.memory_space<vmem>>
    %dma_start3A_55 = arith.constant 0 : i32
    %dma_start3A_56 = tpu.memref_slice %arg7[%dma_start3A_49, %dma_start3A_55] : memref<2x128xi32, #tpu.memory_space<vmem>> -> memref<1x128xi32, #tpu.memory_space<vmem>>
    %dma_start3A_57 = tpu.memref_squeeze %dma_start3A_56 : memref<1x128xi32, #tpu.memory_space<vmem>> -> memref<128xi32, #tpu.memory_space<vmem>>
    %dma_start3A_58 = arith.constant 0 : i32
    %dma_start3A_59 = arith.constant 0 : i32
    %dma_start3A_60 = tpu.memref_slice %arg10[%dma_start3A_58, %dma_start3A_59] : memref<4000x128xf32, #tpu.memory_space<vmem_shared>> -> memref<4000x128xf32, #tpu.memory_space<vmem_shared>>
    tpu.enqueue_indirect_dma source(%dma_start3A_60 : memref<4000x128xf32, #tpu.memory_space<vmem_shared>>) target(%dma_start3A_54 : memref<128x128xf32, #tpu.memory_space<vmem>>) offsets(%dma_start3A_57 : memref<128xi32, #tpu.memory_space<vmem>>) semaphore(%arg14 : memref<!tpu.dma_semaphore, #tpu.memory_space<semaphore_mem>>)
    %add3A_61 = arith.constant 1 : i32
    %add3A_62 = arith.addi %mul3A_10, %add3A_61 : i32
    %mul3A_63 = arith.constant 128 : i32
    %mul3A_64 = arith.muli %add3A_62, %mul3A_63 : i32
    %dma_start3A_65 = arith.constant 1 : i32
    %dma_start3A_66 = arith.constant 0 : i32
    %dma_start3A_67 = tpu.memref_slice %arg7[%dma_start3A_65, %dma_start3A_66] : memref<2x128xi32, #tpu.memory_space<vmem>> -> memref<1x128xi32, #tpu.memory_space<vmem>>
    %dma_start3A_68 = tpu.memref_squeeze %dma_start3A_67 : memref<1x128xi32, #tpu.memory_space<vmem>> -> memref<128xi32, #tpu.memory_space<vmem>>
    %dma_start3A_69 = tpu.memref_slice %arg3[%mul3A_64] : memref<163840xi32, #tpu.memory_space<hbm>> -> memref<128xi32, #tpu.memory_space<hbm>>
    %dma_start3A_70 = arith.constant 0 : i32
    %dma_start3A_71 = tpu.memref_slice %arg7[%dma_start3A_65, %dma_start3A_70] : memref<2x128xi32, #tpu.memory_space<vmem>> -> memref<1x128xi32, #tpu.memory_space<vmem>>
    %dma_start3A_72 = tpu.memref_squeeze %dma_start3A_71 : memref<1x128xi32, #tpu.memory_space<vmem>> -> memref<128xi32, #tpu.memory_space<vmem>>
    %dma_start3A_73 = tpu.memref_slice %arg3[%mul3A_64] : memref<163840xi32, #tpu.memory_space<hbm>> -> memref<128xi32, #tpu.memory_space<hbm>>
    tpu.enqueue_dma source(%dma_start3A_73 : memref<128xi32, #tpu.memory_space<hbm>>) target(%dma_start3A_72 : memref<128xi32, #tpu.memory_space<vmem>>) target_semaphore(%arg13 : memref<!tpu.dma_semaphore, #tpu.memory_space<semaphore_mem>>)
    %dma_start3A_74 = arith.constant 1 : i32
    %dma_start3A_75 = arith.constant 0 : i32
    %dma_start3A_76 = tpu.memref_slice %arg8[%dma_start3A_74, %dma_start3A_75] : memref<2x128xi32, #tpu.memory_space<vmem>> -> memref<1x128xi32, #tpu.memory_space<vmem>>
    %dma_start3A_77 = tpu.memref_squeeze %dma_start3A_76 : memref<1x128xi32, #tpu.memory_space<vmem>> -> memref<128xi32, #tpu.memory_space<vmem>>
    %dma_start3A_78 = tpu.memref_slice %arg4[%mul3A_64] : memref<163840xi32, #tpu.memory_space<hbm>> -> memref<128xi32, #tpu.memory_space<hbm>>
    %dma_start3A_79 = arith.constant 0 : i32
    %dma_start3A_80 = tpu.memref_slice %arg8[%dma_start3A_74, %dma_start3A_79] : memref<2x128xi32, #tpu.memory_space<vmem>> -> memref<1x128xi32, #tpu.memory_space<vmem>>
    %dma_start3A_81 = tpu.memref_squeeze %dma_start3A_80 : memref<1x128xi32, #tpu.memory_space<vmem>> -> memref<128xi32, #tpu.memory_space<vmem>>
    %dma_start3A_82 = tpu.memref_slice %arg4[%mul3A_64] : memref<163840xi32, #tpu.memory_space<hbm>> -> memref<128xi32, #tpu.memory_space<hbm>>
    tpu.enqueue_dma source(%dma_start3A_82 : memref<128xi32, #tpu.memory_space<hbm>>) target(%dma_start3A_81 : memref<128xi32, #tpu.memory_space<vmem>>) target_semaphore(%arg13 : memref<!tpu.dma_semaphore, #tpu.memory_space<semaphore_mem>>)
    %dma_wait3A_83 = arith.constant 1 : i32
    %dma_wait3A_84 = arith.constant 0 : i32
    %dma_wait3A_85 = tpu.memref_slice %arg7[%dma_wait3A_83, %dma_wait3A_84] : memref<2x128xi32, #tpu.memory_space<vmem>> -> memref<1x128xi32, #tpu.memory_space<vmem>>
    %dma_wait3A_86 = tpu.memref_squeeze %dma_wait3A_85 : memref<1x128xi32, #tpu.memory_space<vmem>> -> memref<128xi32, #tpu.memory_space<vmem>>
    %dma_wait3A_87 = tpu.memref_slice %arg3[%mul3A_64] : memref<163840xi32, #tpu.memory_space<hbm>> -> memref<128xi32, #tpu.memory_space<hbm>>
    %dma_wait3A_88 = arith.constant 0 : i32
    %dma_wait3A_89 = tpu.memref_slice %arg7[%dma_wait3A_83, %dma_wait3A_88] : memref<2x128xi32, #tpu.memory_space<vmem>> -> memref<1x128xi32, #tpu.memory_space<vmem>>
    %dma_wait3A_90 = tpu.memref_squeeze %dma_wait3A_89 : memref<1x128xi32, #tpu.memory_space<vmem>> -> memref<128xi32, #tpu.memory_space<vmem>>
    %dma_wait3A_91 = tpu.memref_slice %arg3[%mul3A_64] : memref<163840xi32, #tpu.memory_space<hbm>> -> memref<128xi32, #tpu.memory_space<hbm>>
    tpu.wait_dma2 semaphore(%arg13 : memref<!tpu.dma_semaphore, #tpu.memory_space<semaphore_mem>>) src(%dma_wait3A_91 : memref<128xi32, #tpu.memory_space<hbm>>) dst(%dma_wait3A_90 : memref<128xi32, #tpu.memory_space<vmem>>)
    %dma_wait3A_92 = arith.constant 1 : i32
    %dma_wait3A_93 = arith.constant 0 : i32
    %dma_wait3A_94 = tpu.memref_slice %arg8[%dma_wait3A_92, %dma_wait3A_93] : memref<2x128xi32, #tpu.memory_space<vmem>> -> memref<1x128xi32, #tpu.memory_space<vmem>>
    %dma_wait3A_95 = tpu.memref_squeeze %dma_wait3A_94 : memref<1x128xi32, #tpu.memory_space<vmem>> -> memref<128xi32, #tpu.memory_space<vmem>>
    %dma_wait3A_96 = tpu.memref_slice %arg4[%mul3A_64] : memref<163840xi32, #tpu.memory_space<hbm>> -> memref<128xi32, #tpu.memory_space<hbm>>
    %dma_wait3A_97 = arith.constant 0 : i32
    %dma_wait3A_98 = tpu.memref_slice %arg8[%dma_wait3A_92, %dma_wait3A_97] : memref<2x128xi32, #tpu.memory_space<vmem>> -> memref<1x128xi32, #tpu.memory_space<vmem>>
    %dma_wait3A_99 = tpu.memref_squeeze %dma_wait3A_98 : memref<1x128xi32, #tpu.memory_space<vmem>> -> memref<128xi32, #tpu.memory_space<vmem>>
    %dma_wait3A_100 = tpu.memref_slice %arg4[%mul3A_64] : memref<163840xi32, #tpu.memory_space<hbm>> -> memref<128xi32, #tpu.memory_space<hbm>>
    tpu.wait_dma2 semaphore(%arg13 : memref<!tpu.dma_semaphore, #tpu.memory_space<semaphore_mem>>) src(%dma_wait3A_100 : memref<128xi32, #tpu.memory_space<hbm>>) dst(%dma_wait3A_99 : memref<128xi32, #tpu.memory_space<vmem>>)
    %dma_start3A_101 = arith.constant 1 : i32
    %dma_start3A_102 = arith.constant 1 : i32
    %dma_start3A_103 = arith.constant 0 : i32
    %dma_start3A_104 = arith.constant 0 : i32
    %dma_start3A_105 = tpu.memref_slice %arg9[%dma_start3A_102, %dma_start3A_103, %dma_start3A_104] : memref<2x128x128xf32, #tpu.memory_space<vmem>> -> memref<1x128x128xf32, #tpu.memory_space<vmem>>
    %dma_start3A_106 = tpu.memref_squeeze %dma_start3A_105 : memref<1x128x128xf32, #tpu.memory_space<vmem>> -> memref<128x128xf32, #tpu.memory_space<vmem>>
    %dma_start3A_107 = arith.constant 0 : i32
    %dma_start3A_108 = tpu.memref_slice %arg7[%dma_start3A_101, %dma_start3A_107] : memref<2x128xi32, #tpu.memory_space<vmem>> -> memref<1x128xi32, #tpu.memory_space<vmem>>
    %dma_start3A_109 = tpu.memref_squeeze %dma_start3A_108 : memref<1x128xi32, #tpu.memory_space<vmem>> -> memref<128xi32, #tpu.memory_space<vmem>>
    %dma_start3A_110 = arith.constant 0 : i32
    %dma_start3A_111 = arith.constant 0 : i32
    %dma_start3A_112 = tpu.memref_slice %arg10[%dma_start3A_110, %dma_start3A_111] : memref<4000x128xf32, #tpu.memory_space<vmem_shared>> -> memref<4000x128xf32, #tpu.memory_space<vmem_shared>>
    tpu.enqueue_indirect_dma source(%dma_start3A_112 : memref<4000x128xf32, #tpu.memory_space<vmem_shared>>) target(%dma_start3A_106 : memref<128x128xf32, #tpu.memory_space<vmem>>) offsets(%dma_start3A_109 : memref<128xi32, #tpu.memory_space<vmem>>) semaphore(%arg15 : memref<!tpu.dma_semaphore, #tpu.memory_space<semaphore_mem>>)
    %scan3A = arith.constant 0 : i32
    %scan3A_113 = arith.constant 0 : i32
    %scan3A_114 = arith.constant 20 : i32
    %scan3A_115 = arith.addi %scan3A_113, %scan3A_114 : i32
    %scan3A_116 = arith.constant 1 : i32
    scf.for %scan3A_122 = %scan3A_113 to %scan3A_115 step %scan3A_116  : i32 {
      %dma_wait3A_123 = arith.constant 0 : i32
      %dma_wait3A_124 = arith.constant 0 : i32
      %dma_wait3A_125 = arith.constant 0 : i32
      %dma_wait3A_126 = arith.constant 0 : i32
      %dma_wait3A_127 = tpu.memref_slice %arg9[%dma_wait3A_124, %dma_wait3A_125, %dma_wait3A_126] : memref<2x128x128xf32, #tpu.memory_space<vmem>> -> memref<1x128x128xf32, #tpu.memory_space<vmem>>
      %dma_wait3A_128 = tpu.memref_squeeze %dma_wait3A_127 : memref<1x128x128xf32, #tpu.memory_space<vmem>> -> memref<128x128xf32, #tpu.memory_space<vmem>>
      %dma_wait3A_129 = arith.constant 0 : i32
      %dma_wait3A_130 = tpu.memref_slice %arg7[%dma_wait3A_123, %dma_wait3A_129] : memref<2x128xi32, #tpu.memory_space<vmem>> -> memref<1x128xi32, #tpu.memory_space<vmem>>
      %dma_wait3A_131 = tpu.memref_squeeze %dma_wait3A_130 : memref<1x128xi32, #tpu.memory_space<vmem>> -> memref<128xi32, #tpu.memory_space<vmem>>
      %dma_wait3A_132 = arith.constant 0 : i32
      %dma_wait3A_133 = arith.constant 0 : i32
      %dma_wait3A_134 = tpu.memref_slice %arg10[%dma_wait3A_132, %dma_wait3A_133] : memref<4000x128xf32, #tpu.memory_space<vmem_shared>> -> memref<4000x128xf32, #tpu.memory_space<vmem_shared>>
      tpu.wait_indirect_dma semaphore(%arg14 : memref<!tpu.dma_semaphore, #tpu.memory_space<semaphore_mem>>) src(%dma_wait3A_134 : memref<4000x128xf32, #tpu.memory_space<vmem_shared>>) dst(%dma_wait3A_128 : memref<128x128xf32, #tpu.memory_space<vmem>>)
      %run_scoped3A = arith.constant 0 : i32
      %run_scoped3A_135 = arith.constant 0 : i32
      "tpu.region"() ({
        %run_scoped3A_160 = tpu.sem_alloc : memref<!tpu.dma_semaphore, #tpu.memory_space<semaphore_mem>>
        %dma_start3A_161 = arith.constant 0 : i32
        %dma_start3A_162 = arith.constant 0 : i32
        %dma_start3A_163 = tpu.memref_slice %arg9[%run_scoped3A, %dma_start3A_161, %dma_start3A_162] : memref<2x128x128xf32, #tpu.memory_space<vmem>> -> memref<1x128x128xf32, #tpu.memory_space<vmem>>
        %dma_start3A_164 = tpu.memref_squeeze %dma_start3A_163 : memref<1x128x128xf32, #tpu.memory_space<vmem>> -> memref<128x128xf32, #tpu.memory_space<vmem>>
        %dma_start3A_165 = arith.constant 0 : i32
        %dma_start3A_166 = tpu.memref_slice %arg8[%run_scoped3A_135, %dma_start3A_165] : memref<2x128xi32, #tpu.memory_space<vmem>> -> memref<1x128xi32, #tpu.memory_space<vmem>>
        %dma_start3A_167 = tpu.memref_squeeze %dma_start3A_166 : memref<1x128xi32, #tpu.memory_space<vmem>> -> memref<128xi32, #tpu.memory_space<vmem>>
        %dma_start3A_168 = arith.constant 0 : i32
        %dma_start3A_169 = arith.constant 0 : i32
        %dma_start3A_170 = tpu.memref_slice %arg11[%dma_start3A_168, %dma_start3A_169] : memref<4096x128xf32, #tpu.memory_space<vmem_shared>> -> memref<4096x128xf32, #tpu.memory_space<vmem_shared>>
        tpu.enqueue_indirect_dma source(%dma_start3A_164 : memref<128x128xf32, #tpu.memory_space<vmem>>) target(%dma_start3A_170 : memref<4096x128xf32, #tpu.memory_space<vmem_shared>>) offsets(%dma_start3A_167 : memref<128xi32, #tpu.memory_space<vmem>>) semaphore(%run_scoped3A_160 : memref<!tpu.dma_semaphore, #tpu.memory_space<semaphore_mem>>) {add = true}
        %dma_wait3A_171 = arith.constant 0 : i32
        %dma_wait3A_172 = arith.constant 0 : i32
        %dma_wait3A_173 = tpu.memref_slice %arg9[%run_scoped3A, %dma_wait3A_171, %dma_wait3A_172] : memref<2x128x128xf32, #tpu.memory_space<vmem>> -> memref<1x128x128xf32, #tpu.memory_space<vmem>>
        %dma_wait3A_174 = tpu.memref_squeeze %dma_wait3A_173 : memref<1x128x128xf32, #tpu.memory_space<vmem>> -> memref<128x128xf32, #tpu.memory_space<vmem>>
        %dma_wait3A_175 = arith.constant 0 : i32
        %dma_wait3A_176 = tpu.memref_slice %arg8[%run_scoped3A_135, %dma_wait3A_175] : memref<2x128xi32, #tpu.memory_space<vmem>> -> memref<1x128xi32, #tpu.memory_space<vmem>>
        %dma_wait3A_177 = tpu.memref_squeeze %dma_wait3A_176 : memref<1x128xi32, #tpu.memory_space<vmem>> -> memref<128xi32, #tpu.memory_space<vmem>>
        %dma_wait3A_178 = arith.constant 0 : i32
        %dma_wait3A_179 = arith.constant 0 : i32
        %dma_wait3A_180 = tpu.memref_slice %arg11[%dma_wait3A_178, %dma_wait3A_179] : memref<4096x128xf32, #tpu.memory_space<vmem_shared>> -> memref<4096x128xf32, #tpu.memory_space<vmem_shared>>
        tpu.wait_indirect_dma semaphore(%run_scoped3A_160 : memref<!tpu.dma_semaphore, #tpu.memory_space<semaphore_mem>>) src(%dma_wait3A_174 : memref<128x128xf32, #tpu.memory_space<vmem>>) dst(%dma_wait3A_180 : memref<4096x128xf32, #tpu.memory_space<vmem_shared>>)
        tpu.yield
      }) : () -> ()
      %lt3A_136 = arith.constant 19 : i32
      %lt3A_137 = arith.cmpi slt, %scan3A_122, %lt3A_136 : i32
      %convert_element_type3A_138 = arith.extui %lt3A_137 : i1 to i32
      %cond3A_139 = arith.constant 0 : i32
      %cond3A_140 = arith.cmpi ne, %convert_element_type3A_138, %cond3A_139 : i32
      scf.if %cond3A_140 {
        %mul3A_160 = arith.constant 2 : i32
        %mul3A_161 = arith.muli %mul3A_160, %scan3A_122 : i32
        %add3A_162 = arith.constant 2 : i32
        %add3A_163 = arith.addi %mul3A_161, %add3A_162 : i32
        %add3A_164 = arith.addi %mul3A_10, %add3A_163 : i32
        %mul3A_165 = arith.constant 128 : i32
        %mul3A_166 = arith.muli %add3A_164, %mul3A_165 : i32
        %dma_start3A_167 = arith.constant 0 : i32
        %dma_start3A_168 = arith.constant 0 : i32
        %dma_start3A_169 = tpu.memref_slice %arg7[%dma_start3A_167, %dma_start3A_168] : memref<2x128xi32, #tpu.memory_space<vmem>> -> memref<1x128xi32, #tpu.memory_space<vmem>>
        %dma_start3A_170 = tpu.memref_squeeze %dma_start3A_169 : memref<1x128xi32, #tpu.memory_space<vmem>> -> memref<128xi32, #tpu.memory_space<vmem>>
        %dma_start3A_171 = tpu.memref_slice %arg3[%mul3A_166] : memref<163840xi32, #tpu.memory_space<hbm>> -> memref<128xi32, #tpu.memory_space<hbm>>
        %dma_start3A_172 = arith.constant 0 : i32
        %dma_start3A_173 = tpu.memref_slice %arg7[%dma_start3A_167, %dma_start3A_172] : memref<2x128xi32, #tpu.memory_space<vmem>> -> memref<1x128xi32, #tpu.memory_space<vmem>>
        %dma_start3A_174 = tpu.memref_squeeze %dma_start3A_173 : memref<1x128xi32, #tpu.memory_space<vmem>> -> memref<128xi32, #tpu.memory_space<vmem>>
        %dma_start3A_175 = tpu.memref_slice %arg3[%mul3A_166] : memref<163840xi32, #tpu.memory_space<hbm>> -> memref<128xi32, #tpu.memory_space<hbm>>
        tpu.enqueue_dma source(%dma_start3A_175 : memref<128xi32, #tpu.memory_space<hbm>>) target(%dma_start3A_174 : memref<128xi32, #tpu.memory_space<vmem>>) target_semaphore(%arg12 : memref<!tpu.dma_semaphore, #tpu.memory_space<semaphore_mem>>)
        %dma_start3A_176 = arith.constant 0 : i32
        %dma_start3A_177 = arith.constant 0 : i32
        %dma_start3A_178 = tpu.memref_slice %arg8[%dma_start3A_176, %dma_start3A_177] : memref<2x128xi32, #tpu.memory_space<vmem>> -> memref<1x128xi32, #tpu.memory_space<vmem>>
        %dma_start3A_179 = tpu.memref_squeeze %dma_start3A_178 : memref<1x128xi32, #tpu.memory_space<vmem>> -> memref<128xi32, #tpu.memory_space<vmem>>
        %dma_start3A_180 = tpu.memref_slice %arg4[%mul3A_166] : memref<163840xi32, #tpu.memory_space<hbm>> -> memref<128xi32, #tpu.memory_space<hbm>>
        %dma_start3A_181 = arith.constant 0 : i32
        %dma_start3A_182 = tpu.memref_slice %arg8[%dma_start3A_176, %dma_start3A_181] : memref<2x128xi32, #tpu.memory_space<vmem>> -> memref<1x128xi32, #tpu.memory_space<vmem>>
        %dma_start3A_183 = tpu.memref_squeeze %dma_start3A_182 : memref<1x128xi32, #tpu.memory_space<vmem>> -> memref<128xi32, #tpu.memory_space<vmem>>
        %dma_start3A_184 = tpu.memref_slice %arg4[%mul3A_166] : memref<163840xi32, #tpu.memory_space<hbm>> -> memref<128xi32, #tpu.memory_space<hbm>>
        tpu.enqueue_dma source(%dma_start3A_184 : memref<128xi32, #tpu.memory_space<hbm>>) target(%dma_start3A_183 : memref<128xi32, #tpu.memory_space<vmem>>) target_semaphore(%arg12 : memref<!tpu.dma_semaphore, #tpu.memory_space<semaphore_mem>>)
        %dma_wait3A_185 = arith.constant 0 : i32
        %dma_wait3A_186 = arith.constant 0 : i32
        %dma_wait3A_187 = tpu.memref_slice %arg7[%dma_wait3A_185, %dma_wait3A_186] : memref<2x128xi32, #tpu.memory_space<vmem>> -> memref<1x128xi32, #tpu.memory_space<vmem>>
        %dma_wait3A_188 = tpu.memref_squeeze %dma_wait3A_187 : memref<1x128xi32, #tpu.memory_space<vmem>> -> memref<128xi32, #tpu.memory_space<vmem>>
        %dma_wait3A_189 = tpu.memref_slice %arg3[%mul3A_166] : memref<163840xi32, #tpu.memory_space<hbm>> -> memref<128xi32, #tpu.memory_space<hbm>>
        %dma_wait3A_190 = arith.constant 0 : i32
        %dma_wait3A_191 = tpu.memref_slice %arg7[%dma_wait3A_185, %dma_wait3A_190] : memref<2x128xi32, #tpu.memory_space<vmem>> -> memref<1x128xi32, #tpu.memory_space<vmem>>
        %dma_wait3A_192 = tpu.memref_squeeze %dma_wait3A_191 : memref<1x128xi32, #tpu.memory_space<vmem>> -> memref<128xi32, #tpu.memory_space<vmem>>
        %dma_wait3A_193 = tpu.memref_slice %arg3[%mul3A_166] : memref<163840xi32, #tpu.memory_space<hbm>> -> memref<128xi32, #tpu.memory_space<hbm>>
        tpu.wait_dma2 semaphore(%arg12 : memref<!tpu.dma_semaphore, #tpu.memory_space<semaphore_mem>>) src(%dma_wait3A_193 : memref<128xi32, #tpu.memory_space<hbm>>) dst(%dma_wait3A_192 : memref<128xi32, #tpu.memory_space<vmem>>)
        %dma_wait3A_194 = arith.constant 0 : i32
        %dma_wait3A_195 = arith.constant 0 : i32
        %dma_wait3A_196 = tpu.memref_slice %arg8[%dma_wait3A_194, %dma_wait3A_195] : memref<2x128xi32, #tpu.memory_space<vmem>> -> memref<1x128xi32, #tpu.memory_space<vmem>>
        %dma_wait3A_197 = tpu.memref_squeeze %dma_wait3A_196 : memref<1x128xi32, #tpu.memory_space<vmem>> -> memref<128xi32, #tpu.memory_space<vmem>>
        %dma_wait3A_198 = tpu.memref_slice %arg4[%mul3A_166] : memref<163840xi32, #tpu.memory_space<hbm>> -> memref<128xi32, #tpu.memory_space<hbm>>
        %dma_wait3A_199 = arith.constant 0 : i32
        %dma_wait3A_200 = tpu.memref_slice %arg8[%dma_wait3A_194, %dma_wait3A_199] : memref<2x128xi32, #tpu.memory_space<vmem>> -> memref<1x128xi32, #tpu.memory_space<vmem>>
        %dma_wait3A_201 = tpu.memref_squeeze %dma_wait3A_200 : memref<1x128xi32, #tpu.memory_space<vmem>> -> memref<128xi32, #tpu.memory_space<vmem>>
        %dma_wait3A_202 = tpu.memref_slice %arg4[%mul3A_166] : memref<163840xi32, #tpu.memory_space<hbm>> -> memref<128xi32, #tpu.memory_space<hbm>>
        tpu.wait_dma2 semaphore(%arg12 : memref<!tpu.dma_semaphore, #tpu.memory_space<semaphore_mem>>) src(%dma_wait3A_202 : memref<128xi32, #tpu.memory_space<hbm>>) dst(%dma_wait3A_201 : memref<128xi32, #tpu.memory_space<vmem>>)
        %dma_start3A_203 = arith.constant 0 : i32
        %dma_start3A_204 = arith.constant 0 : i32
        %dma_start3A_205 = arith.constant 0 : i32
        %dma_start3A_206 = arith.constant 0 : i32
        %dma_start3A_207 = tpu.memref_slice %arg9[%dma_start3A_204, %dma_start3A_205, %dma_start3A_206] : memref<2x128x128xf32, #tpu.memory_space<vmem>> -> memref<1x128x128xf32, #tpu.memory_space<vmem>>
        %dma_start3A_208 = tpu.memref_squeeze %dma_start3A_207 : memref<1x128x128xf32, #tpu.memory_space<vmem>> -> memref<128x128xf32, #tpu.memory_space<vmem>>
        %dma_start3A_209 = arith.constant 0 : i32
        %dma_start3A_210 = tpu.memref_slice %arg7[%dma_start3A_203, %dma_start3A_209] : memref<2x128xi32, #tpu.memory_space<vmem>> -> memref<1x128xi32, #tpu.memory_space<vmem>>
        %dma_start3A_211 = tpu.memref_squeeze %dma_start3A_210 : memref<1x128xi32, #tpu.memory_space<vmem>> -> memref<128xi32, #tpu.memory_space<vmem>>
        %dma_start3A_212 = arith.constant 0 : i32
        %dma_start3A_213 = arith.constant 0 : i32
        %dma_start3A_214 = tpu.memref_slice %arg10[%dma_start3A_212, %dma_start3A_213] : memref<4000x128xf32, #tpu.memory_space<vmem_shared>> -> memref<4000x128xf32, #tpu.memory_space<vmem_shared>>
        tpu.enqueue_indirect_dma source(%dma_start3A_214 : memref<4000x128xf32, #tpu.memory_space<vmem_shared>>) target(%dma_start3A_208 : memref<128x128xf32, #tpu.memory_space<vmem>>) offsets(%dma_start3A_211 : memref<128xi32, #tpu.memory_space<vmem>>) semaphore(%arg14 : memref<!tpu.dma_semaphore, #tpu.memory_space<semaphore_mem>>)
      } else {
      }
      %dma_wait3A_141 = arith.constant 1 : i32
      %dma_wait3A_142 = arith.constant 1 : i32
      %dma_wait3A_143 = arith.constant 0 : i32
      %dma_wait3A_144 = arith.constant 0 : i32
      %dma_wait3A_145 = tpu.memref_slice %arg9[%dma_wait3A_142, %dma_wait3A_143, %dma_wait3A_144] : memref<2x128x128xf32, #tpu.memory_space<vmem>> -> memref<1x128x128xf32, #tpu.memory_space<vmem>>
      %dma_wait3A_146 = tpu.memref_squeeze %dma_wait3A_145 : memref<1x128x128xf32, #tpu.memory_space<vmem>> -> memref<128x128xf32, #tpu.memory_space<vmem>>
      %dma_wait3A_147 = arith.constant 0 : i32
      %dma_wait3A_148 = tpu.memref_slice %arg7[%dma_wait3A_141, %dma_wait3A_147] : memref<2x128xi32, #tpu.memory_space<vmem>> -> memref<1x128xi32, #tpu.memory_space<vmem>>
      %dma_wait3A_149 = tpu.memref_squeeze %dma_wait3A_148 : memref<1x128xi32, #tpu.memory_space<vmem>> -> memref<128xi32, #tpu.memory_space<vmem>>
      %dma_wait3A_150 = arith.constant 0 : i32
      %dma_wait3A_151 = arith.constant 0 : i32
      %dma_wait3A_152 = tpu.memref_slice %arg10[%dma_wait3A_150, %dma_wait3A_151] : memref<4000x128xf32, #tpu.memory_space<vmem_shared>> -> memref<4000x128xf32, #tpu.memory_space<vmem_shared>>
      tpu.wait_indirect_dma semaphore(%arg15 : memref<!tpu.dma_semaphore, #tpu.memory_space<semaphore_mem>>) src(%dma_wait3A_152 : memref<4000x128xf32, #tpu.memory_space<vmem_shared>>) dst(%dma_wait3A_146 : memref<128x128xf32, #tpu.memory_space<vmem>>)
      %run_scoped3A_153 = arith.constant 1 : i32
      %run_scoped3A_154 = arith.constant 1 : i32
      "tpu.region"() ({
        %run_scoped3A_160 = tpu.sem_alloc : memref<!tpu.dma_semaphore, #tpu.memory_space<semaphore_mem>>
        %dma_start3A_161 = arith.constant 0 : i32
        %dma_start3A_162 = arith.constant 0 : i32
        %dma_start3A_163 = tpu.memref_slice %arg9[%run_scoped3A_153, %dma_start3A_161, %dma_start3A_162] : memref<2x128x128xf32, #tpu.memory_space<vmem>> -> memref<1x128x128xf32, #tpu.memory_space<vmem>>
        %dma_start3A_164 = tpu.memref_squeeze %dma_start3A_163 : memref<1x128x128xf32, #tpu.memory_space<vmem>> -> memref<128x128xf32, #tpu.memory_space<vmem>>
        %dma_start3A_165 = arith.constant 0 : i32
        %dma_start3A_166 = tpu.memref_slice %arg8[%run_scoped3A_154, %dma_start3A_165] : memref<2x128xi32, #tpu.memory_space<vmem>> -> memref<1x128xi32, #tpu.memory_space<vmem>>
        %dma_start3A_167 = tpu.memref_squeeze %dma_start3A_166 : memref<1x128xi32, #tpu.memory_space<vmem>> -> memref<128xi32, #tpu.memory_space<vmem>>
        %dma_start3A_168 = arith.constant 0 : i32
        %dma_start3A_169 = arith.constant 0 : i32
        %dma_start3A_170 = tpu.memref_slice %arg11[%dma_start3A_168, %dma_start3A_169] : memref<4096x128xf32, #tpu.memory_space<vmem_shared>> -> memref<4096x128xf32, #tpu.memory_space<vmem_shared>>
        tpu.enqueue_indirect_dma source(%dma_start3A_164 : memref<128x128xf32, #tpu.memory_space<vmem>>) target(%dma_start3A_170 : memref<4096x128xf32, #tpu.memory_space<vmem_shared>>) offsets(%dma_start3A_167 : memref<128xi32, #tpu.memory_space<vmem>>) semaphore(%run_scoped3A_160 : memref<!tpu.dma_semaphore, #tpu.memory_space<semaphore_mem>>) {add = true}
        %dma_wait3A_171 = arith.constant 0 : i32
        %dma_wait3A_172 = arith.constant 0 : i32
        %dma_wait3A_173 = tpu.memref_slice %arg9[%run_scoped3A_153, %dma_wait3A_171, %dma_wait3A_172] : memref<2x128x128xf32, #tpu.memory_space<vmem>> -> memref<1x128x128xf32, #tpu.memory_space<vmem>>
        %dma_wait3A_174 = tpu.memref_squeeze %dma_wait3A_173 : memref<1x128x128xf32, #tpu.memory_space<vmem>> -> memref<128x128xf32, #tpu.memory_space<vmem>>
        %dma_wait3A_175 = arith.constant 0 : i32
        %dma_wait3A_176 = tpu.memref_slice %arg8[%run_scoped3A_154, %dma_wait3A_175] : memref<2x128xi32, #tpu.memory_space<vmem>> -> memref<1x128xi32, #tpu.memory_space<vmem>>
        %dma_wait3A_177 = tpu.memref_squeeze %dma_wait3A_176 : memref<1x128xi32, #tpu.memory_space<vmem>> -> memref<128xi32, #tpu.memory_space<vmem>>
        %dma_wait3A_178 = arith.constant 0 : i32
        %dma_wait3A_179 = arith.constant 0 : i32
        %dma_wait3A_180 = tpu.memref_slice %arg11[%dma_wait3A_178, %dma_wait3A_179] : memref<4096x128xf32, #tpu.memory_space<vmem_shared>> -> memref<4096x128xf32, #tpu.memory_space<vmem_shared>>
        tpu.wait_indirect_dma semaphore(%run_scoped3A_160 : memref<!tpu.dma_semaphore, #tpu.memory_space<semaphore_mem>>) src(%dma_wait3A_174 : memref<128x128xf32, #tpu.memory_space<vmem>>) dst(%dma_wait3A_180 : memref<4096x128xf32, #tpu.memory_space<vmem_shared>>)
        tpu.yield
      }) : () -> ()
      %lt3A_155 = arith.constant 19 : i32
      %lt3A_156 = arith.cmpi slt, %scan3A_122, %lt3A_155 : i32
      %convert_element_type3A_157 = arith.extui %lt3A_156 : i1 to i32
      %cond3A_158 = arith.constant 0 : i32
      %cond3A_159 = arith.cmpi ne, %convert_element_type3A_157, %cond3A_158 : i32
      scf.if %cond3A_159 {
        %mul3A_160 = arith.constant 2 : i32
        %mul3A_161 = arith.muli %mul3A_160, %scan3A_122 : i32
        %add3A_162 = arith.constant 3 : i32
        %add3A_163 = arith.addi %mul3A_161, %add3A_162 : i32
        %add3A_164 = arith.addi %mul3A_10, %add3A_163 : i32
        %mul3A_165 = arith.constant 128 : i32
        %mul3A_166 = arith.muli %add3A_164, %mul3A_165 : i32
        %dma_start3A_167 = arith.constant 1 : i32
        %dma_start3A_168 = arith.constant 0 : i32
        %dma_start3A_169 = tpu.memref_slice %arg7[%dma_start3A_167, %dma_start3A_168] : memref<2x128xi32, #tpu.memory_space<vmem>> -> memref<1x128xi32, #tpu.memory_space<vmem>>
        %dma_start3A_170 = tpu.memref_squeeze %dma_start3A_169 : memref<1x128xi32, #tpu.memory_space<vmem>> -> memref<128xi32, #tpu.memory_space<vmem>>
        %dma_start3A_171 = tpu.memref_slice %arg3[%mul3A_166] : memref<163840xi32, #tpu.memory_space<hbm>> -> memref<128xi32, #tpu.memory_space<hbm>>
        %dma_start3A_172 = arith.constant 0 : i32
        %dma_start3A_173 = tpu.memref_slice %arg7[%dma_start3A_167, %dma_start3A_172] : memref<2x128xi32, #tpu.memory_space<vmem>> -> memref<1x128xi32, #tpu.memory_space<vmem>>
        %dma_start3A_174 = tpu.memref_squeeze %dma_start3A_173 : memref<1x128xi32, #tpu.memory_space<vmem>> -> memref<128xi32, #tpu.memory_space<vmem>>
        %dma_start3A_175 = tpu.memref_slice %arg3[%mul3A_166] : memref<163840xi32, #tpu.memory_space<hbm>> -> memref<128xi32, #tpu.memory_space<hbm>>
        tpu.enqueue_dma source(%dma_start3A_175 : memref<128xi32, #tpu.memory_space<hbm>>) target(%dma_start3A_174 : memref<128xi32, #tpu.memory_space<vmem>>) target_semaphore(%arg13 : memref<!tpu.dma_semaphore, #tpu.memory_space<semaphore_mem>>)
        %dma_start3A_176 = arith.constant 1 : i32
        %dma_start3A_177 = arith.constant 0 : i32
        %dma_start3A_178 = tpu.memref_slice %arg8[%dma_start3A_176, %dma_start3A_177] : memref<2x128xi32, #tpu.memory_space<vmem>> -> memref<1x128xi32, #tpu.memory_space<vmem>>
        %dma_start3A_179 = tpu.memref_squeeze %dma_start3A_178 : memref<1x128xi32, #tpu.memory_space<vmem>> -> memref<128xi32, #tpu.memory_space<vmem>>
        %dma_start3A_180 = tpu.memref_slice %arg4[%mul3A_166] : memref<163840xi32, #tpu.memory_space<hbm>> -> memref<128xi32, #tpu.memory_space<hbm>>
        %dma_start3A_181 = arith.constant 0 : i32
        %dma_start3A_182 = tpu.memref_slice %arg8[%dma_start3A_176, %dma_start3A_181] : memref<2x128xi32, #tpu.memory_space<vmem>> -> memref<1x128xi32, #tpu.memory_space<vmem>>
        %dma_start3A_183 = tpu.memref_squeeze %dma_start3A_182 : memref<1x128xi32, #tpu.memory_space<vmem>> -> memref<128xi32, #tpu.memory_space<vmem>>
        %dma_start3A_184 = tpu.memref_slice %arg4[%mul3A_166] : memref<163840xi32, #tpu.memory_space<hbm>> -> memref<128xi32, #tpu.memory_space<hbm>>
        tpu.enqueue_dma source(%dma_start3A_184 : memref<128xi32, #tpu.memory_space<hbm>>) target(%dma_start3A_183 : memref<128xi32, #tpu.memory_space<vmem>>) target_semaphore(%arg13 : memref<!tpu.dma_semaphore, #tpu.memory_space<semaphore_mem>>)
        %dma_wait3A_185 = arith.constant 1 : i32
        %dma_wait3A_186 = arith.constant 0 : i32
        %dma_wait3A_187 = tpu.memref_slice %arg7[%dma_wait3A_185, %dma_wait3A_186] : memref<2x128xi32, #tpu.memory_space<vmem>> -> memref<1x128xi32, #tpu.memory_space<vmem>>
        %dma_wait3A_188 = tpu.memref_squeeze %dma_wait3A_187 : memref<1x128xi32, #tpu.memory_space<vmem>> -> memref<128xi32, #tpu.memory_space<vmem>>
        %dma_wait3A_189 = tpu.memref_slice %arg3[%mul3A_166] : memref<163840xi32, #tpu.memory_space<hbm>> -> memref<128xi32, #tpu.memory_space<hbm>>
        %dma_wait3A_190 = arith.constant 0 : i32
        %dma_wait3A_191 = tpu.memref_slice %arg7[%dma_wait3A_185, %dma_wait3A_190] : memref<2x128xi32, #tpu.memory_space<vmem>> -> memref<1x128xi32, #tpu.memory_space<vmem>>
        %dma_wait3A_192 = tpu.memref_squeeze %dma_wait3A_191 : memref<1x128xi32, #tpu.memory_space<vmem>> -> memref<128xi32, #tpu.memory_space<vmem>>
        %dma_wait3A_193 = tpu.memref_slice %arg3[%mul3A_166] : memref<163840xi32, #tpu.memory_space<hbm>> -> memref<128xi32, #tpu.memory_space<hbm>>
        tpu.wait_dma2 semaphore(%arg13 : memref<!tpu.dma_semaphore, #tpu.memory_space<semaphore_mem>>) src(%dma_wait3A_193 : memref<128xi32, #tpu.memory_space<hbm>>) dst(%dma_wait3A_192 : memref<128xi32, #tpu.memory_space<vmem>>)
        %dma_wait3A_194 = arith.constant 1 : i32
        %dma_wait3A_195 = arith.constant 0 : i32
        %dma_wait3A_196 = tpu.memref_slice %arg8[%dma_wait3A_194, %dma_wait3A_195] : memref<2x128xi32, #tpu.memory_space<vmem>> -> memref<1x128xi32, #tpu.memory_space<vmem>>
        %dma_wait3A_197 = tpu.memref_squeeze %dma_wait3A_196 : memref<1x128xi32, #tpu.memory_space<vmem>> -> memref<128xi32, #tpu.memory_space<vmem>>
        %dma_wait3A_198 = tpu.memref_slice %arg4[%mul3A_166] : memref<163840xi32, #tpu.memory_space<hbm>> -> memref<128xi32, #tpu.memory_space<hbm>>
        %dma_wait3A_199 = arith.constant 0 : i32
        %dma_wait3A_200 = tpu.memref_slice %arg8[%dma_wait3A_194, %dma_wait3A_199] : memref<2x128xi32, #tpu.memory_space<vmem>> -> memref<1x128xi32, #tpu.memory_space<vmem>>
        %dma_wait3A_201 = tpu.memref_squeeze %dma_wait3A_200 : memref<1x128xi32, #tpu.memory_space<vmem>> -> memref<128xi32, #tpu.memory_space<vmem>>
        %dma_wait3A_202 = tpu.memref_slice %arg4[%mul3A_166] : memref<163840xi32, #tpu.memory_space<hbm>> -> memref<128xi32, #tpu.memory_space<hbm>>
        tpu.wait_dma2 semaphore(%arg13 : memref<!tpu.dma_semaphore, #tpu.memory_space<semaphore_mem>>) src(%dma_wait3A_202 : memref<128xi32, #tpu.memory_space<hbm>>) dst(%dma_wait3A_201 : memref<128xi32, #tpu.memory_space<vmem>>)
        %dma_start3A_203 = arith.constant 1 : i32
        %dma_start3A_204 = arith.constant 1 : i32
        %dma_start3A_205 = arith.constant 0 : i32
        %dma_start3A_206 = arith.constant 0 : i32
        %dma_start3A_207 = tpu.memref_slice %arg9[%dma_start3A_204, %dma_start3A_205, %dma_start3A_206] : memref<2x128x128xf32, #tpu.memory_space<vmem>> -> memref<1x128x128xf32, #tpu.memory_space<vmem>>
        %dma_start3A_208 = tpu.memref_squeeze %dma_start3A_207 : memref<1x128x128xf32, #tpu.memory_space<vmem>> -> memref<128x128xf32, #tpu.memory_space<vmem>>
        %dma_start3A_209 = arith.constant 0 : i32
        %dma_start3A_210 = tpu.memref_slice %arg7[%dma_start3A_203, %dma_start3A_209] : memref<2x128xi32, #tpu.memory_space<vmem>> -> memref<1x128xi32, #tpu.memory_space<vmem>>
        %dma_start3A_211 = tpu.memref_squeeze %dma_start3A_210 : memref<1x128xi32, #tpu.memory_space<vmem>> -> memref<128xi32, #tpu.memory_space<vmem>>
        %dma_start3A_212 = arith.constant 0 : i32
        %dma_start3A_213 = arith.constant 0 : i32
        %dma_start3A_214 = tpu.memref_slice %arg10[%dma_start3A_212, %dma_start3A_213] : memref<4000x128xf32, #tpu.memory_space<vmem_shared>> -> memref<4000x128xf32, #tpu.memory_space<vmem_shared>>
        tpu.enqueue_indirect_dma source(%dma_start3A_214 : memref<4000x128xf32, #tpu.memory_space<vmem_shared>>) target(%dma_start3A_208 : memref<128x128xf32, #tpu.memory_space<vmem>>) offsets(%dma_start3A_211 : memref<128xi32, #tpu.memory_space<vmem>>) semaphore(%arg15 : memref<!tpu.dma_semaphore, #tpu.memory_space<semaphore_mem>>)
      } else {
      }
    }
    %scan3A_117 = arith.constant 20 : i32
    %barrier3A_118 = arith.constant 0 : index
    tpu.barrier barrier_id(%barrier3A_118)
    %mul3A_119 = arith.constant 4096 : i32
    %mul3A_120 = arith.muli %arg0, %mul3A_119 : i32
    %add3A_121 = arith.addi %mul3A_120, %mul3A_0 : i32
    "tpu.region"() ({
      %run_scoped3A = tpu.sem_alloc : memref<!tpu.dma_semaphore, #tpu.memory_space<semaphore_mem>>
      %dma_start3A_122 = arith.constant 0 : i32
      %dma_start3A_123 = tpu.memref_slice %arg6[%add3A_121, %dma_start3A_122] : memref<8192x128xf32, #tpu.memory_space<hbm>> -> memref<256x128xf32, #tpu.memory_space<hbm>>
      %dma_start3A_124 = arith.constant 0 : i32
      %dma_start3A_125 = tpu.memref_slice %arg11[%mul3A_0, %dma_start3A_124] : memref<4096x128xf32, #tpu.memory_space<vmem_shared>> -> memref<256x128xf32, #tpu.memory_space<vmem_shared>>
      tpu.enqueue_dma source(%dma_start3A_125 : memref<256x128xf32, #tpu.memory_space<vmem_shared>>) target(%dma_start3A_123 : memref<256x128xf32, #tpu.memory_space<hbm>>) target_semaphore(%run_scoped3A : memref<!tpu.dma_semaphore, #tpu.memory_space<semaphore_mem>>)
      %dma_wait3A_126 = arith.constant 0 : i32
      %dma_wait3A_127 = tpu.memref_slice %arg6[%add3A_121, %dma_wait3A_126] : memref<8192x128xf32, #tpu.memory_space<hbm>> -> memref<256x128xf32, #tpu.memory_space<hbm>>
      %dma_wait3A_128 = arith.constant 0 : i32
      %dma_wait3A_129 = tpu.memref_slice %arg11[%mul3A_0, %dma_wait3A_128] : memref<4096x128xf32, #tpu.memory_space<vmem_shared>> -> memref<256x128xf32, #tpu.memory_space<vmem_shared>>
      tpu.wait_dma2 semaphore(%run_scoped3A : memref<!tpu.dma_semaphore, #tpu.memory_space<semaphore_mem>>) src(%dma_wait3A_129 : memref<256x128xf32, #tpu.memory_space<vmem_shared>>) dst(%dma_wait3A_127 : memref<256x128xf32, #tpu.memory_space<hbm>>)
      tpu.yield
    }) : () -> ()
    return
  }
}

#map = affine_map<(d0, d1) -> (0, 0)>
#map1 = affine_map<(d0, d1) -> (0)>
module attributes {stable_mosaic.version = 14 : i64} {
  func.func @k(%arg0: i32, %arg1: i32, %arg2: memref<4096x128xf32, #tpu.memory_space<hbm>>, %arg3: memref<163840xi32, #tpu.memory_space<hbm>>, %arg4: memref<163840xi32, #tpu.memory_space<hbm>>, %arg5: memref<4096x128xf32, #tpu.memory_space<hbm>>, %arg6: memref<8192x128xf32, #tpu.memory_space<hbm>>, %arg7: memref<2x128xi32, #tpu.memory_space<vmem>>, %arg8: memref<2x128xi32, #tpu.memory_space<vmem>>, %arg9: memref<2x128x128xf32, #tpu.memory_space<vmem>>, %arg10: memref<4000x128xf32, #tpu.memory_space<vmem_shared>>, %arg11: memref<4096x128xf32, #tpu.memory_space<vmem_shared>>, %arg12: memref<!tpu.dma_semaphore, #tpu.memory_space<semaphore_mem>>, %arg13: memref<!tpu.dma_semaphore, #tpu.memory_space<semaphore_mem>>, %arg14: memref<!tpu.dma_semaphore, #tpu.memory_space<semaphore_mem>>, %arg15: memref<!tpu.dma_semaphore, #tpu.memory_space<semaphore_mem>>) attributes {dimension_semantics = [#tpu.dimension_semantics<core_parallel>, #tpu.dimension_semantics<subcore_parallel>], iteration_bounds = array<i64: 2, 16>, scalar_prefetch = 0 : i64, scratch_operands = 9 : i64, tpu.core_type = #tpu.core_type<sc_vector_subcore>, window_params = [{transform_indices = #map}, {transform_indices = #map1}, {transform_indices = #map1}, {transform_indices = #map}, {transform_indices = #map}]} {
    %mul3A = arith.constant 256 : i32
    %mul3A_0 = arith.muli %arg1, %mul3A : i32
    %lt3A = arith.constant 15 : i32
    %lt3A_1 = arith.cmpi slt, %arg1, %lt3A : i32
    %convert_element_type3A = arith.extui %lt3A_1 : i1 to i32
    %cond3A = arith.constant 0 : i32
    %cond3A_2 = arith.cmpi ne, %convert_element_type3A, %cond3A : i32
    scf.if %cond3A_2 {
      %mul3A_122 = arith.constant 248 : i32
      %mul3A_123 = arith.muli %arg1, %mul3A_122 : i32
      %mul3A_124 = arith.constant 248 : i32
      %mul3A_125 = arith.muli %arg1, %mul3A_124 : i32
      "tpu.region"() ({
        %run_scoped3A = tpu.sem_alloc : memref<!tpu.dma_semaphore, #tpu.memory_space<semaphore_mem>>
        %dma_start3A_126 = arith.constant 0 : i32
        %dma_start3A_127 = tpu.memref_slice %arg10[%mul3A_125, %dma_start3A_126] : memref<4000x128xf32, #tpu.memory_space<vmem_shared>> -> memref<248x128xf32, #tpu.memory_space<vmem_shared>>
        %dma_start3A_128 = arith.constant 0 : i32
        %dma_start3A_129 = tpu.memref_slice %arg2[%mul3A_123, %dma_start3A_128] : memref<4096x128xf32, #tpu.memory_space<hbm>> -> memref<248x128xf32, #tpu.memory_space<hbm>>
        tpu.enqueue_dma source(%dma_start3A_129 : memref<248x128xf32, #tpu.memory_space<hbm>>) target(%dma_start3A_127 : memref<248x128xf32, #tpu.memory_space<vmem_shared>>) target_semaphore(%run_scoped3A : memref<!tpu.dma_semaphore, #tpu.memory_space<semaphore_mem>>)
        %dma_wait3A_130 = arith.constant 0 : i32
        %dma_wait3A_131 = tpu.memref_slice %arg10[%mul3A_125, %dma_wait3A_130] : memref<4000x128xf32, #tpu.memory_space<vmem_shared>> -> memref<248x128xf32, #tpu.memory_space<vmem_shared>>
        %dma_wait3A_132 = arith.constant 0 : i32
        %dma_wait3A_133 = tpu.memref_slice %arg2[%mul3A_123, %dma_wait3A_132] : memref<4096x128xf32, #tpu.memory_space<hbm>> -> memref<248x128xf32, #tpu.memory_space<hbm>>
        tpu.wait_dma2 semaphore(%run_scoped3A : memref<!tpu.dma_semaphore, #tpu.memory_space<semaphore_mem>>) src(%dma_wait3A_133 : memref<248x128xf32, #tpu.memory_space<hbm>>) dst(%dma_wait3A_131 : memref<248x128xf32, #tpu.memory_space<vmem_shared>>)
        tpu.yield
      }) : () -> ()
    } else {
    }
    %eq3A = arith.constant 15 : i32
    %eq3A_3 = arith.cmpi eq, %arg1, %eq3A : i32
    %convert_element_type3A_4 = arith.extui %eq3A_3 : i1 to i32
    %cond3A_5 = arith.constant 0 : i32
    %cond3A_6 = arith.cmpi ne, %convert_element_type3A_4, %cond3A_5 : i32
    scf.if %cond3A_6 {
      "tpu.region"() ({
        %run_scoped3A = tpu.sem_alloc : memref<!tpu.dma_semaphore, #tpu.memory_space<semaphore_mem>>
        %dma_start3A_122 = arith.constant 3720 : i32
        %dma_start3A_123 = arith.constant 0 : i32
        %dma_start3A_124 = tpu.memref_slice %arg10[%dma_start3A_122, %dma_start3A_123] : memref<4000x128xf32, #tpu.memory_space<vmem_shared>> -> memref<280x128xf32, #tpu.memory_space<vmem_shared>>
        %dma_start3A_125 = arith.constant 3720 : i32
        %dma_start3A_126 = arith.constant 0 : i32
        %dma_start3A_127 = tpu.memref_slice %arg2[%dma_start3A_125, %dma_start3A_126] : memref<4096x128xf32, #tpu.memory_space<hbm>> -> memref<280x128xf32, #tpu.memory_space<hbm>>
        tpu.enqueue_dma source(%dma_start3A_127 : memref<280x128xf32, #tpu.memory_space<hbm>>) target(%dma_start3A_124 : memref<280x128xf32, #tpu.memory_space<vmem_shared>>) target_semaphore(%run_scoped3A : memref<!tpu.dma_semaphore, #tpu.memory_space<semaphore_mem>>)
        %dma_wait3A_128 = arith.constant 3720 : i32
        %dma_wait3A_129 = arith.constant 0 : i32
        %dma_wait3A_130 = tpu.memref_slice %arg10[%dma_wait3A_128, %dma_wait3A_129] : memref<4000x128xf32, #tpu.memory_space<vmem_shared>> -> memref<280x128xf32, #tpu.memory_space<vmem_shared>>
        %dma_wait3A_131 = arith.constant 3720 : i32
        %dma_wait3A_132 = arith.constant 0 : i32
        %dma_wait3A_133 = tpu.memref_slice %arg2[%dma_wait3A_131, %dma_wait3A_132] : memref<4096x128xf32, #tpu.memory_space<hbm>> -> memref<280x128xf32, #tpu.memory_space<hbm>>
        tpu.wait_dma2 semaphore(%run_scoped3A : memref<!tpu.dma_semaphore, #tpu.memory_space<semaphore_mem>>) src(%dma_wait3A_133 : memref<280x128xf32, #tpu.memory_space<hbm>>) dst(%dma_wait3A_130 : memref<280x128xf32, #tpu.memory_space<vmem_shared>>)
        tpu.yield
      }) : () -> ()
    } else {
    }
    "tpu.region"() ({
      %run_scoped3A = tpu.sem_alloc : memref<!tpu.dma_semaphore, #tpu.memory_space<semaphore_mem>>
      %dma_start3A_122 = arith.constant 0 : i32
      %dma_start3A_123 = tpu.memref_slice %arg11[%mul3A_0, %dma_start3A_122] : memref<4096x128xf32, #tpu.memory_space<vmem_shared>> -> memref<256x128xf32, #tpu.memory_space<vmem_shared>>
      %dma_start3A_124 = arith.constant 0 : i32
      %dma_start3A_125 = tpu.memref_slice %arg5[%mul3A_0, %dma_start3A_124] : memref<4096x128xf32, #tpu.memory_space<hbm>> -> memref<256x128xf32, #tpu.memory_space<hbm>>
      tpu.enqueue_dma source(%dma_start3A_125 : memref<256x128xf32, #tpu.memory_space<hbm>>) target(%dma_start3A_123 : memref<256x128xf32, #tpu.memory_space<vmem_shared>>) target_semaphore(%run_scoped3A : memref<!tpu.dma_semaphore, #tpu.memory_space<semaphore_mem>>)
      %dma_wait3A_126 = arith.constant 0 : i32
      %dma_wait3A_127 = tpu.memref_slice %arg11[%mul3A_0, %dma_wait3A_126] : memref<4096x128xf32, #tpu.memory_space<vmem_shared>> -> memref<256x128xf32, #tpu.memory_space<vmem_shared>>
      %dma_wait3A_128 = arith.constant 0 : i32
      %dma_wait3A_129 = tpu.memref_slice %arg5[%mul3A_0, %dma_wait3A_128] : memref<4096x128xf32, #tpu.memory_space<hbm>> -> memref<256x128xf32, #tpu.memory_space<hbm>>
      tpu.wait_dma2 semaphore(%run_scoped3A : memref<!tpu.dma_semaphore, #tpu.memory_space<semaphore_mem>>) src(%dma_wait3A_129 : memref<256x128xf32, #tpu.memory_space<hbm>>) dst(%dma_wait3A_127 : memref<256x128xf32, #tpu.memory_space<vmem_shared>>)
      tpu.yield
    }) : () -> ()
    %barrier3A = arith.constant 0 : index
    tpu.barrier barrier_id(%barrier3A)
    %mul3A_7 = arith.constant 16 : i32
    %mul3A_8 = arith.muli %arg0, %mul3A_7 : i32
    %add3A = arith.addi %mul3A_8, %arg1 : i32
    %mul3A_9 = arith.constant 40 : i32
    %mul3A_10 = arith.muli %add3A, %mul3A_9 : i32
    %add3A_11 = arith.constant 0 : i32
    %add3A_12 = arith.addi %mul3A_10, %add3A_11 : i32
    %mul3A_13 = arith.constant 128 : i32
    %mul3A_14 = arith.muli %add3A_12, %mul3A_13 : i32
    %dma_start3A = arith.constant 0 : i32
    %dma_start3A_15 = arith.constant 0 : i32
    %dma_start3A_16 = tpu.memref_slice %arg7[%dma_start3A, %dma_start3A_15] : memref<2x128xi32, #tpu.memory_space<vmem>> -> memref<1x128xi32, #tpu.memory_space<vmem>>
    %dma_start3A_17 = tpu.memref_squeeze %dma_start3A_16 : memref<1x128xi32, #tpu.memory_space<vmem>> -> memref<128xi32, #tpu.memory_space<vmem>>
    %dma_start3A_18 = tpu.memref_slice %arg3[%mul3A_14] : memref<163840xi32, #tpu.memory_space<hbm>> -> memref<128xi32, #tpu.memory_space<hbm>>
    %dma_start3A_19 = arith.constant 0 : i32
    %dma_start3A_20 = tpu.memref_slice %arg7[%dma_start3A, %dma_start3A_19] : memref<2x128xi32, #tpu.memory_space<vmem>> -> memref<1x128xi32, #tpu.memory_space<vmem>>
    %dma_start3A_21 = tpu.memref_squeeze %dma_start3A_20 : memref<1x128xi32, #tpu.memory_space<vmem>> -> memref<128xi32, #tpu.memory_space<vmem>>
    %dma_start3A_22 = tpu.memref_slice %arg3[%mul3A_14] : memref<163840xi32, #tpu.memory_space<hbm>> -> memref<128xi32, #tpu.memory_space<hbm>>
    tpu.enqueue_dma source(%dma_start3A_22 : memref<128xi32, #tpu.memory_space<hbm>>) target(%dma_start3A_21 : memref<128xi32, #tpu.memory_space<vmem>>) target_semaphore(%arg12 : memref<!tpu.dma_semaphore, #tpu.memory_space<semaphore_mem>>)
    %dma_start3A_23 = arith.constant 0 : i32
    %dma_start3A_24 = arith.constant 0 : i32
    %dma_start3A_25 = tpu.memref_slice %arg8[%dma_start3A_23, %dma_start3A_24] : memref<2x128xi32, #tpu.memory_space<vmem>> -> memref<1x128xi32, #tpu.memory_space<vmem>>
    %dma_start3A_26 = tpu.memref_squeeze %dma_start3A_25 : memref<1x128xi32, #tpu.memory_space<vmem>> -> memref<128xi32, #tpu.memory_space<vmem>>
    %dma_start3A_27 = tpu.memref_slice %arg4[%mul3A_14] : memref<163840xi32, #tpu.memory_space<hbm>> -> memref<128xi32, #tpu.memory_space<hbm>>
    %dma_start3A_28 = arith.constant 0 : i32
    %dma_start3A_29 = tpu.memref_slice %arg8[%dma_start3A_23, %dma_start3A_28] : memref<2x128xi32, #tpu.memory_space<vmem>> -> memref<1x128xi32, #tpu.memory_space<vmem>>
    %dma_start3A_30 = tpu.memref_squeeze %dma_start3A_29 : memref<1x128xi32, #tpu.memory_space<vmem>> -> memref<128xi32, #tpu.memory_space<vmem>>
    %dma_start3A_31 = tpu.memref_slice %arg4[%mul3A_14] : memref<163840xi32, #tpu.memory_space<hbm>> -> memref<128xi32, #tpu.memory_space<hbm>>
    tpu.enqueue_dma source(%dma_start3A_31 : memref<128xi32, #tpu.memory_space<hbm>>) target(%dma_start3A_30 : memref<128xi32, #tpu.memory_space<vmem>>) target_semaphore(%arg12 : memref<!tpu.dma_semaphore, #tpu.memory_space<semaphore_mem>>)
    %dma_wait3A = arith.constant 0 : i32
    %dma_wait3A_32 = arith.constant 0 : i32
    %dma_wait3A_33 = tpu.memref_slice %arg7[%dma_wait3A, %dma_wait3A_32] : memref<2x128xi32, #tpu.memory_space<vmem>> -> memref<1x128xi32, #tpu.memory_space<vmem>>
    %dma_wait3A_34 = tpu.memref_squeeze %dma_wait3A_33 : memref<1x128xi32, #tpu.memory_space<vmem>> -> memref<128xi32, #tpu.memory_space<vmem>>
    %dma_wait3A_35 = tpu.memref_slice %arg3[%mul3A_14] : memref<163840xi32, #tpu.memory_space<hbm>> -> memref<128xi32, #tpu.memory_space<hbm>>
    %dma_wait3A_36 = arith.constant 0 : i32
    %dma_wait3A_37 = tpu.memref_slice %arg7[%dma_wait3A, %dma_wait3A_36] : memref<2x128xi32, #tpu.memory_space<vmem>> -> memref<1x128xi32, #tpu.memory_space<vmem>>
    %dma_wait3A_38 = tpu.memref_squeeze %dma_wait3A_37 : memref<1x128xi32, #tpu.memory_space<vmem>> -> memref<128xi32, #tpu.memory_space<vmem>>
    %dma_wait3A_39 = tpu.memref_slice %arg3[%mul3A_14] : memref<163840xi32, #tpu.memory_space<hbm>> -> memref<128xi32, #tpu.memory_space<hbm>>
    tpu.wait_dma2 semaphore(%arg12 : memref<!tpu.dma_semaphore, #tpu.memory_space<semaphore_mem>>) src(%dma_wait3A_39 : memref<128xi32, #tpu.memory_space<hbm>>) dst(%dma_wait3A_38 : memref<128xi32, #tpu.memory_space<vmem>>)
    %dma_wait3A_40 = arith.constant 0 : i32
    %dma_wait3A_41 = arith.constant 0 : i32
    %dma_wait3A_42 = tpu.memref_slice %arg8[%dma_wait3A_40, %dma_wait3A_41] : memref<2x128xi32, #tpu.memory_space<vmem>> -> memref<1x128xi32, #tpu.memory_space<vmem>>
    %dma_wait3A_43 = tpu.memref_squeeze %dma_wait3A_42 : memref<1x128xi32, #tpu.memory_space<vmem>> -> memref<128xi32, #tpu.memory_space<vmem>>
    %dma_wait3A_44 = tpu.memref_slice %arg4[%mul3A_14] : memref<163840xi32, #tpu.memory_space<hbm>> -> memref<128xi32, #tpu.memory_space<hbm>>
    %dma_wait3A_45 = arith.constant 0 : i32
    %dma_wait3A_46 = tpu.memref_slice %arg8[%dma_wait3A_40, %dma_wait3A_45] : memref<2x128xi32, #tpu.memory_space<vmem>> -> memref<1x128xi32, #tpu.memory_space<vmem>>
    %dma_wait3A_47 = tpu.memref_squeeze %dma_wait3A_46 : memref<1x128xi32, #tpu.memory_space<vmem>> -> memref<128xi32, #tpu.memory_space<vmem>>
    %dma_wait3A_48 = tpu.memref_slice %arg4[%mul3A_14] : memref<163840xi32, #tpu.memory_space<hbm>> -> memref<128xi32, #tpu.memory_space<hbm>>
    tpu.wait_dma2 semaphore(%arg12 : memref<!tpu.dma_semaphore, #tpu.memory_space<semaphore_mem>>) src(%dma_wait3A_48 : memref<128xi32, #tpu.memory_space<hbm>>) dst(%dma_wait3A_47 : memref<128xi32, #tpu.memory_space<vmem>>)
    %dma_start3A_49 = arith.constant 0 : i32
    %dma_start3A_50 = arith.constant 0 : i32
    %dma_start3A_51 = arith.constant 0 : i32
    %dma_start3A_52 = arith.constant 0 : i32
    %dma_start3A_53 = tpu.memref_slice %arg9[%dma_start3A_50, %dma_start3A_51, %dma_start3A_52] : memref<2x128x128xf32, #tpu.memory_space<vmem>> -> memref<1x128x128xf32, #tpu.memory_space<vmem>>
    %dma_start3A_54 = tpu.memref_squeeze %dma_start3A_53 : memref<1x128x128xf32, #tpu.memory_space<vmem>> -> memref<128x128xf32, #tpu.memory_space<vmem>>
    %dma_start3A_55 = arith.constant 0 : i32
    %dma_start3A_56 = tpu.memref_slice %arg7[%dma_start3A_49, %dma_start3A_55] : memref<2x128xi32, #tpu.memory_space<vmem>> -> memref<1x128xi32, #tpu.memory_space<vmem>>
    %dma_start3A_57 = tpu.memref_squeeze %dma_start3A_56 : memref<1x128xi32, #tpu.memory_space<vmem>> -> memref<128xi32, #tpu.memory_space<vmem>>
    %dma_start3A_58 = arith.constant 0 : i32
    %dma_start3A_59 = arith.constant 0 : i32
    %dma_start3A_60 = tpu.memref_slice %arg10[%dma_start3A_58, %dma_start3A_59] : memref<4000x128xf32, #tpu.memory_space<vmem_shared>> -> memref<4000x128xf32, #tpu.memory_space<vmem_shared>>
    tpu.enqueue_indirect_dma source(%dma_start3A_60 : memref<4000x128xf32, #tpu.memory_space<vmem_shared>>) target(%dma_start3A_54 : memref<128x128xf32, #tpu.memory_space<vmem>>) offsets(%dma_start3A_57 : memref<128xi32, #tpu.memory_space<vmem>>) semaphore(%arg14 : memref<!tpu.dma_semaphore, #tpu.memory_space<semaphore_mem>>)
    %add3A_61 = arith.constant 1 : i32
    %add3A_62 = arith.addi %mul3A_10, %add3A_61 : i32
    %mul3A_63 = arith.constant 128 : i32
    %mul3A_64 = arith.muli %add3A_62, %mul3A_63 : i32
    %dma_start3A_65 = arith.constant 1 : i32
    %dma_start3A_66 = arith.constant 0 : i32
    %dma_start3A_67 = tpu.memref_slice %arg7[%dma_start3A_65, %dma_start3A_66] : memref<2x128xi32, #tpu.memory_space<vmem>> -> memref<1x128xi32, #tpu.memory_space<vmem>>
    %dma_start3A_68 = tpu.memref_squeeze %dma_start3A_67 : memref<1x128xi32, #tpu.memory_space<vmem>> -> memref<128xi32, #tpu.memory_space<vmem>>
    %dma_start3A_69 = tpu.memref_slice %arg3[%mul3A_64] : memref<163840xi32, #tpu.memory_space<hbm>> -> memref<128xi32, #tpu.memory_space<hbm>>
    %dma_start3A_70 = arith.constant 0 : i32
    %dma_start3A_71 = tpu.memref_slice %arg7[%dma_start3A_65, %dma_start3A_70] : memref<2x128xi32, #tpu.memory_space<vmem>> -> memref<1x128xi32, #tpu.memory_space<vmem>>
    %dma_start3A_72 = tpu.memref_squeeze %dma_start3A_71 : memref<1x128xi32, #tpu.memory_space<vmem>> -> memref<128xi32, #tpu.memory_space<vmem>>
    %dma_start3A_73 = tpu.memref_slice %arg3[%mul3A_64] : memref<163840xi32, #tpu.memory_space<hbm>> -> memref<128xi32, #tpu.memory_space<hbm>>
    tpu.enqueue_dma source(%dma_start3A_73 : memref<128xi32, #tpu.memory_space<hbm>>) target(%dma_start3A_72 : memref<128xi32, #tpu.memory_space<vmem>>) target_semaphore(%arg13 : memref<!tpu.dma_semaphore, #tpu.memory_space<semaphore_mem>>)
    %dma_start3A_74 = arith.constant 1 : i32
    %dma_start3A_75 = arith.constant 0 : i32
    %dma_start3A_76 = tpu.memref_slice %arg8[%dma_start3A_74, %dma_start3A_75] : memref<2x128xi32, #tpu.memory_space<vmem>> -> memref<1x128xi32, #tpu.memory_space<vmem>>
    %dma_start3A_77 = tpu.memref_squeeze %dma_start3A_76 : memref<1x128xi32, #tpu.memory_space<vmem>> -> memref<128xi32, #tpu.memory_space<vmem>>
    %dma_start3A_78 = tpu.memref_slice %arg4[%mul3A_64] : memref<163840xi32, #tpu.memory_space<hbm>> -> memref<128xi32, #tpu.memory_space<hbm>>
    %dma_start3A_79 = arith.constant 0 : i32
    %dma_start3A_80 = tpu.memref_slice %arg8[%dma_start3A_74, %dma_start3A_79] : memref<2x128xi32, #tpu.memory_space<vmem>> -> memref<1x128xi32, #tpu.memory_space<vmem>>
    %dma_start3A_81 = tpu.memref_squeeze %dma_start3A_80 : memref<1x128xi32, #tpu.memory_space<vmem>> -> memref<128xi32, #tpu.memory_space<vmem>>
    %dma_start3A_82 = tpu.memref_slice %arg4[%mul3A_64] : memref<163840xi32, #tpu.memory_space<hbm>> -> memref<128xi32, #tpu.memory_space<hbm>>
    tpu.enqueue_dma source(%dma_start3A_82 : memref<128xi32, #tpu.memory_space<hbm>>) target(%dma_start3A_81 : memref<128xi32, #tpu.memory_space<vmem>>) target_semaphore(%arg13 : memref<!tpu.dma_semaphore, #tpu.memory_space<semaphore_mem>>)
    %dma_wait3A_83 = arith.constant 1 : i32
    %dma_wait3A_84 = arith.constant 0 : i32
    %dma_wait3A_85 = tpu.memref_slice %arg7[%dma_wait3A_83, %dma_wait3A_84] : memref<2x128xi32, #tpu.memory_space<vmem>> -> memref<1x128xi32, #tpu.memory_space<vmem>>
    %dma_wait3A_86 = tpu.memref_squeeze %dma_wait3A_85 : memref<1x128xi32, #tpu.memory_space<vmem>> -> memref<128xi32, #tpu.memory_space<vmem>>
    %dma_wait3A_87 = tpu.memref_slice %arg3[%mul3A_64] : memref<163840xi32, #tpu.memory_space<hbm>> -> memref<128xi32, #tpu.memory_space<hbm>>
    %dma_wait3A_88 = arith.constant 0 : i32
    %dma_wait3A_89 = tpu.memref_slice %arg7[%dma_wait3A_83, %dma_wait3A_88] : memref<2x128xi32, #tpu.memory_space<vmem>> -> memref<1x128xi32, #tpu.memory_space<vmem>>
    %dma_wait3A_90 = tpu.memref_squeeze %dma_wait3A_89 : memref<1x128xi32, #tpu.memory_space<vmem>> -> memref<128xi32, #tpu.memory_space<vmem>>
    %dma_wait3A_91 = tpu.memref_slice %arg3[%mul3A_64] : memref<163840xi32, #tpu.memory_space<hbm>> -> memref<128xi32, #tpu.memory_space<hbm>>
    tpu.wait_dma2 semaphore(%arg13 : memref<!tpu.dma_semaphore, #tpu.memory_space<semaphore_mem>>) src(%dma_wait3A_91 : memref<128xi32, #tpu.memory_space<hbm>>) dst(%dma_wait3A_90 : memref<128xi32, #tpu.memory_space<vmem>>)
    %dma_wait3A_92 = arith.constant 1 : i32
    %dma_wait3A_93 = arith.constant 0 : i32
    %dma_wait3A_94 = tpu.memref_slice %arg8[%dma_wait3A_92, %dma_wait3A_93] : memref<2x128xi32, #tpu.memory_space<vmem>> -> memref<1x128xi32, #tpu.memory_space<vmem>>
    %dma_wait3A_95 = tpu.memref_squeeze %dma_wait3A_94 : memref<1x128xi32, #tpu.memory_space<vmem>> -> memref<128xi32, #tpu.memory_space<vmem>>
    %dma_wait3A_96 = tpu.memref_slice %arg4[%mul3A_64] : memref<163840xi32, #tpu.memory_space<hbm>> -> memref<128xi32, #tpu.memory_space<hbm>>
    %dma_wait3A_97 = arith.constant 0 : i32
    %dma_wait3A_98 = tpu.memref_slice %arg8[%dma_wait3A_92, %dma_wait3A_97] : memref<2x128xi32, #tpu.memory_space<vmem>> -> memref<1x128xi32, #tpu.memory_space<vmem>>
    %dma_wait3A_99 = tpu.memref_squeeze %dma_wait3A_98 : memref<1x128xi32, #tpu.memory_space<vmem>> -> memref<128xi32, #tpu.memory_space<vmem>>
    %dma_wait3A_100 = tpu.memref_slice %arg4[%mul3A_64] : memref<163840xi32, #tpu.memory_space<hbm>> -> memref<128xi32, #tpu.memory_space<hbm>>
    tpu.wait_dma2 semaphore(%arg13 : memref<!tpu.dma_semaphore, #tpu.memory_space<semaphore_mem>>) src(%dma_wait3A_100 : memref<128xi32, #tpu.memory_space<hbm>>) dst(%dma_wait3A_99 : memref<128xi32, #tpu.memory_space<vmem>>)
    %dma_start3A_101 = arith.constant 1 : i32
    %dma_start3A_102 = arith.constant 1 : i32
    %dma_start3A_103 = arith.constant 0 : i32
    %dma_start3A_104 = arith.constant 0 : i32
    %dma_start3A_105 = tpu.memref_slice %arg9[%dma_start3A_102, %dma_start3A_103, %dma_start3A_104] : memref<2x128x128xf32, #tpu.memory_space<vmem>> -> memref<1x128x128xf32, #tpu.memory_space<vmem>>
    %dma_start3A_106 = tpu.memref_squeeze %dma_start3A_105 : memref<1x128x128xf32, #tpu.memory_space<vmem>> -> memref<128x128xf32, #tpu.memory_space<vmem>>
    %dma_start3A_107 = arith.constant 0 : i32
    %dma_start3A_108 = tpu.memref_slice %arg7[%dma_start3A_101, %dma_start3A_107] : memref<2x128xi32, #tpu.memory_space<vmem>> -> memref<1x128xi32, #tpu.memory_space<vmem>>
    %dma_start3A_109 = tpu.memref_squeeze %dma_start3A_108 : memref<1x128xi32, #tpu.memory_space<vmem>> -> memref<128xi32, #tpu.memory_space<vmem>>
    %dma_start3A_110 = arith.constant 0 : i32
    %dma_start3A_111 = arith.constant 0 : i32
    %dma_start3A_112 = tpu.memref_slice %arg10[%dma_start3A_110, %dma_start3A_111] : memref<4000x128xf32, #tpu.memory_space<vmem_shared>> -> memref<4000x128xf32, #tpu.memory_space<vmem_shared>>
    tpu.enqueue_indirect_dma source(%dma_start3A_112 : memref<4000x128xf32, #tpu.memory_space<vmem_shared>>) target(%dma_start3A_106 : memref<128x128xf32, #tpu.memory_space<vmem>>) offsets(%dma_start3A_109 : memref<128xi32, #tpu.memory_space<vmem>>) semaphore(%arg15 : memref<!tpu.dma_semaphore, #tpu.memory_space<semaphore_mem>>)
    %scan3A = arith.constant 0 : i32
    %scan3A_113 = arith.constant 0 : i32
    %scan3A_114 = arith.constant 20 : i32
    %scan3A_115 = arith.addi %scan3A_113, %scan3A_114 : i32
    %scan3A_116 = arith.constant 1 : i32
    scf.for %scan3A_122 = %scan3A_113 to %scan3A_115 step %scan3A_116  : i32 {
      %dma_wait3A_123 = arith.constant 0 : i32
      %dma_wait3A_124 = arith.constant 0 : i32
      %dma_wait3A_125 = arith.constant 0 : i32
      %dma_wait3A_126 = arith.constant 0 : i32
      %dma_wait3A_127 = tpu.memref_slice %arg9[%dma_wait3A_124, %dma_wait3A_125, %dma_wait3A_126] : memref<2x128x128xf32, #tpu.memory_space<vmem>> -> memref<1x128x128xf32, #tpu.memory_space<vmem>>
      %dma_wait3A_128 = tpu.memref_squeeze %dma_wait3A_127 : memref<1x128x128xf32, #tpu.memory_space<vmem>> -> memref<128x128xf32, #tpu.memory_space<vmem>>
      %dma_wait3A_129 = arith.constant 0 : i32
      %dma_wait3A_130 = tpu.memref_slice %arg7[%dma_wait3A_123, %dma_wait3A_129] : memref<2x128xi32, #tpu.memory_space<vmem>> -> memref<1x128xi32, #tpu.memory_space<vmem>>
      %dma_wait3A_131 = tpu.memref_squeeze %dma_wait3A_130 : memref<1x128xi32, #tpu.memory_space<vmem>> -> memref<128xi32, #tpu.memory_space<vmem>>
      %dma_wait3A_132 = arith.constant 0 : i32
      %dma_wait3A_133 = arith.constant 0 : i32
      %dma_wait3A_134 = tpu.memref_slice %arg10[%dma_wait3A_132, %dma_wait3A_133] : memref<4000x128xf32, #tpu.memory_space<vmem_shared>> -> memref<4000x128xf32, #tpu.memory_space<vmem_shared>>
      tpu.wait_indirect_dma semaphore(%arg14 : memref<!tpu.dma_semaphore, #tpu.memory_space<semaphore_mem>>) src(%dma_wait3A_134 : memref<4000x128xf32, #tpu.memory_space<vmem_shared>>) dst(%dma_wait3A_128 : memref<128x128xf32, #tpu.memory_space<vmem>>)
      %run_scoped3A = arith.constant 0 : i32
      %run_scoped3A_135 = arith.constant 0 : i32
      "tpu.region"() ({
        %run_scoped3A_160 = tpu.sem_alloc : memref<!tpu.dma_semaphore, #tpu.memory_space<semaphore_mem>>
        %dma_start3A_161 = arith.constant 0 : i32
        %dma_start3A_162 = arith.constant 0 : i32
        %dma_start3A_163 = tpu.memref_slice %arg9[%run_scoped3A, %dma_start3A_161, %dma_start3A_162] : memref<2x128x128xf32, #tpu.memory_space<vmem>> -> memref<1x128x128xf32, #tpu.memory_space<vmem>>
        %dma_start3A_164 = tpu.memref_squeeze %dma_start3A_163 : memref<1x128x128xf32, #tpu.memory_space<vmem>> -> memref<128x128xf32, #tpu.memory_space<vmem>>
        %dma_start3A_165 = arith.constant 0 : i32
        %dma_start3A_166 = tpu.memref_slice %arg8[%run_scoped3A_135, %dma_start3A_165] : memref<2x128xi32, #tpu.memory_space<vmem>> -> memref<1x128xi32, #tpu.memory_space<vmem>>
        %dma_start3A_167 = tpu.memref_squeeze %dma_start3A_166 : memref<1x128xi32, #tpu.memory_space<vmem>> -> memref<128xi32, #tpu.memory_space<vmem>>
        %dma_start3A_168 = arith.constant 0 : i32
        %dma_start3A_169 = arith.constant 0 : i32
        %dma_start3A_170 = tpu.memref_slice %arg11[%dma_start3A_168, %dma_start3A_169] : memref<4096x128xf32, #tpu.memory_space<vmem_shared>> -> memref<4096x128xf32, #tpu.memory_space<vmem_shared>>
        tpu.enqueue_indirect_dma source(%dma_start3A_164 : memref<128x128xf32, #tpu.memory_space<vmem>>) target(%dma_start3A_170 : memref<4096x128xf32, #tpu.memory_space<vmem_shared>>) offsets(%dma_start3A_167 : memref<128xi32, #tpu.memory_space<vmem>>) semaphore(%run_scoped3A_160 : memref<!tpu.dma_semaphore, #tpu.memory_space<semaphore_mem>>) {add = true}
        %dma_wait3A_171 = arith.constant 0 : i32
        %dma_wait3A_172 = arith.constant 0 : i32
        %dma_wait3A_173 = tpu.memref_slice %arg9[%run_scoped3A, %dma_wait3A_171, %dma_wait3A_172] : memref<2x128x128xf32, #tpu.memory_space<vmem>> -> memref<1x128x128xf32, #tpu.memory_space<vmem>>
        %dma_wait3A_174 = tpu.memref_squeeze %dma_wait3A_173 : memref<1x128x128xf32, #tpu.memory_space<vmem>> -> memref<128x128xf32, #tpu.memory_space<vmem>>
        %dma_wait3A_175 = arith.constant 0 : i32
        %dma_wait3A_176 = tpu.memref_slice %arg8[%run_scoped3A_135, %dma_wait3A_175] : memref<2x128xi32, #tpu.memory_space<vmem>> -> memref<1x128xi32, #tpu.memory_space<vmem>>
        %dma_wait3A_177 = tpu.memref_squeeze %dma_wait3A_176 : memref<1x128xi32, #tpu.memory_space<vmem>> -> memref<128xi32, #tpu.memory_space<vmem>>
        %dma_wait3A_178 = arith.constant 0 : i32
        %dma_wait3A_179 = arith.constant 0 : i32
        %dma_wait3A_180 = tpu.memref_slice %arg11[%dma_wait3A_178, %dma_wait3A_179] : memref<4096x128xf32, #tpu.memory_space<vmem_shared>> -> memref<4096x128xf32, #tpu.memory_space<vmem_shared>>
        tpu.wait_indirect_dma semaphore(%run_scoped3A_160 : memref<!tpu.dma_semaphore, #tpu.memory_space<semaphore_mem>>) src(%dma_wait3A_174 : memref<128x128xf32, #tpu.memory_space<vmem>>) dst(%dma_wait3A_180 : memref<4096x128xf32, #tpu.memory_space<vmem_shared>>)
        tpu.yield
      }) : () -> ()
      %lt3A_136 = arith.constant 19 : i32
      %lt3A_137 = arith.cmpi slt, %scan3A_122, %lt3A_136 : i32
      %convert_element_type3A_138 = arith.extui %lt3A_137 : i1 to i32
      %cond3A_139 = arith.constant 0 : i32
      %cond3A_140 = arith.cmpi ne, %convert_element_type3A_138, %cond3A_139 : i32
      scf.if %cond3A_140 {
        %mul3A_160 = arith.constant 2 : i32
        %mul3A_161 = arith.muli %mul3A_160, %scan3A_122 : i32
        %add3A_162 = arith.constant 2 : i32
        %add3A_163 = arith.addi %mul3A_161, %add3A_162 : i32
        %add3A_164 = arith.addi %mul3A_10, %add3A_163 : i32
        %mul3A_165 = arith.constant 128 : i32
        %mul3A_166 = arith.muli %add3A_164, %mul3A_165 : i32
        %dma_start3A_167 = arith.constant 0 : i32
        %dma_start3A_168 = arith.constant 0 : i32
        %dma_start3A_169 = tpu.memref_slice %arg7[%dma_start3A_167, %dma_start3A_168] : memref<2x128xi32, #tpu.memory_space<vmem>> -> memref<1x128xi32, #tpu.memory_space<vmem>>
        %dma_start3A_170 = tpu.memref_squeeze %dma_start3A_169 : memref<1x128xi32, #tpu.memory_space<vmem>> -> memref<128xi32, #tpu.memory_space<vmem>>
        %dma_start3A_171 = tpu.memref_slice %arg3[%mul3A_166] : memref<163840xi32, #tpu.memory_space<hbm>> -> memref<128xi32, #tpu.memory_space<hbm>>
        %dma_start3A_172 = arith.constant 0 : i32
        %dma_start3A_173 = tpu.memref_slice %arg7[%dma_start3A_167, %dma_start3A_172] : memref<2x128xi32, #tpu.memory_space<vmem>> -> memref<1x128xi32, #tpu.memory_space<vmem>>
        %dma_start3A_174 = tpu.memref_squeeze %dma_start3A_173 : memref<1x128xi32, #tpu.memory_space<vmem>> -> memref<128xi32, #tpu.memory_space<vmem>>
        %dma_start3A_175 = tpu.memref_slice %arg3[%mul3A_166] : memref<163840xi32, #tpu.memory_space<hbm>> -> memref<128xi32, #tpu.memory_space<hbm>>
        tpu.enqueue_dma source(%dma_start3A_175 : memref<128xi32, #tpu.memory_space<hbm>>) target(%dma_start3A_174 : memref<128xi32, #tpu.memory_space<vmem>>) target_semaphore(%arg12 : memref<!tpu.dma_semaphore, #tpu.memory_space<semaphore_mem>>)
        %dma_start3A_176 = arith.constant 0 : i32
        %dma_start3A_177 = arith.constant 0 : i32
        %dma_start3A_178 = tpu.memref_slice %arg8[%dma_start3A_176, %dma_start3A_177] : memref<2x128xi32, #tpu.memory_space<vmem>> -> memref<1x128xi32, #tpu.memory_space<vmem>>
        %dma_start3A_179 = tpu.memref_squeeze %dma_start3A_178 : memref<1x128xi32, #tpu.memory_space<vmem>> -> memref<128xi32, #tpu.memory_space<vmem>>
        %dma_start3A_180 = tpu.memref_slice %arg4[%mul3A_166] : memref<163840xi32, #tpu.memory_space<hbm>> -> memref<128xi32, #tpu.memory_space<hbm>>
        %dma_start3A_181 = arith.constant 0 : i32
        %dma_start3A_182 = tpu.memref_slice %arg8[%dma_start3A_176, %dma_start3A_181] : memref<2x128xi32, #tpu.memory_space<vmem>> -> memref<1x128xi32, #tpu.memory_space<vmem>>
        %dma_start3A_183 = tpu.memref_squeeze %dma_start3A_182 : memref<1x128xi32, #tpu.memory_space<vmem>> -> memref<128xi32, #tpu.memory_space<vmem>>
        %dma_start3A_184 = tpu.memref_slice %arg4[%mul3A_166] : memref<163840xi32, #tpu.memory_space<hbm>> -> memref<128xi32, #tpu.memory_space<hbm>>
        tpu.enqueue_dma source(%dma_start3A_184 : memref<128xi32, #tpu.memory_space<hbm>>) target(%dma_start3A_183 : memref<128xi32, #tpu.memory_space<vmem>>) target_semaphore(%arg12 : memref<!tpu.dma_semaphore, #tpu.memory_space<semaphore_mem>>)
        %dma_wait3A_185 = arith.constant 0 : i32
        %dma_wait3A_186 = arith.constant 0 : i32
        %dma_wait3A_187 = tpu.memref_slice %arg7[%dma_wait3A_185, %dma_wait3A_186] : memref<2x128xi32, #tpu.memory_space<vmem>> -> memref<1x128xi32, #tpu.memory_space<vmem>>
        %dma_wait3A_188 = tpu.memref_squeeze %dma_wait3A_187 : memref<1x128xi32, #tpu.memory_space<vmem>> -> memref<128xi32, #tpu.memory_space<vmem>>
        %dma_wait3A_189 = tpu.memref_slice %arg3[%mul3A_166] : memref<163840xi32, #tpu.memory_space<hbm>> -> memref<128xi32, #tpu.memory_space<hbm>>
        %dma_wait3A_190 = arith.constant 0 : i32
        %dma_wait3A_191 = tpu.memref_slice %arg7[%dma_wait3A_185, %dma_wait3A_190] : memref<2x128xi32, #tpu.memory_space<vmem>> -> memref<1x128xi32, #tpu.memory_space<vmem>>
        %dma_wait3A_192 = tpu.memref_squeeze %dma_wait3A_191 : memref<1x128xi32, #tpu.memory_space<vmem>> -> memref<128xi32, #tpu.memory_space<vmem>>
        %dma_wait3A_193 = tpu.memref_slice %arg3[%mul3A_166] : memref<163840xi32, #tpu.memory_space<hbm>> -> memref<128xi32, #tpu.memory_space<hbm>>
        tpu.wait_dma2 semaphore(%arg12 : memref<!tpu.dma_semaphore, #tpu.memory_space<semaphore_mem>>) src(%dma_wait3A_193 : memref<128xi32, #tpu.memory_space<hbm>>) dst(%dma_wait3A_192 : memref<128xi32, #tpu.memory_space<vmem>>)
        %dma_wait3A_194 = arith.constant 0 : i32
        %dma_wait3A_195 = arith.constant 0 : i32
        %dma_wait3A_196 = tpu.memref_slice %arg8[%dma_wait3A_194, %dma_wait3A_195] : memref<2x128xi32, #tpu.memory_space<vmem>> -> memref<1x128xi32, #tpu.memory_space<vmem>>
        %dma_wait3A_197 = tpu.memref_squeeze %dma_wait3A_196 : memref<1x128xi32, #tpu.memory_space<vmem>> -> memref<128xi32, #tpu.memory_space<vmem>>
        %dma_wait3A_198 = tpu.memref_slice %arg4[%mul3A_166] : memref<163840xi32, #tpu.memory_space<hbm>> -> memref<128xi32, #tpu.memory_space<hbm>>
        %dma_wait3A_199 = arith.constant 0 : i32
        %dma_wait3A_200 = tpu.memref_slice %arg8[%dma_wait3A_194, %dma_wait3A_199] : memref<2x128xi32, #tpu.memory_space<vmem>> -> memref<1x128xi32, #tpu.memory_space<vmem>>
        %dma_wait3A_201 = tpu.memref_squeeze %dma_wait3A_200 : memref<1x128xi32, #tpu.memory_space<vmem>> -> memref<128xi32, #tpu.memory_space<vmem>>
        %dma_wait3A_202 = tpu.memref_slice %arg4[%mul3A_166] : memref<163840xi32, #tpu.memory_space<hbm>> -> memref<128xi32, #tpu.memory_space<hbm>>
        tpu.wait_dma2 semaphore(%arg12 : memref<!tpu.dma_semaphore, #tpu.memory_space<semaphore_mem>>) src(%dma_wait3A_202 : memref<128xi32, #tpu.memory_space<hbm>>) dst(%dma_wait3A_201 : memref<128xi32, #tpu.memory_space<vmem>>)
        %dma_start3A_203 = arith.constant 0 : i32
        %dma_start3A_204 = arith.constant 0 : i32
        %dma_start3A_205 = arith.constant 0 : i32
        %dma_start3A_206 = arith.constant 0 : i32
        %dma_start3A_207 = tpu.memref_slice %arg9[%dma_start3A_204, %dma_start3A_205, %dma_start3A_206] : memref<2x128x128xf32, #tpu.memory_space<vmem>> -> memref<1x128x128xf32, #tpu.memory_space<vmem>>
        %dma_start3A_208 = tpu.memref_squeeze %dma_start3A_207 : memref<1x128x128xf32, #tpu.memory_space<vmem>> -> memref<128x128xf32, #tpu.memory_space<vmem>>
        %dma_start3A_209 = arith.constant 0 : i32
        %dma_start3A_210 = tpu.memref_slice %arg7[%dma_start3A_203, %dma_start3A_209] : memref<2x128xi32, #tpu.memory_space<vmem>> -> memref<1x128xi32, #tpu.memory_space<vmem>>
        %dma_start3A_211 = tpu.memref_squeeze %dma_start3A_210 : memref<1x128xi32, #tpu.memory_space<vmem>> -> memref<128xi32, #tpu.memory_space<vmem>>
        %dma_start3A_212 = arith.constant 0 : i32
        %dma_start3A_213 = arith.constant 0 : i32
        %dma_start3A_214 = tpu.memref_slice %arg10[%dma_start3A_212, %dma_start3A_213] : memref<4000x128xf32, #tpu.memory_space<vmem_shared>> -> memref<4000x128xf32, #tpu.memory_space<vmem_shared>>
        tpu.enqueue_indirect_dma source(%dma_start3A_214 : memref<4000x128xf32, #tpu.memory_space<vmem_shared>>) target(%dma_start3A_208 : memref<128x128xf32, #tpu.memory_space<vmem>>) offsets(%dma_start3A_211 : memref<128xi32, #tpu.memory_space<vmem>>) semaphore(%arg14 : memref<!tpu.dma_semaphore, #tpu.memory_space<semaphore_mem>>)
      } else {
      }
      %dma_wait3A_141 = arith.constant 1 : i32
      %dma_wait3A_142 = arith.constant 1 : i32
      %dma_wait3A_143 = arith.constant 0 : i32
      %dma_wait3A_144 = arith.constant 0 : i32
      %dma_wait3A_145 = tpu.memref_slice %arg9[%dma_wait3A_142, %dma_wait3A_143, %dma_wait3A_144] : memref<2x128x128xf32, #tpu.memory_space<vmem>> -> memref<1x128x128xf32, #tpu.memory_space<vmem>>
      %dma_wait3A_146 = tpu.memref_squeeze %dma_wait3A_145 : memref<1x128x128xf32, #tpu.memory_space<vmem>> -> memref<128x128xf32, #tpu.memory_space<vmem>>
      %dma_wait3A_147 = arith.constant 0 : i32
      %dma_wait3A_148 = tpu.memref_slice %arg7[%dma_wait3A_141, %dma_wait3A_147] : memref<2x128xi32, #tpu.memory_space<vmem>> -> memref<1x128xi32, #tpu.memory_space<vmem>>
      %dma_wait3A_149 = tpu.memref_squeeze %dma_wait3A_148 : memref<1x128xi32, #tpu.memory_space<vmem>> -> memref<128xi32, #tpu.memory_space<vmem>>
      %dma_wait3A_150 = arith.constant 0 : i32
      %dma_wait3A_151 = arith.constant 0 : i32
      %dma_wait3A_152 = tpu.memref_slice %arg10[%dma_wait3A_150, %dma_wait3A_151] : memref<4000x128xf32, #tpu.memory_space<vmem_shared>> -> memref<4000x128xf32, #tpu.memory_space<vmem_shared>>
      tpu.wait_indirect_dma semaphore(%arg15 : memref<!tpu.dma_semaphore, #tpu.memory_space<semaphore_mem>>) src(%dma_wait3A_152 : memref<4000x128xf32, #tpu.memory_space<vmem_shared>>) dst(%dma_wait3A_146 : memref<128x128xf32, #tpu.memory_space<vmem>>)
      %run_scoped3A_153 = arith.constant 1 : i32
      %run_scoped3A_154 = arith.constant 1 : i32
      "tpu.region"() ({
        %run_scoped3A_160 = tpu.sem_alloc : memref<!tpu.dma_semaphore, #tpu.memory_space<semaphore_mem>>
        %dma_start3A_161 = arith.constant 0 : i32
        %dma_start3A_162 = arith.constant 0 : i32
        %dma_start3A_163 = tpu.memref_slice %arg9[%run_scoped3A_153, %dma_start3A_161, %dma_start3A_162] : memref<2x128x128xf32, #tpu.memory_space<vmem>> -> memref<1x128x128xf32, #tpu.memory_space<vmem>>
        %dma_start3A_164 = tpu.memref_squeeze %dma_start3A_163 : memref<1x128x128xf32, #tpu.memory_space<vmem>> -> memref<128x128xf32, #tpu.memory_space<vmem>>
        %dma_start3A_165 = arith.constant 0 : i32
        %dma_start3A_166 = tpu.memref_slice %arg8[%run_scoped3A_154, %dma_start3A_165] : memref<2x128xi32, #tpu.memory_space<vmem>> -> memref<1x128xi32, #tpu.memory_space<vmem>>
        %dma_start3A_167 = tpu.memref_squeeze %dma_start3A_166 : memref<1x128xi32, #tpu.memory_space<vmem>> -> memref<128xi32, #tpu.memory_space<vmem>>
        %dma_start3A_168 = arith.constant 0 : i32
        %dma_start3A_169 = arith.constant 0 : i32
        %dma_start3A_170 = tpu.memref_slice %arg11[%dma_start3A_168, %dma_start3A_169] : memref<4096x128xf32, #tpu.memory_space<vmem_shared>> -> memref<4096x128xf32, #tpu.memory_space<vmem_shared>>
        tpu.enqueue_indirect_dma source(%dma_start3A_164 : memref<128x128xf32, #tpu.memory_space<vmem>>) target(%dma_start3A_170 : memref<4096x128xf32, #tpu.memory_space<vmem_shared>>) offsets(%dma_start3A_167 : memref<128xi32, #tpu.memory_space<vmem>>) semaphore(%run_scoped3A_160 : memref<!tpu.dma_semaphore, #tpu.memory_space<semaphore_mem>>) {add = true}
        %dma_wait3A_171 = arith.constant 0 : i32
        %dma_wait3A_172 = arith.constant 0 : i32
        %dma_wait3A_173 = tpu.memref_slice %arg9[%run_scoped3A_153, %dma_wait3A_171, %dma_wait3A_172] : memref<2x128x128xf32, #tpu.memory_space<vmem>> -> memref<1x128x128xf32, #tpu.memory_space<vmem>>
        %dma_wait3A_174 = tpu.memref_squeeze %dma_wait3A_173 : memref<1x128x128xf32, #tpu.memory_space<vmem>> -> memref<128x128xf32, #tpu.memory_space<vmem>>
        %dma_wait3A_175 = arith.constant 0 : i32
        %dma_wait3A_176 = tpu.memref_slice %arg8[%run_scoped3A_154, %dma_wait3A_175] : memref<2x128xi32, #tpu.memory_space<vmem>> -> memref<1x128xi32, #tpu.memory_space<vmem>>
        %dma_wait3A_177 = tpu.memref_squeeze %dma_wait3A_176 : memref<1x128xi32, #tpu.memory_space<vmem>> -> memref<128xi32, #tpu.memory_space<vmem>>
        %dma_wait3A_178 = arith.constant 0 : i32
        %dma_wait3A_179 = arith.constant 0 : i32
        %dma_wait3A_180 = tpu.memref_slice %arg11[%dma_wait3A_178, %dma_wait3A_179] : memref<4096x128xf32, #tpu.memory_space<vmem_shared>> -> memref<4096x128xf32, #tpu.memory_space<vmem_shared>>
        tpu.wait_indirect_dma semaphore(%run_scoped3A_160 : memref<!tpu.dma_semaphore, #tpu.memory_space<semaphore_mem>>) src(%dma_wait3A_174 : memref<128x128xf32, #tpu.memory_space<vmem>>) dst(%dma_wait3A_180 : memref<4096x128xf32, #tpu.memory_space<vmem_shared>>)
        tpu.yield
      }) : () -> ()
      %lt3A_155 = arith.constant 19 : i32
      %lt3A_156 = arith.cmpi slt, %scan3A_122, %lt3A_155 : i32
      %convert_element_type3A_157 = arith.extui %lt3A_156 : i1 to i32
      %cond3A_158 = arith.constant 0 : i32
      %cond3A_159 = arith.cmpi ne, %convert_element_type3A_157, %cond3A_158 : i32
      scf.if %cond3A_159 {
        %mul3A_160 = arith.constant 2 : i32
        %mul3A_161 = arith.muli %mul3A_160, %scan3A_122 : i32
        %add3A_162 = arith.constant 3 : i32
        %add3A_163 = arith.addi %mul3A_161, %add3A_162 : i32
        %add3A_164 = arith.addi %mul3A_10, %add3A_163 : i32
        %mul3A_165 = arith.constant 128 : i32
        %mul3A_166 = arith.muli %add3A_164, %mul3A_165 : i32
        %dma_start3A_167 = arith.constant 1 : i32
        %dma_start3A_168 = arith.constant 0 : i32
        %dma_start3A_169 = tpu.memref_slice %arg7[%dma_start3A_167, %dma_start3A_168] : memref<2x128xi32, #tpu.memory_space<vmem>> -> memref<1x128xi32, #tpu.memory_space<vmem>>
        %dma_start3A_170 = tpu.memref_squeeze %dma_start3A_169 : memref<1x128xi32, #tpu.memory_space<vmem>> -> memref<128xi32, #tpu.memory_space<vmem>>
        %dma_start3A_171 = tpu.memref_slice %arg3[%mul3A_166] : memref<163840xi32, #tpu.memory_space<hbm>> -> memref<128xi32, #tpu.memory_space<hbm>>
        %dma_start3A_172 = arith.constant 0 : i32
        %dma_start3A_173 = tpu.memref_slice %arg7[%dma_start3A_167, %dma_start3A_172] : memref<2x128xi32, #tpu.memory_space<vmem>> -> memref<1x128xi32, #tpu.memory_space<vmem>>
        %dma_start3A_174 = tpu.memref_squeeze %dma_start3A_173 : memref<1x128xi32, #tpu.memory_space<vmem>> -> memref<128xi32, #tpu.memory_space<vmem>>
        %dma_start3A_175 = tpu.memref_slice %arg3[%mul3A_166] : memref<163840xi32, #tpu.memory_space<hbm>> -> memref<128xi32, #tpu.memory_space<hbm>>
        tpu.enqueue_dma source(%dma_start3A_175 : memref<128xi32, #tpu.memory_space<hbm>>) target(%dma_start3A_174 : memref<128xi32, #tpu.memory_space<vmem>>) target_semaphore(%arg13 : memref<!tpu.dma_semaphore, #tpu.memory_space<semaphore_mem>>)
        %dma_start3A_176 = arith.constant 1 : i32
        %dma_start3A_177 = arith.constant 0 : i32
        %dma_start3A_178 = tpu.memref_slice %arg8[%dma_start3A_176, %dma_start3A_177] : memref<2x128xi32, #tpu.memory_space<vmem>> -> memref<1x128xi32, #tpu.memory_space<vmem>>
        %dma_start3A_179 = tpu.memref_squeeze %dma_start3A_178 : memref<1x128xi32, #tpu.memory_space<vmem>> -> memref<128xi32, #tpu.memory_space<vmem>>
        %dma_start3A_180 = tpu.memref_slice %arg4[%mul3A_166] : memref<163840xi32, #tpu.memory_space<hbm>> -> memref<128xi32, #tpu.memory_space<hbm>>
        %dma_start3A_181 = arith.constant 0 : i32
        %dma_start3A_182 = tpu.memref_slice %arg8[%dma_start3A_176, %dma_start3A_181] : memref<2x128xi32, #tpu.memory_space<vmem>> -> memref<1x128xi32, #tpu.memory_space<vmem>>
        %dma_start3A_183 = tpu.memref_squeeze %dma_start3A_182 : memref<1x128xi32, #tpu.memory_space<vmem>> -> memref<128xi32, #tpu.memory_space<vmem>>
        %dma_start3A_184 = tpu.memref_slice %arg4[%mul3A_166] : memref<163840xi32, #tpu.memory_space<hbm>> -> memref<128xi32, #tpu.memory_space<hbm>>
        tpu.enqueue_dma source(%dma_start3A_184 : memref<128xi32, #tpu.memory_space<hbm>>) target(%dma_start3A_183 : memref<128xi32, #tpu.memory_space<vmem>>) target_semaphore(%arg13 : memref<!tpu.dma_semaphore, #tpu.memory_space<semaphore_mem>>)
        %dma_wait3A_185 = arith.constant 1 : i32
        %dma_wait3A_186 = arith.constant 0 : i32
        %dma_wait3A_187 = tpu.memref_slice %arg7[%dma_wait3A_185, %dma_wait3A_186] : memref<2x128xi32, #tpu.memory_space<vmem>> -> memref<1x128xi32, #tpu.memory_space<vmem>>
        %dma_wait3A_188 = tpu.memref_squeeze %dma_wait3A_187 : memref<1x128xi32, #tpu.memory_space<vmem>> -> memref<128xi32, #tpu.memory_space<vmem>>
        %dma_wait3A_189 = tpu.memref_slice %arg3[%mul3A_166] : memref<163840xi32, #tpu.memory_space<hbm>> -> memref<128xi32, #tpu.memory_space<hbm>>
        %dma_wait3A_190 = arith.constant 0 : i32
        %dma_wait3A_191 = tpu.memref_slice %arg7[%dma_wait3A_185, %dma_wait3A_190] : memref<2x128xi32, #tpu.memory_space<vmem>> -> memref<1x128xi32, #tpu.memory_space<vmem>>
        %dma_wait3A_192 = tpu.memref_squeeze %dma_wait3A_191 : memref<1x128xi32, #tpu.memory_space<vmem>> -> memref<128xi32, #tpu.memory_space<vmem>>
        %dma_wait3A_193 = tpu.memref_slice %arg3[%mul3A_166] : memref<163840xi32, #tpu.memory_space<hbm>> -> memref<128xi32, #tpu.memory_space<hbm>>
        tpu.wait_dma2 semaphore(%arg13 : memref<!tpu.dma_semaphore, #tpu.memory_space<semaphore_mem>>) src(%dma_wait3A_193 : memref<128xi32, #tpu.memory_space<hbm>>) dst(%dma_wait3A_192 : memref<128xi32, #tpu.memory_space<vmem>>)
        %dma_wait3A_194 = arith.constant 1 : i32
        %dma_wait3A_195 = arith.constant 0 : i32
        %dma_wait3A_196 = tpu.memref_slice %arg8[%dma_wait3A_194, %dma_wait3A_195] : memref<2x128xi32, #tpu.memory_space<vmem>> -> memref<1x128xi32, #tpu.memory_space<vmem>>
        %dma_wait3A_197 = tpu.memref_squeeze %dma_wait3A_196 : memref<1x128xi32, #tpu.memory_space<vmem>> -> memref<128xi32, #tpu.memory_space<vmem>>
        %dma_wait3A_198 = tpu.memref_slice %arg4[%mul3A_166] : memref<163840xi32, #tpu.memory_space<hbm>> -> memref<128xi32, #tpu.memory_space<hbm>>
        %dma_wait3A_199 = arith.constant 0 : i32
        %dma_wait3A_200 = tpu.memref_slice %arg8[%dma_wait3A_194, %dma_wait3A_199] : memref<2x128xi32, #tpu.memory_space<vmem>> -> memref<1x128xi32, #tpu.memory_space<vmem>>
        %dma_wait3A_201 = tpu.memref_squeeze %dma_wait3A_200 : memref<1x128xi32, #tpu.memory_space<vmem>> -> memref<128xi32, #tpu.memory_space<vmem>>
        %dma_wait3A_202 = tpu.memref_slice %arg4[%mul3A_166] : memref<163840xi32, #tpu.memory_space<hbm>> -> memref<128xi32, #tpu.memory_space<hbm>>
        tpu.wait_dma2 semaphore(%arg13 : memref<!tpu.dma_semaphore, #tpu.memory_space<semaphore_mem>>) src(%dma_wait3A_202 : memref<128xi32, #tpu.memory_space<hbm>>) dst(%dma_wait3A_201 : memref<128xi32, #tpu.memory_space<vmem>>)
        %dma_start3A_203 = arith.constant 1 : i32
        %dma_start3A_204 = arith.constant 1 : i32
        %dma_start3A_205 = arith.constant 0 : i32
        %dma_start3A_206 = arith.constant 0 : i32
        %dma_start3A_207 = tpu.memref_slice %arg9[%dma_start3A_204, %dma_start3A_205, %dma_start3A_206] : memref<2x128x128xf32, #tpu.memory_space<vmem>> -> memref<1x128x128xf32, #tpu.memory_space<vmem>>
        %dma_start3A_208 = tpu.memref_squeeze %dma_start3A_207 : memref<1x128x128xf32, #tpu.memory_space<vmem>> -> memref<128x128xf32, #tpu.memory_space<vmem>>
        %dma_start3A_209 = arith.constant 0 : i32
        %dma_start3A_210 = tpu.memref_slice %arg7[%dma_start3A_203, %dma_start3A_209] : memref<2x128xi32, #tpu.memory_space<vmem>> -> memref<1x128xi32, #tpu.memory_space<vmem>>
        %dma_start3A_211 = tpu.memref_squeeze %dma_start3A_210 : memref<1x128xi32, #tpu.memory_space<vmem>> -> memref<128xi32, #tpu.memory_space<vmem>>
        %dma_start3A_212 = arith.constant 0 : i32
        %dma_start3A_213 = arith.constant 0 : i32
        %dma_start3A_214 = tpu.memref_slice %arg10[%dma_start3A_212, %dma_start3A_213] : memref<4000x128xf32, #tpu.memory_space<vmem_shared>> -> memref<4000x128xf32, #tpu.memory_space<vmem_shared>>
        tpu.enqueue_indirect_dma source(%dma_start3A_214 : memref<4000x128xf32, #tpu.memory_space<vmem_shared>>) target(%dma_start3A_208 : memref<128x128xf32, #tpu.memory_space<vmem>>) offsets(%dma_start3A_211 : memref<128xi32, #tpu.memory_space<vmem>>) semaphore(%arg15 : memref<!tpu.dma_semaphore, #tpu.memory_space<semaphore_mem>>)
      } else {
      }
    }
    %scan3A_117 = arith.constant 20 : i32
    %barrier3A_118 = arith.constant 0 : index
    tpu.barrier barrier_id(%barrier3A_118)
    %mul3A_119 = arith.constant 4096 : i32
    %mul3A_120 = arith.muli %arg0, %mul3A_119 : i32
    %add3A_121 = arith.addi %mul3A_120, %mul3A_0 : i32
    "tpu.region"() ({
      %run_scoped3A = tpu.sem_alloc : memref<!tpu.dma_semaphore, #tpu.memory_space<semaphore_mem>>
      %dma_start3A_122 = arith.constant 0 : i32
      %dma_start3A_123 = tpu.memref_slice %arg6[%add3A_121, %dma_start3A_122] : memref<8192x128xf32, #tpu.memory_space<hbm>> -> memref<256x128xf32, #tpu.memory_space<hbm>>
      %dma_start3A_124 = arith.constant 0 : i32
      %dma_start3A_125 = tpu.memref_slice %arg11[%mul3A_0, %dma_start3A_124] : memref<4096x128xf32, #tpu.memory_space<vmem_shared>> -> memref<256x128xf32, #tpu.memory_space<vmem_shared>>
      tpu.enqueue_dma source(%dma_start3A_125 : memref<256x128xf32, #tpu.memory_space<vmem_shared>>) target(%dma_start3A_123 : memref<256x128xf32, #tpu.memory_space<hbm>>) target_semaphore(%run_scoped3A : memref<!tpu.dma_semaphore, #tpu.memory_space<semaphore_mem>>)
      %dma_wait3A_126 = arith.constant 0 : i32
      %dma_wait3A_127 = tpu.memref_slice %arg6[%add3A_121, %dma_wait3A_126] : memref<8192x128xf32, #tpu.memory_space<hbm>> -> memref<256x128xf32, #tpu.memory_space<hbm>>
      %dma_wait3A_128 = arith.constant 0 : i32
      %dma_wait3A_129 = tpu.memref_slice %arg11[%mul3A_0, %dma_wait3A_128] : memref<4096x128xf32, #tpu.memory_space<vmem_shared>> -> memref<256x128xf32, #tpu.memory_space<vmem_shared>>
      tpu.wait_dma2 semaphore(%run_scoped3A : memref<!tpu.dma_semaphore, #tpu.memory_space<semaphore_mem>>) src(%dma_wait3A_129 : memref<256x128xf32, #tpu.memory_space<vmem_shared>>) dst(%dma_wait3A_127 : memref<256x128xf32, #tpu.memory_space<hbm>>)
      tpu.yield
    }) : () -> ()
    return
  }
}

#map = affine_map<(d0, d1) -> (0)>
#map1 = affine_map<(d0, d1) -> (0, 0)>
module attributes {stable_mosaic.version = 14 : i64} {
  func.func @k(%arg0: i32, %arg1: i32, %arg2: memref<163840xi32, #tpu.memory_space<hbm>>, %arg3: memref<32768xi32, #tpu.memory_space<hbm>>, %arg4: memref<4096x128xf32, #tpu.memory_space<hbm>>, %arg5: memref<128x128xf32, #tpu.memory_space<hbm>>, %arg6: memref<8192x128xf32, #tpu.memory_space<hbm>>, %arg7: memref<2048x128xf32, #tpu.memory_space<hbm>>, %arg8: memref<4x128xi32, #tpu.memory_space<vmem>>, %arg9: memref<128x128xf32, #tpu.memory_space<vmem>>, %arg10: memref<4096x128xf32, #tpu.memory_space<vmem_shared>>, %arg11: memref<1024x128xf32, #tpu.memory_space<vmem_shared>>, %arg12: memref<!tpu.dma_semaphore, #tpu.memory_space<semaphore_mem>>, %arg13: memref<!tpu.dma_semaphore, #tpu.memory_space<semaphore_mem>>, %arg14: memref<!tpu.dma_semaphore, #tpu.memory_space<semaphore_mem>>, %arg15: memref<!tpu.dma_semaphore, #tpu.memory_space<semaphore_mem>>, %arg16: memref<!tpu.dma_semaphore, #tpu.memory_space<semaphore_mem>>, %arg17: memref<!tpu.dma_semaphore, #tpu.memory_space<semaphore_mem>>, %arg18: memref<!tpu.dma_semaphore, #tpu.memory_space<semaphore_mem>>, %arg19: memref<!tpu.dma_semaphore, #tpu.memory_space<semaphore_mem>>) attributes {dimension_semantics = [#tpu.dimension_semantics<core_parallel>, #tpu.dimension_semantics<subcore_parallel>], iteration_bounds = array<i64: 2, 16>, scalar_prefetch = 0 : i64, scratch_operands = 12 : i64, tpu.core_type = #tpu.core_type<sc_vector_subcore>, window_params = [{transform_indices = #map}, {transform_indices = #map}, {transform_indices = #map1}, {transform_indices = #map1}, {transform_indices = #map1}, {transform_indices = #map1}]} {
    %mul3A = arith.constant 16 : i32
    %mul3A_0 = arith.muli %arg0, %mul3A : i32
    %add3A = arith.addi %mul3A_0, %arg1 : i32
    %mul3A_1 = arith.constant 256 : i32
    %mul3A_2 = arith.muli %arg1, %mul3A_1 : i32
    %mul3A_3 = arith.constant 256 : i32
    %mul3A_4 = arith.muli %arg1, %mul3A_3 : i32
    "tpu.region"() ({
      %run_scoped3A = tpu.sem_alloc : memref<!tpu.dma_semaphore, #tpu.memory_space<semaphore_mem>>
      %dma_start3A_197 = arith.constant 0 : i32
      %dma_start3A_198 = tpu.memref_slice %arg10[%mul3A_4, %dma_start3A_197] : memref<4096x128xf32, #tpu.memory_space<vmem_shared>> -> memref<256x128xf32, #tpu.memory_space<vmem_shared>>
      %dma_start3A_199 = arith.constant 0 : i32
      %dma_start3A_200 = tpu.memref_slice %arg4[%mul3A_2, %dma_start3A_199] : memref<4096x128xf32, #tpu.memory_space<hbm>> -> memref<256x128xf32, #tpu.memory_space<hbm>>
      tpu.enqueue_dma source(%dma_start3A_200 : memref<256x128xf32, #tpu.memory_space<hbm>>) target(%dma_start3A_198 : memref<256x128xf32, #tpu.memory_space<vmem_shared>>) target_semaphore(%run_scoped3A : memref<!tpu.dma_semaphore, #tpu.memory_space<semaphore_mem>>)
      %dma_wait3A_201 = arith.constant 0 : i32
      %dma_wait3A_202 = tpu.memref_slice %arg10[%mul3A_4, %dma_wait3A_201] : memref<4096x128xf32, #tpu.memory_space<vmem_shared>> -> memref<256x128xf32, #tpu.memory_space<vmem_shared>>
      %dma_wait3A_203 = arith.constant 0 : i32
      %dma_wait3A_204 = tpu.memref_slice %arg4[%mul3A_2, %dma_wait3A_203] : memref<4096x128xf32, #tpu.memory_space<hbm>> -> memref<256x128xf32, #tpu.memory_space<hbm>>
      tpu.wait_dma2 semaphore(%run_scoped3A : memref<!tpu.dma_semaphore, #tpu.memory_space<semaphore_mem>>) src(%dma_wait3A_204 : memref<256x128xf32, #tpu.memory_space<hbm>>) dst(%dma_wait3A_202 : memref<256x128xf32, #tpu.memory_space<vmem_shared>>)
      tpu.yield
    }) : () -> ()
    %mul3A_5 = arith.constant 64 : i32
    %mul3A_6 = arith.muli %arg1, %mul3A_5 : i32
    %mul3A_7 = arith.constant 64 : i32
    %mul3A_8 = arith.muli %arg1, %mul3A_7 : i32
    "tpu.region"() ({
      %run_scoped3A = tpu.sem_alloc : memref<!tpu.dma_semaphore, #tpu.memory_space<semaphore_mem>>
      %dma_start3A_197 = arith.constant 0 : i32
      %dma_start3A_198 = tpu.memref_slice %arg11[%mul3A_8, %dma_start3A_197] : memref<1024x128xf32, #tpu.memory_space<vmem_shared>> -> memref<64x128xf32, #tpu.memory_space<vmem_shared>>
      %dma_start3A_199 = arith.constant 0 : i32
      %dma_start3A_200 = tpu.memref_slice %arg4[%mul3A_6, %dma_start3A_199] : memref<4096x128xf32, #tpu.memory_space<hbm>> -> memref<64x128xf32, #tpu.memory_space<hbm>>
      tpu.enqueue_dma source(%dma_start3A_200 : memref<64x128xf32, #tpu.memory_space<hbm>>) target(%dma_start3A_198 : memref<64x128xf32, #tpu.memory_space<vmem_shared>>) target_semaphore(%run_scoped3A : memref<!tpu.dma_semaphore, #tpu.memory_space<semaphore_mem>>)
      %dma_wait3A_201 = arith.constant 0 : i32
      %dma_wait3A_202 = tpu.memref_slice %arg11[%mul3A_8, %dma_wait3A_201] : memref<1024x128xf32, #tpu.memory_space<vmem_shared>> -> memref<64x128xf32, #tpu.memory_space<vmem_shared>>
      %dma_wait3A_203 = arith.constant 0 : i32
      %dma_wait3A_204 = tpu.memref_slice %arg4[%mul3A_6, %dma_wait3A_203] : memref<4096x128xf32, #tpu.memory_space<hbm>> -> memref<64x128xf32, #tpu.memory_space<hbm>>
      tpu.wait_dma2 semaphore(%run_scoped3A : memref<!tpu.dma_semaphore, #tpu.memory_space<semaphore_mem>>) src(%dma_wait3A_204 : memref<64x128xf32, #tpu.memory_space<hbm>>) dst(%dma_wait3A_202 : memref<64x128xf32, #tpu.memory_space<vmem_shared>>)
      tpu.yield
    }) : () -> ()
    "tpu.region"() ({
      %run_scoped3A = tpu.sem_alloc : memref<!tpu.dma_semaphore, #tpu.memory_space<semaphore_mem>>
      tpu.enqueue_dma source(%arg5 : memref<128x128xf32, #tpu.memory_space<hbm>>) target(%arg9 : memref<128x128xf32, #tpu.memory_space<vmem>>) target_semaphore(%run_scoped3A : memref<!tpu.dma_semaphore, #tpu.memory_space<semaphore_mem>>)
      tpu.wait_dma2 semaphore(%run_scoped3A : memref<!tpu.dma_semaphore, #tpu.memory_space<semaphore_mem>>) src(%arg5 : memref<128x128xf32, #tpu.memory_space<hbm>>) dst(%arg9 : memref<128x128xf32, #tpu.memory_space<vmem>>)
      tpu.yield
    }) : () -> ()
    %barrier3A = arith.constant 0 : index
    tpu.barrier barrier_id(%barrier3A)
    %mul3A_9 = arith.constant 40 : i32
    %mul3A_10 = arith.muli %add3A, %mul3A_9 : i32
    %add3A_11 = arith.constant 0 : i32
    %add3A_12 = arith.addi %mul3A_10, %add3A_11 : i32
    %mul3A_13 = arith.constant 128 : i32
    %mul3A_14 = arith.muli %add3A_12, %mul3A_13 : i32
    %dma_start3A = arith.constant 0 : i32
    %dma_start3A_15 = arith.constant 0 : i32
    %dma_start3A_16 = tpu.memref_slice %arg8[%dma_start3A, %dma_start3A_15] : memref<4x128xi32, #tpu.memory_space<vmem>> -> memref<1x128xi32, #tpu.memory_space<vmem>>
    %dma_start3A_17 = tpu.memref_squeeze %dma_start3A_16 : memref<1x128xi32, #tpu.memory_space<vmem>> -> memref<128xi32, #tpu.memory_space<vmem>>
    %dma_start3A_18 = tpu.memref_slice %arg2[%mul3A_14] : memref<163840xi32, #tpu.memory_space<hbm>> -> memref<128xi32, #tpu.memory_space<hbm>>
    %dma_start3A_19 = arith.constant 0 : i32
    %dma_start3A_20 = tpu.memref_slice %arg8[%dma_start3A, %dma_start3A_19] : memref<4x128xi32, #tpu.memory_space<vmem>> -> memref<1x128xi32, #tpu.memory_space<vmem>>
    %dma_start3A_21 = tpu.memref_squeeze %dma_start3A_20 : memref<1x128xi32, #tpu.memory_space<vmem>> -> memref<128xi32, #tpu.memory_space<vmem>>
    %dma_start3A_22 = tpu.memref_slice %arg2[%mul3A_14] : memref<163840xi32, #tpu.memory_space<hbm>> -> memref<128xi32, #tpu.memory_space<hbm>>
    tpu.enqueue_dma source(%dma_start3A_22 : memref<128xi32, #tpu.memory_space<hbm>>) target(%dma_start3A_21 : memref<128xi32, #tpu.memory_space<vmem>>) target_semaphore(%arg12 : memref<!tpu.dma_semaphore, #tpu.memory_space<semaphore_mem>>)
    %add3A_23 = arith.constant 1 : i32
    %add3A_24 = arith.addi %mul3A_10, %add3A_23 : i32
    %mul3A_25 = arith.constant 128 : i32
    %mul3A_26 = arith.muli %add3A_24, %mul3A_25 : i32
    %dma_start3A_27 = arith.constant 1 : i32
    %dma_start3A_28 = arith.constant 0 : i32
    %dma_start3A_29 = tpu.memref_slice %arg8[%dma_start3A_27, %dma_start3A_28] : memref<4x128xi32, #tpu.memory_space<vmem>> -> memref<1x128xi32, #tpu.memory_space<vmem>>
    %dma_start3A_30 = tpu.memref_squeeze %dma_start3A_29 : memref<1x128xi32, #tpu.memory_space<vmem>> -> memref<128xi32, #tpu.memory_space<vmem>>
    %dma_start3A_31 = tpu.memref_slice %arg2[%mul3A_26] : memref<163840xi32, #tpu.memory_space<hbm>> -> memref<128xi32, #tpu.memory_space<hbm>>
    %dma_start3A_32 = arith.constant 0 : i32
    %dma_start3A_33 = tpu.memref_slice %arg8[%dma_start3A_27, %dma_start3A_32] : memref<4x128xi32, #tpu.memory_space<vmem>> -> memref<1x128xi32, #tpu.memory_space<vmem>>
    %dma_start3A_34 = tpu.memref_squeeze %dma_start3A_33 : memref<1x128xi32, #tpu.memory_space<vmem>> -> memref<128xi32, #tpu.memory_space<vmem>>
    %dma_start3A_35 = tpu.memref_slice %arg2[%mul3A_26] : memref<163840xi32, #tpu.memory_space<hbm>> -> memref<128xi32, #tpu.memory_space<hbm>>
    tpu.enqueue_dma source(%dma_start3A_35 : memref<128xi32, #tpu.memory_space<hbm>>) target(%dma_start3A_34 : memref<128xi32, #tpu.memory_space<vmem>>) target_semaphore(%arg13 : memref<!tpu.dma_semaphore, #tpu.memory_space<semaphore_mem>>)
    %add3A_36 = arith.constant 2 : i32
    %add3A_37 = arith.addi %mul3A_10, %add3A_36 : i32
    %mul3A_38 = arith.constant 128 : i32
    %mul3A_39 = arith.muli %add3A_37, %mul3A_38 : i32
    %dma_start3A_40 = arith.constant 2 : i32
    %dma_start3A_41 = arith.constant 0 : i32
    %dma_start3A_42 = tpu.memref_slice %arg8[%dma_start3A_40, %dma_start3A_41] : memref<4x128xi32, #tpu.memory_space<vmem>> -> memref<1x128xi32, #tpu.memory_space<vmem>>
    %dma_start3A_43 = tpu.memref_squeeze %dma_start3A_42 : memref<1x128xi32, #tpu.memory_space<vmem>> -> memref<128xi32, #tpu.memory_space<vmem>>
    %dma_start3A_44 = tpu.memref_slice %arg2[%mul3A_39] : memref<163840xi32, #tpu.memory_space<hbm>> -> memref<128xi32, #tpu.memory_space<hbm>>
    %dma_start3A_45 = arith.constant 0 : i32
    %dma_start3A_46 = tpu.memref_slice %arg8[%dma_start3A_40, %dma_start3A_45] : memref<4x128xi32, #tpu.memory_space<vmem>> -> memref<1x128xi32, #tpu.memory_space<vmem>>
    %dma_start3A_47 = tpu.memref_squeeze %dma_start3A_46 : memref<1x128xi32, #tpu.memory_space<vmem>> -> memref<128xi32, #tpu.memory_space<vmem>>
    %dma_start3A_48 = tpu.memref_slice %arg2[%mul3A_39] : memref<163840xi32, #tpu.memory_space<hbm>> -> memref<128xi32, #tpu.memory_space<hbm>>
    tpu.enqueue_dma source(%dma_start3A_48 : memref<128xi32, #tpu.memory_space<hbm>>) target(%dma_start3A_47 : memref<128xi32, #tpu.memory_space<vmem>>) target_semaphore(%arg14 : memref<!tpu.dma_semaphore, #tpu.memory_space<semaphore_mem>>)
    %add3A_49 = arith.constant 3 : i32
    %add3A_50 = arith.addi %mul3A_10, %add3A_49 : i32
    %mul3A_51 = arith.constant 128 : i32
    %mul3A_52 = arith.muli %add3A_50, %mul3A_51 : i32
    %dma_start3A_53 = arith.constant 3 : i32
    %dma_start3A_54 = arith.constant 0 : i32
    %dma_start3A_55 = tpu.memref_slice %arg8[%dma_start3A_53, %dma_start3A_54] : memref<4x128xi32, #tpu.memory_space<vmem>> -> memref<1x128xi32, #tpu.memory_space<vmem>>
    %dma_start3A_56 = tpu.memref_squeeze %dma_start3A_55 : memref<1x128xi32, #tpu.memory_space<vmem>> -> memref<128xi32, #tpu.memory_space<vmem>>
    %dma_start3A_57 = tpu.memref_slice %arg2[%mul3A_52] : memref<163840xi32, #tpu.memory_space<hbm>> -> memref<128xi32, #tpu.memory_space<hbm>>
    %dma_start3A_58 = arith.constant 0 : i32
    %dma_start3A_59 = tpu.memref_slice %arg8[%dma_start3A_53, %dma_start3A_58] : memref<4x128xi32, #tpu.memory_space<vmem>> -> memref<1x128xi32, #tpu.memory_space<vmem>>
    %dma_start3A_60 = tpu.memref_squeeze %dma_start3A_59 : memref<1x128xi32, #tpu.memory_space<vmem>> -> memref<128xi32, #tpu.memory_space<vmem>>
    %dma_start3A_61 = tpu.memref_slice %arg2[%mul3A_52] : memref<163840xi32, #tpu.memory_space<hbm>> -> memref<128xi32, #tpu.memory_space<hbm>>
    tpu.enqueue_dma source(%dma_start3A_61 : memref<128xi32, #tpu.memory_space<hbm>>) target(%dma_start3A_60 : memref<128xi32, #tpu.memory_space<vmem>>) target_semaphore(%arg15 : memref<!tpu.dma_semaphore, #tpu.memory_space<semaphore_mem>>)
    %scan3A = arith.constant 0 : i32
    %scan3A_62 = arith.constant 0 : i32
    %scan3A_63 = arith.constant 10 : i32
    %scan3A_64 = arith.addi %scan3A_62, %scan3A_63 : i32
    %scan3A_65 = arith.constant 1 : i32
    scf.for %scan3A_197 = %scan3A_62 to %scan3A_64 step %scan3A_65  : i32 {
      %dma_wait3A_198 = arith.constant 0 : i32
      %dma_wait3A_199 = arith.constant 0 : i32
      %dma_wait3A_200 = tpu.memref_slice %arg8[%dma_wait3A_198, %dma_wait3A_199] : memref<4x128xi32, #tpu.memory_space<vmem>> -> memref<1x128xi32, #tpu.memory_space<vmem>>
      %dma_wait3A_201 = tpu.memref_squeeze %dma_wait3A_200 : memref<1x128xi32, #tpu.memory_space<vmem>> -> memref<128xi32, #tpu.memory_space<vmem>>
      %dma_wait3A_202 = arith.constant 0 : i32
      %dma_wait3A_203 = tpu.memref_slice %arg2[%dma_wait3A_202] : memref<163840xi32, #tpu.memory_space<hbm>> -> memref<128xi32, #tpu.memory_space<hbm>>
      %dma_wait3A_204 = arith.constant 0 : i32
      %dma_wait3A_205 = tpu.memref_slice %arg8[%dma_wait3A_198, %dma_wait3A_204] : memref<4x128xi32, #tpu.memory_space<vmem>> -> memref<1x128xi32, #tpu.memory_space<vmem>>
      %dma_wait3A_206 = tpu.memref_squeeze %dma_wait3A_205 : memref<1x128xi32, #tpu.memory_space<vmem>> -> memref<128xi32, #tpu.memory_space<vmem>>
      %dma_wait3A_207 = arith.constant 0 : i32
      %dma_wait3A_208 = tpu.memref_slice %arg2[%dma_wait3A_207] : memref<163840xi32, #tpu.memory_space<hbm>> -> memref<128xi32, #tpu.memory_space<hbm>>
      tpu.wait_dma2 semaphore(%arg12 : memref<!tpu.dma_semaphore, #tpu.memory_space<semaphore_mem>>) src(%dma_wait3A_208 : memref<128xi32, #tpu.memory_space<hbm>>) dst(%dma_wait3A_206 : memref<128xi32, #tpu.memory_space<vmem>>)
      %dma_start3A_209 = arith.constant 0 : i32
      %dma_start3A_210 = arith.constant 0 : i32
      %dma_start3A_211 = tpu.memref_slice %arg8[%dma_start3A_209, %dma_start3A_210] : memref<4x128xi32, #tpu.memory_space<vmem>> -> memref<1x128xi32, #tpu.memory_space<vmem>>
      %dma_start3A_212 = tpu.memref_squeeze %dma_start3A_211 : memref<1x128xi32, #tpu.memory_space<vmem>> -> memref<128xi32, #tpu.memory_space<vmem>>
      %dma_start3A_213 = arith.constant 0 : i32
      %dma_start3A_214 = arith.constant 0 : i32
      %dma_start3A_215 = tpu.memref_slice %arg10[%dma_start3A_213, %dma_start3A_214] : memref<4096x128xf32, #tpu.memory_space<vmem_shared>> -> memref<4096x128xf32, #tpu.memory_space<vmem_shared>>
      tpu.enqueue_indirect_dma source(%arg9 : memref<128x128xf32, #tpu.memory_space<vmem>>) target(%dma_start3A_215 : memref<4096x128xf32, #tpu.memory_space<vmem_shared>>) offsets(%dma_start3A_212 : memref<128xi32, #tpu.memory_space<vmem>>) semaphore(%arg16 : memref<!tpu.dma_semaphore, #tpu.memory_space<semaphore_mem>>) {add = true}
      %dma_wait3A_216 = arith.constant 1 : i32
      %dma_wait3A_217 = arith.constant 0 : i32
      %dma_wait3A_218 = tpu.memref_slice %arg8[%dma_wait3A_216, %dma_wait3A_217] : memref<4x128xi32, #tpu.memory_space<vmem>> -> memref<1x128xi32, #tpu.memory_space<vmem>>
      %dma_wait3A_219 = tpu.memref_squeeze %dma_wait3A_218 : memref<1x128xi32, #tpu.memory_space<vmem>> -> memref<128xi32, #tpu.memory_space<vmem>>
      %dma_wait3A_220 = arith.constant 0 : i32
      %dma_wait3A_221 = tpu.memref_slice %arg2[%dma_wait3A_220] : memref<163840xi32, #tpu.memory_space<hbm>> -> memref<128xi32, #tpu.memory_space<hbm>>
      %dma_wait3A_222 = arith.constant 0 : i32
      %dma_wait3A_223 = tpu.memref_slice %arg8[%dma_wait3A_216, %dma_wait3A_222] : memref<4x128xi32, #tpu.memory_space<vmem>> -> memref<1x128xi32, #tpu.memory_space<vmem>>
      %dma_wait3A_224 = tpu.memref_squeeze %dma_wait3A_223 : memref<1x128xi32, #tpu.memory_space<vmem>> -> memref<128xi32, #tpu.memory_space<vmem>>
      %dma_wait3A_225 = arith.constant 0 : i32
      %dma_wait3A_226 = tpu.memref_slice %arg2[%dma_wait3A_225] : memref<163840xi32, #tpu.memory_space<hbm>> -> memref<128xi32, #tpu.memory_space<hbm>>
      tpu.wait_dma2 semaphore(%arg13 : memref<!tpu.dma_semaphore, #tpu.memory_space<semaphore_mem>>) src(%dma_wait3A_226 : memref<128xi32, #tpu.memory_space<hbm>>) dst(%dma_wait3A_224 : memref<128xi32, #tpu.memory_space<vmem>>)
      %dma_start3A_227 = arith.constant 1 : i32
      %dma_start3A_228 = arith.constant 0 : i32
      %dma_start3A_229 = tpu.memref_slice %arg8[%dma_start3A_227, %dma_start3A_228] : memref<4x128xi32, #tpu.memory_space<vmem>> -> memref<1x128xi32, #tpu.memory_space<vmem>>
      %dma_start3A_230 = tpu.memref_squeeze %dma_start3A_229 : memref<1x128xi32, #tpu.memory_space<vmem>> -> memref<128xi32, #tpu.memory_space<vmem>>
      %dma_start3A_231 = arith.constant 0 : i32
      %dma_start3A_232 = arith.constant 0 : i32
      %dma_start3A_233 = tpu.memref_slice %arg10[%dma_start3A_231, %dma_start3A_232] : memref<4096x128xf32, #tpu.memory_space<vmem_shared>> -> memref<4096x128xf32, #tpu.memory_space<vmem_shared>>
      tpu.enqueue_indirect_dma source(%arg9 : memref<128x128xf32, #tpu.memory_space<vmem>>) target(%dma_start3A_233 : memref<4096x128xf32, #tpu.memory_space<vmem_shared>>) offsets(%dma_start3A_230 : memref<128xi32, #tpu.memory_space<vmem>>) semaphore(%arg17 : memref<!tpu.dma_semaphore, #tpu.memory_space<semaphore_mem>>) {add = true}
      %dma_wait3A_234 = arith.constant 2 : i32
      %dma_wait3A_235 = arith.constant 0 : i32
      %dma_wait3A_236 = tpu.memref_slice %arg8[%dma_wait3A_234, %dma_wait3A_235] : memref<4x128xi32, #tpu.memory_space<vmem>> -> memref<1x128xi32, #tpu.memory_space<vmem>>
      %dma_wait3A_237 = tpu.memref_squeeze %dma_wait3A_236 : memref<1x128xi32, #tpu.memory_space<vmem>> -> memref<128xi32, #tpu.memory_space<vmem>>
      %dma_wait3A_238 = arith.constant 0 : i32
      %dma_wait3A_239 = tpu.memref_slice %arg2[%dma_wait3A_238] : memref<163840xi32, #tpu.memory_space<hbm>> -> memref<128xi32, #tpu.memory_space<hbm>>
      %dma_wait3A_240 = arith.constant 0 : i32
      %dma_wait3A_241 = tpu.memref_slice %arg8[%dma_wait3A_234, %dma_wait3A_240] : memref<4x128xi32, #tpu.memory_space<vmem>> -> memref<1x128xi32, #tpu.memory_space<vmem>>
      %dma_wait3A_242 = tpu.memref_squeeze %dma_wait3A_241 : memref<1x128xi32, #tpu.memory_space<vmem>> -> memref<128xi32, #tpu.memory_space<vmem>>
      %dma_wait3A_243 = arith.constant 0 : i32
      %dma_wait3A_244 = tpu.memref_slice %arg2[%dma_wait3A_243] : memref<163840xi32, #tpu.memory_space<hbm>> -> memref<128xi32, #tpu.memory_space<hbm>>
      tpu.wait_dma2 semaphore(%arg14 : memref<!tpu.dma_semaphore, #tpu.memory_space<semaphore_mem>>) src(%dma_wait3A_244 : memref<128xi32, #tpu.memory_space<hbm>>) dst(%dma_wait3A_242 : memref<128xi32, #tpu.memory_space<vmem>>)
      %dma_start3A_245 = arith.constant 2 : i32
      %dma_start3A_246 = arith.constant 0 : i32
      %dma_start3A_247 = tpu.memref_slice %arg8[%dma_start3A_245, %dma_start3A_246] : memref<4x128xi32, #tpu.memory_space<vmem>> -> memref<1x128xi32, #tpu.memory_space<vmem>>
      %dma_start3A_248 = tpu.memref_squeeze %dma_start3A_247 : memref<1x128xi32, #tpu.memory_space<vmem>> -> memref<128xi32, #tpu.memory_space<vmem>>
      %dma_start3A_249 = arith.constant 0 : i32
      %dma_start3A_250 = arith.constant 0 : i32
      %dma_start3A_251 = tpu.memref_slice %arg10[%dma_start3A_249, %dma_start3A_250] : memref<4096x128xf32, #tpu.memory_space<vmem_shared>> -> memref<4096x128xf32, #tpu.memory_space<vmem_shared>>
      tpu.enqueue_indirect_dma source(%arg9 : memref<128x128xf32, #tpu.memory_space<vmem>>) target(%dma_start3A_251 : memref<4096x128xf32, #tpu.memory_space<vmem_shared>>) offsets(%dma_start3A_248 : memref<128xi32, #tpu.memory_space<vmem>>) semaphore(%arg18 : memref<!tpu.dma_semaphore, #tpu.memory_space<semaphore_mem>>) {add = true}
      %dma_wait3A_252 = arith.constant 3 : i32
      %dma_wait3A_253 = arith.constant 0 : i32
      %dma_wait3A_254 = tpu.memref_slice %arg8[%dma_wait3A_252, %dma_wait3A_253] : memref<4x128xi32, #tpu.memory_space<vmem>> -> memref<1x128xi32, #tpu.memory_space<vmem>>
      %dma_wait3A_255 = tpu.memref_squeeze %dma_wait3A_254 : memref<1x128xi32, #tpu.memory_space<vmem>> -> memref<128xi32, #tpu.memory_space<vmem>>
      %dma_wait3A_256 = arith.constant 0 : i32
      %dma_wait3A_257 = tpu.memref_slice %arg2[%dma_wait3A_256] : memref<163840xi32, #tpu.memory_space<hbm>> -> memref<128xi32, #tpu.memory_space<hbm>>
      %dma_wait3A_258 = arith.constant 0 : i32
      %dma_wait3A_259 = tpu.memref_slice %arg8[%dma_wait3A_252, %dma_wait3A_258] : memref<4x128xi32, #tpu.memory_space<vmem>> -> memref<1x128xi32, #tpu.memory_space<vmem>>
      %dma_wait3A_260 = tpu.memref_squeeze %dma_wait3A_259 : memref<1x128xi32, #tpu.memory_space<vmem>> -> memref<128xi32, #tpu.memory_space<vmem>>
      %dma_wait3A_261 = arith.constant 0 : i32
      %dma_wait3A_262 = tpu.memref_slice %arg2[%dma_wait3A_261] : memref<163840xi32, #tpu.memory_space<hbm>> -> memref<128xi32, #tpu.memory_space<hbm>>
      tpu.wait_dma2 semaphore(%arg15 : memref<!tpu.dma_semaphore, #tpu.memory_space<semaphore_mem>>) src(%dma_wait3A_262 : memref<128xi32, #tpu.memory_space<hbm>>) dst(%dma_wait3A_260 : memref<128xi32, #tpu.memory_space<vmem>>)
      %dma_start3A_263 = arith.constant 3 : i32
      %dma_start3A_264 = arith.constant 0 : i32
      %dma_start3A_265 = tpu.memref_slice %arg8[%dma_start3A_263, %dma_start3A_264] : memref<4x128xi32, #tpu.memory_space<vmem>> -> memref<1x128xi32, #tpu.memory_space<vmem>>
      %dma_start3A_266 = tpu.memref_squeeze %dma_start3A_265 : memref<1x128xi32, #tpu.memory_space<vmem>> -> memref<128xi32, #tpu.memory_space<vmem>>
      %dma_start3A_267 = arith.constant 0 : i32
      %dma_start3A_268 = arith.constant 0 : i32
      %dma_start3A_269 = tpu.memref_slice %arg10[%dma_start3A_267, %dma_start3A_268] : memref<4096x128xf32, #tpu.memory_space<vmem_shared>> -> memref<4096x128xf32, #tpu.memory_space<vmem_shared>>
      tpu.enqueue_indirect_dma source(%arg9 : memref<128x128xf32, #tpu.memory_space<vmem>>) target(%dma_start3A_269 : memref<4096x128xf32, #tpu.memory_space<vmem_shared>>) offsets(%dma_start3A_266 : memref<128xi32, #tpu.memory_space<vmem>>) semaphore(%arg19 : memref<!tpu.dma_semaphore, #tpu.memory_space<semaphore_mem>>) {add = true}
      %lt3A = arith.constant 9 : i32
      %lt3A_270 = arith.cmpi slt, %scan3A_197, %lt3A : i32
      %convert_element_type3A = arith.extui %lt3A_270 : i1 to i32
      %cond3A = arith.constant 0 : i32
      %cond3A_271 = arith.cmpi ne, %convert_element_type3A, %cond3A : i32
      scf.if %cond3A_271 {
        %dma_wait3A_272 = arith.constant 0 : i32
        %dma_wait3A_273 = arith.constant 0 : i32
        %dma_wait3A_274 = tpu.memref_slice %arg8[%dma_wait3A_272, %dma_wait3A_273] : memref<4x128xi32, #tpu.memory_space<vmem>> -> memref<1x128xi32, #tpu.memory_space<vmem>>
        %dma_wait3A_275 = tpu.memref_squeeze %dma_wait3A_274 : memref<1x128xi32, #tpu.memory_space<vmem>> -> memref<128xi32, #tpu.memory_space<vmem>>
        %dma_wait3A_276 = arith.constant 0 : i32
        %dma_wait3A_277 = arith.constant 0 : i32
        %dma_wait3A_278 = tpu.memref_slice %arg10[%dma_wait3A_276, %dma_wait3A_277] : memref<4096x128xf32, #tpu.memory_space<vmem_shared>> -> memref<4096x128xf32, #tpu.memory_space<vmem_shared>>
        tpu.wait_indirect_dma semaphore(%arg16 : memref<!tpu.dma_semaphore, #tpu.memory_space<semaphore_mem>>) src(%arg9 : memref<128x128xf32, #tpu.memory_space<vmem>>) dst(%dma_wait3A_278 : memref<4096x128xf32, #tpu.memory_space<vmem_shared>>)
        %mul3A_279 = arith.constant 4 : i32
        %mul3A_280 = arith.muli %mul3A_279, %scan3A_197 : i32
        %add3A_281 = arith.constant 4 : i32
        %add3A_282 = arith.addi %mul3A_280, %add3A_281 : i32
        %add3A_283 = arith.constant 0 : i32
        %add3A_284 = arith.addi %add3A_282, %add3A_283 : i32
        %add3A_285 = arith.addi %mul3A_10, %add3A_284 : i32
        %mul3A_286 = arith.constant 128 : i32
        %mul3A_287 = arith.muli %add3A_285, %mul3A_286 : i32
        %dma_start3A_288 = arith.constant 0 : i32
        %dma_start3A_289 = arith.constant 0 : i32
        %dma_start3A_290 = tpu.memref_slice %arg8[%dma_start3A_288, %dma_start3A_289] : memref<4x128xi32, #tpu.memory_space<vmem>> -> memref<1x128xi32, #tpu.memory_space<vmem>>
        %dma_start3A_291 = tpu.memref_squeeze %dma_start3A_290 : memref<1x128xi32, #tpu.memory_space<vmem>> -> memref<128xi32, #tpu.memory_space<vmem>>
        %dma_start3A_292 = tpu.memref_slice %arg2[%mul3A_287] : memref<163840xi32, #tpu.memory_space<hbm>> -> memref<128xi32, #tpu.memory_space<hbm>>
        %dma_start3A_293 = arith.constant 0 : i32
        %dma_start3A_294 = tpu.memref_slice %arg8[%dma_start3A_288, %dma_start3A_293] : memref<4x128xi32, #tpu.memory_space<vmem>> -> memref<1x128xi32, #tpu.memory_space<vmem>>
        %dma_start3A_295 = tpu.memref_squeeze %dma_start3A_294 : memref<1x128xi32, #tpu.memory_space<vmem>> -> memref<128xi32, #tpu.memory_space<vmem>>
        %dma_start3A_296 = tpu.memref_slice %arg2[%mul3A_287] : memref<163840xi32, #tpu.memory_space<hbm>> -> memref<128xi32, #tpu.memory_space<hbm>>
        tpu.enqueue_dma source(%dma_start3A_296 : memref<128xi32, #tpu.memory_space<hbm>>) target(%dma_start3A_295 : memref<128xi32, #tpu.memory_space<vmem>>) target_semaphore(%arg12 : memref<!tpu.dma_semaphore, #tpu.memory_space<semaphore_mem>>)
        %dma_wait3A_297 = arith.constant 1 : i32
        %dma_wait3A_298 = arith.constant 0 : i32
        %dma_wait3A_299 = tpu.memref_slice %arg8[%dma_wait3A_297, %dma_wait3A_298] : memref<4x128xi32, #tpu.memory_space<vmem>> -> memref<1x128xi32, #tpu.memory_space<vmem>>
        %dma_wait3A_300 = tpu.memref_squeeze %dma_wait3A_299 : memref<1x128xi32, #tpu.memory_space<vmem>> -> memref<128xi32, #tpu.memory_space<vmem>>
        %dma_wait3A_301 = arith.constant 0 : i32
        %dma_wait3A_302 = arith.constant 0 : i32
        %dma_wait3A_303 = tpu.memref_slice %arg10[%dma_wait3A_301, %dma_wait3A_302] : memref<4096x128xf32, #tpu.memory_space<vmem_shared>> -> memref<4096x128xf32, #tpu.memory_space<vmem_shared>>
        tpu.wait_indirect_dma semaphore(%arg17 : memref<!tpu.dma_semaphore, #tpu.memory_space<semaphore_mem>>) src(%arg9 : memref<128x128xf32, #tpu.memory_space<vmem>>) dst(%dma_wait3A_303 : memref<4096x128xf32, #tpu.memory_space<vmem_shared>>)
        %mul3A_304 = arith.constant 4 : i32
        %mul3A_305 = arith.muli %mul3A_304, %scan3A_197 : i32
        %add3A_306 = arith.constant 4 : i32
        %add3A_307 = arith.addi %mul3A_305, %add3A_306 : i32
        %add3A_308 = arith.constant 1 : i32
        %add3A_309 = arith.addi %add3A_307, %add3A_308 : i32
        %add3A_310 = arith.addi %mul3A_10, %add3A_309 : i32
        %mul3A_311 = arith.constant 128 : i32
        %mul3A_312 = arith.muli %add3A_310, %mul3A_311 : i32
        %dma_start3A_313 = arith.constant 1 : i32
        %dma_start3A_314 = arith.constant 0 : i32
        %dma_start3A_315 = tpu.memref_slice %arg8[%dma_start3A_313, %dma_start3A_314] : memref<4x128xi32, #tpu.memory_space<vmem>> -> memref<1x128xi32, #tpu.memory_space<vmem>>
        %dma_start3A_316 = tpu.memref_squeeze %dma_start3A_315 : memref<1x128xi32, #tpu.memory_space<vmem>> -> memref<128xi32, #tpu.memory_space<vmem>>
        %dma_start3A_317 = tpu.memref_slice %arg2[%mul3A_312] : memref<163840xi32, #tpu.memory_space<hbm>> -> memref<128xi32, #tpu.memory_space<hbm>>
        %dma_start3A_318 = arith.constant 0 : i32
        %dma_start3A_319 = tpu.memref_slice %arg8[%dma_start3A_313, %dma_start3A_318] : memref<4x128xi32, #tpu.memory_space<vmem>> -> memref<1x128xi32, #tpu.memory_space<vmem>>
        %dma_start3A_320 = tpu.memref_squeeze %dma_start3A_319 : memref<1x128xi32, #tpu.memory_space<vmem>> -> memref<128xi32, #tpu.memory_space<vmem>>
        %dma_start3A_321 = tpu.memref_slice %arg2[%mul3A_312] : memref<163840xi32, #tpu.memory_space<hbm>> -> memref<128xi32, #tpu.memory_space<hbm>>
        tpu.enqueue_dma source(%dma_start3A_321 : memref<128xi32, #tpu.memory_space<hbm>>) target(%dma_start3A_320 : memref<128xi32, #tpu.memory_space<vmem>>) target_semaphore(%arg13 : memref<!tpu.dma_semaphore, #tpu.memory_space<semaphore_mem>>)
        %dma_wait3A_322 = arith.constant 2 : i32
        %dma_wait3A_323 = arith.constant 0 : i32
        %dma_wait3A_324 = tpu.memref_slice %arg8[%dma_wait3A_322, %dma_wait3A_323] : memref<4x128xi32, #tpu.memory_space<vmem>> -> memref<1x128xi32, #tpu.memory_space<vmem>>
        %dma_wait3A_325 = tpu.memref_squeeze %dma_wait3A_324 : memref<1x128xi32, #tpu.memory_space<vmem>> -> memref<128xi32, #tpu.memory_space<vmem>>
        %dma_wait3A_326 = arith.constant 0 : i32
        %dma_wait3A_327 = arith.constant 0 : i32
        %dma_wait3A_328 = tpu.memref_slice %arg10[%dma_wait3A_326, %dma_wait3A_327] : memref<4096x128xf32, #tpu.memory_space<vmem_shared>> -> memref<4096x128xf32, #tpu.memory_space<vmem_shared>>
        tpu.wait_indirect_dma semaphore(%arg18 : memref<!tpu.dma_semaphore, #tpu.memory_space<semaphore_mem>>) src(%arg9 : memref<128x128xf32, #tpu.memory_space<vmem>>) dst(%dma_wait3A_328 : memref<4096x128xf32, #tpu.memory_space<vmem_shared>>)
        %mul3A_329 = arith.constant 4 : i32
        %mul3A_330 = arith.muli %mul3A_329, %scan3A_197 : i32
        %add3A_331 = arith.constant 4 : i32
        %add3A_332 = arith.addi %mul3A_330, %add3A_331 : i32
        %add3A_333 = arith.constant 2 : i32
        %add3A_334 = arith.addi %add3A_332, %add3A_333 : i32
        %add3A_335 = arith.addi %mul3A_10, %add3A_334 : i32
        %mul3A_336 = arith.constant 128 : i32
        %mul3A_337 = arith.muli %add3A_335, %mul3A_336 : i32
        %dma_start3A_338 = arith.constant 2 : i32
        %dma_start3A_339 = arith.constant 0 : i32
        %dma_start3A_340 = tpu.memref_slice %arg8[%dma_start3A_338, %dma_start3A_339] : memref<4x128xi32, #tpu.memory_space<vmem>> -> memref<1x128xi32, #tpu.memory_space<vmem>>
        %dma_start3A_341 = tpu.memref_squeeze %dma_start3A_340 : memref<1x128xi32, #tpu.memory_space<vmem>> -> memref<128xi32, #tpu.memory_space<vmem>>
        %dma_start3A_342 = tpu.memref_slice %arg2[%mul3A_337] : memref<163840xi32, #tpu.memory_space<hbm>> -> memref<128xi32, #tpu.memory_space<hbm>>
        %dma_start3A_343 = arith.constant 0 : i32
        %dma_start3A_344 = tpu.memref_slice %arg8[%dma_start3A_338, %dma_start3A_343] : memref<4x128xi32, #tpu.memory_space<vmem>> -> memref<1x128xi32, #tpu.memory_space<vmem>>
        %dma_start3A_345 = tpu.memref_squeeze %dma_start3A_344 : memref<1x128xi32, #tpu.memory_space<vmem>> -> memref<128xi32, #tpu.memory_space<vmem>>
        %dma_start3A_346 = tpu.memref_slice %arg2[%mul3A_337] : memref<163840xi32, #tpu.memory_space<hbm>> -> memref<128xi32, #tpu.memory_space<hbm>>
        tpu.enqueue_dma source(%dma_start3A_346 : memref<128xi32, #tpu.memory_space<hbm>>) target(%dma_start3A_345 : memref<128xi32, #tpu.memory_space<vmem>>) target_semaphore(%arg14 : memref<!tpu.dma_semaphore, #tpu.memory_space<semaphore_mem>>)
        %dma_wait3A_347 = arith.constant 3 : i32
        %dma_wait3A_348 = arith.constant 0 : i32
        %dma_wait3A_349 = tpu.memref_slice %arg8[%dma_wait3A_347, %dma_wait3A_348] : memref<4x128xi32, #tpu.memory_space<vmem>> -> memref<1x128xi32, #tpu.memory_space<vmem>>
        %dma_wait3A_350 = tpu.memref_squeeze %dma_wait3A_349 : memref<1x128xi32, #tpu.memory_space<vmem>> -> memref<128xi32, #tpu.memory_space<vmem>>
        %dma_wait3A_351 = arith.constant 0 : i32
        %dma_wait3A_352 = arith.constant 0 : i32
        %dma_wait3A_353 = tpu.memref_slice %arg10[%dma_wait3A_351, %dma_wait3A_352] : memref<4096x128xf32, #tpu.memory_space<vmem_shared>> -> memref<4096x128xf32, #tpu.memory_space<vmem_shared>>
        tpu.wait_indirect_dma semaphore(%arg19 : memref<!tpu.dma_semaphore, #tpu.memory_space<semaphore_mem>>) src(%arg9 : memref<128x128xf32, #tpu.memory_space<vmem>>) dst(%dma_wait3A_353 : memref<4096x128xf32, #tpu.memory_space<vmem_shared>>)
        %mul3A_354 = arith.constant 4 : i32
        %mul3A_355 = arith.muli %mul3A_354, %scan3A_197 : i32
        %add3A_356 = arith.constant 4 : i32
        %add3A_357 = arith.addi %mul3A_355, %add3A_356 : i32
        %add3A_358 = arith.constant 3 : i32
        %add3A_359 = arith.addi %add3A_357, %add3A_358 : i32
        %add3A_360 = arith.addi %mul3A_10, %add3A_359 : i32
        %mul3A_361 = arith.constant 128 : i32
        %mul3A_362 = arith.muli %add3A_360, %mul3A_361 : i32
        %dma_start3A_363 = arith.constant 3 : i32
        %dma_start3A_364 = arith.constant 0 : i32
        %dma_start3A_365 = tpu.memref_slice %arg8[%dma_start3A_363, %dma_start3A_364] : memref<4x128xi32, #tpu.memory_space<vmem>> -> memref<1x128xi32, #tpu.memory_space<vmem>>
        %dma_start3A_366 = tpu.memref_squeeze %dma_start3A_365 : memref<1x128xi32, #tpu.memory_space<vmem>> -> memref<128xi32, #tpu.memory_space<vmem>>
        %dma_start3A_367 = tpu.memref_slice %arg2[%mul3A_362] : memref<163840xi32, #tpu.memory_space<hbm>> -> memref<128xi32, #tpu.memory_space<hbm>>
        %dma_start3A_368 = arith.constant 0 : i32
        %dma_start3A_369 = tpu.memref_slice %arg8[%dma_start3A_363, %dma_start3A_368] : memref<4x128xi32, #tpu.memory_space<vmem>> -> memref<1x128xi32, #tpu.memory_space<vmem>>
        %dma_start3A_370 = tpu.memref_squeeze %dma_start3A_369 : memref<1x128xi32, #tpu.memory_space<vmem>> -> memref<128xi32, #tpu.memory_space<vmem>>
        %dma_start3A_371 = tpu.memref_slice %arg2[%mul3A_362] : memref<163840xi32, #tpu.memory_space<hbm>> -> memref<128xi32, #tpu.memory_space<hbm>>
        tpu.enqueue_dma source(%dma_start3A_371 : memref<128xi32, #tpu.memory_space<hbm>>) target(%dma_start3A_370 : memref<128xi32, #tpu.memory_space<vmem>>) target_semaphore(%arg15 : memref<!tpu.dma_semaphore, #tpu.memory_space<semaphore_mem>>)
      } else {
      }
    }
    %scan3A_66 = arith.constant 10 : i32
    %dma_wait3A = arith.constant 0 : i32
    %dma_wait3A_67 = arith.constant 0 : i32
    %dma_wait3A_68 = tpu.memref_slice %arg8[%dma_wait3A, %dma_wait3A_67] : memref<4x128xi32, #tpu.memory_space<vmem>> -> memref<1x128xi32, #tpu.memory_space<vmem>>
    %dma_wait3A_69 = tpu.memref_squeeze %dma_wait3A_68 : memref<1x128xi32, #tpu.memory_space<vmem>> -> memref<128xi32, #tpu.memory_space<vmem>>
    %dma_wait3A_70 = arith.constant 0 : i32
    %dma_wait3A_71 = arith.constant 0 : i32
    %dma_wait3A_72 = tpu.memref_slice %arg10[%dma_wait3A_70, %dma_wait3A_71] : memref<4096x128xf32, #tpu.memory_space<vmem_shared>> -> memref<4096x128xf32, #tpu.memory_space<vmem_shared>>
    tpu.wait_indirect_dma semaphore(%arg16 : memref<!tpu.dma_semaphore, #tpu.memory_space<semaphore_mem>>) src(%arg9 : memref<128x128xf32, #tpu.memory_space<vmem>>) dst(%dma_wait3A_72 : memref<4096x128xf32, #tpu.memory_space<vmem_shared>>)
    %dma_wait3A_73 = arith.constant 1 : i32
    %dma_wait3A_74 = arith.constant 0 : i32
    %dma_wait3A_75 = tpu.memref_slice %arg8[%dma_wait3A_73, %dma_wait3A_74] : memref<4x128xi32, #tpu.memory_space<vmem>> -> memref<1x128xi32, #tpu.memory_space<vmem>>
    %dma_wait3A_76 = tpu.memref_squeeze %dma_wait3A_75 : memref<1x128xi32, #tpu.memory_space<vmem>> -> memref<128xi32, #tpu.memory_space<vmem>>
    %dma_wait3A_77 = arith.constant 0 : i32
    %dma_wait3A_78 = arith.constant 0 : i32
    %dma_wait3A_79 = tpu.memref_slice %arg10[%dma_wait3A_77, %dma_wait3A_78] : memref<4096x128xf32, #tpu.memory_space<vmem_shared>> -> memref<4096x128xf32, #tpu.memory_space<vmem_shared>>
    tpu.wait_indirect_dma semaphore(%arg17 : memref<!tpu.dma_semaphore, #tpu.memory_space<semaphore_mem>>) src(%arg9 : memref<128x128xf32, #tpu.memory_space<vmem>>) dst(%dma_wait3A_79 : memref<4096x128xf32, #tpu.memory_space<vmem_shared>>)
    %dma_wait3A_80 = arith.constant 2 : i32
    %dma_wait3A_81 = arith.constant 0 : i32
    %dma_wait3A_82 = tpu.memref_slice %arg8[%dma_wait3A_80, %dma_wait3A_81] : memref<4x128xi32, #tpu.memory_space<vmem>> -> memref<1x128xi32, #tpu.memory_space<vmem>>
    %dma_wait3A_83 = tpu.memref_squeeze %dma_wait3A_82 : memref<1x128xi32, #tpu.memory_space<vmem>> -> memref<128xi32, #tpu.memory_space<vmem>>
    %dma_wait3A_84 = arith.constant 0 : i32
    %dma_wait3A_85 = arith.constant 0 : i32
    %dma_wait3A_86 = tpu.memref_slice %arg10[%dma_wait3A_84, %dma_wait3A_85] : memref<4096x128xf32, #tpu.memory_space<vmem_shared>> -> memref<4096x128xf32, #tpu.memory_space<vmem_shared>>
    tpu.wait_indirect_dma semaphore(%arg18 : memref<!tpu.dma_semaphore, #tpu.memory_space<semaphore_mem>>) src(%arg9 : memref<128x128xf32, #tpu.memory_space<vmem>>) dst(%dma_wait3A_86 : memref<4096x128xf32, #tpu.memory_space<vmem_shared>>)
    %dma_wait3A_87 = arith.constant 3 : i32
    %dma_wait3A_88 = arith.constant 0 : i32
    %dma_wait3A_89 = tpu.memref_slice %arg8[%dma_wait3A_87, %dma_wait3A_88] : memref<4x128xi32, #tpu.memory_space<vmem>> -> memref<1x128xi32, #tpu.memory_space<vmem>>
    %dma_wait3A_90 = tpu.memref_squeeze %dma_wait3A_89 : memref<1x128xi32, #tpu.memory_space<vmem>> -> memref<128xi32, #tpu.memory_space<vmem>>
    %dma_wait3A_91 = arith.constant 0 : i32
    %dma_wait3A_92 = arith.constant 0 : i32
    %dma_wait3A_93 = tpu.memref_slice %arg10[%dma_wait3A_91, %dma_wait3A_92] : memref<4096x128xf32, #tpu.memory_space<vmem_shared>> -> memref<4096x128xf32, #tpu.memory_space<vmem_shared>>
    tpu.wait_indirect_dma semaphore(%arg19 : memref<!tpu.dma_semaphore, #tpu.memory_space<semaphore_mem>>) src(%arg9 : memref<128x128xf32, #tpu.memory_space<vmem>>) dst(%dma_wait3A_93 : memref<4096x128xf32, #tpu.memory_space<vmem_shared>>)
    %mul3A_94 = arith.constant 8 : i32
    %mul3A_95 = arith.muli %add3A, %mul3A_94 : i32
    %add3A_96 = arith.constant 0 : i32
    %add3A_97 = arith.addi %mul3A_95, %add3A_96 : i32
    %mul3A_98 = arith.constant 128 : i32
    %mul3A_99 = arith.muli %add3A_97, %mul3A_98 : i32
    %dma_start3A_100 = arith.constant 0 : i32
    %dma_start3A_101 = arith.constant 0 : i32
    %dma_start3A_102 = tpu.memref_slice %arg8[%dma_start3A_100, %dma_start3A_101] : memref<4x128xi32, #tpu.memory_space<vmem>> -> memref<1x128xi32, #tpu.memory_space<vmem>>
    %dma_start3A_103 = tpu.memref_squeeze %dma_start3A_102 : memref<1x128xi32, #tpu.memory_space<vmem>> -> memref<128xi32, #tpu.memory_space<vmem>>
    %dma_start3A_104 = tpu.memref_slice %arg3[%mul3A_99] : memref<32768xi32, #tpu.memory_space<hbm>> -> memref<128xi32, #tpu.memory_space<hbm>>
    %dma_start3A_105 = arith.constant 0 : i32
    %dma_start3A_106 = tpu.memref_slice %arg8[%dma_start3A_100, %dma_start3A_105] : memref<4x128xi32, #tpu.memory_space<vmem>> -> memref<1x128xi32, #tpu.memory_space<vmem>>
    %dma_start3A_107 = tpu.memref_squeeze %dma_start3A_106 : memref<1x128xi32, #tpu.memory_space<vmem>> -> memref<128xi32, #tpu.memory_space<vmem>>
    %dma_start3A_108 = tpu.memref_slice %arg3[%mul3A_99] : memref<32768xi32, #tpu.memory_space<hbm>> -> memref<128xi32, #tpu.memory_space<hbm>>
    tpu.enqueue_dma source(%dma_start3A_108 : memref<128xi32, #tpu.memory_space<hbm>>) target(%dma_start3A_107 : memref<128xi32, #tpu.memory_space<vmem>>) target_semaphore(%arg12 : memref<!tpu.dma_semaphore, #tpu.memory_space<semaphore_mem>>)
    %add3A_109 = arith.constant 1 : i32
    %add3A_110 = arith.addi %mul3A_95, %add3A_109 : i32
    %mul3A_111 = arith.constant 128 : i32
    %mul3A_112 = arith.muli %add3A_110, %mul3A_111 : i32
    %dma_start3A_113 = arith.constant 1 : i32
    %dma_start3A_114 = arith.constant 0 : i32
    %dma_start3A_115 = tpu.memref_slice %arg8[%dma_start3A_113, %dma_start3A_114] : memref<4x128xi32, #tpu.memory_space<vmem>> -> memref<1x128xi32, #tpu.memory_space<vmem>>
    %dma_start3A_116 = tpu.memref_squeeze %dma_start3A_115 : memref<1x128xi32, #tpu.memory_space<vmem>> -> memref<128xi32, #tpu.memory_space<vmem>>
    %dma_start3A_117 = tpu.memref_slice %arg3[%mul3A_112] : memref<32768xi32, #tpu.memory_space<hbm>> -> memref<128xi32, #tpu.memory_space<hbm>>
    %dma_start3A_118 = arith.constant 0 : i32
    %dma_start3A_119 = tpu.memref_slice %arg8[%dma_start3A_113, %dma_start3A_118] : memref<4x128xi32, #tpu.memory_space<vmem>> -> memref<1x128xi32, #tpu.memory_space<vmem>>
    %dma_start3A_120 = tpu.memref_squeeze %dma_start3A_119 : memref<1x128xi32, #tpu.memory_space<vmem>> -> memref<128xi32, #tpu.memory_space<vmem>>
    %dma_start3A_121 = tpu.memref_slice %arg3[%mul3A_112] : memref<32768xi32, #tpu.memory_space<hbm>> -> memref<128xi32, #tpu.memory_space<hbm>>
    tpu.enqueue_dma source(%dma_start3A_121 : memref<128xi32, #tpu.memory_space<hbm>>) target(%dma_start3A_120 : memref<128xi32, #tpu.memory_space<vmem>>) target_semaphore(%arg13 : memref<!tpu.dma_semaphore, #tpu.memory_space<semaphore_mem>>)
    %add3A_122 = arith.constant 2 : i32
    %add3A_123 = arith.addi %mul3A_95, %add3A_122 : i32
    %mul3A_124 = arith.constant 128 : i32
    %mul3A_125 = arith.muli %add3A_123, %mul3A_124 : i32
    %dma_start3A_126 = arith.constant 2 : i32
    %dma_start3A_127 = arith.constant 0 : i32
    %dma_start3A_128 = tpu.memref_slice %arg8[%dma_start3A_126, %dma_start3A_127] : memref<4x128xi32, #tpu.memory_space<vmem>> -> memref<1x128xi32, #tpu.memory_space<vmem>>
    %dma_start3A_129 = tpu.memref_squeeze %dma_start3A_128 : memref<1x128xi32, #tpu.memory_space<vmem>> -> memref<128xi32, #tpu.memory_space<vmem>>
    %dma_start3A_130 = tpu.memref_slice %arg3[%mul3A_125] : memref<32768xi32, #tpu.memory_space<hbm>> -> memref<128xi32, #tpu.memory_space<hbm>>
    %dma_start3A_131 = arith.constant 0 : i32
    %dma_start3A_132 = tpu.memref_slice %arg8[%dma_start3A_126, %dma_start3A_131] : memref<4x128xi32, #tpu.memory_space<vmem>> -> memref<1x128xi32, #tpu.memory_space<vmem>>
    %dma_start3A_133 = tpu.memref_squeeze %dma_start3A_132 : memref<1x128xi32, #tpu.memory_space<vmem>> -> memref<128xi32, #tpu.memory_space<vmem>>
    %dma_start3A_134 = tpu.memref_slice %arg3[%mul3A_125] : memref<32768xi32, #tpu.memory_space<hbm>> -> memref<128xi32, #tpu.memory_space<hbm>>
    tpu.enqueue_dma source(%dma_start3A_134 : memref<128xi32, #tpu.memory_space<hbm>>) target(%dma_start3A_133 : memref<128xi32, #tpu.memory_space<vmem>>) target_semaphore(%arg14 : memref<!tpu.dma_semaphore, #tpu.memory_space<semaphore_mem>>)
    %add3A_135 = arith.constant 3 : i32
    %add3A_136 = arith.addi %mul3A_95, %add3A_135 : i32
    %mul3A_137 = arith.constant 128 : i32
    %mul3A_138 = arith.muli %add3A_136, %mul3A_137 : i32
    %dma_start3A_139 = arith.constant 3 : i32
    %dma_start3A_140 = arith.constant 0 : i32
    %dma_start3A_141 = tpu.memref_slice %arg8[%dma_start3A_139, %dma_start3A_140] : memref<4x128xi32, #tpu.memory_space<vmem>> -> memref<1x128xi32, #tpu.memory_space<vmem>>
    %dma_start3A_142 = tpu.memref_squeeze %dma_start3A_141 : memref<1x128xi32, #tpu.memory_space<vmem>> -> memref<128xi32, #tpu.memory_space<vmem>>
    %dma_start3A_143 = tpu.memref_slice %arg3[%mul3A_138] : memref<32768xi32, #tpu.memory_space<hbm>> -> memref<128xi32, #tpu.memory_space<hbm>>
    %dma_start3A_144 = arith.constant 0 : i32
    %dma_start3A_145 = tpu.memref_slice %arg8[%dma_start3A_139, %dma_start3A_144] : memref<4x128xi32, #tpu.memory_space<vmem>> -> memref<1x128xi32, #tpu.memory_space<vmem>>
    %dma_start3A_146 = tpu.memref_squeeze %dma_start3A_145 : memref<1x128xi32, #tpu.memory_space<vmem>> -> memref<128xi32, #tpu.memory_space<vmem>>
    %dma_start3A_147 = tpu.memref_slice %arg3[%mul3A_138] : memref<32768xi32, #tpu.memory_space<hbm>> -> memref<128xi32, #tpu.memory_space<hbm>>
    tpu.enqueue_dma source(%dma_start3A_147 : memref<128xi32, #tpu.memory_space<hbm>>) target(%dma_start3A_146 : memref<128xi32, #tpu.memory_space<vmem>>) target_semaphore(%arg15 : memref<!tpu.dma_semaphore, #tpu.memory_space<semaphore_mem>>)
    %scan3A_148 = arith.constant 0 : i32
    %scan3A_149 = arith.constant 0 : i32
    %scan3A_150 = arith.constant 2 : i32
    %scan3A_151 = arith.addi %scan3A_149, %scan3A_150 : i32
    %scan3A_152 = arith.constant 1 : i32
    scf.for %scan3A_197 = %scan3A_149 to %scan3A_151 step %scan3A_152  : i32 {
      %dma_wait3A_198 = arith.constant 0 : i32
      %dma_wait3A_199 = arith.constant 0 : i32
      %dma_wait3A_200 = tpu.memref_slice %arg8[%dma_wait3A_198, %dma_wait3A_199] : memref<4x128xi32, #tpu.memory_space<vmem>> -> memref<1x128xi32, #tpu.memory_space<vmem>>
      %dma_wait3A_201 = tpu.memref_squeeze %dma_wait3A_200 : memref<1x128xi32, #tpu.memory_space<vmem>> -> memref<128xi32, #tpu.memory_space<vmem>>
      %dma_wait3A_202 = arith.constant 0 : i32
      %dma_wait3A_203 = tpu.memref_slice %arg3[%dma_wait3A_202] : memref<32768xi32, #tpu.memory_space<hbm>> -> memref<128xi32, #tpu.memory_space<hbm>>
      %dma_wait3A_204 = arith.constant 0 : i32
      %dma_wait3A_205 = tpu.memref_slice %arg8[%dma_wait3A_198, %dma_wait3A_204] : memref<4x128xi32, #tpu.memory_space<vmem>> -> memref<1x128xi32, #tpu.memory_space<vmem>>
      %dma_wait3A_206 = tpu.memref_squeeze %dma_wait3A_205 : memref<1x128xi32, #tpu.memory_space<vmem>> -> memref<128xi32, #tpu.memory_space<vmem>>
      %dma_wait3A_207 = arith.constant 0 : i32
      %dma_wait3A_208 = tpu.memref_slice %arg3[%dma_wait3A_207] : memref<32768xi32, #tpu.memory_space<hbm>> -> memref<128xi32, #tpu.memory_space<hbm>>
      tpu.wait_dma2 semaphore(%arg12 : memref<!tpu.dma_semaphore, #tpu.memory_space<semaphore_mem>>) src(%dma_wait3A_208 : memref<128xi32, #tpu.memory_space<hbm>>) dst(%dma_wait3A_206 : memref<128xi32, #tpu.memory_space<vmem>>)
      %dma_start3A_209 = arith.constant 0 : i32
      %dma_start3A_210 = arith.constant 0 : i32
      %dma_start3A_211 = tpu.memref_slice %arg8[%dma_start3A_209, %dma_start3A_210] : memref<4x128xi32, #tpu.memory_space<vmem>> -> memref<1x128xi32, #tpu.memory_space<vmem>>
      %dma_start3A_212 = tpu.memref_squeeze %dma_start3A_211 : memref<1x128xi32, #tpu.memory_space<vmem>> -> memref<128xi32, #tpu.memory_space<vmem>>
      %dma_start3A_213 = arith.constant 0 : i32
      %dma_start3A_214 = arith.constant 0 : i32
      %dma_start3A_215 = tpu.memref_slice %arg11[%dma_start3A_213, %dma_start3A_214] : memref<1024x128xf32, #tpu.memory_space<vmem_shared>> -> memref<1024x128xf32, #tpu.memory_space<vmem_shared>>
      tpu.enqueue_indirect_dma source(%arg9 : memref<128x128xf32, #tpu.memory_space<vmem>>) target(%dma_start3A_215 : memref<1024x128xf32, #tpu.memory_space<vmem_shared>>) offsets(%dma_start3A_212 : memref<128xi32, #tpu.memory_space<vmem>>) semaphore(%arg16 : memref<!tpu.dma_semaphore, #tpu.memory_space<semaphore_mem>>) {add = true}
      %dma_wait3A_216 = arith.constant 1 : i32
      %dma_wait3A_217 = arith.constant 0 : i32
      %dma_wait3A_218 = tpu.memref_slice %arg8[%dma_wait3A_216, %dma_wait3A_217] : memref<4x128xi32, #tpu.memory_space<vmem>> -> memref<1x128xi32, #tpu.memory_space<vmem>>
      %dma_wait3A_219 = tpu.memref_squeeze %dma_wait3A_218 : memref<1x128xi32, #tpu.memory_space<vmem>> -> memref<128xi32, #tpu.memory_space<vmem>>
      %dma_wait3A_220 = arith.constant 0 : i32
      %dma_wait3A_221 = tpu.memref_slice %arg3[%dma_wait3A_220] : memref<32768xi32, #tpu.memory_space<hbm>> -> memref<128xi32, #tpu.memory_space<hbm>>
      %dma_wait3A_222 = arith.constant 0 : i32
      %dma_wait3A_223 = tpu.memref_slice %arg8[%dma_wait3A_216, %dma_wait3A_222] : memref<4x128xi32, #tpu.memory_space<vmem>> -> memref<1x128xi32, #tpu.memory_space<vmem>>
      %dma_wait3A_224 = tpu.memref_squeeze %dma_wait3A_223 : memref<1x128xi32, #tpu.memory_space<vmem>> -> memref<128xi32, #tpu.memory_space<vmem>>
      %dma_wait3A_225 = arith.constant 0 : i32
      %dma_wait3A_226 = tpu.memref_slice %arg3[%dma_wait3A_225] : memref<32768xi32, #tpu.memory_space<hbm>> -> memref<128xi32, #tpu.memory_space<hbm>>
      tpu.wait_dma2 semaphore(%arg13 : memref<!tpu.dma_semaphore, #tpu.memory_space<semaphore_mem>>) src(%dma_wait3A_226 : memref<128xi32, #tpu.memory_space<hbm>>) dst(%dma_wait3A_224 : memref<128xi32, #tpu.memory_space<vmem>>)
      %dma_start3A_227 = arith.constant 1 : i32
      %dma_start3A_228 = arith.constant 0 : i32
      %dma_start3A_229 = tpu.memref_slice %arg8[%dma_start3A_227, %dma_start3A_228] : memref<4x128xi32, #tpu.memory_space<vmem>> -> memref<1x128xi32, #tpu.memory_space<vmem>>
      %dma_start3A_230 = tpu.memref_squeeze %dma_start3A_229 : memref<1x128xi32, #tpu.memory_space<vmem>> -> memref<128xi32, #tpu.memory_space<vmem>>
      %dma_start3A_231 = arith.constant 0 : i32
      %dma_start3A_232 = arith.constant 0 : i32
      %dma_start3A_233 = tpu.memref_slice %arg11[%dma_start3A_231, %dma_start3A_232] : memref<1024x128xf32, #tpu.memory_space<vmem_shared>> -> memref<1024x128xf32, #tpu.memory_space<vmem_shared>>
      tpu.enqueue_indirect_dma source(%arg9 : memref<128x128xf32, #tpu.memory_space<vmem>>) target(%dma_start3A_233 : memref<1024x128xf32, #tpu.memory_space<vmem_shared>>) offsets(%dma_start3A_230 : memref<128xi32, #tpu.memory_space<vmem>>) semaphore(%arg17 : memref<!tpu.dma_semaphore, #tpu.memory_space<semaphore_mem>>) {add = true}
      %dma_wait3A_234 = arith.constant 2 : i32
      %dma_wait3A_235 = arith.constant 0 : i32
      %dma_wait3A_236 = tpu.memref_slice %arg8[%dma_wait3A_234, %dma_wait3A_235] : memref<4x128xi32, #tpu.memory_space<vmem>> -> memref<1x128xi32, #tpu.memory_space<vmem>>
      %dma_wait3A_237 = tpu.memref_squeeze %dma_wait3A_236 : memref<1x128xi32, #tpu.memory_space<vmem>> -> memref<128xi32, #tpu.memory_space<vmem>>
      %dma_wait3A_238 = arith.constant 0 : i32
      %dma_wait3A_239 = tpu.memref_slice %arg3[%dma_wait3A_238] : memref<32768xi32, #tpu.memory_space<hbm>> -> memref<128xi32, #tpu.memory_space<hbm>>
      %dma_wait3A_240 = arith.constant 0 : i32
      %dma_wait3A_241 = tpu.memref_slice %arg8[%dma_wait3A_234, %dma_wait3A_240] : memref<4x128xi32, #tpu.memory_space<vmem>> -> memref<1x128xi32, #tpu.memory_space<vmem>>
      %dma_wait3A_242 = tpu.memref_squeeze %dma_wait3A_241 : memref<1x128xi32, #tpu.memory_space<vmem>> -> memref<128xi32, #tpu.memory_space<vmem>>
      %dma_wait3A_243 = arith.constant 0 : i32
      %dma_wait3A_244 = tpu.memref_slice %arg3[%dma_wait3A_243] : memref<32768xi32, #tpu.memory_space<hbm>> -> memref<128xi32, #tpu.memory_space<hbm>>
      tpu.wait_dma2 semaphore(%arg14 : memref<!tpu.dma_semaphore, #tpu.memory_space<semaphore_mem>>) src(%dma_wait3A_244 : memref<128xi32, #tpu.memory_space<hbm>>) dst(%dma_wait3A_242 : memref<128xi32, #tpu.memory_space<vmem>>)
      %dma_start3A_245 = arith.constant 2 : i32
      %dma_start3A_246 = arith.constant 0 : i32
      %dma_start3A_247 = tpu.memref_slice %arg8[%dma_start3A_245, %dma_start3A_246] : memref<4x128xi32, #tpu.memory_space<vmem>> -> memref<1x128xi32, #tpu.memory_space<vmem>>
      %dma_start3A_248 = tpu.memref_squeeze %dma_start3A_247 : memref<1x128xi32, #tpu.memory_space<vmem>> -> memref<128xi32, #tpu.memory_space<vmem>>
      %dma_start3A_249 = arith.constant 0 : i32
      %dma_start3A_250 = arith.constant 0 : i32
      %dma_start3A_251 = tpu.memref_slice %arg11[%dma_start3A_249, %dma_start3A_250] : memref<1024x128xf32, #tpu.memory_space<vmem_shared>> -> memref<1024x128xf32, #tpu.memory_space<vmem_shared>>
      tpu.enqueue_indirect_dma source(%arg9 : memref<128x128xf32, #tpu.memory_space<vmem>>) target(%dma_start3A_251 : memref<1024x128xf32, #tpu.memory_space<vmem_shared>>) offsets(%dma_start3A_248 : memref<128xi32, #tpu.memory_space<vmem>>) semaphore(%arg18 : memref<!tpu.dma_semaphore, #tpu.memory_space<semaphore_mem>>) {add = true}
      %dma_wait3A_252 = arith.constant 3 : i32
      %dma_wait3A_253 = arith.constant 0 : i32
      %dma_wait3A_254 = tpu.memref_slice %arg8[%dma_wait3A_252, %dma_wait3A_253] : memref<4x128xi32, #tpu.memory_space<vmem>> -> memref<1x128xi32, #tpu.memory_space<vmem>>
      %dma_wait3A_255 = tpu.memref_squeeze %dma_wait3A_254 : memref<1x128xi32, #tpu.memory_space<vmem>> -> memref<128xi32, #tpu.memory_space<vmem>>
      %dma_wait3A_256 = arith.constant 0 : i32
      %dma_wait3A_257 = tpu.memref_slice %arg3[%dma_wait3A_256] : memref<32768xi32, #tpu.memory_space<hbm>> -> memref<128xi32, #tpu.memory_space<hbm>>
      %dma_wait3A_258 = arith.constant 0 : i32
      %dma_wait3A_259 = tpu.memref_slice %arg8[%dma_wait3A_252, %dma_wait3A_258] : memref<4x128xi32, #tpu.memory_space<vmem>> -> memref<1x128xi32, #tpu.memory_space<vmem>>
      %dma_wait3A_260 = tpu.memref_squeeze %dma_wait3A_259 : memref<1x128xi32, #tpu.memory_space<vmem>> -> memref<128xi32, #tpu.memory_space<vmem>>
      %dma_wait3A_261 = arith.constant 0 : i32
      %dma_wait3A_262 = tpu.memref_slice %arg3[%dma_wait3A_261] : memref<32768xi32, #tpu.memory_space<hbm>> -> memref<128xi32, #tpu.memory_space<hbm>>
      tpu.wait_dma2 semaphore(%arg15 : memref<!tpu.dma_semaphore, #tpu.memory_space<semaphore_mem>>) src(%dma_wait3A_262 : memref<128xi32, #tpu.memory_space<hbm>>) dst(%dma_wait3A_260 : memref<128xi32, #tpu.memory_space<vmem>>)
      %dma_start3A_263 = arith.constant 3 : i32
      %dma_start3A_264 = arith.constant 0 : i32
      %dma_start3A_265 = tpu.memref_slice %arg8[%dma_start3A_263, %dma_start3A_264] : memref<4x128xi32, #tpu.memory_space<vmem>> -> memref<1x128xi32, #tpu.memory_space<vmem>>
      %dma_start3A_266 = tpu.memref_squeeze %dma_start3A_265 : memref<1x128xi32, #tpu.memory_space<vmem>> -> memref<128xi32, #tpu.memory_space<vmem>>
      %dma_start3A_267 = arith.constant 0 : i32
      %dma_start3A_268 = arith.constant 0 : i32
      %dma_start3A_269 = tpu.memref_slice %arg11[%dma_start3A_267, %dma_start3A_268] : memref<1024x128xf32, #tpu.memory_space<vmem_shared>> -> memref<1024x128xf32, #tpu.memory_space<vmem_shared>>
      tpu.enqueue_indirect_dma source(%arg9 : memref<128x128xf32, #tpu.memory_space<vmem>>) target(%dma_start3A_269 : memref<1024x128xf32, #tpu.memory_space<vmem_shared>>) offsets(%dma_start3A_266 : memref<128xi32, #tpu.memory_space<vmem>>) semaphore(%arg19 : memref<!tpu.dma_semaphore, #tpu.memory_space<semaphore_mem>>) {add = true}
      %lt3A = arith.constant 1 : i32
      %lt3A_270 = arith.cmpi slt, %scan3A_197, %lt3A : i32
      %convert_element_type3A = arith.extui %lt3A_270 : i1 to i32
      %cond3A = arith.constant 0 : i32
      %cond3A_271 = arith.cmpi ne, %convert_element_type3A, %cond3A : i32
      scf.if %cond3A_271 {
        %dma_wait3A_272 = arith.constant 0 : i32
        %dma_wait3A_273 = arith.constant 0 : i32
        %dma_wait3A_274 = tpu.memref_slice %arg8[%dma_wait3A_272, %dma_wait3A_273] : memref<4x128xi32, #tpu.memory_space<vmem>> -> memref<1x128xi32, #tpu.memory_space<vmem>>
        %dma_wait3A_275 = tpu.memref_squeeze %dma_wait3A_274 : memref<1x128xi32, #tpu.memory_space<vmem>> -> memref<128xi32, #tpu.memory_space<vmem>>
        %dma_wait3A_276 = arith.constant 0 : i32
        %dma_wait3A_277 = arith.constant 0 : i32
        %dma_wait3A_278 = tpu.memref_slice %arg11[%dma_wait3A_276, %dma_wait3A_277] : memref<1024x128xf32, #tpu.memory_space<vmem_shared>> -> memref<1024x128xf32, #tpu.memory_space<vmem_shared>>
        tpu.wait_indirect_dma semaphore(%arg16 : memref<!tpu.dma_semaphore, #tpu.memory_space<semaphore_mem>>) src(%arg9 : memref<128x128xf32, #tpu.memory_space<vmem>>) dst(%dma_wait3A_278 : memref<1024x128xf32, #tpu.memory_space<vmem_shared>>)
        %mul3A_279 = arith.constant 4 : i32
        %mul3A_280 = arith.muli %mul3A_279, %scan3A_197 : i32
        %add3A_281 = arith.constant 4 : i32
        %add3A_282 = arith.addi %mul3A_280, %add3A_281 : i32
        %add3A_283 = arith.constant 0 : i32
        %add3A_284 = arith.addi %add3A_282, %add3A_283 : i32
        %add3A_285 = arith.addi %mul3A_95, %add3A_284 : i32
        %mul3A_286 = arith.constant 128 : i32
        %mul3A_287 = arith.muli %add3A_285, %mul3A_286 : i32
        %dma_start3A_288 = arith.constant 0 : i32
        %dma_start3A_289 = arith.constant 0 : i32
        %dma_start3A_290 = tpu.memref_slice %arg8[%dma_start3A_288, %dma_start3A_289] : memref<4x128xi32, #tpu.memory_space<vmem>> -> memref<1x128xi32, #tpu.memory_space<vmem>>
        %dma_start3A_291 = tpu.memref_squeeze %dma_start3A_290 : memref<1x128xi32, #tpu.memory_space<vmem>> -> memref<128xi32, #tpu.memory_space<vmem>>
        %dma_start3A_292 = tpu.memref_slice %arg3[%mul3A_287] : memref<32768xi32, #tpu.memory_space<hbm>> -> memref<128xi32, #tpu.memory_space<hbm>>
        %dma_start3A_293 = arith.constant 0 : i32
        %dma_start3A_294 = tpu.memref_slice %arg8[%dma_start3A_288, %dma_start3A_293] : memref<4x128xi32, #tpu.memory_space<vmem>> -> memref<1x128xi32, #tpu.memory_space<vmem>>
        %dma_start3A_295 = tpu.memref_squeeze %dma_start3A_294 : memref<1x128xi32, #tpu.memory_space<vmem>> -> memref<128xi32, #tpu.memory_space<vmem>>
        %dma_start3A_296 = tpu.memref_slice %arg3[%mul3A_287] : memref<32768xi32, #tpu.memory_space<hbm>> -> memref<128xi32, #tpu.memory_space<hbm>>
        tpu.enqueue_dma source(%dma_start3A_296 : memref<128xi32, #tpu.memory_space<hbm>>) target(%dma_start3A_295 : memref<128xi32, #tpu.memory_space<vmem>>) target_semaphore(%arg12 : memref<!tpu.dma_semaphore, #tpu.memory_space<semaphore_mem>>)
        %dma_wait3A_297 = arith.constant 1 : i32
        %dma_wait3A_298 = arith.constant 0 : i32
        %dma_wait3A_299 = tpu.memref_slice %arg8[%dma_wait3A_297, %dma_wait3A_298] : memref<4x128xi32, #tpu.memory_space<vmem>> -> memref<1x128xi32, #tpu.memory_space<vmem>>
        %dma_wait3A_300 = tpu.memref_squeeze %dma_wait3A_299 : memref<1x128xi32, #tpu.memory_space<vmem>> -> memref<128xi32, #tpu.memory_space<vmem>>
        %dma_wait3A_301 = arith.constant 0 : i32
        %dma_wait3A_302 = arith.constant 0 : i32
        %dma_wait3A_303 = tpu.memref_slice %arg11[%dma_wait3A_301, %dma_wait3A_302] : memref<1024x128xf32, #tpu.memory_space<vmem_shared>> -> memref<1024x128xf32, #tpu.memory_space<vmem_shared>>
        tpu.wait_indirect_dma semaphore(%arg17 : memref<!tpu.dma_semaphore, #tpu.memory_space<semaphore_mem>>) src(%arg9 : memref<128x128xf32, #tpu.memory_space<vmem>>) dst(%dma_wait3A_303 : memref<1024x128xf32, #tpu.memory_space<vmem_shared>>)
        %mul3A_304 = arith.constant 4 : i32
        %mul3A_305 = arith.muli %mul3A_304, %scan3A_197 : i32
        %add3A_306 = arith.constant 4 : i32
        %add3A_307 = arith.addi %mul3A_305, %add3A_306 : i32
        %add3A_308 = arith.constant 1 : i32
        %add3A_309 = arith.addi %add3A_307, %add3A_308 : i32
        %add3A_310 = arith.addi %mul3A_95, %add3A_309 : i32
        %mul3A_311 = arith.constant 128 : i32
        %mul3A_312 = arith.muli %add3A_310, %mul3A_311 : i32
        %dma_start3A_313 = arith.constant 1 : i32
        %dma_start3A_314 = arith.constant 0 : i32
        %dma_start3A_315 = tpu.memref_slice %arg8[%dma_start3A_313, %dma_start3A_314] : memref<4x128xi32, #tpu.memory_space<vmem>> -> memref<1x128xi32, #tpu.memory_space<vmem>>
        %dma_start3A_316 = tpu.memref_squeeze %dma_start3A_315 : memref<1x128xi32, #tpu.memory_space<vmem>> -> memref<128xi32, #tpu.memory_space<vmem>>
        %dma_start3A_317 = tpu.memref_slice %arg3[%mul3A_312] : memref<32768xi32, #tpu.memory_space<hbm>> -> memref<128xi32, #tpu.memory_space<hbm>>
        %dma_start3A_318 = arith.constant 0 : i32
        %dma_start3A_319 = tpu.memref_slice %arg8[%dma_start3A_313, %dma_start3A_318] : memref<4x128xi32, #tpu.memory_space<vmem>> -> memref<1x128xi32, #tpu.memory_space<vmem>>
        %dma_start3A_320 = tpu.memref_squeeze %dma_start3A_319 : memref<1x128xi32, #tpu.memory_space<vmem>> -> memref<128xi32, #tpu.memory_space<vmem>>
        %dma_start3A_321 = tpu.memref_slice %arg3[%mul3A_312] : memref<32768xi32, #tpu.memory_space<hbm>> -> memref<128xi32, #tpu.memory_space<hbm>>
        tpu.enqueue_dma source(%dma_start3A_321 : memref<128xi32, #tpu.memory_space<hbm>>) target(%dma_start3A_320 : memref<128xi32, #tpu.memory_space<vmem>>) target_semaphore(%arg13 : memref<!tpu.dma_semaphore, #tpu.memory_space<semaphore_mem>>)
        %dma_wait3A_322 = arith.constant 2 : i32
        %dma_wait3A_323 = arith.constant 0 : i32
        %dma_wait3A_324 = tpu.memref_slice %arg8[%dma_wait3A_322, %dma_wait3A_323] : memref<4x128xi32, #tpu.memory_space<vmem>> -> memref<1x128xi32, #tpu.memory_space<vmem>>
        %dma_wait3A_325 = tpu.memref_squeeze %dma_wait3A_324 : memref<1x128xi32, #tpu.memory_space<vmem>> -> memref<128xi32, #tpu.memory_space<vmem>>
        %dma_wait3A_326 = arith.constant 0 : i32
        %dma_wait3A_327 = arith.constant 0 : i32
        %dma_wait3A_328 = tpu.memref_slice %arg11[%dma_wait3A_326, %dma_wait3A_327] : memref<1024x128xf32, #tpu.memory_space<vmem_shared>> -> memref<1024x128xf32, #tpu.memory_space<vmem_shared>>
        tpu.wait_indirect_dma semaphore(%arg18 : memref<!tpu.dma_semaphore, #tpu.memory_space<semaphore_mem>>) src(%arg9 : memref<128x128xf32, #tpu.memory_space<vmem>>) dst(%dma_wait3A_328 : memref<1024x128xf32, #tpu.memory_space<vmem_shared>>)
        %mul3A_329 = arith.constant 4 : i32
        %mul3A_330 = arith.muli %mul3A_329, %scan3A_197 : i32
        %add3A_331 = arith.constant 4 : i32
        %add3A_332 = arith.addi %mul3A_330, %add3A_331 : i32
        %add3A_333 = arith.constant 2 : i32
        %add3A_334 = arith.addi %add3A_332, %add3A_333 : i32
        %add3A_335 = arith.addi %mul3A_95, %add3A_334 : i32
        %mul3A_336 = arith.constant 128 : i32
        %mul3A_337 = arith.muli %add3A_335, %mul3A_336 : i32
        %dma_start3A_338 = arith.constant 2 : i32
        %dma_start3A_339 = arith.constant 0 : i32
        %dma_start3A_340 = tpu.memref_slice %arg8[%dma_start3A_338, %dma_start3A_339] : memref<4x128xi32, #tpu.memory_space<vmem>> -> memref<1x128xi32, #tpu.memory_space<vmem>>
        %dma_start3A_341 = tpu.memref_squeeze %dma_start3A_340 : memref<1x128xi32, #tpu.memory_space<vmem>> -> memref<128xi32, #tpu.memory_space<vmem>>
        %dma_start3A_342 = tpu.memref_slice %arg3[%mul3A_337] : memref<32768xi32, #tpu.memory_space<hbm>> -> memref<128xi32, #tpu.memory_space<hbm>>
        %dma_start3A_343 = arith.constant 0 : i32
        %dma_start3A_344 = tpu.memref_slice %arg8[%dma_start3A_338, %dma_start3A_343] : memref<4x128xi32, #tpu.memory_space<vmem>> -> memref<1x128xi32, #tpu.memory_space<vmem>>
        %dma_start3A_345 = tpu.memref_squeeze %dma_start3A_344 : memref<1x128xi32, #tpu.memory_space<vmem>> -> memref<128xi32, #tpu.memory_space<vmem>>
        %dma_start3A_346 = tpu.memref_slice %arg3[%mul3A_337] : memref<32768xi32, #tpu.memory_space<hbm>> -> memref<128xi32, #tpu.memory_space<hbm>>
        tpu.enqueue_dma source(%dma_start3A_346 : memref<128xi32, #tpu.memory_space<hbm>>) target(%dma_start3A_345 : memref<128xi32, #tpu.memory_space<vmem>>) target_semaphore(%arg14 : memref<!tpu.dma_semaphore, #tpu.memory_space<semaphore_mem>>)
        %dma_wait3A_347 = arith.constant 3 : i32
        %dma_wait3A_348 = arith.constant 0 : i32
        %dma_wait3A_349 = tpu.memref_slice %arg8[%dma_wait3A_347, %dma_wait3A_348] : memref<4x128xi32, #tpu.memory_space<vmem>> -> memref<1x128xi32, #tpu.memory_space<vmem>>
        %dma_wait3A_350 = tpu.memref_squeeze %dma_wait3A_349 : memref<1x128xi32, #tpu.memory_space<vmem>> -> memref<128xi32, #tpu.memory_space<vmem>>
        %dma_wait3A_351 = arith.constant 0 : i32
        %dma_wait3A_352 = arith.constant 0 : i32
        %dma_wait3A_353 = tpu.memref_slice %arg11[%dma_wait3A_351, %dma_wait3A_352] : memref<1024x128xf32, #tpu.memory_space<vmem_shared>> -> memref<1024x128xf32, #tpu.memory_space<vmem_shared>>
        tpu.wait_indirect_dma semaphore(%arg19 : memref<!tpu.dma_semaphore, #tpu.memory_space<semaphore_mem>>) src(%arg9 : memref<128x128xf32, #tpu.memory_space<vmem>>) dst(%dma_wait3A_353 : memref<1024x128xf32, #tpu.memory_space<vmem_shared>>)
        %mul3A_354 = arith.constant 4 : i32
        %mul3A_355 = arith.muli %mul3A_354, %scan3A_197 : i32
        %add3A_356 = arith.constant 4 : i32
        %add3A_357 = arith.addi %mul3A_355, %add3A_356 : i32
        %add3A_358 = arith.constant 3 : i32
        %add3A_359 = arith.addi %add3A_357, %add3A_358 : i32
        %add3A_360 = arith.addi %mul3A_95, %add3A_359 : i32
        %mul3A_361 = arith.constant 128 : i32
        %mul3A_362 = arith.muli %add3A_360, %mul3A_361 : i32
        %dma_start3A_363 = arith.constant 3 : i32
        %dma_start3A_364 = arith.constant 0 : i32
        %dma_start3A_365 = tpu.memref_slice %arg8[%dma_start3A_363, %dma_start3A_364] : memref<4x128xi32, #tpu.memory_space<vmem>> -> memref<1x128xi32, #tpu.memory_space<vmem>>
        %dma_start3A_366 = tpu.memref_squeeze %dma_start3A_365 : memref<1x128xi32, #tpu.memory_space<vmem>> -> memref<128xi32, #tpu.memory_space<vmem>>
        %dma_start3A_367 = tpu.memref_slice %arg3[%mul3A_362] : memref<32768xi32, #tpu.memory_space<hbm>> -> memref<128xi32, #tpu.memory_space<hbm>>
        %dma_start3A_368 = arith.constant 0 : i32
        %dma_start3A_369 = tpu.memref_slice %arg8[%dma_start3A_363, %dma_start3A_368] : memref<4x128xi32, #tpu.memory_space<vmem>> -> memref<1x128xi32, #tpu.memory_space<vmem>>
        %dma_start3A_370 = tpu.memref_squeeze %dma_start3A_369 : memref<1x128xi32, #tpu.memory_space<vmem>> -> memref<128xi32, #tpu.memory_space<vmem>>
        %dma_start3A_371 = tpu.memref_slice %arg3[%mul3A_362] : memref<32768xi32, #tpu.memory_space<hbm>> -> memref<128xi32, #tpu.memory_space<hbm>>
        tpu.enqueue_dma source(%dma_start3A_371 : memref<128xi32, #tpu.memory_space<hbm>>) target(%dma_start3A_370 : memref<128xi32, #tpu.memory_space<vmem>>) target_semaphore(%arg15 : memref<!tpu.dma_semaphore, #tpu.memory_space<semaphore_mem>>)
      } else {
      }
    }
    %scan3A_153 = arith.constant 2 : i32
    %dma_wait3A_154 = arith.constant 0 : i32
    %dma_wait3A_155 = arith.constant 0 : i32
    %dma_wait3A_156 = tpu.memref_slice %arg8[%dma_wait3A_154, %dma_wait3A_155] : memref<4x128xi32, #tpu.memory_space<vmem>> -> memref<1x128xi32, #tpu.memory_space<vmem>>
    %dma_wait3A_157 = tpu.memref_squeeze %dma_wait3A_156 : memref<1x128xi32, #tpu.memory_space<vmem>> -> memref<128xi32, #tpu.memory_space<vmem>>
    %dma_wait3A_158 = arith.constant 0 : i32
    %dma_wait3A_159 = arith.constant 0 : i32
    %dma_wait3A_160 = tpu.memref_slice %arg11[%dma_wait3A_158, %dma_wait3A_159] : memref<1024x128xf32, #tpu.memory_space<vmem_shared>> -> memref<1024x128xf32, #tpu.memory_space<vmem_shared>>
    tpu.wait_indirect_dma semaphore(%arg16 : memref<!tpu.dma_semaphore, #tpu.memory_space<semaphore_mem>>) src(%arg9 : memref<128x128xf32, #tpu.memory_space<vmem>>) dst(%dma_wait3A_160 : memref<1024x128xf32, #tpu.memory_space<vmem_shared>>)
    %dma_wait3A_161 = arith.constant 1 : i32
    %dma_wait3A_162 = arith.constant 0 : i32
    %dma_wait3A_163 = tpu.memref_slice %arg8[%dma_wait3A_161, %dma_wait3A_162] : memref<4x128xi32, #tpu.memory_space<vmem>> -> memref<1x128xi32, #tpu.memory_space<vmem>>
    %dma_wait3A_164 = tpu.memref_squeeze %dma_wait3A_163 : memref<1x128xi32, #tpu.memory_space<vmem>> -> memref<128xi32, #tpu.memory_space<vmem>>
    %dma_wait3A_165 = arith.constant 0 : i32
    %dma_wait3A_166 = arith.constant 0 : i32
    %dma_wait3A_167 = tpu.memref_slice %arg11[%dma_wait3A_165, %dma_wait3A_166] : memref<1024x128xf32, #tpu.memory_space<vmem_shared>> -> memref<1024x128xf32, #tpu.memory_space<vmem_shared>>
    tpu.wait_indirect_dma semaphore(%arg17 : memref<!tpu.dma_semaphore, #tpu.memory_space<semaphore_mem>>) src(%arg9 : memref<128x128xf32, #tpu.memory_space<vmem>>) dst(%dma_wait3A_167 : memref<1024x128xf32, #tpu.memory_space<vmem_shared>>)
    %dma_wait3A_168 = arith.constant 2 : i32
    %dma_wait3A_169 = arith.constant 0 : i32
    %dma_wait3A_170 = tpu.memref_slice %arg8[%dma_wait3A_168, %dma_wait3A_169] : memref<4x128xi32, #tpu.memory_space<vmem>> -> memref<1x128xi32, #tpu.memory_space<vmem>>
    %dma_wait3A_171 = tpu.memref_squeeze %dma_wait3A_170 : memref<1x128xi32, #tpu.memory_space<vmem>> -> memref<128xi32, #tpu.memory_space<vmem>>
    %dma_wait3A_172 = arith.constant 0 : i32
    %dma_wait3A_173 = arith.constant 0 : i32
    %dma_wait3A_174 = tpu.memref_slice %arg11[%dma_wait3A_172, %dma_wait3A_173] : memref<1024x128xf32, #tpu.memory_space<vmem_shared>> -> memref<1024x128xf32, #tpu.memory_space<vmem_shared>>
    tpu.wait_indirect_dma semaphore(%arg18 : memref<!tpu.dma_semaphore, #tpu.memory_space<semaphore_mem>>) src(%arg9 : memref<128x128xf32, #tpu.memory_space<vmem>>) dst(%dma_wait3A_174 : memref<1024x128xf32, #tpu.memory_space<vmem_shared>>)
    %dma_wait3A_175 = arith.constant 3 : i32
    %dma_wait3A_176 = arith.constant 0 : i32
    %dma_wait3A_177 = tpu.memref_slice %arg8[%dma_wait3A_175, %dma_wait3A_176] : memref<4x128xi32, #tpu.memory_space<vmem>> -> memref<1x128xi32, #tpu.memory_space<vmem>>
    %dma_wait3A_178 = tpu.memref_squeeze %dma_wait3A_177 : memref<1x128xi32, #tpu.memory_space<vmem>> -> memref<128xi32, #tpu.memory_space<vmem>>
    %dma_wait3A_179 = arith.constant 0 : i32
    %dma_wait3A_180 = arith.constant 0 : i32
    %dma_wait3A_181 = tpu.memref_slice %arg11[%dma_wait3A_179, %dma_wait3A_180] : memref<1024x128xf32, #tpu.memory_space<vmem_shared>> -> memref<1024x128xf32, #tpu.memory_space<vmem_shared>>
    tpu.wait_indirect_dma semaphore(%arg19 : memref<!tpu.dma_semaphore, #tpu.memory_space<semaphore_mem>>) src(%arg9 : memref<128x128xf32, #tpu.memory_space<vmem>>) dst(%dma_wait3A_181 : memref<1024x128xf32, #tpu.memory_space<vmem_shared>>)
    %barrier3A_182 = arith.constant 0 : index
    tpu.barrier barrier_id(%barrier3A_182)
    %mul3A_183 = arith.constant 256 : i32
    %mul3A_184 = arith.muli %arg1, %mul3A_183 : i32
    %mul3A_185 = arith.constant 4096 : i32
    %mul3A_186 = arith.muli %arg0, %mul3A_185 : i32
    %mul3A_187 = arith.constant 256 : i32
    %mul3A_188 = arith.muli %arg1, %mul3A_187 : i32
    %add3A_189 = arith.addi %mul3A_186, %mul3A_188 : i32
    "tpu.region"() ({
      %run_scoped3A = tpu.sem_alloc : memref<!tpu.dma_semaphore, #tpu.memory_space<semaphore_mem>>
      %dma_start3A_197 = arith.constant 0 : i32
      %dma_start3A_198 = tpu.memref_slice %arg6[%add3A_189, %dma_start3A_197] : memref<8192x128xf32, #tpu.memory_space<hbm>> -> memref<256x128xf32, #tpu.memory_space<hbm>>
      %dma_start3A_199 = arith.constant 0 : i32
      %dma_start3A_200 = tpu.memref_slice %arg10[%mul3A_184, %dma_start3A_199] : memref<4096x128xf32, #tpu.memory_space<vmem_shared>> -> memref<256x128xf32, #tpu.memory_space<vmem_shared>>
      tpu.enqueue_dma source(%dma_start3A_200 : memref<256x128xf32, #tpu.memory_space<vmem_shared>>) target(%dma_start3A_198 : memref<256x128xf32, #tpu.memory_space<hbm>>) target_semaphore(%run_scoped3A : memref<!tpu.dma_semaphore, #tpu.memory_space<semaphore_mem>>)
      %dma_wait3A_201 = arith.constant 0 : i32
      %dma_wait3A_202 = tpu.memref_slice %arg6[%add3A_189, %dma_wait3A_201] : memref<8192x128xf32, #tpu.memory_space<hbm>> -> memref<256x128xf32, #tpu.memory_space<hbm>>
      %dma_wait3A_203 = arith.constant 0 : i32
      %dma_wait3A_204 = tpu.memref_slice %arg10[%mul3A_184, %dma_wait3A_203] : memref<4096x128xf32, #tpu.memory_space<vmem_shared>> -> memref<256x128xf32, #tpu.memory_space<vmem_shared>>
      tpu.wait_dma2 semaphore(%run_scoped3A : memref<!tpu.dma_semaphore, #tpu.memory_space<semaphore_mem>>) src(%dma_wait3A_204 : memref<256x128xf32, #tpu.memory_space<vmem_shared>>) dst(%dma_wait3A_202 : memref<256x128xf32, #tpu.memory_space<hbm>>)
      tpu.yield
    }) : () -> ()
    %mul3A_190 = arith.constant 64 : i32
    %mul3A_191 = arith.muli %arg1, %mul3A_190 : i32
    %mul3A_192 = arith.constant 1024 : i32
    %mul3A_193 = arith.muli %arg0, %mul3A_192 : i32
    %mul3A_194 = arith.constant 64 : i32
    %mul3A_195 = arith.muli %arg1, %mul3A_194 : i32
    %add3A_196 = arith.addi %mul3A_193, %mul3A_195 : i32
    "tpu.region"() ({
      %run_scoped3A = tpu.sem_alloc : memref<!tpu.dma_semaphore, #tpu.memory_space<semaphore_mem>>
      %dma_start3A_197 = arith.constant 0 : i32
      %dma_start3A_198 = tpu.memref_slice %arg7[%add3A_196, %dma_start3A_197] : memref<2048x128xf32, #tpu.memory_space<hbm>> -> memref<64x128xf32, #tpu.memory_space<hbm>>
      %dma_start3A_199 = arith.constant 0 : i32
      %dma_start3A_200 = tpu.memref_slice %arg11[%mul3A_191, %dma_start3A_199] : memref<1024x128xf32, #tpu.memory_space<vmem_shared>> -> memref<64x128xf32, #tpu.memory_space<vmem_shared>>
      tpu.enqueue_dma source(%dma_start3A_200 : memref<64x128xf32, #tpu.memory_space<vmem_shared>>) target(%dma_start3A_198 : memref<64x128xf32, #tpu.memory_space<hbm>>) target_semaphore(%run_scoped3A : memref<!tpu.dma_semaphore, #tpu.memory_space<semaphore_mem>>)
      %dma_wait3A_201 = arith.constant 0 : i32
      %dma_wait3A_202 = tpu.memref_slice %arg7[%add3A_196, %dma_wait3A_201] : memref<2048x128xf32, #tpu.memory_space<hbm>> -> memref<64x128xf32, #tpu.memory_space<hbm>>
      %dma_wait3A_203 = arith.constant 0 : i32
      %dma_wait3A_204 = tpu.memref_slice %arg11[%mul3A_191, %dma_wait3A_203] : memref<1024x128xf32, #tpu.memory_space<vmem_shared>> -> memref<64x128xf32, #tpu.memory_space<vmem_shared>>
      tpu.wait_dma2 semaphore(%run_scoped3A : memref<!tpu.dma_semaphore, #tpu.memory_space<semaphore_mem>>) src(%dma_wait3A_204 : memref<64x128xf32, #tpu.memory_space<vmem_shared>>) dst(%dma_wait3A_202 : memref<64x128xf32, #tpu.memory_space<hbm>>)
      tpu.yield
    }) : () -> ()
    return
  }
}

#map = affine_map<(d0, d1) -> (0, 0)>
#map1 = affine_map<(d0, d1) -> (0)>
module attributes {stable_mosaic.version = 14 : i64} {
  func.func @k(%arg0: i32, %arg1: i32, %arg2: memref<1024x128xf32, #tpu.memory_space<hbm>>, %arg3: memref<32768xi32, #tpu.memory_space<hbm>>, %arg4: memref<32768xi32, #tpu.memory_space<hbm>>, %arg5: memref<1024x128xf32, #tpu.memory_space<hbm>>, %arg6: memref<2048x128xf32, #tpu.memory_space<hbm>>, %arg7: memref<2x128xi32, #tpu.memory_space<vmem>>, %arg8: memref<2x128xi32, #tpu.memory_space<vmem>>, %arg9: memref<2x128x128xf32, #tpu.memory_space<vmem>>, %arg10: memref<1024x128xf32, #tpu.memory_space<vmem_shared>>, %arg11: memref<1024x128xf32, #tpu.memory_space<vmem_shared>>, %arg12: memref<!tpu.dma_semaphore, #tpu.memory_space<semaphore_mem>>, %arg13: memref<!tpu.dma_semaphore, #tpu.memory_space<semaphore_mem>>, %arg14: memref<!tpu.dma_semaphore, #tpu.memory_space<semaphore_mem>>, %arg15: memref<!tpu.dma_semaphore, #tpu.memory_space<semaphore_mem>>) attributes {dimension_semantics = [#tpu.dimension_semantics<core_parallel>, #tpu.dimension_semantics<subcore_parallel>], iteration_bounds = array<i64: 2, 16>, scalar_prefetch = 0 : i64, scratch_operands = 9 : i64, tpu.core_type = #tpu.core_type<sc_vector_subcore>, window_params = [{transform_indices = #map}, {transform_indices = #map1}, {transform_indices = #map1}, {transform_indices = #map}, {transform_indices = #map}]} {
    %mul3A = arith.constant 64 : i32
    %mul3A_0 = arith.muli %arg1, %mul3A : i32
    %lt3A = arith.constant 15 : i32
    %lt3A_1 = arith.cmpi slt, %arg1, %lt3A : i32
    %convert_element_type3A = arith.extui %lt3A_1 : i1 to i32
    %cond3A = arith.constant 0 : i32
    %cond3A_2 = arith.cmpi ne, %convert_element_type3A, %cond3A : i32
    scf.if %cond3A_2 {
      %mul3A_122 = arith.constant 64 : i32
      %mul3A_123 = arith.muli %arg1, %mul3A_122 : i32
      %mul3A_124 = arith.constant 64 : i32
      %mul3A_125 = arith.muli %arg1, %mul3A_124 : i32
      "tpu.region"() ({
        %run_scoped3A = tpu.sem_alloc : memref<!tpu.dma_semaphore, #tpu.memory_space<semaphore_mem>>
        %dma_start3A_126 = arith.constant 0 : i32
        %dma_start3A_127 = tpu.memref_slice %arg10[%mul3A_125, %dma_start3A_126] : memref<1024x128xf32, #tpu.memory_space<vmem_shared>> -> memref<64x128xf32, #tpu.memory_space<vmem_shared>>
        %dma_start3A_128 = arith.constant 0 : i32
        %dma_start3A_129 = tpu.memref_slice %arg2[%mul3A_123, %dma_start3A_128] : memref<1024x128xf32, #tpu.memory_space<hbm>> -> memref<64x128xf32, #tpu.memory_space<hbm>>
        tpu.enqueue_dma source(%dma_start3A_129 : memref<64x128xf32, #tpu.memory_space<hbm>>) target(%dma_start3A_127 : memref<64x128xf32, #tpu.memory_space<vmem_shared>>) target_semaphore(%run_scoped3A : memref<!tpu.dma_semaphore, #tpu.memory_space<semaphore_mem>>)
        %dma_wait3A_130 = arith.constant 0 : i32
        %dma_wait3A_131 = tpu.memref_slice %arg10[%mul3A_125, %dma_wait3A_130] : memref<1024x128xf32, #tpu.memory_space<vmem_shared>> -> memref<64x128xf32, #tpu.memory_space<vmem_shared>>
        %dma_wait3A_132 = arith.constant 0 : i32
        %dma_wait3A_133 = tpu.memref_slice %arg2[%mul3A_123, %dma_wait3A_132] : memref<1024x128xf32, #tpu.memory_space<hbm>> -> memref<64x128xf32, #tpu.memory_space<hbm>>
        tpu.wait_dma2 semaphore(%run_scoped3A : memref<!tpu.dma_semaphore, #tpu.memory_space<semaphore_mem>>) src(%dma_wait3A_133 : memref<64x128xf32, #tpu.memory_space<hbm>>) dst(%dma_wait3A_131 : memref<64x128xf32, #tpu.memory_space<vmem_shared>>)
        tpu.yield
      }) : () -> ()
    } else {
    }
    %eq3A = arith.constant 15 : i32
    %eq3A_3 = arith.cmpi eq, %arg1, %eq3A : i32
    %convert_element_type3A_4 = arith.extui %eq3A_3 : i1 to i32
    %cond3A_5 = arith.constant 0 : i32
    %cond3A_6 = arith.cmpi ne, %convert_element_type3A_4, %cond3A_5 : i32
    scf.if %cond3A_6 {
      "tpu.region"() ({
        %run_scoped3A = tpu.sem_alloc : memref<!tpu.dma_semaphore, #tpu.memory_space<semaphore_mem>>
        %dma_start3A_122 = arith.constant 960 : i32
        %dma_start3A_123 = arith.constant 0 : i32
        %dma_start3A_124 = tpu.memref_slice %arg10[%dma_start3A_122, %dma_start3A_123] : memref<1024x128xf32, #tpu.memory_space<vmem_shared>> -> memref<64x128xf32, #tpu.memory_space<vmem_shared>>
        %dma_start3A_125 = arith.constant 960 : i32
        %dma_start3A_126 = arith.constant 0 : i32
        %dma_start3A_127 = tpu.memref_slice %arg2[%dma_start3A_125, %dma_start3A_126] : memref<1024x128xf32, #tpu.memory_space<hbm>> -> memref<64x128xf32, #tpu.memory_space<hbm>>
        tpu.enqueue_dma source(%dma_start3A_127 : memref<64x128xf32, #tpu.memory_space<hbm>>) target(%dma_start3A_124 : memref<64x128xf32, #tpu.memory_space<vmem_shared>>) target_semaphore(%run_scoped3A : memref<!tpu.dma_semaphore, #tpu.memory_space<semaphore_mem>>)
        %dma_wait3A_128 = arith.constant 960 : i32
        %dma_wait3A_129 = arith.constant 0 : i32
        %dma_wait3A_130 = tpu.memref_slice %arg10[%dma_wait3A_128, %dma_wait3A_129] : memref<1024x128xf32, #tpu.memory_space<vmem_shared>> -> memref<64x128xf32, #tpu.memory_space<vmem_shared>>
        %dma_wait3A_131 = arith.constant 960 : i32
        %dma_wait3A_132 = arith.constant 0 : i32
        %dma_wait3A_133 = tpu.memref_slice %arg2[%dma_wait3A_131, %dma_wait3A_132] : memref<1024x128xf32, #tpu.memory_space<hbm>> -> memref<64x128xf32, #tpu.memory_space<hbm>>
        tpu.wait_dma2 semaphore(%run_scoped3A : memref<!tpu.dma_semaphore, #tpu.memory_space<semaphore_mem>>) src(%dma_wait3A_133 : memref<64x128xf32, #tpu.memory_space<hbm>>) dst(%dma_wait3A_130 : memref<64x128xf32, #tpu.memory_space<vmem_shared>>)
        tpu.yield
      }) : () -> ()
    } else {
    }
    "tpu.region"() ({
      %run_scoped3A = tpu.sem_alloc : memref<!tpu.dma_semaphore, #tpu.memory_space<semaphore_mem>>
      %dma_start3A_122 = arith.constant 0 : i32
      %dma_start3A_123 = tpu.memref_slice %arg11[%mul3A_0, %dma_start3A_122] : memref<1024x128xf32, #tpu.memory_space<vmem_shared>> -> memref<64x128xf32, #tpu.memory_space<vmem_shared>>
      %dma_start3A_124 = arith.constant 0 : i32
      %dma_start3A_125 = tpu.memref_slice %arg5[%mul3A_0, %dma_start3A_124] : memref<1024x128xf32, #tpu.memory_space<hbm>> -> memref<64x128xf32, #tpu.memory_space<hbm>>
      tpu.enqueue_dma source(%dma_start3A_125 : memref<64x128xf32, #tpu.memory_space<hbm>>) target(%dma_start3A_123 : memref<64x128xf32, #tpu.memory_space<vmem_shared>>) target_semaphore(%run_scoped3A : memref<!tpu.dma_semaphore, #tpu.memory_space<semaphore_mem>>)
      %dma_wait3A_126 = arith.constant 0 : i32
      %dma_wait3A_127 = tpu.memref_slice %arg11[%mul3A_0, %dma_wait3A_126] : memref<1024x128xf32, #tpu.memory_space<vmem_shared>> -> memref<64x128xf32, #tpu.memory_space<vmem_shared>>
      %dma_wait3A_128 = arith.constant 0 : i32
      %dma_wait3A_129 = tpu.memref_slice %arg5[%mul3A_0, %dma_wait3A_128] : memref<1024x128xf32, #tpu.memory_space<hbm>> -> memref<64x128xf32, #tpu.memory_space<hbm>>
      tpu.wait_dma2 semaphore(%run_scoped3A : memref<!tpu.dma_semaphore, #tpu.memory_space<semaphore_mem>>) src(%dma_wait3A_129 : memref<64x128xf32, #tpu.memory_space<hbm>>) dst(%dma_wait3A_127 : memref<64x128xf32, #tpu.memory_space<vmem_shared>>)
      tpu.yield
    }) : () -> ()
    %barrier3A = arith.constant 0 : index
    tpu.barrier barrier_id(%barrier3A)
    %mul3A_7 = arith.constant 16 : i32
    %mul3A_8 = arith.muli %arg0, %mul3A_7 : i32
    %add3A = arith.addi %mul3A_8, %arg1 : i32
    %mul3A_9 = arith.constant 8 : i32
    %mul3A_10 = arith.muli %add3A, %mul3A_9 : i32
    %add3A_11 = arith.constant 0 : i32
    %add3A_12 = arith.addi %mul3A_10, %add3A_11 : i32
    %mul3A_13 = arith.constant 128 : i32
    %mul3A_14 = arith.muli %add3A_12, %mul3A_13 : i32
    %dma_start3A = arith.constant 0 : i32
    %dma_start3A_15 = arith.constant 0 : i32
    %dma_start3A_16 = tpu.memref_slice %arg7[%dma_start3A, %dma_start3A_15] : memref<2x128xi32, #tpu.memory_space<vmem>> -> memref<1x128xi32, #tpu.memory_space<vmem>>
    %dma_start3A_17 = tpu.memref_squeeze %dma_start3A_16 : memref<1x128xi32, #tpu.memory_space<vmem>> -> memref<128xi32, #tpu.memory_space<vmem>>
    %dma_start3A_18 = tpu.memref_slice %arg3[%mul3A_14] : memref<32768xi32, #tpu.memory_space<hbm>> -> memref<128xi32, #tpu.memory_space<hbm>>
    %dma_start3A_19 = arith.constant 0 : i32
    %dma_start3A_20 = tpu.memref_slice %arg7[%dma_start3A, %dma_start3A_19] : memref<2x128xi32, #tpu.memory_space<vmem>> -> memref<1x128xi32, #tpu.memory_space<vmem>>
    %dma_start3A_21 = tpu.memref_squeeze %dma_start3A_20 : memref<1x128xi32, #tpu.memory_space<vmem>> -> memref<128xi32, #tpu.memory_space<vmem>>
    %dma_start3A_22 = tpu.memref_slice %arg3[%mul3A_14] : memref<32768xi32, #tpu.memory_space<hbm>> -> memref<128xi32, #tpu.memory_space<hbm>>
    tpu.enqueue_dma source(%dma_start3A_22 : memref<128xi32, #tpu.memory_space<hbm>>) target(%dma_start3A_21 : memref<128xi32, #tpu.memory_space<vmem>>) target_semaphore(%arg12 : memref<!tpu.dma_semaphore, #tpu.memory_space<semaphore_mem>>)
    %dma_start3A_23 = arith.constant 0 : i32
    %dma_start3A_24 = arith.constant 0 : i32
    %dma_start3A_25 = tpu.memref_slice %arg8[%dma_start3A_23, %dma_start3A_24] : memref<2x128xi32, #tpu.memory_space<vmem>> -> memref<1x128xi32, #tpu.memory_space<vmem>>
    %dma_start3A_26 = tpu.memref_squeeze %dma_start3A_25 : memref<1x128xi32, #tpu.memory_space<vmem>> -> memref<128xi32, #tpu.memory_space<vmem>>
    %dma_start3A_27 = tpu.memref_slice %arg4[%mul3A_14] : memref<32768xi32, #tpu.memory_space<hbm>> -> memref<128xi32, #tpu.memory_space<hbm>>
    %dma_start3A_28 = arith.constant 0 : i32
    %dma_start3A_29 = tpu.memref_slice %arg8[%dma_start3A_23, %dma_start3A_28] : memref<2x128xi32, #tpu.memory_space<vmem>> -> memref<1x128xi32, #tpu.memory_space<vmem>>
    %dma_start3A_30 = tpu.memref_squeeze %dma_start3A_29 : memref<1x128xi32, #tpu.memory_space<vmem>> -> memref<128xi32, #tpu.memory_space<vmem>>
    %dma_start3A_31 = tpu.memref_slice %arg4[%mul3A_14] : memref<32768xi32, #tpu.memory_space<hbm>> -> memref<128xi32, #tpu.memory_space<hbm>>
    tpu.enqueue_dma source(%dma_start3A_31 : memref<128xi32, #tpu.memory_space<hbm>>) target(%dma_start3A_30 : memref<128xi32, #tpu.memory_space<vmem>>) target_semaphore(%arg12 : memref<!tpu.dma_semaphore, #tpu.memory_space<semaphore_mem>>)
    %dma_wait3A = arith.constant 0 : i32
    %dma_wait3A_32 = arith.constant 0 : i32
    %dma_wait3A_33 = tpu.memref_slice %arg7[%dma_wait3A, %dma_wait3A_32] : memref<2x128xi32, #tpu.memory_space<vmem>> -> memref<1x128xi32, #tpu.memory_space<vmem>>
    %dma_wait3A_34 = tpu.memref_squeeze %dma_wait3A_33 : memref<1x128xi32, #tpu.memory_space<vmem>> -> memref<128xi32, #tpu.memory_space<vmem>>
    %dma_wait3A_35 = tpu.memref_slice %arg3[%mul3A_14] : memref<32768xi32, #tpu.memory_space<hbm>> -> memref<128xi32, #tpu.memory_space<hbm>>
    %dma_wait3A_36 = arith.constant 0 : i32
    %dma_wait3A_37 = tpu.memref_slice %arg7[%dma_wait3A, %dma_wait3A_36] : memref<2x128xi32, #tpu.memory_space<vmem>> -> memref<1x128xi32, #tpu.memory_space<vmem>>
    %dma_wait3A_38 = tpu.memref_squeeze %dma_wait3A_37 : memref<1x128xi32, #tpu.memory_space<vmem>> -> memref<128xi32, #tpu.memory_space<vmem>>
    %dma_wait3A_39 = tpu.memref_slice %arg3[%mul3A_14] : memref<32768xi32, #tpu.memory_space<hbm>> -> memref<128xi32, #tpu.memory_space<hbm>>
    tpu.wait_dma2 semaphore(%arg12 : memref<!tpu.dma_semaphore, #tpu.memory_space<semaphore_mem>>) src(%dma_wait3A_39 : memref<128xi32, #tpu.memory_space<hbm>>) dst(%dma_wait3A_38 : memref<128xi32, #tpu.memory_space<vmem>>)
    %dma_wait3A_40 = arith.constant 0 : i32
    %dma_wait3A_41 = arith.constant 0 : i32
    %dma_wait3A_42 = tpu.memref_slice %arg8[%dma_wait3A_40, %dma_wait3A_41] : memref<2x128xi32, #tpu.memory_space<vmem>> -> memref<1x128xi32, #tpu.memory_space<vmem>>
    %dma_wait3A_43 = tpu.memref_squeeze %dma_wait3A_42 : memref<1x128xi32, #tpu.memory_space<vmem>> -> memref<128xi32, #tpu.memory_space<vmem>>
    %dma_wait3A_44 = tpu.memref_slice %arg4[%mul3A_14] : memref<32768xi32, #tpu.memory_space<hbm>> -> memref<128xi32, #tpu.memory_space<hbm>>
    %dma_wait3A_45 = arith.constant 0 : i32
    %dma_wait3A_46 = tpu.memref_slice %arg8[%dma_wait3A_40, %dma_wait3A_45] : memref<2x128xi32, #tpu.memory_space<vmem>> -> memref<1x128xi32, #tpu.memory_space<vmem>>
    %dma_wait3A_47 = tpu.memref_squeeze %dma_wait3A_46 : memref<1x128xi32, #tpu.memory_space<vmem>> -> memref<128xi32, #tpu.memory_space<vmem>>
    %dma_wait3A_48 = tpu.memref_slice %arg4[%mul3A_14] : memref<32768xi32, #tpu.memory_space<hbm>> -> memref<128xi32, #tpu.memory_space<hbm>>
    tpu.wait_dma2 semaphore(%arg12 : memref<!tpu.dma_semaphore, #tpu.memory_space<semaphore_mem>>) src(%dma_wait3A_48 : memref<128xi32, #tpu.memory_space<hbm>>) dst(%dma_wait3A_47 : memref<128xi32, #tpu.memory_space<vmem>>)
    %dma_start3A_49 = arith.constant 0 : i32
    %dma_start3A_50 = arith.constant 0 : i32
    %dma_start3A_51 = arith.constant 0 : i32
    %dma_start3A_52 = arith.constant 0 : i32
    %dma_start3A_53 = tpu.memref_slice %arg9[%dma_start3A_50, %dma_start3A_51, %dma_start3A_52] : memref<2x128x128xf32, #tpu.memory_space<vmem>> -> memref<1x128x128xf32, #tpu.memory_space<vmem>>
    %dma_start3A_54 = tpu.memref_squeeze %dma_start3A_53 : memref<1x128x128xf32, #tpu.memory_space<vmem>> -> memref<128x128xf32, #tpu.memory_space<vmem>>
    %dma_start3A_55 = arith.constant 0 : i32
    %dma_start3A_56 = tpu.memref_slice %arg7[%dma_start3A_49, %dma_start3A_55] : memref<2x128xi32, #tpu.memory_space<vmem>> -> memref<1x128xi32, #tpu.memory_space<vmem>>
    %dma_start3A_57 = tpu.memref_squeeze %dma_start3A_56 : memref<1x128xi32, #tpu.memory_space<vmem>> -> memref<128xi32, #tpu.memory_space<vmem>>
    %dma_start3A_58 = arith.constant 0 : i32
    %dma_start3A_59 = arith.constant 0 : i32
    %dma_start3A_60 = tpu.memref_slice %arg10[%dma_start3A_58, %dma_start3A_59] : memref<1024x128xf32, #tpu.memory_space<vmem_shared>> -> memref<1024x128xf32, #tpu.memory_space<vmem_shared>>
    tpu.enqueue_indirect_dma source(%dma_start3A_60 : memref<1024x128xf32, #tpu.memory_space<vmem_shared>>) target(%dma_start3A_54 : memref<128x128xf32, #tpu.memory_space<vmem>>) offsets(%dma_start3A_57 : memref<128xi32, #tpu.memory_space<vmem>>) semaphore(%arg14 : memref<!tpu.dma_semaphore, #tpu.memory_space<semaphore_mem>>)
    %add3A_61 = arith.constant 1 : i32
    %add3A_62 = arith.addi %mul3A_10, %add3A_61 : i32
    %mul3A_63 = arith.constant 128 : i32
    %mul3A_64 = arith.muli %add3A_62, %mul3A_63 : i32
    %dma_start3A_65 = arith.constant 1 : i32
    %dma_start3A_66 = arith.constant 0 : i32
    %dma_start3A_67 = tpu.memref_slice %arg7[%dma_start3A_65, %dma_start3A_66] : memref<2x128xi32, #tpu.memory_space<vmem>> -> memref<1x128xi32, #tpu.memory_space<vmem>>
    %dma_start3A_68 = tpu.memref_squeeze %dma_start3A_67 : memref<1x128xi32, #tpu.memory_space<vmem>> -> memref<128xi32, #tpu.memory_space<vmem>>
    %dma_start3A_69 = tpu.memref_slice %arg3[%mul3A_64] : memref<32768xi32, #tpu.memory_space<hbm>> -> memref<128xi32, #tpu.memory_space<hbm>>
    %dma_start3A_70 = arith.constant 0 : i32
    %dma_start3A_71 = tpu.memref_slice %arg7[%dma_start3A_65, %dma_start3A_70] : memref<2x128xi32, #tpu.memory_space<vmem>> -> memref<1x128xi32, #tpu.memory_space<vmem>>
    %dma_start3A_72 = tpu.memref_squeeze %dma_start3A_71 : memref<1x128xi32, #tpu.memory_space<vmem>> -> memref<128xi32, #tpu.memory_space<vmem>>
    %dma_start3A_73 = tpu.memref_slice %arg3[%mul3A_64] : memref<32768xi32, #tpu.memory_space<hbm>> -> memref<128xi32, #tpu.memory_space<hbm>>
    tpu.enqueue_dma source(%dma_start3A_73 : memref<128xi32, #tpu.memory_space<hbm>>) target(%dma_start3A_72 : memref<128xi32, #tpu.memory_space<vmem>>) target_semaphore(%arg13 : memref<!tpu.dma_semaphore, #tpu.memory_space<semaphore_mem>>)
    %dma_start3A_74 = arith.constant 1 : i32
    %dma_start3A_75 = arith.constant 0 : i32
    %dma_start3A_76 = tpu.memref_slice %arg8[%dma_start3A_74, %dma_start3A_75] : memref<2x128xi32, #tpu.memory_space<vmem>> -> memref<1x128xi32, #tpu.memory_space<vmem>>
    %dma_start3A_77 = tpu.memref_squeeze %dma_start3A_76 : memref<1x128xi32, #tpu.memory_space<vmem>> -> memref<128xi32, #tpu.memory_space<vmem>>
    %dma_start3A_78 = tpu.memref_slice %arg4[%mul3A_64] : memref<32768xi32, #tpu.memory_space<hbm>> -> memref<128xi32, #tpu.memory_space<hbm>>
    %dma_start3A_79 = arith.constant 0 : i32
    %dma_start3A_80 = tpu.memref_slice %arg8[%dma_start3A_74, %dma_start3A_79] : memref<2x128xi32, #tpu.memory_space<vmem>> -> memref<1x128xi32, #tpu.memory_space<vmem>>
    %dma_start3A_81 = tpu.memref_squeeze %dma_start3A_80 : memref<1x128xi32, #tpu.memory_space<vmem>> -> memref<128xi32, #tpu.memory_space<vmem>>
    %dma_start3A_82 = tpu.memref_slice %arg4[%mul3A_64] : memref<32768xi32, #tpu.memory_space<hbm>> -> memref<128xi32, #tpu.memory_space<hbm>>
    tpu.enqueue_dma source(%dma_start3A_82 : memref<128xi32, #tpu.memory_space<hbm>>) target(%dma_start3A_81 : memref<128xi32, #tpu.memory_space<vmem>>) target_semaphore(%arg13 : memref<!tpu.dma_semaphore, #tpu.memory_space<semaphore_mem>>)
    %dma_wait3A_83 = arith.constant 1 : i32
    %dma_wait3A_84 = arith.constant 0 : i32
    %dma_wait3A_85 = tpu.memref_slice %arg7[%dma_wait3A_83, %dma_wait3A_84] : memref<2x128xi32, #tpu.memory_space<vmem>> -> memref<1x128xi32, #tpu.memory_space<vmem>>
    %dma_wait3A_86 = tpu.memref_squeeze %dma_wait3A_85 : memref<1x128xi32, #tpu.memory_space<vmem>> -> memref<128xi32, #tpu.memory_space<vmem>>
    %dma_wait3A_87 = tpu.memref_slice %arg3[%mul3A_64] : memref<32768xi32, #tpu.memory_space<hbm>> -> memref<128xi32, #tpu.memory_space<hbm>>
    %dma_wait3A_88 = arith.constant 0 : i32
    %dma_wait3A_89 = tpu.memref_slice %arg7[%dma_wait3A_83, %dma_wait3A_88] : memref<2x128xi32, #tpu.memory_space<vmem>> -> memref<1x128xi32, #tpu.memory_space<vmem>>
    %dma_wait3A_90 = tpu.memref_squeeze %dma_wait3A_89 : memref<1x128xi32, #tpu.memory_space<vmem>> -> memref<128xi32, #tpu.memory_space<vmem>>
    %dma_wait3A_91 = tpu.memref_slice %arg3[%mul3A_64] : memref<32768xi32, #tpu.memory_space<hbm>> -> memref<128xi32, #tpu.memory_space<hbm>>
    tpu.wait_dma2 semaphore(%arg13 : memref<!tpu.dma_semaphore, #tpu.memory_space<semaphore_mem>>) src(%dma_wait3A_91 : memref<128xi32, #tpu.memory_space<hbm>>) dst(%dma_wait3A_90 : memref<128xi32, #tpu.memory_space<vmem>>)
    %dma_wait3A_92 = arith.constant 1 : i32
    %dma_wait3A_93 = arith.constant 0 : i32
    %dma_wait3A_94 = tpu.memref_slice %arg8[%dma_wait3A_92, %dma_wait3A_93] : memref<2x128xi32, #tpu.memory_space<vmem>> -> memref<1x128xi32, #tpu.memory_space<vmem>>
    %dma_wait3A_95 = tpu.memref_squeeze %dma_wait3A_94 : memref<1x128xi32, #tpu.memory_space<vmem>> -> memref<128xi32, #tpu.memory_space<vmem>>
    %dma_wait3A_96 = tpu.memref_slice %arg4[%mul3A_64] : memref<32768xi32, #tpu.memory_space<hbm>> -> memref<128xi32, #tpu.memory_space<hbm>>
    %dma_wait3A_97 = arith.constant 0 : i32
    %dma_wait3A_98 = tpu.memref_slice %arg8[%dma_wait3A_92, %dma_wait3A_97] : memref<2x128xi32, #tpu.memory_space<vmem>> -> memref<1x128xi32, #tpu.memory_space<vmem>>
    %dma_wait3A_99 = tpu.memref_squeeze %dma_wait3A_98 : memref<1x128xi32, #tpu.memory_space<vmem>> -> memref<128xi32, #tpu.memory_space<vmem>>
    %dma_wait3A_100 = tpu.memref_slice %arg4[%mul3A_64] : memref<32768xi32, #tpu.memory_space<hbm>> -> memref<128xi32, #tpu.memory_space<hbm>>
    tpu.wait_dma2 semaphore(%arg13 : memref<!tpu.dma_semaphore, #tpu.memory_space<semaphore_mem>>) src(%dma_wait3A_100 : memref<128xi32, #tpu.memory_space<hbm>>) dst(%dma_wait3A_99 : memref<128xi32, #tpu.memory_space<vmem>>)
    %dma_start3A_101 = arith.constant 1 : i32
    %dma_start3A_102 = arith.constant 1 : i32
    %dma_start3A_103 = arith.constant 0 : i32
    %dma_start3A_104 = arith.constant 0 : i32
    %dma_start3A_105 = tpu.memref_slice %arg9[%dma_start3A_102, %dma_start3A_103, %dma_start3A_104] : memref<2x128x128xf32, #tpu.memory_space<vmem>> -> memref<1x128x128xf32, #tpu.memory_space<vmem>>
    %dma_start3A_106 = tpu.memref_squeeze %dma_start3A_105 : memref<1x128x128xf32, #tpu.memory_space<vmem>> -> memref<128x128xf32, #tpu.memory_space<vmem>>
    %dma_start3A_107 = arith.constant 0 : i32
    %dma_start3A_108 = tpu.memref_slice %arg7[%dma_start3A_101, %dma_start3A_107] : memref<2x128xi32, #tpu.memory_space<vmem>> -> memref<1x128xi32, #tpu.memory_space<vmem>>
    %dma_start3A_109 = tpu.memref_squeeze %dma_start3A_108 : memref<1x128xi32, #tpu.memory_space<vmem>> -> memref<128xi32, #tpu.memory_space<vmem>>
    %dma_start3A_110 = arith.constant 0 : i32
    %dma_start3A_111 = arith.constant 0 : i32
    %dma_start3A_112 = tpu.memref_slice %arg10[%dma_start3A_110, %dma_start3A_111] : memref<1024x128xf32, #tpu.memory_space<vmem_shared>> -> memref<1024x128xf32, #tpu.memory_space<vmem_shared>>
    tpu.enqueue_indirect_dma source(%dma_start3A_112 : memref<1024x128xf32, #tpu.memory_space<vmem_shared>>) target(%dma_start3A_106 : memref<128x128xf32, #tpu.memory_space<vmem>>) offsets(%dma_start3A_109 : memref<128xi32, #tpu.memory_space<vmem>>) semaphore(%arg15 : memref<!tpu.dma_semaphore, #tpu.memory_space<semaphore_mem>>)
    %scan3A = arith.constant 0 : i32
    %scan3A_113 = arith.constant 0 : i32
    %scan3A_114 = arith.constant 4 : i32
    %scan3A_115 = arith.addi %scan3A_113, %scan3A_114 : i32
    %scan3A_116 = arith.constant 1 : i32
    scf.for %scan3A_122 = %scan3A_113 to %scan3A_115 step %scan3A_116  : i32 {
      %dma_wait3A_123 = arith.constant 0 : i32
      %dma_wait3A_124 = arith.constant 0 : i32
      %dma_wait3A_125 = arith.constant 0 : i32
      %dma_wait3A_126 = arith.constant 0 : i32
      %dma_wait3A_127 = tpu.memref_slice %arg9[%dma_wait3A_124, %dma_wait3A_125, %dma_wait3A_126] : memref<2x128x128xf32, #tpu.memory_space<vmem>> -> memref<1x128x128xf32, #tpu.memory_space<vmem>>
      %dma_wait3A_128 = tpu.memref_squeeze %dma_wait3A_127 : memref<1x128x128xf32, #tpu.memory_space<vmem>> -> memref<128x128xf32, #tpu.memory_space<vmem>>
      %dma_wait3A_129 = arith.constant 0 : i32
      %dma_wait3A_130 = tpu.memref_slice %arg7[%dma_wait3A_123, %dma_wait3A_129] : memref<2x128xi32, #tpu.memory_space<vmem>> -> memref<1x128xi32, #tpu.memory_space<vmem>>
      %dma_wait3A_131 = tpu.memref_squeeze %dma_wait3A_130 : memref<1x128xi32, #tpu.memory_space<vmem>> -> memref<128xi32, #tpu.memory_space<vmem>>
      %dma_wait3A_132 = arith.constant 0 : i32
      %dma_wait3A_133 = arith.constant 0 : i32
      %dma_wait3A_134 = tpu.memref_slice %arg10[%dma_wait3A_132, %dma_wait3A_133] : memref<1024x128xf32, #tpu.memory_space<vmem_shared>> -> memref<1024x128xf32, #tpu.memory_space<vmem_shared>>
      tpu.wait_indirect_dma semaphore(%arg14 : memref<!tpu.dma_semaphore, #tpu.memory_space<semaphore_mem>>) src(%dma_wait3A_134 : memref<1024x128xf32, #tpu.memory_space<vmem_shared>>) dst(%dma_wait3A_128 : memref<128x128xf32, #tpu.memory_space<vmem>>)
      %run_scoped3A = arith.constant 0 : i32
      %run_scoped3A_135 = arith.constant 0 : i32
      "tpu.region"() ({
        %run_scoped3A_160 = tpu.sem_alloc : memref<!tpu.dma_semaphore, #tpu.memory_space<semaphore_mem>>
        %dma_start3A_161 = arith.constant 0 : i32
        %dma_start3A_162 = arith.constant 0 : i32
        %dma_start3A_163 = tpu.memref_slice %arg9[%run_scoped3A, %dma_start3A_161, %dma_start3A_162] : memref<2x128x128xf32, #tpu.memory_space<vmem>> -> memref<1x128x128xf32, #tpu.memory_space<vmem>>
        %dma_start3A_164 = tpu.memref_squeeze %dma_start3A_163 : memref<1x128x128xf32, #tpu.memory_space<vmem>> -> memref<128x128xf32, #tpu.memory_space<vmem>>
        %dma_start3A_165 = arith.constant 0 : i32
        %dma_start3A_166 = tpu.memref_slice %arg8[%run_scoped3A_135, %dma_start3A_165] : memref<2x128xi32, #tpu.memory_space<vmem>> -> memref<1x128xi32, #tpu.memory_space<vmem>>
        %dma_start3A_167 = tpu.memref_squeeze %dma_start3A_166 : memref<1x128xi32, #tpu.memory_space<vmem>> -> memref<128xi32, #tpu.memory_space<vmem>>
        %dma_start3A_168 = arith.constant 0 : i32
        %dma_start3A_169 = arith.constant 0 : i32
        %dma_start3A_170 = tpu.memref_slice %arg11[%dma_start3A_168, %dma_start3A_169] : memref<1024x128xf32, #tpu.memory_space<vmem_shared>> -> memref<1024x128xf32, #tpu.memory_space<vmem_shared>>
        tpu.enqueue_indirect_dma source(%dma_start3A_164 : memref<128x128xf32, #tpu.memory_space<vmem>>) target(%dma_start3A_170 : memref<1024x128xf32, #tpu.memory_space<vmem_shared>>) offsets(%dma_start3A_167 : memref<128xi32, #tpu.memory_space<vmem>>) semaphore(%run_scoped3A_160 : memref<!tpu.dma_semaphore, #tpu.memory_space<semaphore_mem>>) {add = true}
        %dma_wait3A_171 = arith.constant 0 : i32
        %dma_wait3A_172 = arith.constant 0 : i32
        %dma_wait3A_173 = tpu.memref_slice %arg9[%run_scoped3A, %dma_wait3A_171, %dma_wait3A_172] : memref<2x128x128xf32, #tpu.memory_space<vmem>> -> memref<1x128x128xf32, #tpu.memory_space<vmem>>
        %dma_wait3A_174 = tpu.memref_squeeze %dma_wait3A_173 : memref<1x128x128xf32, #tpu.memory_space<vmem>> -> memref<128x128xf32, #tpu.memory_space<vmem>>
        %dma_wait3A_175 = arith.constant 0 : i32
        %dma_wait3A_176 = tpu.memref_slice %arg8[%run_scoped3A_135, %dma_wait3A_175] : memref<2x128xi32, #tpu.memory_space<vmem>> -> memref<1x128xi32, #tpu.memory_space<vmem>>
        %dma_wait3A_177 = tpu.memref_squeeze %dma_wait3A_176 : memref<1x128xi32, #tpu.memory_space<vmem>> -> memref<128xi32, #tpu.memory_space<vmem>>
        %dma_wait3A_178 = arith.constant 0 : i32
        %dma_wait3A_179 = arith.constant 0 : i32
        %dma_wait3A_180 = tpu.memref_slice %arg11[%dma_wait3A_178, %dma_wait3A_179] : memref<1024x128xf32, #tpu.memory_space<vmem_shared>> -> memref<1024x128xf32, #tpu.memory_space<vmem_shared>>
        tpu.wait_indirect_dma semaphore(%run_scoped3A_160 : memref<!tpu.dma_semaphore, #tpu.memory_space<semaphore_mem>>) src(%dma_wait3A_174 : memref<128x128xf32, #tpu.memory_space<vmem>>) dst(%dma_wait3A_180 : memref<1024x128xf32, #tpu.memory_space<vmem_shared>>)
        tpu.yield
      }) : () -> ()
      %lt3A_136 = arith.constant 3 : i32
      %lt3A_137 = arith.cmpi slt, %scan3A_122, %lt3A_136 : i32
      %convert_element_type3A_138 = arith.extui %lt3A_137 : i1 to i32
      %cond3A_139 = arith.constant 0 : i32
      %cond3A_140 = arith.cmpi ne, %convert_element_type3A_138, %cond3A_139 : i32
      scf.if %cond3A_140 {
        %mul3A_160 = arith.constant 2 : i32
        %mul3A_161 = arith.muli %mul3A_160, %scan3A_122 : i32
        %add3A_162 = arith.constant 2 : i32
        %add3A_163 = arith.addi %mul3A_161, %add3A_162 : i32
        %add3A_164 = arith.addi %mul3A_10, %add3A_163 : i32
        %mul3A_165 = arith.constant 128 : i32
        %mul3A_166 = arith.muli %add3A_164, %mul3A_165 : i32
        %dma_start3A_167 = arith.constant 0 : i32
        %dma_start3A_168 = arith.constant 0 : i32
        %dma_start3A_169 = tpu.memref_slice %arg7[%dma_start3A_167, %dma_start3A_168] : memref<2x128xi32, #tpu.memory_space<vmem>> -> memref<1x128xi32, #tpu.memory_space<vmem>>
        %dma_start3A_170 = tpu.memref_squeeze %dma_start3A_169 : memref<1x128xi32, #tpu.memory_space<vmem>> -> memref<128xi32, #tpu.memory_space<vmem>>
        %dma_start3A_171 = tpu.memref_slice %arg3[%mul3A_166] : memref<32768xi32, #tpu.memory_space<hbm>> -> memref<128xi32, #tpu.memory_space<hbm>>
        %dma_start3A_172 = arith.constant 0 : i32
        %dma_start3A_173 = tpu.memref_slice %arg7[%dma_start3A_167, %dma_start3A_172] : memref<2x128xi32, #tpu.memory_space<vmem>> -> memref<1x128xi32, #tpu.memory_space<vmem>>
        %dma_start3A_174 = tpu.memref_squeeze %dma_start3A_173 : memref<1x128xi32, #tpu.memory_space<vmem>> -> memref<128xi32, #tpu.memory_space<vmem>>
        %dma_start3A_175 = tpu.memref_slice %arg3[%mul3A_166] : memref<32768xi32, #tpu.memory_space<hbm>> -> memref<128xi32, #tpu.memory_space<hbm>>
        tpu.enqueue_dma source(%dma_start3A_175 : memref<128xi32, #tpu.memory_space<hbm>>) target(%dma_start3A_174 : memref<128xi32, #tpu.memory_space<vmem>>) target_semaphore(%arg12 : memref<!tpu.dma_semaphore, #tpu.memory_space<semaphore_mem>>)
        %dma_start3A_176 = arith.constant 0 : i32
        %dma_start3A_177 = arith.constant 0 : i32
        %dma_start3A_178 = tpu.memref_slice %arg8[%dma_start3A_176, %dma_start3A_177] : memref<2x128xi32, #tpu.memory_space<vmem>> -> memref<1x128xi32, #tpu.memory_space<vmem>>
        %dma_start3A_179 = tpu.memref_squeeze %dma_start3A_178 : memref<1x128xi32, #tpu.memory_space<vmem>> -> memref<128xi32, #tpu.memory_space<vmem>>
        %dma_start3A_180 = tpu.memref_slice %arg4[%mul3A_166] : memref<32768xi32, #tpu.memory_space<hbm>> -> memref<128xi32, #tpu.memory_space<hbm>>
        %dma_start3A_181 = arith.constant 0 : i32
        %dma_start3A_182 = tpu.memref_slice %arg8[%dma_start3A_176, %dma_start3A_181] : memref<2x128xi32, #tpu.memory_space<vmem>> -> memref<1x128xi32, #tpu.memory_space<vmem>>
        %dma_start3A_183 = tpu.memref_squeeze %dma_start3A_182 : memref<1x128xi32, #tpu.memory_space<vmem>> -> memref<128xi32, #tpu.memory_space<vmem>>
        %dma_start3A_184 = tpu.memref_slice %arg4[%mul3A_166] : memref<32768xi32, #tpu.memory_space<hbm>> -> memref<128xi32, #tpu.memory_space<hbm>>
        tpu.enqueue_dma source(%dma_start3A_184 : memref<128xi32, #tpu.memory_space<hbm>>) target(%dma_start3A_183 : memref<128xi32, #tpu.memory_space<vmem>>) target_semaphore(%arg12 : memref<!tpu.dma_semaphore, #tpu.memory_space<semaphore_mem>>)
        %dma_wait3A_185 = arith.constant 0 : i32
        %dma_wait3A_186 = arith.constant 0 : i32
        %dma_wait3A_187 = tpu.memref_slice %arg7[%dma_wait3A_185, %dma_wait3A_186] : memref<2x128xi32, #tpu.memory_space<vmem>> -> memref<1x128xi32, #tpu.memory_space<vmem>>
        %dma_wait3A_188 = tpu.memref_squeeze %dma_wait3A_187 : memref<1x128xi32, #tpu.memory_space<vmem>> -> memref<128xi32, #tpu.memory_space<vmem>>
        %dma_wait3A_189 = tpu.memref_slice %arg3[%mul3A_166] : memref<32768xi32, #tpu.memory_space<hbm>> -> memref<128xi32, #tpu.memory_space<hbm>>
        %dma_wait3A_190 = arith.constant 0 : i32
        %dma_wait3A_191 = tpu.memref_slice %arg7[%dma_wait3A_185, %dma_wait3A_190] : memref<2x128xi32, #tpu.memory_space<vmem>> -> memref<1x128xi32, #tpu.memory_space<vmem>>
        %dma_wait3A_192 = tpu.memref_squeeze %dma_wait3A_191 : memref<1x128xi32, #tpu.memory_space<vmem>> -> memref<128xi32, #tpu.memory_space<vmem>>
        %dma_wait3A_193 = tpu.memref_slice %arg3[%mul3A_166] : memref<32768xi32, #tpu.memory_space<hbm>> -> memref<128xi32, #tpu.memory_space<hbm>>
        tpu.wait_dma2 semaphore(%arg12 : memref<!tpu.dma_semaphore, #tpu.memory_space<semaphore_mem>>) src(%dma_wait3A_193 : memref<128xi32, #tpu.memory_space<hbm>>) dst(%dma_wait3A_192 : memref<128xi32, #tpu.memory_space<vmem>>)
        %dma_wait3A_194 = arith.constant 0 : i32
        %dma_wait3A_195 = arith.constant 0 : i32
        %dma_wait3A_196 = tpu.memref_slice %arg8[%dma_wait3A_194, %dma_wait3A_195] : memref<2x128xi32, #tpu.memory_space<vmem>> -> memref<1x128xi32, #tpu.memory_space<vmem>>
        %dma_wait3A_197 = tpu.memref_squeeze %dma_wait3A_196 : memref<1x128xi32, #tpu.memory_space<vmem>> -> memref<128xi32, #tpu.memory_space<vmem>>
        %dma_wait3A_198 = tpu.memref_slice %arg4[%mul3A_166] : memref<32768xi32, #tpu.memory_space<hbm>> -> memref<128xi32, #tpu.memory_space<hbm>>
        %dma_wait3A_199 = arith.constant 0 : i32
        %dma_wait3A_200 = tpu.memref_slice %arg8[%dma_wait3A_194, %dma_wait3A_199] : memref<2x128xi32, #tpu.memory_space<vmem>> -> memref<1x128xi32, #tpu.memory_space<vmem>>
        %dma_wait3A_201 = tpu.memref_squeeze %dma_wait3A_200 : memref<1x128xi32, #tpu.memory_space<vmem>> -> memref<128xi32, #tpu.memory_space<vmem>>
        %dma_wait3A_202 = tpu.memref_slice %arg4[%mul3A_166] : memref<32768xi32, #tpu.memory_space<hbm>> -> memref<128xi32, #tpu.memory_space<hbm>>
        tpu.wait_dma2 semaphore(%arg12 : memref<!tpu.dma_semaphore, #tpu.memory_space<semaphore_mem>>) src(%dma_wait3A_202 : memref<128xi32, #tpu.memory_space<hbm>>) dst(%dma_wait3A_201 : memref<128xi32, #tpu.memory_space<vmem>>)
        %dma_start3A_203 = arith.constant 0 : i32
        %dma_start3A_204 = arith.constant 0 : i32
        %dma_start3A_205 = arith.constant 0 : i32
        %dma_start3A_206 = arith.constant 0 : i32
        %dma_start3A_207 = tpu.memref_slice %arg9[%dma_start3A_204, %dma_start3A_205, %dma_start3A_206] : memref<2x128x128xf32, #tpu.memory_space<vmem>> -> memref<1x128x128xf32, #tpu.memory_space<vmem>>
        %dma_start3A_208 = tpu.memref_squeeze %dma_start3A_207 : memref<1x128x128xf32, #tpu.memory_space<vmem>> -> memref<128x128xf32, #tpu.memory_space<vmem>>
        %dma_start3A_209 = arith.constant 0 : i32
        %dma_start3A_210 = tpu.memref_slice %arg7[%dma_start3A_203, %dma_start3A_209] : memref<2x128xi32, #tpu.memory_space<vmem>> -> memref<1x128xi32, #tpu.memory_space<vmem>>
        %dma_start3A_211 = tpu.memref_squeeze %dma_start3A_210 : memref<1x128xi32, #tpu.memory_space<vmem>> -> memref<128xi32, #tpu.memory_space<vmem>>
        %dma_start3A_212 = arith.constant 0 : i32
        %dma_start3A_213 = arith.constant 0 : i32
        %dma_start3A_214 = tpu.memref_slice %arg10[%dma_start3A_212, %dma_start3A_213] : memref<1024x128xf32, #tpu.memory_space<vmem_shared>> -> memref<1024x128xf32, #tpu.memory_space<vmem_shared>>
        tpu.enqueue_indirect_dma source(%dma_start3A_214 : memref<1024x128xf32, #tpu.memory_space<vmem_shared>>) target(%dma_start3A_208 : memref<128x128xf32, #tpu.memory_space<vmem>>) offsets(%dma_start3A_211 : memref<128xi32, #tpu.memory_space<vmem>>) semaphore(%arg14 : memref<!tpu.dma_semaphore, #tpu.memory_space<semaphore_mem>>)
      } else {
      }
      %dma_wait3A_141 = arith.constant 1 : i32
      %dma_wait3A_142 = arith.constant 1 : i32
      %dma_wait3A_143 = arith.constant 0 : i32
      %dma_wait3A_144 = arith.constant 0 : i32
      %dma_wait3A_145 = tpu.memref_slice %arg9[%dma_wait3A_142, %dma_wait3A_143, %dma_wait3A_144] : memref<2x128x128xf32, #tpu.memory_space<vmem>> -> memref<1x128x128xf32, #tpu.memory_space<vmem>>
      %dma_wait3A_146 = tpu.memref_squeeze %dma_wait3A_145 : memref<1x128x128xf32, #tpu.memory_space<vmem>> -> memref<128x128xf32, #tpu.memory_space<vmem>>
      %dma_wait3A_147 = arith.constant 0 : i32
      %dma_wait3A_148 = tpu.memref_slice %arg7[%dma_wait3A_141, %dma_wait3A_147] : memref<2x128xi32, #tpu.memory_space<vmem>> -> memref<1x128xi32, #tpu.memory_space<vmem>>
      %dma_wait3A_149 = tpu.memref_squeeze %dma_wait3A_148 : memref<1x128xi32, #tpu.memory_space<vmem>> -> memref<128xi32, #tpu.memory_space<vmem>>
      %dma_wait3A_150 = arith.constant 0 : i32
      %dma_wait3A_151 = arith.constant 0 : i32
      %dma_wait3A_152 = tpu.memref_slice %arg10[%dma_wait3A_150, %dma_wait3A_151] : memref<1024x128xf32, #tpu.memory_space<vmem_shared>> -> memref<1024x128xf32, #tpu.memory_space<vmem_shared>>
      tpu.wait_indirect_dma semaphore(%arg15 : memref<!tpu.dma_semaphore, #tpu.memory_space<semaphore_mem>>) src(%dma_wait3A_152 : memref<1024x128xf32, #tpu.memory_space<vmem_shared>>) dst(%dma_wait3A_146 : memref<128x128xf32, #tpu.memory_space<vmem>>)
      %run_scoped3A_153 = arith.constant 1 : i32
      %run_scoped3A_154 = arith.constant 1 : i32
      "tpu.region"() ({
        %run_scoped3A_160 = tpu.sem_alloc : memref<!tpu.dma_semaphore, #tpu.memory_space<semaphore_mem>>
        %dma_start3A_161 = arith.constant 0 : i32
        %dma_start3A_162 = arith.constant 0 : i32
        %dma_start3A_163 = tpu.memref_slice %arg9[%run_scoped3A_153, %dma_start3A_161, %dma_start3A_162] : memref<2x128x128xf32, #tpu.memory_space<vmem>> -> memref<1x128x128xf32, #tpu.memory_space<vmem>>
        %dma_start3A_164 = tpu.memref_squeeze %dma_start3A_163 : memref<1x128x128xf32, #tpu.memory_space<vmem>> -> memref<128x128xf32, #tpu.memory_space<vmem>>
        %dma_start3A_165 = arith.constant 0 : i32
        %dma_start3A_166 = tpu.memref_slice %arg8[%run_scoped3A_154, %dma_start3A_165] : memref<2x128xi32, #tpu.memory_space<vmem>> -> memref<1x128xi32, #tpu.memory_space<vmem>>
        %dma_start3A_167 = tpu.memref_squeeze %dma_start3A_166 : memref<1x128xi32, #tpu.memory_space<vmem>> -> memref<128xi32, #tpu.memory_space<vmem>>
        %dma_start3A_168 = arith.constant 0 : i32
        %dma_start3A_169 = arith.constant 0 : i32
        %dma_start3A_170 = tpu.memref_slice %arg11[%dma_start3A_168, %dma_start3A_169] : memref<1024x128xf32, #tpu.memory_space<vmem_shared>> -> memref<1024x128xf32, #tpu.memory_space<vmem_shared>>
        tpu.enqueue_indirect_dma source(%dma_start3A_164 : memref<128x128xf32, #tpu.memory_space<vmem>>) target(%dma_start3A_170 : memref<1024x128xf32, #tpu.memory_space<vmem_shared>>) offsets(%dma_start3A_167 : memref<128xi32, #tpu.memory_space<vmem>>) semaphore(%run_scoped3A_160 : memref<!tpu.dma_semaphore, #tpu.memory_space<semaphore_mem>>) {add = true}
        %dma_wait3A_171 = arith.constant 0 : i32
        %dma_wait3A_172 = arith.constant 0 : i32
        %dma_wait3A_173 = tpu.memref_slice %arg9[%run_scoped3A_153, %dma_wait3A_171, %dma_wait3A_172] : memref<2x128x128xf32, #tpu.memory_space<vmem>> -> memref<1x128x128xf32, #tpu.memory_space<vmem>>
        %dma_wait3A_174 = tpu.memref_squeeze %dma_wait3A_173 : memref<1x128x128xf32, #tpu.memory_space<vmem>> -> memref<128x128xf32, #tpu.memory_space<vmem>>
        %dma_wait3A_175 = arith.constant 0 : i32
        %dma_wait3A_176 = tpu.memref_slice %arg8[%run_scoped3A_154, %dma_wait3A_175] : memref<2x128xi32, #tpu.memory_space<vmem>> -> memref<1x128xi32, #tpu.memory_space<vmem>>
        %dma_wait3A_177 = tpu.memref_squeeze %dma_wait3A_176 : memref<1x128xi32, #tpu.memory_space<vmem>> -> memref<128xi32, #tpu.memory_space<vmem>>
        %dma_wait3A_178 = arith.constant 0 : i32
        %dma_wait3A_179 = arith.constant 0 : i32
        %dma_wait3A_180 = tpu.memref_slice %arg11[%dma_wait3A_178, %dma_wait3A_179] : memref<1024x128xf32, #tpu.memory_space<vmem_shared>> -> memref<1024x128xf32, #tpu.memory_space<vmem_shared>>
        tpu.wait_indirect_dma semaphore(%run_scoped3A_160 : memref<!tpu.dma_semaphore, #tpu.memory_space<semaphore_mem>>) src(%dma_wait3A_174 : memref<128x128xf32, #tpu.memory_space<vmem>>) dst(%dma_wait3A_180 : memref<1024x128xf32, #tpu.memory_space<vmem_shared>>)
        tpu.yield
      }) : () -> ()
      %lt3A_155 = arith.constant 3 : i32
      %lt3A_156 = arith.cmpi slt, %scan3A_122, %lt3A_155 : i32
      %convert_element_type3A_157 = arith.extui %lt3A_156 : i1 to i32
      %cond3A_158 = arith.constant 0 : i32
      %cond3A_159 = arith.cmpi ne, %convert_element_type3A_157, %cond3A_158 : i32
      scf.if %cond3A_159 {
        %mul3A_160 = arith.constant 2 : i32
        %mul3A_161 = arith.muli %mul3A_160, %scan3A_122 : i32
        %add3A_162 = arith.constant 3 : i32
        %add3A_163 = arith.addi %mul3A_161, %add3A_162 : i32
        %add3A_164 = arith.addi %mul3A_10, %add3A_163 : i32
        %mul3A_165 = arith.constant 128 : i32
        %mul3A_166 = arith.muli %add3A_164, %mul3A_165 : i32
        %dma_start3A_167 = arith.constant 1 : i32
        %dma_start3A_168 = arith.constant 0 : i32
        %dma_start3A_169 = tpu.memref_slice %arg7[%dma_start3A_167, %dma_start3A_168] : memref<2x128xi32, #tpu.memory_space<vmem>> -> memref<1x128xi32, #tpu.memory_space<vmem>>
        %dma_start3A_170 = tpu.memref_squeeze %dma_start3A_169 : memref<1x128xi32, #tpu.memory_space<vmem>> -> memref<128xi32, #tpu.memory_space<vmem>>
        %dma_start3A_171 = tpu.memref_slice %arg3[%mul3A_166] : memref<32768xi32, #tpu.memory_space<hbm>> -> memref<128xi32, #tpu.memory_space<hbm>>
        %dma_start3A_172 = arith.constant 0 : i32
        %dma_start3A_173 = tpu.memref_slice %arg7[%dma_start3A_167, %dma_start3A_172] : memref<2x128xi32, #tpu.memory_space<vmem>> -> memref<1x128xi32, #tpu.memory_space<vmem>>
        %dma_start3A_174 = tpu.memref_squeeze %dma_start3A_173 : memref<1x128xi32, #tpu.memory_space<vmem>> -> memref<128xi32, #tpu.memory_space<vmem>>
        %dma_start3A_175 = tpu.memref_slice %arg3[%mul3A_166] : memref<32768xi32, #tpu.memory_space<hbm>> -> memref<128xi32, #tpu.memory_space<hbm>>
        tpu.enqueue_dma source(%dma_start3A_175 : memref<128xi32, #tpu.memory_space<hbm>>) target(%dma_start3A_174 : memref<128xi32, #tpu.memory_space<vmem>>) target_semaphore(%arg13 : memref<!tpu.dma_semaphore, #tpu.memory_space<semaphore_mem>>)
        %dma_start3A_176 = arith.constant 1 : i32
        %dma_start3A_177 = arith.constant 0 : i32
        %dma_start3A_178 = tpu.memref_slice %arg8[%dma_start3A_176, %dma_start3A_177] : memref<2x128xi32, #tpu.memory_space<vmem>> -> memref<1x128xi32, #tpu.memory_space<vmem>>
        %dma_start3A_179 = tpu.memref_squeeze %dma_start3A_178 : memref<1x128xi32, #tpu.memory_space<vmem>> -> memref<128xi32, #tpu.memory_space<vmem>>
        %dma_start3A_180 = tpu.memref_slice %arg4[%mul3A_166] : memref<32768xi32, #tpu.memory_space<hbm>> -> memref<128xi32, #tpu.memory_space<hbm>>
        %dma_start3A_181 = arith.constant 0 : i32
        %dma_start3A_182 = tpu.memref_slice %arg8[%dma_start3A_176, %dma_start3A_181] : memref<2x128xi32, #tpu.memory_space<vmem>> -> memref<1x128xi32, #tpu.memory_space<vmem>>
        %dma_start3A_183 = tpu.memref_squeeze %dma_start3A_182 : memref<1x128xi32, #tpu.memory_space<vmem>> -> memref<128xi32, #tpu.memory_space<vmem>>
        %dma_start3A_184 = tpu.memref_slice %arg4[%mul3A_166] : memref<32768xi32, #tpu.memory_space<hbm>> -> memref<128xi32, #tpu.memory_space<hbm>>
        tpu.enqueue_dma source(%dma_start3A_184 : memref<128xi32, #tpu.memory_space<hbm>>) target(%dma_start3A_183 : memref<128xi32, #tpu.memory_space<vmem>>) target_semaphore(%arg13 : memref<!tpu.dma_semaphore, #tpu.memory_space<semaphore_mem>>)
        %dma_wait3A_185 = arith.constant 1 : i32
        %dma_wait3A_186 = arith.constant 0 : i32
        %dma_wait3A_187 = tpu.memref_slice %arg7[%dma_wait3A_185, %dma_wait3A_186] : memref<2x128xi32, #tpu.memory_space<vmem>> -> memref<1x128xi32, #tpu.memory_space<vmem>>
        %dma_wait3A_188 = tpu.memref_squeeze %dma_wait3A_187 : memref<1x128xi32, #tpu.memory_space<vmem>> -> memref<128xi32, #tpu.memory_space<vmem>>
        %dma_wait3A_189 = tpu.memref_slice %arg3[%mul3A_166] : memref<32768xi32, #tpu.memory_space<hbm>> -> memref<128xi32, #tpu.memory_space<hbm>>
        %dma_wait3A_190 = arith.constant 0 : i32
        %dma_wait3A_191 = tpu.memref_slice %arg7[%dma_wait3A_185, %dma_wait3A_190] : memref<2x128xi32, #tpu.memory_space<vmem>> -> memref<1x128xi32, #tpu.memory_space<vmem>>
        %dma_wait3A_192 = tpu.memref_squeeze %dma_wait3A_191 : memref<1x128xi32, #tpu.memory_space<vmem>> -> memref<128xi32, #tpu.memory_space<vmem>>
        %dma_wait3A_193 = tpu.memref_slice %arg3[%mul3A_166] : memref<32768xi32, #tpu.memory_space<hbm>> -> memref<128xi32, #tpu.memory_space<hbm>>
        tpu.wait_dma2 semaphore(%arg13 : memref<!tpu.dma_semaphore, #tpu.memory_space<semaphore_mem>>) src(%dma_wait3A_193 : memref<128xi32, #tpu.memory_space<hbm>>) dst(%dma_wait3A_192 : memref<128xi32, #tpu.memory_space<vmem>>)
        %dma_wait3A_194 = arith.constant 1 : i32
        %dma_wait3A_195 = arith.constant 0 : i32
        %dma_wait3A_196 = tpu.memref_slice %arg8[%dma_wait3A_194, %dma_wait3A_195] : memref<2x128xi32, #tpu.memory_space<vmem>> -> memref<1x128xi32, #tpu.memory_space<vmem>>
        %dma_wait3A_197 = tpu.memref_squeeze %dma_wait3A_196 : memref<1x128xi32, #tpu.memory_space<vmem>> -> memref<128xi32, #tpu.memory_space<vmem>>
        %dma_wait3A_198 = tpu.memref_slice %arg4[%mul3A_166] : memref<32768xi32, #tpu.memory_space<hbm>> -> memref<128xi32, #tpu.memory_space<hbm>>
        %dma_wait3A_199 = arith.constant 0 : i32
        %dma_wait3A_200 = tpu.memref_slice %arg8[%dma_wait3A_194, %dma_wait3A_199] : memref<2x128xi32, #tpu.memory_space<vmem>> -> memref<1x128xi32, #tpu.memory_space<vmem>>
        %dma_wait3A_201 = tpu.memref_squeeze %dma_wait3A_200 : memref<1x128xi32, #tpu.memory_space<vmem>> -> memref<128xi32, #tpu.memory_space<vmem>>
        %dma_wait3A_202 = tpu.memref_slice %arg4[%mul3A_166] : memref<32768xi32, #tpu.memory_space<hbm>> -> memref<128xi32, #tpu.memory_space<hbm>>
        tpu.wait_dma2 semaphore(%arg13 : memref<!tpu.dma_semaphore, #tpu.memory_space<semaphore_mem>>) src(%dma_wait3A_202 : memref<128xi32, #tpu.memory_space<hbm>>) dst(%dma_wait3A_201 : memref<128xi32, #tpu.memory_space<vmem>>)
        %dma_start3A_203 = arith.constant 1 : i32
        %dma_start3A_204 = arith.constant 1 : i32
        %dma_start3A_205 = arith.constant 0 : i32
        %dma_start3A_206 = arith.constant 0 : i32
        %dma_start3A_207 = tpu.memref_slice %arg9[%dma_start3A_204, %dma_start3A_205, %dma_start3A_206] : memref<2x128x128xf32, #tpu.memory_space<vmem>> -> memref<1x128x128xf32, #tpu.memory_space<vmem>>
        %dma_start3A_208 = tpu.memref_squeeze %dma_start3A_207 : memref<1x128x128xf32, #tpu.memory_space<vmem>> -> memref<128x128xf32, #tpu.memory_space<vmem>>
        %dma_start3A_209 = arith.constant 0 : i32
        %dma_start3A_210 = tpu.memref_slice %arg7[%dma_start3A_203, %dma_start3A_209] : memref<2x128xi32, #tpu.memory_space<vmem>> -> memref<1x128xi32, #tpu.memory_space<vmem>>
        %dma_start3A_211 = tpu.memref_squeeze %dma_start3A_210 : memref<1x128xi32, #tpu.memory_space<vmem>> -> memref<128xi32, #tpu.memory_space<vmem>>
        %dma_start3A_212 = arith.constant 0 : i32
        %dma_start3A_213 = arith.constant 0 : i32
        %dma_start3A_214 = tpu.memref_slice %arg10[%dma_start3A_212, %dma_start3A_213] : memref<1024x128xf32, #tpu.memory_space<vmem_shared>> -> memref<1024x128xf32, #tpu.memory_space<vmem_shared>>
        tpu.enqueue_indirect_dma source(%dma_start3A_214 : memref<1024x128xf32, #tpu.memory_space<vmem_shared>>) target(%dma_start3A_208 : memref<128x128xf32, #tpu.memory_space<vmem>>) offsets(%dma_start3A_211 : memref<128xi32, #tpu.memory_space<vmem>>) semaphore(%arg15 : memref<!tpu.dma_semaphore, #tpu.memory_space<semaphore_mem>>)
      } else {
      }
    }
    %scan3A_117 = arith.constant 4 : i32
    %barrier3A_118 = arith.constant 0 : index
    tpu.barrier barrier_id(%barrier3A_118)
    %mul3A_119 = arith.constant 1024 : i32
    %mul3A_120 = arith.muli %arg0, %mul3A_119 : i32
    %add3A_121 = arith.addi %mul3A_120, %mul3A_0 : i32
    "tpu.region"() ({
      %run_scoped3A = tpu.sem_alloc : memref<!tpu.dma_semaphore, #tpu.memory_space<semaphore_mem>>
      %dma_start3A_122 = arith.constant 0 : i32
      %dma_start3A_123 = tpu.memref_slice %arg6[%add3A_121, %dma_start3A_122] : memref<2048x128xf32, #tpu.memory_space<hbm>> -> memref<64x128xf32, #tpu.memory_space<hbm>>
      %dma_start3A_124 = arith.constant 0 : i32
      %dma_start3A_125 = tpu.memref_slice %arg11[%mul3A_0, %dma_start3A_124] : memref<1024x128xf32, #tpu.memory_space<vmem_shared>> -> memref<64x128xf32, #tpu.memory_space<vmem_shared>>
      tpu.enqueue_dma source(%dma_start3A_125 : memref<64x128xf32, #tpu.memory_space<vmem_shared>>) target(%dma_start3A_123 : memref<64x128xf32, #tpu.memory_space<hbm>>) target_semaphore(%run_scoped3A : memref<!tpu.dma_semaphore, #tpu.memory_space<semaphore_mem>>)
      %dma_wait3A_126 = arith.constant 0 : i32
      %dma_wait3A_127 = tpu.memref_slice %arg6[%add3A_121, %dma_wait3A_126] : memref<2048x128xf32, #tpu.memory_space<hbm>> -> memref<64x128xf32, #tpu.memory_space<hbm>>
      %dma_wait3A_128 = arith.constant 0 : i32
      %dma_wait3A_129 = tpu.memref_slice %arg11[%mul3A_0, %dma_wait3A_128] : memref<1024x128xf32, #tpu.memory_space<vmem_shared>> -> memref<64x128xf32, #tpu.memory_space<vmem_shared>>
      tpu.wait_dma2 semaphore(%run_scoped3A : memref<!tpu.dma_semaphore, #tpu.memory_space<semaphore_mem>>) src(%dma_wait3A_129 : memref<64x128xf32, #tpu.memory_space<vmem_shared>>) dst(%dma_wait3A_127 : memref<64x128xf32, #tpu.memory_space<hbm>>)
      tpu.yield
    }) : () -> ()
    return
  }
}

#map = affine_map<(d0, d1) -> (0, 0)>
#map1 = affine_map<(d0, d1) -> (0)>
module attributes {stable_mosaic.version = 14 : i64} {
  func.func @k(%arg0: i32, %arg1: i32, %arg2: memref<1024x128xf32, #tpu.memory_space<hbm>>, %arg3: memref<32768xi32, #tpu.memory_space<hbm>>, %arg4: memref<32768xi32, #tpu.memory_space<hbm>>, %arg5: memref<1024x128xf32, #tpu.memory_space<hbm>>, %arg6: memref<2048x128xf32, #tpu.memory_space<hbm>>, %arg7: memref<2x128xi32, #tpu.memory_space<vmem>>, %arg8: memref<2x128xi32, #tpu.memory_space<vmem>>, %arg9: memref<2x128x128xf32, #tpu.memory_space<vmem>>, %arg10: memref<1024x128xf32, #tpu.memory_space<vmem_shared>>, %arg11: memref<1024x128xf32, #tpu.memory_space<vmem_shared>>, %arg12: memref<!tpu.dma_semaphore, #tpu.memory_space<semaphore_mem>>, %arg13: memref<!tpu.dma_semaphore, #tpu.memory_space<semaphore_mem>>, %arg14: memref<!tpu.dma_semaphore, #tpu.memory_space<semaphore_mem>>, %arg15: memref<!tpu.dma_semaphore, #tpu.memory_space<semaphore_mem>>) attributes {dimension_semantics = [#tpu.dimension_semantics<core_parallel>, #tpu.dimension_semantics<subcore_parallel>], iteration_bounds = array<i64: 2, 16>, scalar_prefetch = 0 : i64, scratch_operands = 9 : i64, tpu.core_type = #tpu.core_type<sc_vector_subcore>, window_params = [{transform_indices = #map}, {transform_indices = #map1}, {transform_indices = #map1}, {transform_indices = #map}, {transform_indices = #map}]} {
    %mul3A = arith.constant 64 : i32
    %mul3A_0 = arith.muli %arg1, %mul3A : i32
    %lt3A = arith.constant 15 : i32
    %lt3A_1 = arith.cmpi slt, %arg1, %lt3A : i32
    %convert_element_type3A = arith.extui %lt3A_1 : i1 to i32
    %cond3A = arith.constant 0 : i32
    %cond3A_2 = arith.cmpi ne, %convert_element_type3A, %cond3A : i32
    scf.if %cond3A_2 {
      %mul3A_122 = arith.constant 64 : i32
      %mul3A_123 = arith.muli %arg1, %mul3A_122 : i32
      %mul3A_124 = arith.constant 64 : i32
      %mul3A_125 = arith.muli %arg1, %mul3A_124 : i32
      "tpu.region"() ({
        %run_scoped3A = tpu.sem_alloc : memref<!tpu.dma_semaphore, #tpu.memory_space<semaphore_mem>>
        %dma_start3A_126 = arith.constant 0 : i32
        %dma_start3A_127 = tpu.memref_slice %arg10[%mul3A_125, %dma_start3A_126] : memref<1024x128xf32, #tpu.memory_space<vmem_shared>> -> memref<64x128xf32, #tpu.memory_space<vmem_shared>>
        %dma_start3A_128 = arith.constant 0 : i32
        %dma_start3A_129 = tpu.memref_slice %arg2[%mul3A_123, %dma_start3A_128] : memref<1024x128xf32, #tpu.memory_space<hbm>> -> memref<64x128xf32, #tpu.memory_space<hbm>>
        tpu.enqueue_dma source(%dma_start3A_129 : memref<64x128xf32, #tpu.memory_space<hbm>>) target(%dma_start3A_127 : memref<64x128xf32, #tpu.memory_space<vmem_shared>>) target_semaphore(%run_scoped3A : memref<!tpu.dma_semaphore, #tpu.memory_space<semaphore_mem>>)
        %dma_wait3A_130 = arith.constant 0 : i32
        %dma_wait3A_131 = tpu.memref_slice %arg10[%mul3A_125, %dma_wait3A_130] : memref<1024x128xf32, #tpu.memory_space<vmem_shared>> -> memref<64x128xf32, #tpu.memory_space<vmem_shared>>
        %dma_wait3A_132 = arith.constant 0 : i32
        %dma_wait3A_133 = tpu.memref_slice %arg2[%mul3A_123, %dma_wait3A_132] : memref<1024x128xf32, #tpu.memory_space<hbm>> -> memref<64x128xf32, #tpu.memory_space<hbm>>
        tpu.wait_dma2 semaphore(%run_scoped3A : memref<!tpu.dma_semaphore, #tpu.memory_space<semaphore_mem>>) src(%dma_wait3A_133 : memref<64x128xf32, #tpu.memory_space<hbm>>) dst(%dma_wait3A_131 : memref<64x128xf32, #tpu.memory_space<vmem_shared>>)
        tpu.yield
      }) : () -> ()
    } else {
    }
    %eq3A = arith.constant 15 : i32
    %eq3A_3 = arith.cmpi eq, %arg1, %eq3A : i32
    %convert_element_type3A_4 = arith.extui %eq3A_3 : i1 to i32
    %cond3A_5 = arith.constant 0 : i32
    %cond3A_6 = arith.cmpi ne, %convert_element_type3A_4, %cond3A_5 : i32
    scf.if %cond3A_6 {
      "tpu.region"() ({
        %run_scoped3A = tpu.sem_alloc : memref<!tpu.dma_semaphore, #tpu.memory_space<semaphore_mem>>
        %dma_start3A_122 = arith.constant 960 : i32
        %dma_start3A_123 = arith.constant 0 : i32
        %dma_start3A_124 = tpu.memref_slice %arg10[%dma_start3A_122, %dma_start3A_123] : memref<1024x128xf32, #tpu.memory_space<vmem_shared>> -> memref<64x128xf32, #tpu.memory_space<vmem_shared>>
        %dma_start3A_125 = arith.constant 960 : i32
        %dma_start3A_126 = arith.constant 0 : i32
        %dma_start3A_127 = tpu.memref_slice %arg2[%dma_start3A_125, %dma_start3A_126] : memref<1024x128xf32, #tpu.memory_space<hbm>> -> memref<64x128xf32, #tpu.memory_space<hbm>>
        tpu.enqueue_dma source(%dma_start3A_127 : memref<64x128xf32, #tpu.memory_space<hbm>>) target(%dma_start3A_124 : memref<64x128xf32, #tpu.memory_space<vmem_shared>>) target_semaphore(%run_scoped3A : memref<!tpu.dma_semaphore, #tpu.memory_space<semaphore_mem>>)
        %dma_wait3A_128 = arith.constant 960 : i32
        %dma_wait3A_129 = arith.constant 0 : i32
        %dma_wait3A_130 = tpu.memref_slice %arg10[%dma_wait3A_128, %dma_wait3A_129] : memref<1024x128xf32, #tpu.memory_space<vmem_shared>> -> memref<64x128xf32, #tpu.memory_space<vmem_shared>>
        %dma_wait3A_131 = arith.constant 960 : i32
        %dma_wait3A_132 = arith.constant 0 : i32
        %dma_wait3A_133 = tpu.memref_slice %arg2[%dma_wait3A_131, %dma_wait3A_132] : memref<1024x128xf32, #tpu.memory_space<hbm>> -> memref<64x128xf32, #tpu.memory_space<hbm>>
        tpu.wait_dma2 semaphore(%run_scoped3A : memref<!tpu.dma_semaphore, #tpu.memory_space<semaphore_mem>>) src(%dma_wait3A_133 : memref<64x128xf32, #tpu.memory_space<hbm>>) dst(%dma_wait3A_130 : memref<64x128xf32, #tpu.memory_space<vmem_shared>>)
        tpu.yield
      }) : () -> ()
    } else {
    }
    "tpu.region"() ({
      %run_scoped3A = tpu.sem_alloc : memref<!tpu.dma_semaphore, #tpu.memory_space<semaphore_mem>>
      %dma_start3A_122 = arith.constant 0 : i32
      %dma_start3A_123 = tpu.memref_slice %arg11[%mul3A_0, %dma_start3A_122] : memref<1024x128xf32, #tpu.memory_space<vmem_shared>> -> memref<64x128xf32, #tpu.memory_space<vmem_shared>>
      %dma_start3A_124 = arith.constant 0 : i32
      %dma_start3A_125 = tpu.memref_slice %arg5[%mul3A_0, %dma_start3A_124] : memref<1024x128xf32, #tpu.memory_space<hbm>> -> memref<64x128xf32, #tpu.memory_space<hbm>>
      tpu.enqueue_dma source(%dma_start3A_125 : memref<64x128xf32, #tpu.memory_space<hbm>>) target(%dma_start3A_123 : memref<64x128xf32, #tpu.memory_space<vmem_shared>>) target_semaphore(%run_scoped3A : memref<!tpu.dma_semaphore, #tpu.memory_space<semaphore_mem>>)
      %dma_wait3A_126 = arith.constant 0 : i32
      %dma_wait3A_127 = tpu.memref_slice %arg11[%mul3A_0, %dma_wait3A_126] : memref<1024x128xf32, #tpu.memory_space<vmem_shared>> -> memref<64x128xf32, #tpu.memory_space<vmem_shared>>
      %dma_wait3A_128 = arith.constant 0 : i32
      %dma_wait3A_129 = tpu.memref_slice %arg5[%mul3A_0, %dma_wait3A_128] : memref<1024x128xf32, #tpu.memory_space<hbm>> -> memref<64x128xf32, #tpu.memory_space<hbm>>
      tpu.wait_dma2 semaphore(%run_scoped3A : memref<!tpu.dma_semaphore, #tpu.memory_space<semaphore_mem>>) src(%dma_wait3A_129 : memref<64x128xf32, #tpu.memory_space<hbm>>) dst(%dma_wait3A_127 : memref<64x128xf32, #tpu.memory_space<vmem_shared>>)
      tpu.yield
    }) : () -> ()
    %barrier3A = arith.constant 0 : index
    tpu.barrier barrier_id(%barrier3A)
    %mul3A_7 = arith.constant 16 : i32
    %mul3A_8 = arith.muli %arg0, %mul3A_7 : i32
    %add3A = arith.addi %mul3A_8, %arg1 : i32
    %mul3A_9 = arith.constant 8 : i32
    %mul3A_10 = arith.muli %add3A, %mul3A_9 : i32
    %add3A_11 = arith.constant 0 : i32
    %add3A_12 = arith.addi %mul3A_10, %add3A_11 : i32
    %mul3A_13 = arith.constant 128 : i32
    %mul3A_14 = arith.muli %add3A_12, %mul3A_13 : i32
    %dma_start3A = arith.constant 0 : i32
    %dma_start3A_15 = arith.constant 0 : i32
    %dma_start3A_16 = tpu.memref_slice %arg7[%dma_start3A, %dma_start3A_15] : memref<2x128xi32, #tpu.memory_space<vmem>> -> memref<1x128xi32, #tpu.memory_space<vmem>>
    %dma_start3A_17 = tpu.memref_squeeze %dma_start3A_16 : memref<1x128xi32, #tpu.memory_space<vmem>> -> memref<128xi32, #tpu.memory_space<vmem>>
    %dma_start3A_18 = tpu.memref_slice %arg3[%mul3A_14] : memref<32768xi32, #tpu.memory_space<hbm>> -> memref<128xi32, #tpu.memory_space<hbm>>
    %dma_start3A_19 = arith.constant 0 : i32
    %dma_start3A_20 = tpu.memref_slice %arg7[%dma_start3A, %dma_start3A_19] : memref<2x128xi32, #tpu.memory_space<vmem>> -> memref<1x128xi32, #tpu.memory_space<vmem>>
    %dma_start3A_21 = tpu.memref_squeeze %dma_start3A_20 : memref<1x128xi32, #tpu.memory_space<vmem>> -> memref<128xi32, #tpu.memory_space<vmem>>
    %dma_start3A_22 = tpu.memref_slice %arg3[%mul3A_14] : memref<32768xi32, #tpu.memory_space<hbm>> -> memref<128xi32, #tpu.memory_space<hbm>>
    tpu.enqueue_dma source(%dma_start3A_22 : memref<128xi32, #tpu.memory_space<hbm>>) target(%dma_start3A_21 : memref<128xi32, #tpu.memory_space<vmem>>) target_semaphore(%arg12 : memref<!tpu.dma_semaphore, #tpu.memory_space<semaphore_mem>>)
    %dma_start3A_23 = arith.constant 0 : i32
    %dma_start3A_24 = arith.constant 0 : i32
    %dma_start3A_25 = tpu.memref_slice %arg8[%dma_start3A_23, %dma_start3A_24] : memref<2x128xi32, #tpu.memory_space<vmem>> -> memref<1x128xi32, #tpu.memory_space<vmem>>
    %dma_start3A_26 = tpu.memref_squeeze %dma_start3A_25 : memref<1x128xi32, #tpu.memory_space<vmem>> -> memref<128xi32, #tpu.memory_space<vmem>>
    %dma_start3A_27 = tpu.memref_slice %arg4[%mul3A_14] : memref<32768xi32, #tpu.memory_space<hbm>> -> memref<128xi32, #tpu.memory_space<hbm>>
    %dma_start3A_28 = arith.constant 0 : i32
    %dma_start3A_29 = tpu.memref_slice %arg8[%dma_start3A_23, %dma_start3A_28] : memref<2x128xi32, #tpu.memory_space<vmem>> -> memref<1x128xi32, #tpu.memory_space<vmem>>
    %dma_start3A_30 = tpu.memref_squeeze %dma_start3A_29 : memref<1x128xi32, #tpu.memory_space<vmem>> -> memref<128xi32, #tpu.memory_space<vmem>>
    %dma_start3A_31 = tpu.memref_slice %arg4[%mul3A_14] : memref<32768xi32, #tpu.memory_space<hbm>> -> memref<128xi32, #tpu.memory_space<hbm>>
    tpu.enqueue_dma source(%dma_start3A_31 : memref<128xi32, #tpu.memory_space<hbm>>) target(%dma_start3A_30 : memref<128xi32, #tpu.memory_space<vmem>>) target_semaphore(%arg12 : memref<!tpu.dma_semaphore, #tpu.memory_space<semaphore_mem>>)
    %dma_wait3A = arith.constant 0 : i32
    %dma_wait3A_32 = arith.constant 0 : i32
    %dma_wait3A_33 = tpu.memref_slice %arg7[%dma_wait3A, %dma_wait3A_32] : memref<2x128xi32, #tpu.memory_space<vmem>> -> memref<1x128xi32, #tpu.memory_space<vmem>>
    %dma_wait3A_34 = tpu.memref_squeeze %dma_wait3A_33 : memref<1x128xi32, #tpu.memory_space<vmem>> -> memref<128xi32, #tpu.memory_space<vmem>>
    %dma_wait3A_35 = tpu.memref_slice %arg3[%mul3A_14] : memref<32768xi32, #tpu.memory_space<hbm>> -> memref<128xi32, #tpu.memory_space<hbm>>
    %dma_wait3A_36 = arith.constant 0 : i32
    %dma_wait3A_37 = tpu.memref_slice %arg7[%dma_wait3A, %dma_wait3A_36] : memref<2x128xi32, #tpu.memory_space<vmem>> -> memref<1x128xi32, #tpu.memory_space<vmem>>
    %dma_wait3A_38 = tpu.memref_squeeze %dma_wait3A_37 : memref<1x128xi32, #tpu.memory_space<vmem>> -> memref<128xi32, #tpu.memory_space<vmem>>
    %dma_wait3A_39 = tpu.memref_slice %arg3[%mul3A_14] : memref<32768xi32, #tpu.memory_space<hbm>> -> memref<128xi32, #tpu.memory_space<hbm>>
    tpu.wait_dma2 semaphore(%arg12 : memref<!tpu.dma_semaphore, #tpu.memory_space<semaphore_mem>>) src(%dma_wait3A_39 : memref<128xi32, #tpu.memory_space<hbm>>) dst(%dma_wait3A_38 : memref<128xi32, #tpu.memory_space<vmem>>)
    %dma_wait3A_40 = arith.constant 0 : i32
    %dma_wait3A_41 = arith.constant 0 : i32
    %dma_wait3A_42 = tpu.memref_slice %arg8[%dma_wait3A_40, %dma_wait3A_41] : memref<2x128xi32, #tpu.memory_space<vmem>> -> memref<1x128xi32, #tpu.memory_space<vmem>>
    %dma_wait3A_43 = tpu.memref_squeeze %dma_wait3A_42 : memref<1x128xi32, #tpu.memory_space<vmem>> -> memref<128xi32, #tpu.memory_space<vmem>>
    %dma_wait3A_44 = tpu.memref_slice %arg4[%mul3A_14] : memref<32768xi32, #tpu.memory_space<hbm>> -> memref<128xi32, #tpu.memory_space<hbm>>
    %dma_wait3A_45 = arith.constant 0 : i32
    %dma_wait3A_46 = tpu.memref_slice %arg8[%dma_wait3A_40, %dma_wait3A_45] : memref<2x128xi32, #tpu.memory_space<vmem>> -> memref<1x128xi32, #tpu.memory_space<vmem>>
    %dma_wait3A_47 = tpu.memref_squeeze %dma_wait3A_46 : memref<1x128xi32, #tpu.memory_space<vmem>> -> memref<128xi32, #tpu.memory_space<vmem>>
    %dma_wait3A_48 = tpu.memref_slice %arg4[%mul3A_14] : memref<32768xi32, #tpu.memory_space<hbm>> -> memref<128xi32, #tpu.memory_space<hbm>>
    tpu.wait_dma2 semaphore(%arg12 : memref<!tpu.dma_semaphore, #tpu.memory_space<semaphore_mem>>) src(%dma_wait3A_48 : memref<128xi32, #tpu.memory_space<hbm>>) dst(%dma_wait3A_47 : memref<128xi32, #tpu.memory_space<vmem>>)
    %dma_start3A_49 = arith.constant 0 : i32
    %dma_start3A_50 = arith.constant 0 : i32
    %dma_start3A_51 = arith.constant 0 : i32
    %dma_start3A_52 = arith.constant 0 : i32
    %dma_start3A_53 = tpu.memref_slice %arg9[%dma_start3A_50, %dma_start3A_51, %dma_start3A_52] : memref<2x128x128xf32, #tpu.memory_space<vmem>> -> memref<1x128x128xf32, #tpu.memory_space<vmem>>
    %dma_start3A_54 = tpu.memref_squeeze %dma_start3A_53 : memref<1x128x128xf32, #tpu.memory_space<vmem>> -> memref<128x128xf32, #tpu.memory_space<vmem>>
    %dma_start3A_55 = arith.constant 0 : i32
    %dma_start3A_56 = tpu.memref_slice %arg7[%dma_start3A_49, %dma_start3A_55] : memref<2x128xi32, #tpu.memory_space<vmem>> -> memref<1x128xi32, #tpu.memory_space<vmem>>
    %dma_start3A_57 = tpu.memref_squeeze %dma_start3A_56 : memref<1x128xi32, #tpu.memory_space<vmem>> -> memref<128xi32, #tpu.memory_space<vmem>>
    %dma_start3A_58 = arith.constant 0 : i32
    %dma_start3A_59 = arith.constant 0 : i32
    %dma_start3A_60 = tpu.memref_slice %arg10[%dma_start3A_58, %dma_start3A_59] : memref<1024x128xf32, #tpu.memory_space<vmem_shared>> -> memref<1024x128xf32, #tpu.memory_space<vmem_shared>>
    tpu.enqueue_indirect_dma source(%dma_start3A_60 : memref<1024x128xf32, #tpu.memory_space<vmem_shared>>) target(%dma_start3A_54 : memref<128x128xf32, #tpu.memory_space<vmem>>) offsets(%dma_start3A_57 : memref<128xi32, #tpu.memory_space<vmem>>) semaphore(%arg14 : memref<!tpu.dma_semaphore, #tpu.memory_space<semaphore_mem>>)
    %add3A_61 = arith.constant 1 : i32
    %add3A_62 = arith.addi %mul3A_10, %add3A_61 : i32
    %mul3A_63 = arith.constant 128 : i32
    %mul3A_64 = arith.muli %add3A_62, %mul3A_63 : i32
    %dma_start3A_65 = arith.constant 1 : i32
    %dma_start3A_66 = arith.constant 0 : i32
    %dma_start3A_67 = tpu.memref_slice %arg7[%dma_start3A_65, %dma_start3A_66] : memref<2x128xi32, #tpu.memory_space<vmem>> -> memref<1x128xi32, #tpu.memory_space<vmem>>
    %dma_start3A_68 = tpu.memref_squeeze %dma_start3A_67 : memref<1x128xi32, #tpu.memory_space<vmem>> -> memref<128xi32, #tpu.memory_space<vmem>>
    %dma_start3A_69 = tpu.memref_slice %arg3[%mul3A_64] : memref<32768xi32, #tpu.memory_space<hbm>> -> memref<128xi32, #tpu.memory_space<hbm>>
    %dma_start3A_70 = arith.constant 0 : i32
    %dma_start3A_71 = tpu.memref_slice %arg7[%dma_start3A_65, %dma_start3A_70] : memref<2x128xi32, #tpu.memory_space<vmem>> -> memref<1x128xi32, #tpu.memory_space<vmem>>
    %dma_start3A_72 = tpu.memref_squeeze %dma_start3A_71 : memref<1x128xi32, #tpu.memory_space<vmem>> -> memref<128xi32, #tpu.memory_space<vmem>>
    %dma_start3A_73 = tpu.memref_slice %arg3[%mul3A_64] : memref<32768xi32, #tpu.memory_space<hbm>> -> memref<128xi32, #tpu.memory_space<hbm>>
    tpu.enqueue_dma source(%dma_start3A_73 : memref<128xi32, #tpu.memory_space<hbm>>) target(%dma_start3A_72 : memref<128xi32, #tpu.memory_space<vmem>>) target_semaphore(%arg13 : memref<!tpu.dma_semaphore, #tpu.memory_space<semaphore_mem>>)
    %dma_start3A_74 = arith.constant 1 : i32
    %dma_start3A_75 = arith.constant 0 : i32
    %dma_start3A_76 = tpu.memref_slice %arg8[%dma_start3A_74, %dma_start3A_75] : memref<2x128xi32, #tpu.memory_space<vmem>> -> memref<1x128xi32, #tpu.memory_space<vmem>>
    %dma_start3A_77 = tpu.memref_squeeze %dma_start3A_76 : memref<1x128xi32, #tpu.memory_space<vmem>> -> memref<128xi32, #tpu.memory_space<vmem>>
    %dma_start3A_78 = tpu.memref_slice %arg4[%mul3A_64] : memref<32768xi32, #tpu.memory_space<hbm>> -> memref<128xi32, #tpu.memory_space<hbm>>
    %dma_start3A_79 = arith.constant 0 : i32
    %dma_start3A_80 = tpu.memref_slice %arg8[%dma_start3A_74, %dma_start3A_79] : memref<2x128xi32, #tpu.memory_space<vmem>> -> memref<1x128xi32, #tpu.memory_space<vmem>>
    %dma_start3A_81 = tpu.memref_squeeze %dma_start3A_80 : memref<1x128xi32, #tpu.memory_space<vmem>> -> memref<128xi32, #tpu.memory_space<vmem>>
    %dma_start3A_82 = tpu.memref_slice %arg4[%mul3A_64] : memref<32768xi32, #tpu.memory_space<hbm>> -> memref<128xi32, #tpu.memory_space<hbm>>
    tpu.enqueue_dma source(%dma_start3A_82 : memref<128xi32, #tpu.memory_space<hbm>>) target(%dma_start3A_81 : memref<128xi32, #tpu.memory_space<vmem>>) target_semaphore(%arg13 : memref<!tpu.dma_semaphore, #tpu.memory_space<semaphore_mem>>)
    %dma_wait3A_83 = arith.constant 1 : i32
    %dma_wait3A_84 = arith.constant 0 : i32
    %dma_wait3A_85 = tpu.memref_slice %arg7[%dma_wait3A_83, %dma_wait3A_84] : memref<2x128xi32, #tpu.memory_space<vmem>> -> memref<1x128xi32, #tpu.memory_space<vmem>>
    %dma_wait3A_86 = tpu.memref_squeeze %dma_wait3A_85 : memref<1x128xi32, #tpu.memory_space<vmem>> -> memref<128xi32, #tpu.memory_space<vmem>>
    %dma_wait3A_87 = tpu.memref_slice %arg3[%mul3A_64] : memref<32768xi32, #tpu.memory_space<hbm>> -> memref<128xi32, #tpu.memory_space<hbm>>
    %dma_wait3A_88 = arith.constant 0 : i32
    %dma_wait3A_89 = tpu.memref_slice %arg7[%dma_wait3A_83, %dma_wait3A_88] : memref<2x128xi32, #tpu.memory_space<vmem>> -> memref<1x128xi32, #tpu.memory_space<vmem>>
    %dma_wait3A_90 = tpu.memref_squeeze %dma_wait3A_89 : memref<1x128xi32, #tpu.memory_space<vmem>> -> memref<128xi32, #tpu.memory_space<vmem>>
    %dma_wait3A_91 = tpu.memref_slice %arg3[%mul3A_64] : memref<32768xi32, #tpu.memory_space<hbm>> -> memref<128xi32, #tpu.memory_space<hbm>>
    tpu.wait_dma2 semaphore(%arg13 : memref<!tpu.dma_semaphore, #tpu.memory_space<semaphore_mem>>) src(%dma_wait3A_91 : memref<128xi32, #tpu.memory_space<hbm>>) dst(%dma_wait3A_90 : memref<128xi32, #tpu.memory_space<vmem>>)
    %dma_wait3A_92 = arith.constant 1 : i32
    %dma_wait3A_93 = arith.constant 0 : i32
    %dma_wait3A_94 = tpu.memref_slice %arg8[%dma_wait3A_92, %dma_wait3A_93] : memref<2x128xi32, #tpu.memory_space<vmem>> -> memref<1x128xi32, #tpu.memory_space<vmem>>
    %dma_wait3A_95 = tpu.memref_squeeze %dma_wait3A_94 : memref<1x128xi32, #tpu.memory_space<vmem>> -> memref<128xi32, #tpu.memory_space<vmem>>
    %dma_wait3A_96 = tpu.memref_slice %arg4[%mul3A_64] : memref<32768xi32, #tpu.memory_space<hbm>> -> memref<128xi32, #tpu.memory_space<hbm>>
    %dma_wait3A_97 = arith.constant 0 : i32
    %dma_wait3A_98 = tpu.memref_slice %arg8[%dma_wait3A_92, %dma_wait3A_97] : memref<2x128xi32, #tpu.memory_space<vmem>> -> memref<1x128xi32, #tpu.memory_space<vmem>>
    %dma_wait3A_99 = tpu.memref_squeeze %dma_wait3A_98 : memref<1x128xi32, #tpu.memory_space<vmem>> -> memref<128xi32, #tpu.memory_space<vmem>>
    %dma_wait3A_100 = tpu.memref_slice %arg4[%mul3A_64] : memref<32768xi32, #tpu.memory_space<hbm>> -> memref<128xi32, #tpu.memory_space<hbm>>
    tpu.wait_dma2 semaphore(%arg13 : memref<!tpu.dma_semaphore, #tpu.memory_space<semaphore_mem>>) src(%dma_wait3A_100 : memref<128xi32, #tpu.memory_space<hbm>>) dst(%dma_wait3A_99 : memref<128xi32, #tpu.memory_space<vmem>>)
    %dma_start3A_101 = arith.constant 1 : i32
    %dma_start3A_102 = arith.constant 1 : i32
    %dma_start3A_103 = arith.constant 0 : i32
    %dma_start3A_104 = arith.constant 0 : i32
    %dma_start3A_105 = tpu.memref_slice %arg9[%dma_start3A_102, %dma_start3A_103, %dma_start3A_104] : memref<2x128x128xf32, #tpu.memory_space<vmem>> -> memref<1x128x128xf32, #tpu.memory_space<vmem>>
    %dma_start3A_106 = tpu.memref_squeeze %dma_start3A_105 : memref<1x128x128xf32, #tpu.memory_space<vmem>> -> memref<128x128xf32, #tpu.memory_space<vmem>>
    %dma_start3A_107 = arith.constant 0 : i32
    %dma_start3A_108 = tpu.memref_slice %arg7[%dma_start3A_101, %dma_start3A_107] : memref<2x128xi32, #tpu.memory_space<vmem>> -> memref<1x128xi32, #tpu.memory_space<vmem>>
    %dma_start3A_109 = tpu.memref_squeeze %dma_start3A_108 : memref<1x128xi32, #tpu.memory_space<vmem>> -> memref<128xi32, #tpu.memory_space<vmem>>
    %dma_start3A_110 = arith.constant 0 : i32
    %dma_start3A_111 = arith.constant 0 : i32
    %dma_start3A_112 = tpu.memref_slice %arg10[%dma_start3A_110, %dma_start3A_111] : memref<1024x128xf32, #tpu.memory_space<vmem_shared>> -> memref<1024x128xf32, #tpu.memory_space<vmem_shared>>
    tpu.enqueue_indirect_dma source(%dma_start3A_112 : memref<1024x128xf32, #tpu.memory_space<vmem_shared>>) target(%dma_start3A_106 : memref<128x128xf32, #tpu.memory_space<vmem>>) offsets(%dma_start3A_109 : memref<128xi32, #tpu.memory_space<vmem>>) semaphore(%arg15 : memref<!tpu.dma_semaphore, #tpu.memory_space<semaphore_mem>>)
    %scan3A = arith.constant 0 : i32
    %scan3A_113 = arith.constant 0 : i32
    %scan3A_114 = arith.constant 4 : i32
    %scan3A_115 = arith.addi %scan3A_113, %scan3A_114 : i32
    %scan3A_116 = arith.constant 1 : i32
    scf.for %scan3A_122 = %scan3A_113 to %scan3A_115 step %scan3A_116  : i32 {
      %dma_wait3A_123 = arith.constant 0 : i32
      %dma_wait3A_124 = arith.constant 0 : i32
      %dma_wait3A_125 = arith.constant 0 : i32
      %dma_wait3A_126 = arith.constant 0 : i32
      %dma_wait3A_127 = tpu.memref_slice %arg9[%dma_wait3A_124, %dma_wait3A_125, %dma_wait3A_126] : memref<2x128x128xf32, #tpu.memory_space<vmem>> -> memref<1x128x128xf32, #tpu.memory_space<vmem>>
      %dma_wait3A_128 = tpu.memref_squeeze %dma_wait3A_127 : memref<1x128x128xf32, #tpu.memory_space<vmem>> -> memref<128x128xf32, #tpu.memory_space<vmem>>
      %dma_wait3A_129 = arith.constant 0 : i32
      %dma_wait3A_130 = tpu.memref_slice %arg7[%dma_wait3A_123, %dma_wait3A_129] : memref<2x128xi32, #tpu.memory_space<vmem>> -> memref<1x128xi32, #tpu.memory_space<vmem>>
      %dma_wait3A_131 = tpu.memref_squeeze %dma_wait3A_130 : memref<1x128xi32, #tpu.memory_space<vmem>> -> memref<128xi32, #tpu.memory_space<vmem>>
      %dma_wait3A_132 = arith.constant 0 : i32
      %dma_wait3A_133 = arith.constant 0 : i32
      %dma_wait3A_134 = tpu.memref_slice %arg10[%dma_wait3A_132, %dma_wait3A_133] : memref<1024x128xf32, #tpu.memory_space<vmem_shared>> -> memref<1024x128xf32, #tpu.memory_space<vmem_shared>>
      tpu.wait_indirect_dma semaphore(%arg14 : memref<!tpu.dma_semaphore, #tpu.memory_space<semaphore_mem>>) src(%dma_wait3A_134 : memref<1024x128xf32, #tpu.memory_space<vmem_shared>>) dst(%dma_wait3A_128 : memref<128x128xf32, #tpu.memory_space<vmem>>)
      %run_scoped3A = arith.constant 0 : i32
      %run_scoped3A_135 = arith.constant 0 : i32
      "tpu.region"() ({
        %run_scoped3A_160 = tpu.sem_alloc : memref<!tpu.dma_semaphore, #tpu.memory_space<semaphore_mem>>
        %dma_start3A_161 = arith.constant 0 : i32
        %dma_start3A_162 = arith.constant 0 : i32
        %dma_start3A_163 = tpu.memref_slice %arg9[%run_scoped3A, %dma_start3A_161, %dma_start3A_162] : memref<2x128x128xf32, #tpu.memory_space<vmem>> -> memref<1x128x128xf32, #tpu.memory_space<vmem>>
        %dma_start3A_164 = tpu.memref_squeeze %dma_start3A_163 : memref<1x128x128xf32, #tpu.memory_space<vmem>> -> memref<128x128xf32, #tpu.memory_space<vmem>>
        %dma_start3A_165 = arith.constant 0 : i32
        %dma_start3A_166 = tpu.memref_slice %arg8[%run_scoped3A_135, %dma_start3A_165] : memref<2x128xi32, #tpu.memory_space<vmem>> -> memref<1x128xi32, #tpu.memory_space<vmem>>
        %dma_start3A_167 = tpu.memref_squeeze %dma_start3A_166 : memref<1x128xi32, #tpu.memory_space<vmem>> -> memref<128xi32, #tpu.memory_space<vmem>>
        %dma_start3A_168 = arith.constant 0 : i32
        %dma_start3A_169 = arith.constant 0 : i32
        %dma_start3A_170 = tpu.memref_slice %arg11[%dma_start3A_168, %dma_start3A_169] : memref<1024x128xf32, #tpu.memory_space<vmem_shared>> -> memref<1024x128xf32, #tpu.memory_space<vmem_shared>>
        tpu.enqueue_indirect_dma source(%dma_start3A_164 : memref<128x128xf32, #tpu.memory_space<vmem>>) target(%dma_start3A_170 : memref<1024x128xf32, #tpu.memory_space<vmem_shared>>) offsets(%dma_start3A_167 : memref<128xi32, #tpu.memory_space<vmem>>) semaphore(%run_scoped3A_160 : memref<!tpu.dma_semaphore, #tpu.memory_space<semaphore_mem>>) {add = true}
        %dma_wait3A_171 = arith.constant 0 : i32
        %dma_wait3A_172 = arith.constant 0 : i32
        %dma_wait3A_173 = tpu.memref_slice %arg9[%run_scoped3A, %dma_wait3A_171, %dma_wait3A_172] : memref<2x128x128xf32, #tpu.memory_space<vmem>> -> memref<1x128x128xf32, #tpu.memory_space<vmem>>
        %dma_wait3A_174 = tpu.memref_squeeze %dma_wait3A_173 : memref<1x128x128xf32, #tpu.memory_space<vmem>> -> memref<128x128xf32, #tpu.memory_space<vmem>>
        %dma_wait3A_175 = arith.constant 0 : i32
        %dma_wait3A_176 = tpu.memref_slice %arg8[%run_scoped3A_135, %dma_wait3A_175] : memref<2x128xi32, #tpu.memory_space<vmem>> -> memref<1x128xi32, #tpu.memory_space<vmem>>
        %dma_wait3A_177 = tpu.memref_squeeze %dma_wait3A_176 : memref<1x128xi32, #tpu.memory_space<vmem>> -> memref<128xi32, #tpu.memory_space<vmem>>
        %dma_wait3A_178 = arith.constant 0 : i32
        %dma_wait3A_179 = arith.constant 0 : i32
        %dma_wait3A_180 = tpu.memref_slice %arg11[%dma_wait3A_178, %dma_wait3A_179] : memref<1024x128xf32, #tpu.memory_space<vmem_shared>> -> memref<1024x128xf32, #tpu.memory_space<vmem_shared>>
        tpu.wait_indirect_dma semaphore(%run_scoped3A_160 : memref<!tpu.dma_semaphore, #tpu.memory_space<semaphore_mem>>) src(%dma_wait3A_174 : memref<128x128xf32, #tpu.memory_space<vmem>>) dst(%dma_wait3A_180 : memref<1024x128xf32, #tpu.memory_space<vmem_shared>>)
        tpu.yield
      }) : () -> ()
      %lt3A_136 = arith.constant 3 : i32
      %lt3A_137 = arith.cmpi slt, %scan3A_122, %lt3A_136 : i32
      %convert_element_type3A_138 = arith.extui %lt3A_137 : i1 to i32
      %cond3A_139 = arith.constant 0 : i32
      %cond3A_140 = arith.cmpi ne, %convert_element_type3A_138, %cond3A_139 : i32
      scf.if %cond3A_140 {
        %mul3A_160 = arith.constant 2 : i32
        %mul3A_161 = arith.muli %mul3A_160, %scan3A_122 : i32
        %add3A_162 = arith.constant 2 : i32
        %add3A_163 = arith.addi %mul3A_161, %add3A_162 : i32
        %add3A_164 = arith.addi %mul3A_10, %add3A_163 : i32
        %mul3A_165 = arith.constant 128 : i32
        %mul3A_166 = arith.muli %add3A_164, %mul3A_165 : i32
        %dma_start3A_167 = arith.constant 0 : i32
        %dma_start3A_168 = arith.constant 0 : i32
        %dma_start3A_169 = tpu.memref_slice %arg7[%dma_start3A_167, %dma_start3A_168] : memref<2x128xi32, #tpu.memory_space<vmem>> -> memref<1x128xi32, #tpu.memory_space<vmem>>
        %dma_start3A_170 = tpu.memref_squeeze %dma_start3A_169 : memref<1x128xi32, #tpu.memory_space<vmem>> -> memref<128xi32, #tpu.memory_space<vmem>>
        %dma_start3A_171 = tpu.memref_slice %arg3[%mul3A_166] : memref<32768xi32, #tpu.memory_space<hbm>> -> memref<128xi32, #tpu.memory_space<hbm>>
        %dma_start3A_172 = arith.constant 0 : i32
        %dma_start3A_173 = tpu.memref_slice %arg7[%dma_start3A_167, %dma_start3A_172] : memref<2x128xi32, #tpu.memory_space<vmem>> -> memref<1x128xi32, #tpu.memory_space<vmem>>
        %dma_start3A_174 = tpu.memref_squeeze %dma_start3A_173 : memref<1x128xi32, #tpu.memory_space<vmem>> -> memref<128xi32, #tpu.memory_space<vmem>>
        %dma_start3A_175 = tpu.memref_slice %arg3[%mul3A_166] : memref<32768xi32, #tpu.memory_space<hbm>> -> memref<128xi32, #tpu.memory_space<hbm>>
        tpu.enqueue_dma source(%dma_start3A_175 : memref<128xi32, #tpu.memory_space<hbm>>) target(%dma_start3A_174 : memref<128xi32, #tpu.memory_space<vmem>>) target_semaphore(%arg12 : memref<!tpu.dma_semaphore, #tpu.memory_space<semaphore_mem>>)
        %dma_start3A_176 = arith.constant 0 : i32
        %dma_start3A_177 = arith.constant 0 : i32
        %dma_start3A_178 = tpu.memref_slice %arg8[%dma_start3A_176, %dma_start3A_177] : memref<2x128xi32, #tpu.memory_space<vmem>> -> memref<1x128xi32, #tpu.memory_space<vmem>>
        %dma_start3A_179 = tpu.memref_squeeze %dma_start3A_178 : memref<1x128xi32, #tpu.memory_space<vmem>> -> memref<128xi32, #tpu.memory_space<vmem>>
        %dma_start3A_180 = tpu.memref_slice %arg4[%mul3A_166] : memref<32768xi32, #tpu.memory_space<hbm>> -> memref<128xi32, #tpu.memory_space<hbm>>
        %dma_start3A_181 = arith.constant 0 : i32
        %dma_start3A_182 = tpu.memref_slice %arg8[%dma_start3A_176, %dma_start3A_181] : memref<2x128xi32, #tpu.memory_space<vmem>> -> memref<1x128xi32, #tpu.memory_space<vmem>>
        %dma_start3A_183 = tpu.memref_squeeze %dma_start3A_182 : memref<1x128xi32, #tpu.memory_space<vmem>> -> memref<128xi32, #tpu.memory_space<vmem>>
        %dma_start3A_184 = tpu.memref_slice %arg4[%mul3A_166] : memref<32768xi32, #tpu.memory_space<hbm>> -> memref<128xi32, #tpu.memory_space<hbm>>
        tpu.enqueue_dma source(%dma_start3A_184 : memref<128xi32, #tpu.memory_space<hbm>>) target(%dma_start3A_183 : memref<128xi32, #tpu.memory_space<vmem>>) target_semaphore(%arg12 : memref<!tpu.dma_semaphore, #tpu.memory_space<semaphore_mem>>)
        %dma_wait3A_185 = arith.constant 0 : i32
        %dma_wait3A_186 = arith.constant 0 : i32
        %dma_wait3A_187 = tpu.memref_slice %arg7[%dma_wait3A_185, %dma_wait3A_186] : memref<2x128xi32, #tpu.memory_space<vmem>> -> memref<1x128xi32, #tpu.memory_space<vmem>>
        %dma_wait3A_188 = tpu.memref_squeeze %dma_wait3A_187 : memref<1x128xi32, #tpu.memory_space<vmem>> -> memref<128xi32, #tpu.memory_space<vmem>>
        %dma_wait3A_189 = tpu.memref_slice %arg3[%mul3A_166] : memref<32768xi32, #tpu.memory_space<hbm>> -> memref<128xi32, #tpu.memory_space<hbm>>
        %dma_wait3A_190 = arith.constant 0 : i32
        %dma_wait3A_191 = tpu.memref_slice %arg7[%dma_wait3A_185, %dma_wait3A_190] : memref<2x128xi32, #tpu.memory_space<vmem>> -> memref<1x128xi32, #tpu.memory_space<vmem>>
        %dma_wait3A_192 = tpu.memref_squeeze %dma_wait3A_191 : memref<1x128xi32, #tpu.memory_space<vmem>> -> memref<128xi32, #tpu.memory_space<vmem>>
        %dma_wait3A_193 = tpu.memref_slice %arg3[%mul3A_166] : memref<32768xi32, #tpu.memory_space<hbm>> -> memref<128xi32, #tpu.memory_space<hbm>>
        tpu.wait_dma2 semaphore(%arg12 : memref<!tpu.dma_semaphore, #tpu.memory_space<semaphore_mem>>) src(%dma_wait3A_193 : memref<128xi32, #tpu.memory_space<hbm>>) dst(%dma_wait3A_192 : memref<128xi32, #tpu.memory_space<vmem>>)
        %dma_wait3A_194 = arith.constant 0 : i32
        %dma_wait3A_195 = arith.constant 0 : i32
        %dma_wait3A_196 = tpu.memref_slice %arg8[%dma_wait3A_194, %dma_wait3A_195] : memref<2x128xi32, #tpu.memory_space<vmem>> -> memref<1x128xi32, #tpu.memory_space<vmem>>
        %dma_wait3A_197 = tpu.memref_squeeze %dma_wait3A_196 : memref<1x128xi32, #tpu.memory_space<vmem>> -> memref<128xi32, #tpu.memory_space<vmem>>
        %dma_wait3A_198 = tpu.memref_slice %arg4[%mul3A_166] : memref<32768xi32, #tpu.memory_space<hbm>> -> memref<128xi32, #tpu.memory_space<hbm>>
        %dma_wait3A_199 = arith.constant 0 : i32
        %dma_wait3A_200 = tpu.memref_slice %arg8[%dma_wait3A_194, %dma_wait3A_199] : memref<2x128xi32, #tpu.memory_space<vmem>> -> memref<1x128xi32, #tpu.memory_space<vmem>>
        %dma_wait3A_201 = tpu.memref_squeeze %dma_wait3A_200 : memref<1x128xi32, #tpu.memory_space<vmem>> -> memref<128xi32, #tpu.memory_space<vmem>>
        %dma_wait3A_202 = tpu.memref_slice %arg4[%mul3A_166] : memref<32768xi32, #tpu.memory_space<hbm>> -> memref<128xi32, #tpu.memory_space<hbm>>
        tpu.wait_dma2 semaphore(%arg12 : memref<!tpu.dma_semaphore, #tpu.memory_space<semaphore_mem>>) src(%dma_wait3A_202 : memref<128xi32, #tpu.memory_space<hbm>>) dst(%dma_wait3A_201 : memref<128xi32, #tpu.memory_space<vmem>>)
        %dma_start3A_203 = arith.constant 0 : i32
        %dma_start3A_204 = arith.constant 0 : i32
        %dma_start3A_205 = arith.constant 0 : i32
        %dma_start3A_206 = arith.constant 0 : i32
        %dma_start3A_207 = tpu.memref_slice %arg9[%dma_start3A_204, %dma_start3A_205, %dma_start3A_206] : memref<2x128x128xf32, #tpu.memory_space<vmem>> -> memref<1x128x128xf32, #tpu.memory_space<vmem>>
        %dma_start3A_208 = tpu.memref_squeeze %dma_start3A_207 : memref<1x128x128xf32, #tpu.memory_space<vmem>> -> memref<128x128xf32, #tpu.memory_space<vmem>>
        %dma_start3A_209 = arith.constant 0 : i32
        %dma_start3A_210 = tpu.memref_slice %arg7[%dma_start3A_203, %dma_start3A_209] : memref<2x128xi32, #tpu.memory_space<vmem>> -> memref<1x128xi32, #tpu.memory_space<vmem>>
        %dma_start3A_211 = tpu.memref_squeeze %dma_start3A_210 : memref<1x128xi32, #tpu.memory_space<vmem>> -> memref<128xi32, #tpu.memory_space<vmem>>
        %dma_start3A_212 = arith.constant 0 : i32
        %dma_start3A_213 = arith.constant 0 : i32
        %dma_start3A_214 = tpu.memref_slice %arg10[%dma_start3A_212, %dma_start3A_213] : memref<1024x128xf32, #tpu.memory_space<vmem_shared>> -> memref<1024x128xf32, #tpu.memory_space<vmem_shared>>
        tpu.enqueue_indirect_dma source(%dma_start3A_214 : memref<1024x128xf32, #tpu.memory_space<vmem_shared>>) target(%dma_start3A_208 : memref<128x128xf32, #tpu.memory_space<vmem>>) offsets(%dma_start3A_211 : memref<128xi32, #tpu.memory_space<vmem>>) semaphore(%arg14 : memref<!tpu.dma_semaphore, #tpu.memory_space<semaphore_mem>>)
      } else {
      }
      %dma_wait3A_141 = arith.constant 1 : i32
      %dma_wait3A_142 = arith.constant 1 : i32
      %dma_wait3A_143 = arith.constant 0 : i32
      %dma_wait3A_144 = arith.constant 0 : i32
      %dma_wait3A_145 = tpu.memref_slice %arg9[%dma_wait3A_142, %dma_wait3A_143, %dma_wait3A_144] : memref<2x128x128xf32, #tpu.memory_space<vmem>> -> memref<1x128x128xf32, #tpu.memory_space<vmem>>
      %dma_wait3A_146 = tpu.memref_squeeze %dma_wait3A_145 : memref<1x128x128xf32, #tpu.memory_space<vmem>> -> memref<128x128xf32, #tpu.memory_space<vmem>>
      %dma_wait3A_147 = arith.constant 0 : i32
      %dma_wait3A_148 = tpu.memref_slice %arg7[%dma_wait3A_141, %dma_wait3A_147] : memref<2x128xi32, #tpu.memory_space<vmem>> -> memref<1x128xi32, #tpu.memory_space<vmem>>
      %dma_wait3A_149 = tpu.memref_squeeze %dma_wait3A_148 : memref<1x128xi32, #tpu.memory_space<vmem>> -> memref<128xi32, #tpu.memory_space<vmem>>
      %dma_wait3A_150 = arith.constant 0 : i32
      %dma_wait3A_151 = arith.constant 0 : i32
      %dma_wait3A_152 = tpu.memref_slice %arg10[%dma_wait3A_150, %dma_wait3A_151] : memref<1024x128xf32, #tpu.memory_space<vmem_shared>> -> memref<1024x128xf32, #tpu.memory_space<vmem_shared>>
      tpu.wait_indirect_dma semaphore(%arg15 : memref<!tpu.dma_semaphore, #tpu.memory_space<semaphore_mem>>) src(%dma_wait3A_152 : memref<1024x128xf32, #tpu.memory_space<vmem_shared>>) dst(%dma_wait3A_146 : memref<128x128xf32, #tpu.memory_space<vmem>>)
      %run_scoped3A_153 = arith.constant 1 : i32
      %run_scoped3A_154 = arith.constant 1 : i32
      "tpu.region"() ({
        %run_scoped3A_160 = tpu.sem_alloc : memref<!tpu.dma_semaphore, #tpu.memory_space<semaphore_mem>>
        %dma_start3A_161 = arith.constant 0 : i32
        %dma_start3A_162 = arith.constant 0 : i32
        %dma_start3A_163 = tpu.memref_slice %arg9[%run_scoped3A_153, %dma_start3A_161, %dma_start3A_162] : memref<2x128x128xf32, #tpu.memory_space<vmem>> -> memref<1x128x128xf32, #tpu.memory_space<vmem>>
        %dma_start3A_164 = tpu.memref_squeeze %dma_start3A_163 : memref<1x128x128xf32, #tpu.memory_space<vmem>> -> memref<128x128xf32, #tpu.memory_space<vmem>>
        %dma_start3A_165 = arith.constant 0 : i32
        %dma_start3A_166 = tpu.memref_slice %arg8[%run_scoped3A_154, %dma_start3A_165] : memref<2x128xi32, #tpu.memory_space<vmem>> -> memref<1x128xi32, #tpu.memory_space<vmem>>
        %dma_start3A_167 = tpu.memref_squeeze %dma_start3A_166 : memref<1x128xi32, #tpu.memory_space<vmem>> -> memref<128xi32, #tpu.memory_space<vmem>>
        %dma_start3A_168 = arith.constant 0 : i32
        %dma_start3A_169 = arith.constant 0 : i32
        %dma_start3A_170 = tpu.memref_slice %arg11[%dma_start3A_168, %dma_start3A_169] : memref<1024x128xf32, #tpu.memory_space<vmem_shared>> -> memref<1024x128xf32, #tpu.memory_space<vmem_shared>>
        tpu.enqueue_indirect_dma source(%dma_start3A_164 : memref<128x128xf32, #tpu.memory_space<vmem>>) target(%dma_start3A_170 : memref<1024x128xf32, #tpu.memory_space<vmem_shared>>) offsets(%dma_start3A_167 : memref<128xi32, #tpu.memory_space<vmem>>) semaphore(%run_scoped3A_160 : memref<!tpu.dma_semaphore, #tpu.memory_space<semaphore_mem>>) {add = true}
        %dma_wait3A_171 = arith.constant 0 : i32
        %dma_wait3A_172 = arith.constant 0 : i32
        %dma_wait3A_173 = tpu.memref_slice %arg9[%run_scoped3A_153, %dma_wait3A_171, %dma_wait3A_172] : memref<2x128x128xf32, #tpu.memory_space<vmem>> -> memref<1x128x128xf32, #tpu.memory_space<vmem>>
        %dma_wait3A_174 = tpu.memref_squeeze %dma_wait3A_173 : memref<1x128x128xf32, #tpu.memory_space<vmem>> -> memref<128x128xf32, #tpu.memory_space<vmem>>
        %dma_wait3A_175 = arith.constant 0 : i32
        %dma_wait3A_176 = tpu.memref_slice %arg8[%run_scoped3A_154, %dma_wait3A_175] : memref<2x128xi32, #tpu.memory_space<vmem>> -> memref<1x128xi32, #tpu.memory_space<vmem>>
        %dma_wait3A_177 = tpu.memref_squeeze %dma_wait3A_176 : memref<1x128xi32, #tpu.memory_space<vmem>> -> memref<128xi32, #tpu.memory_space<vmem>>
        %dma_wait3A_178 = arith.constant 0 : i32
        %dma_wait3A_179 = arith.constant 0 : i32
        %dma_wait3A_180 = tpu.memref_slice %arg11[%dma_wait3A_178, %dma_wait3A_179] : memref<1024x128xf32, #tpu.memory_space<vmem_shared>> -> memref<1024x128xf32, #tpu.memory_space<vmem_shared>>
        tpu.wait_indirect_dma semaphore(%run_scoped3A_160 : memref<!tpu.dma_semaphore, #tpu.memory_space<semaphore_mem>>) src(%dma_wait3A_174 : memref<128x128xf32, #tpu.memory_space<vmem>>) dst(%dma_wait3A_180 : memref<1024x128xf32, #tpu.memory_space<vmem_shared>>)
        tpu.yield
      }) : () -> ()
      %lt3A_155 = arith.constant 3 : i32
      %lt3A_156 = arith.cmpi slt, %scan3A_122, %lt3A_155 : i32
      %convert_element_type3A_157 = arith.extui %lt3A_156 : i1 to i32
      %cond3A_158 = arith.constant 0 : i32
      %cond3A_159 = arith.cmpi ne, %convert_element_type3A_157, %cond3A_158 : i32
      scf.if %cond3A_159 {
        %mul3A_160 = arith.constant 2 : i32
        %mul3A_161 = arith.muli %mul3A_160, %scan3A_122 : i32
        %add3A_162 = arith.constant 3 : i32
        %add3A_163 = arith.addi %mul3A_161, %add3A_162 : i32
        %add3A_164 = arith.addi %mul3A_10, %add3A_163 : i32
        %mul3A_165 = arith.constant 128 : i32
        %mul3A_166 = arith.muli %add3A_164, %mul3A_165 : i32
        %dma_start3A_167 = arith.constant 1 : i32
        %dma_start3A_168 = arith.constant 0 : i32
        %dma_start3A_169 = tpu.memref_slice %arg7[%dma_start3A_167, %dma_start3A_168] : memref<2x128xi32, #tpu.memory_space<vmem>> -> memref<1x128xi32, #tpu.memory_space<vmem>>
        %dma_start3A_170 = tpu.memref_squeeze %dma_start3A_169 : memref<1x128xi32, #tpu.memory_space<vmem>> -> memref<128xi32, #tpu.memory_space<vmem>>
        %dma_start3A_171 = tpu.memref_slice %arg3[%mul3A_166] : memref<32768xi32, #tpu.memory_space<hbm>> -> memref<128xi32, #tpu.memory_space<hbm>>
        %dma_start3A_172 = arith.constant 0 : i32
        %dma_start3A_173 = tpu.memref_slice %arg7[%dma_start3A_167, %dma_start3A_172] : memref<2x128xi32, #tpu.memory_space<vmem>> -> memref<1x128xi32, #tpu.memory_space<vmem>>
        %dma_start3A_174 = tpu.memref_squeeze %dma_start3A_173 : memref<1x128xi32, #tpu.memory_space<vmem>> -> memref<128xi32, #tpu.memory_space<vmem>>
        %dma_start3A_175 = tpu.memref_slice %arg3[%mul3A_166] : memref<32768xi32, #tpu.memory_space<hbm>> -> memref<128xi32, #tpu.memory_space<hbm>>
        tpu.enqueue_dma source(%dma_start3A_175 : memref<128xi32, #tpu.memory_space<hbm>>) target(%dma_start3A_174 : memref<128xi32, #tpu.memory_space<vmem>>) target_semaphore(%arg13 : memref<!tpu.dma_semaphore, #tpu.memory_space<semaphore_mem>>)
        %dma_start3A_176 = arith.constant 1 : i32
        %dma_start3A_177 = arith.constant 0 : i32
        %dma_start3A_178 = tpu.memref_slice %arg8[%dma_start3A_176, %dma_start3A_177] : memref<2x128xi32, #tpu.memory_space<vmem>> -> memref<1x128xi32, #tpu.memory_space<vmem>>
        %dma_start3A_179 = tpu.memref_squeeze %dma_start3A_178 : memref<1x128xi32, #tpu.memory_space<vmem>> -> memref<128xi32, #tpu.memory_space<vmem>>
        %dma_start3A_180 = tpu.memref_slice %arg4[%mul3A_166] : memref<32768xi32, #tpu.memory_space<hbm>> -> memref<128xi32, #tpu.memory_space<hbm>>
        %dma_start3A_181 = arith.constant 0 : i32
        %dma_start3A_182 = tpu.memref_slice %arg8[%dma_start3A_176, %dma_start3A_181] : memref<2x128xi32, #tpu.memory_space<vmem>> -> memref<1x128xi32, #tpu.memory_space<vmem>>
        %dma_start3A_183 = tpu.memref_squeeze %dma_start3A_182 : memref<1x128xi32, #tpu.memory_space<vmem>> -> memref<128xi32, #tpu.memory_space<vmem>>
        %dma_start3A_184 = tpu.memref_slice %arg4[%mul3A_166] : memref<32768xi32, #tpu.memory_space<hbm>> -> memref<128xi32, #tpu.memory_space<hbm>>
        tpu.enqueue_dma source(%dma_start3A_184 : memref<128xi32, #tpu.memory_space<hbm>>) target(%dma_start3A_183 : memref<128xi32, #tpu.memory_space<vmem>>) target_semaphore(%arg13 : memref<!tpu.dma_semaphore, #tpu.memory_space<semaphore_mem>>)
        %dma_wait3A_185 = arith.constant 1 : i32
        %dma_wait3A_186 = arith.constant 0 : i32
        %dma_wait3A_187 = tpu.memref_slice %arg7[%dma_wait3A_185, %dma_wait3A_186] : memref<2x128xi32, #tpu.memory_space<vmem>> -> memref<1x128xi32, #tpu.memory_space<vmem>>
        %dma_wait3A_188 = tpu.memref_squeeze %dma_wait3A_187 : memref<1x128xi32, #tpu.memory_space<vmem>> -> memref<128xi32, #tpu.memory_space<vmem>>
        %dma_wait3A_189 = tpu.memref_slice %arg3[%mul3A_166] : memref<32768xi32, #tpu.memory_space<hbm>> -> memref<128xi32, #tpu.memory_space<hbm>>
        %dma_wait3A_190 = arith.constant 0 : i32
        %dma_wait3A_191 = tpu.memref_slice %arg7[%dma_wait3A_185, %dma_wait3A_190] : memref<2x128xi32, #tpu.memory_space<vmem>> -> memref<1x128xi32, #tpu.memory_space<vmem>>
        %dma_wait3A_192 = tpu.memref_squeeze %dma_wait3A_191 : memref<1x128xi32, #tpu.memory_space<vmem>> -> memref<128xi32, #tpu.memory_space<vmem>>
        %dma_wait3A_193 = tpu.memref_slice %arg3[%mul3A_166] : memref<32768xi32, #tpu.memory_space<hbm>> -> memref<128xi32, #tpu.memory_space<hbm>>
        tpu.wait_dma2 semaphore(%arg13 : memref<!tpu.dma_semaphore, #tpu.memory_space<semaphore_mem>>) src(%dma_wait3A_193 : memref<128xi32, #tpu.memory_space<hbm>>) dst(%dma_wait3A_192 : memref<128xi32, #tpu.memory_space<vmem>>)
        %dma_wait3A_194 = arith.constant 1 : i32
        %dma_wait3A_195 = arith.constant 0 : i32
        %dma_wait3A_196 = tpu.memref_slice %arg8[%dma_wait3A_194, %dma_wait3A_195] : memref<2x128xi32, #tpu.memory_space<vmem>> -> memref<1x128xi32, #tpu.memory_space<vmem>>
        %dma_wait3A_197 = tpu.memref_squeeze %dma_wait3A_196 : memref<1x128xi32, #tpu.memory_space<vmem>> -> memref<128xi32, #tpu.memory_space<vmem>>
        %dma_wait3A_198 = tpu.memref_slice %arg4[%mul3A_166] : memref<32768xi32, #tpu.memory_space<hbm>> -> memref<128xi32, #tpu.memory_space<hbm>>
        %dma_wait3A_199 = arith.constant 0 : i32
        %dma_wait3A_200 = tpu.memref_slice %arg8[%dma_wait3A_194, %dma_wait3A_199] : memref<2x128xi32, #tpu.memory_space<vmem>> -> memref<1x128xi32, #tpu.memory_space<vmem>>
        %dma_wait3A_201 = tpu.memref_squeeze %dma_wait3A_200 : memref<1x128xi32, #tpu.memory_space<vmem>> -> memref<128xi32, #tpu.memory_space<vmem>>
        %dma_wait3A_202 = tpu.memref_slice %arg4[%mul3A_166] : memref<32768xi32, #tpu.memory_space<hbm>> -> memref<128xi32, #tpu.memory_space<hbm>>
        tpu.wait_dma2 semaphore(%arg13 : memref<!tpu.dma_semaphore, #tpu.memory_space<semaphore_mem>>) src(%dma_wait3A_202 : memref<128xi32, #tpu.memory_space<hbm>>) dst(%dma_wait3A_201 : memref<128xi32, #tpu.memory_space<vmem>>)
        %dma_start3A_203 = arith.constant 1 : i32
        %dma_start3A_204 = arith.constant 1 : i32
        %dma_start3A_205 = arith.constant 0 : i32
        %dma_start3A_206 = arith.constant 0 : i32
        %dma_start3A_207 = tpu.memref_slice %arg9[%dma_start3A_204, %dma_start3A_205, %dma_start3A_206] : memref<2x128x128xf32, #tpu.memory_space<vmem>> -> memref<1x128x128xf32, #tpu.memory_space<vmem>>
        %dma_start3A_208 = tpu.memref_squeeze %dma_start3A_207 : memref<1x128x128xf32, #tpu.memory_space<vmem>> -> memref<128x128xf32, #tpu.memory_space<vmem>>
        %dma_start3A_209 = arith.constant 0 : i32
        %dma_start3A_210 = tpu.memref_slice %arg7[%dma_start3A_203, %dma_start3A_209] : memref<2x128xi32, #tpu.memory_space<vmem>> -> memref<1x128xi32, #tpu.memory_space<vmem>>
        %dma_start3A_211 = tpu.memref_squeeze %dma_start3A_210 : memref<1x128xi32, #tpu.memory_space<vmem>> -> memref<128xi32, #tpu.memory_space<vmem>>
        %dma_start3A_212 = arith.constant 0 : i32
        %dma_start3A_213 = arith.constant 0 : i32
        %dma_start3A_214 = tpu.memref_slice %arg10[%dma_start3A_212, %dma_start3A_213] : memref<1024x128xf32, #tpu.memory_space<vmem_shared>> -> memref<1024x128xf32, #tpu.memory_space<vmem_shared>>
        tpu.enqueue_indirect_dma source(%dma_start3A_214 : memref<1024x128xf32, #tpu.memory_space<vmem_shared>>) target(%dma_start3A_208 : memref<128x128xf32, #tpu.memory_space<vmem>>) offsets(%dma_start3A_211 : memref<128xi32, #tpu.memory_space<vmem>>) semaphore(%arg15 : memref<!tpu.dma_semaphore, #tpu.memory_space<semaphore_mem>>)
      } else {
      }
    }
    %scan3A_117 = arith.constant 4 : i32
    %barrier3A_118 = arith.constant 0 : index
    tpu.barrier barrier_id(%barrier3A_118)
    %mul3A_119 = arith.constant 1024 : i32
    %mul3A_120 = arith.muli %arg0, %mul3A_119 : i32
    %add3A_121 = arith.addi %mul3A_120, %mul3A_0 : i32
    "tpu.region"() ({
      %run_scoped3A = tpu.sem_alloc : memref<!tpu.dma_semaphore, #tpu.memory_space<semaphore_mem>>
      %dma_start3A_122 = arith.constant 0 : i32
      %dma_start3A_123 = tpu.memref_slice %arg6[%add3A_121, %dma_start3A_122] : memref<2048x128xf32, #tpu.memory_space<hbm>> -> memref<64x128xf32, #tpu.memory_space<hbm>>
      %dma_start3A_124 = arith.constant 0 : i32
      %dma_start3A_125 = tpu.memref_slice %arg11[%mul3A_0, %dma_start3A_124] : memref<1024x128xf32, #tpu.memory_space<vmem_shared>> -> memref<64x128xf32, #tpu.memory_space<vmem_shared>>
      tpu.enqueue_dma source(%dma_start3A_125 : memref<64x128xf32, #tpu.memory_space<vmem_shared>>) target(%dma_start3A_123 : memref<64x128xf32, #tpu.memory_space<hbm>>) target_semaphore(%run_scoped3A : memref<!tpu.dma_semaphore, #tpu.memory_space<semaphore_mem>>)
      %dma_wait3A_126 = arith.constant 0 : i32
      %dma_wait3A_127 = tpu.memref_slice %arg6[%add3A_121, %dma_wait3A_126] : memref<2048x128xf32, #tpu.memory_space<hbm>> -> memref<64x128xf32, #tpu.memory_space<hbm>>
      %dma_wait3A_128 = arith.constant 0 : i32
      %dma_wait3A_129 = tpu.memref_slice %arg11[%mul3A_0, %dma_wait3A_128] : memref<1024x128xf32, #tpu.memory_space<vmem_shared>> -> memref<64x128xf32, #tpu.memory_space<vmem_shared>>
      tpu.wait_dma2 semaphore(%run_scoped3A : memref<!tpu.dma_semaphore, #tpu.memory_space<semaphore_mem>>) src(%dma_wait3A_129 : memref<64x128xf32, #tpu.memory_space<vmem_shared>>) dst(%dma_wait3A_127 : memref<64x128xf32, #tpu.memory_space<hbm>>)
      tpu.yield
    }) : () -> ()
    return
  }
}

module attributes {stable_mosaic.version = 14 : i64} {
  func.func @_tc_prep_body(%arg0: memref<10000x128xf32, #tpu.memory_space<vmem>>, %arg1: memref<4096x128xf32, #tpu.memory_space<vmem>>, %arg2: memref<4000x128xf32, #tpu.memory_space<vmem>>) attributes {dimension_semantics = [], scalar_prefetch = 0 : i64, scratch_operands = 0 : i64, tpu.core_type = #tpu.core_type<tc>} {
    %get3A = arith.constant 0 : index
    %get3A_0 = arith.constant 0 : index
    %get3A_1 = vector.load %arg0[%get3A, %get3A_0] : memref<10000x128xf32, #tpu.memory_space<vmem>>, vector<10000x128xf32>
    %slice3A = vector.extract_strided_slice %get3A_1 {offsets = [0, 0], sizes = [4000, 128], strides = [1, 1]} : vector<10000x128xf32> to vector<4000x128xf32>
    %reduce_sum3A = arith.constant dense<0.000000e+00> : vector<128xf32>
    %reduce_sum3A_2 = vector.multi_reduction <add>, %get3A_1, %reduce_sum3A [0] : vector<10000x128xf32> to vector<128xf32>
    %broadcast_in_dim3A = vector.shape_cast %reduce_sum3A_2 : vector<128xf32> to vector<1x128xf32>
    %div3A = arith.constant 1.000000e+04 : f32
    %div3A_3 = vector.broadcast %div3A : f32 to vector<1x128xf32>
    %div3A_4 = arith.divf %broadcast_in_dim3A, %div3A_3 : vector<1x128xf32>
    %reduce_sum3A_5 = arith.constant dense<0.000000e+00> : vector<128xf32>
    %reduce_sum3A_6 = vector.multi_reduction <add>, %slice3A, %reduce_sum3A_5 [0] : vector<4000x128xf32> to vector<128xf32>
    %broadcast_in_dim3A_7 = vector.shape_cast %reduce_sum3A_6 : vector<128xf32> to vector<1x128xf32>
    %div3A_8 = arith.constant 4.000000e+03 : f32
    %div3A_9 = vector.broadcast %div3A_8 : f32 to vector<1x128xf32>
    %div3A_10 = arith.divf %broadcast_in_dim3A_7, %div3A_9 : vector<1x128xf32>
    %sub3A = vector.broadcast %div3A_4 : vector<1x128xf32> to vector<4000x128xf32>
    %sub3A_11 = arith.subf %slice3A, %sub3A : vector<4000x128xf32>
    %sign3A = tpu.bitcast %sub3A_11 : vector<4000x128xf32> -> vector<4000x128xi32>
    %sign3A_12 = arith.constant -2147483648 : i32
    %sign3A_13 = vector.broadcast %sign3A_12 : i32 to vector<4000x128xi32>
    %sign3A_14 = arith.andi %sign3A, %sign3A_13 : vector<4000x128xi32>
    %sign3A_15 = arith.constant 1065353216 : i32
    %sign3A_16 = vector.broadcast %sign3A_15 : i32 to vector<4000x128xi32>
    %sign3A_17 = arith.ori %sign3A_16, %sign3A_14 : vector<4000x128xi32>
    %sign3A_18 = tpu.bitcast %sign3A_17 : vector<4000x128xi32> -> vector<4000x128xf32>
    %sign3A_19 = math.absf %sub3A_11 : vector<4000x128xf32>
    %sign3A_20 = arith.constant 0.000000e+00 : f32
    %sign3A_21 = vector.broadcast %sign3A_20 : f32 to vector<4000x128xf32>
    %sign3A_22 = arith.cmpf ogt, %sign3A_19, %sign3A_21 : vector<4000x128xf32>
    %sign3A_23 = arith.select %sign3A_22, %sign3A_18, %sub3A_11 : vector<4000x128xi1>, vector<4000x128xf32>
    %broadcast_in_dim3A_24 = arith.constant 0.000000e+00 : f32
    %broadcast_in_dim3A_25 = vector.broadcast %broadcast_in_dim3A_24 : f32 to vector<96x128xf32>
    %concatenate3A = tpu.concatenate %sign3A_23, %broadcast_in_dim3A_25 in 0 : vector<4000x128xf32>, vector<96x128xf32> -> vector<4096x128xf32>
    %swap3A = arith.constant 0 : index
    %swap3A_26 = arith.constant 0 : index
    %swap3A_27 = vector.load %arg1[%swap3A, %swap3A_26] : memref<4096x128xf32, #tpu.memory_space<vmem>>, vector<4096x128xf32>
    tpu.vector_store %arg1[%swap3A, %swap3A_26], %concatenate3A {strides = array<i32>} : memref<4096x128xf32, #tpu.memory_space<vmem>>, vector<4096x128xf32>,
    %sub3A_28 = vector.broadcast %div3A_10 : vector<1x128xf32> to vector<4000x128xf32>
    %sub3A_29 = arith.subf %slice3A, %sub3A_28 : vector<4000x128xf32>
    %sign3A_30 = tpu.bitcast %sub3A_29 : vector<4000x128xf32> -> vector<4000x128xi32>
    %sign3A_31 = arith.constant -2147483648 : i32
    %sign3A_32 = vector.broadcast %sign3A_31 : i32 to vector<4000x128xi32>
    %sign3A_33 = arith.andi %sign3A_30, %sign3A_32 : vector<4000x128xi32>
    %sign3A_34 = arith.constant 1065353216 : i32
    %sign3A_35 = vector.broadcast %sign3A_34 : i32 to vector<4000x128xi32>
    %sign3A_36 = arith.ori %sign3A_35, %sign3A_33 : vector<4000x128xi32>
    %sign3A_37 = tpu.bitcast %sign3A_36 : vector<4000x128xi32> -> vector<4000x128xf32>
    %sign3A_38 = math.absf %sub3A_29 : vector<4000x128xf32>
    %sign3A_39 = arith.constant 0.000000e+00 : f32
    %sign3A_40 = vector.broadcast %sign3A_39 : f32 to vector<4000x128xf32>
    %sign3A_41 = arith.cmpf ogt, %sign3A_38, %sign3A_40 : vector<4000x128xf32>
    %sign3A_42 = arith.select %sign3A_41, %sign3A_37, %sub3A_29 : vector<4000x128xi1>, vector<4000x128xf32>
    %swap3A_43 = arith.constant 0 : index
    %swap3A_44 = arith.constant 0 : index
    %swap3A_45 = vector.load %arg2[%swap3A_43, %swap3A_44] : memref<4000x128xf32, #tpu.memory_space<vmem>>, vector<4000x128xf32>
    tpu.vector_store %arg2[%swap3A_43, %swap3A_44], %sign3A_42 {strides = array<i32>} : memref<4000x128xf32, #tpu.memory_space<vmem>>, vector<4000x128xf32>,
    return
  }
}

module attributes {stable_mosaic.version = 14 : i64} {
  func.func @_tc_l1a_body(%arg0: memref<8192x128xf32, #tpu.memory_space<vmem>>, %arg1: memref<8192x128xf32, #tpu.memory_space<vmem>>, %arg2: memref<4000x128xf32, #tpu.memory_space<vmem>>, %arg3: memref<4096x128xf32, #tpu.memory_space<vmem>>) attributes {dimension_semantics = [], scalar_prefetch = 0 : i64, scratch_operands = 0 : i64, tpu.core_type = #tpu.core_type<tc>} {
    %get3A = arith.constant 0 : index
    %get3A_0 = arith.constant 0 : index
    %get3A_1 = vector.load %arg0[%get3A, %get3A_0] : memref<8192x128xf32, #tpu.memory_space<vmem>>, vector<8192x128xf32>
    %slice3A = vector.extract_strided_slice %get3A_1 {offsets = [0, 0], sizes = [4096, 128], strides = [1, 1]} : vector<8192x128xf32> to vector<4096x128xf32>
    %slice3A_2 = vector.extract_strided_slice %get3A_1 {offsets = [4096, 0], sizes = [4096, 128], strides = [1, 1]} : vector<8192x128xf32> to vector<4096x128xf32>
    %add3A = arith.addf %slice3A, %slice3A_2 : vector<4096x128xf32>
    %slice3A_3 = vector.extract_strided_slice %add3A {offsets = [0, 0], sizes = [4000, 128], strides = [1, 1]} : vector<4096x128xf32> to vector<4000x128xf32>
    %get3A_4 = arith.constant 0 : index
    %get3A_5 = arith.constant 0 : index
    %get3A_6 = vector.load %arg1[%get3A_4, %get3A_5] : memref<8192x128xf32, #tpu.memory_space<vmem>>, vector<8192x128xf32>
    %slice3A_7 = vector.extract_strided_slice %get3A_6 {offsets = [0, 0], sizes = [8192, 1], strides = [1, 1]} : vector<8192x128xf32> to vector<8192x1xf32>
    %slice3A_8 = vector.extract_strided_slice %slice3A_7 {offsets = [0, 0], sizes = [4096, 1], strides = [1, 1]} : vector<8192x1xf32> to vector<4096x1xf32>
    %slice3A_9 = vector.extract_strided_slice %slice3A_7 {offsets = [4096, 0], sizes = [4096, 1], strides = [1, 1]} : vector<8192x1xf32> to vector<4096x1xf32>
    %add3A_10 = arith.addf %slice3A_8, %slice3A_9 : vector<4096x1xf32>
    %slice3A_11 = vector.extract_strided_slice %add3A_10 {offsets = [0, 0], sizes = [4000, 1], strides = [1, 1]} : vector<4096x1xf32> to vector<4000x1xf32>
    %get3A_12 = arith.constant 0 : index
    %get3A_13 = arith.constant 0 : index
    %get3A_14 = vector.load %arg2[%get3A_12, %get3A_13] : memref<4000x128xf32, #tpu.memory_space<vmem>>, vector<4000x128xf32>
    %add3A_15 = arith.addf %slice3A_3, %get3A_14 : vector<4000x128xf32>
    %add3A_16 = arith.constant 1.000000e+00 : f32
    %add3A_17 = vector.broadcast %add3A_16 : f32 to vector<4000x1xf32>
    %add3A_18 = arith.addf %slice3A_11, %add3A_17 : vector<4000x1xf32>
    %div3A = vector.broadcast %add3A_18 : vector<4000x1xf32> to vector<4000x128xf32>
    %div3A_19 = arith.divf %add3A_15, %div3A : vector<4000x128xf32>
    %broadcast_in_dim3A = arith.constant 0.000000e+00 : f32
    %broadcast_in_dim3A_20 = vector.broadcast %broadcast_in_dim3A : f32 to vector<96x128xf32>
    %concatenate3A = tpu.concatenate %div3A_19, %broadcast_in_dim3A_20 in 0 : vector<4000x128xf32>, vector<96x128xf32> -> vector<4096x128xf32>
    %swap3A = arith.constant 0 : index
    %swap3A_21 = arith.constant 0 : index
    %swap3A_22 = vector.load %arg3[%swap3A, %swap3A_21] : memref<4096x128xf32, #tpu.memory_space<vmem>>, vector<4096x128xf32>
    tpu.vector_store %arg3[%swap3A, %swap3A_21], %concatenate3A {strides = array<i32>} : memref<4096x128xf32, #tpu.memory_space<vmem>>, vector<4096x128xf32>,
    return
  }
}

module attributes {stable_mosaic.version = 14 : i64} {
  func.func @_tc_l1b_body(%arg0: memref<8192x128xf32, #tpu.memory_space<vmem>>, %arg1: memref<8192x128xf32, #tpu.memory_space<vmem>>, %arg2: memref<4096x128xf32, #tpu.memory_space<vmem>>, %arg3: memref<128x128xf32, #tpu.memory_space<vmem>>, %arg4: memref<128xf32, #tpu.memory_space<vmem>>, %arg5: memref<128x128xf32, #tpu.memory_space<vmem>>, %arg6: memref<128xf32, #tpu.memory_space<vmem>>, %arg7: memref<1024x128xf32, #tpu.memory_space<vmem>>, %arg8: memref<1024x128xf32, #tpu.memory_space<vmem>>) attributes {dimension_semantics = [], scalar_prefetch = 0 : i64, scratch_operands = 0 : i64, tpu.core_type = #tpu.core_type<tc>} {
    %get3A = arith.constant 0 : index
    %get3A_0 = arith.constant 0 : index
    %get3A_1 = vector.load %arg0[%get3A, %get3A_0] : memref<8192x128xf32, #tpu.memory_space<vmem>>, vector<8192x128xf32>
    %slice3A = vector.extract_strided_slice %get3A_1 {offsets = [0, 0], sizes = [4096, 128], strides = [1, 1]} : vector<8192x128xf32> to vector<4096x128xf32>
    %get3A_2 = arith.constant 0 : index
    %get3A_3 = arith.constant 0 : index
    %get3A_4 = vector.load %arg0[%get3A_2, %get3A_3] : memref<8192x128xf32, #tpu.memory_space<vmem>>, vector<8192x128xf32>
    %slice3A_5 = vector.extract_strided_slice %get3A_4 {offsets = [4096, 0], sizes = [4096, 128], strides = [1, 1]} : vector<8192x128xf32> to vector<4096x128xf32>
    %add3A = arith.addf %slice3A, %slice3A_5 : vector<4096x128xf32>
    %slice3A_6 = vector.extract_strided_slice %add3A {offsets = [0, 0], sizes = [4000, 128], strides = [1, 1]} : vector<4096x128xf32> to vector<4000x128xf32>
    %get3A_7 = arith.constant 0 : index
    %get3A_8 = arith.constant 0 : index
    %get3A_9 = vector.load %arg1[%get3A_7, %get3A_8] : memref<8192x128xf32, #tpu.memory_space<vmem>>, vector<8192x128xf32>
    %slice3A_10 = vector.extract_strided_slice %get3A_9 {offsets = [0, 0], sizes = [8192, 1], strides = [1, 1]} : vector<8192x128xf32> to vector<8192x1xf32>
    %slice3A_11 = vector.extract_strided_slice %slice3A_10 {offsets = [0, 0], sizes = [4096, 1], strides = [1, 1]} : vector<8192x1xf32> to vector<4096x1xf32>
    %slice3A_12 = vector.extract_strided_slice %slice3A_10 {offsets = [4096, 0], sizes = [4096, 1], strides = [1, 1]} : vector<8192x1xf32> to vector<4096x1xf32>
    %add3A_13 = arith.addf %slice3A_11, %slice3A_12 : vector<4096x1xf32>
    %slice3A_14 = vector.extract_strided_slice %add3A_13 {offsets = [0, 0], sizes = [4000, 1], strides = [1, 1]} : vector<4096x1xf32> to vector<4000x1xf32>
    %get3A_15 = arith.constant 0 : index
    %get3A_16 = arith.constant 0 : index
    %get3A_17 = vector.load %arg2[%get3A_15, %get3A_16] : memref<4096x128xf32, #tpu.memory_space<vmem>>, vector<4000x128xf32>
    %add3A_18 = arith.addf %slice3A_6, %get3A_17 : vector<4000x128xf32>
    %add3A_19 = arith.constant 1.000000e+00 : f32
    %add3A_20 = vector.broadcast %add3A_19 : f32 to vector<4000x1xf32>
    %add3A_21 = arith.addf %slice3A_14, %add3A_20 : vector<4000x1xf32>
    %div3A = vector.broadcast %add3A_21 : vector<4000x1xf32> to vector<4000x128xf32>
    %div3A_22 = arith.divf %add3A_18, %div3A : vector<4000x128xf32>
    %get3A_23 = arith.constant 0 : index
    %get3A_24 = arith.constant 0 : index
    %get3A_25 = vector.load %arg3[%get3A_23, %get3A_24] : memref<128x128xf32, #tpu.memory_space<vmem>>, vector<128x128xf32>
    %dot_general3A = arith.constant dense<0.000000e+00> : vector<4000x128xf32>
    %dot_general3A_26 = tpu.matmul %div3A_22, %get3A_25, %dot_general3A {dimension_numbers = #tpu.dot_dimension_numbers<[1], [0], [0], [1], [0, 0, 1, 1], [], []>, transpose_lhs_hint = false} : vector<4000x128xf32>, vector<128x128xf32>, vector<4000x128xf32> -> vector<4000x128xf32>
    %get3A_27 = arith.constant 0 : index
    %get3A_28 = vector.load %arg4[%get3A_27] : memref<128xf32, #tpu.memory_space<vmem>>, vector<128xf32>
    %broadcast_in_dim3A = vector.shape_cast %get3A_28 : vector<128xf32> to vector<1x128xf32>
    %add3A_29 = vector.broadcast %broadcast_in_dim3A : vector<1x128xf32> to vector<4000x128xf32>
    %add3A_30 = arith.addf %dot_general3A_26, %add3A_29 : vector<4000x128xf32>
    %get3A_31 = arith.constant 0 : index
    %get3A_32 = arith.constant 0 : index
    %get3A_33 = vector.load %arg5[%get3A_31, %get3A_32] : memref<128x128xf32, #tpu.memory_space<vmem>>, vector<128x128xf32>
    %dot_general3A_34 = arith.constant dense<0.000000e+00> : vector<4000x128xf32>
    %dot_general3A_35 = tpu.matmul %add3A_30, %get3A_33, %dot_general3A_34 {dimension_numbers = #tpu.dot_dimension_numbers<[1], [0], [0], [1], [0, 0, 1, 1], [], []>, transpose_lhs_hint = false} : vector<4000x128xf32>, vector<128x128xf32>, vector<4000x128xf32> -> vector<4000x128xf32>
    %get3A_36 = arith.constant 0 : index
    %get3A_37 = vector.load %arg6[%get3A_36] : memref<128xf32, #tpu.memory_space<vmem>>, vector<128xf32>
    %broadcast_in_dim3A_38 = vector.shape_cast %get3A_37 : vector<128xf32> to vector<1x128xf32>
    %add3A_39 = vector.broadcast %broadcast_in_dim3A_38 : vector<1x128xf32> to vector<4000x128xf32>
    %add3A_40 = arith.addf %dot_general3A_35, %add3A_39 : vector<4000x128xf32>
    %max3A = arith.constant 0.000000e+00 : f32
    %max3A_41 = vector.broadcast %max3A : f32 to vector<4000x128xf32>
    %max3A_42 = arith.maximumf %add3A_40, %max3A_41 : vector<4000x128xf32>
    %slice3A_43 = vector.extract_strided_slice %max3A_42 {offsets = [0, 0], sizes = [1024, 128], strides = [1, 1]} : vector<4000x128xf32> to vector<1024x128xf32>
    %reduce_sum3A = arith.constant dense<0.000000e+00> : vector<128xf32>
    %reduce_sum3A_44 = vector.multi_reduction <add>, %max3A_42, %reduce_sum3A [0] : vector<4000x128xf32> to vector<128xf32>
    %broadcast_in_dim3A_45 = vector.shape_cast %reduce_sum3A_44 : vector<128xf32> to vector<1x128xf32>
    %div3A_46 = arith.constant 4.000000e+03 : f32
    %div3A_47 = vector.broadcast %div3A_46 : f32 to vector<1x128xf32>
    %div3A_48 = arith.divf %broadcast_in_dim3A_45, %div3A_47 : vector<1x128xf32>
    %reduce_sum3A_49 = arith.constant dense<0.000000e+00> : vector<128xf32>
    %reduce_sum3A_50 = vector.multi_reduction <add>, %slice3A_43, %reduce_sum3A_49 [0] : vector<1024x128xf32> to vector<128xf32>
    %broadcast_in_dim3A_51 = vector.shape_cast %reduce_sum3A_50 : vector<128xf32> to vector<1x128xf32>
    %div3A_52 = arith.constant 1.024000e+03 : f32
    %div3A_53 = vector.broadcast %div3A_52 : f32 to vector<1x128xf32>
    %div3A_54 = arith.divf %broadcast_in_dim3A_51, %div3A_53 : vector<1x128xf32>
    %sub3A = vector.broadcast %div3A_48 : vector<1x128xf32> to vector<1024x128xf32>
    %sub3A_55 = arith.subf %slice3A_43, %sub3A : vector<1024x128xf32>
    %sign3A = tpu.bitcast %sub3A_55 : vector<1024x128xf32> -> vector<1024x128xi32>
    %sign3A_56 = arith.constant -2147483648 : i32
    %sign3A_57 = vector.broadcast %sign3A_56 : i32 to vector<1024x128xi32>
    %sign3A_58 = arith.andi %sign3A, %sign3A_57 : vector<1024x128xi32>
    %sign3A_59 = arith.constant 1065353216 : i32
    %sign3A_60 = vector.broadcast %sign3A_59 : i32 to vector<1024x128xi32>
    %sign3A_61 = arith.ori %sign3A_60, %sign3A_58 : vector<1024x128xi32>
    %sign3A_62 = tpu.bitcast %sign3A_61 : vector<1024x128xi32> -> vector<1024x128xf32>
    %sign3A_63 = math.absf %sub3A_55 : vector<1024x128xf32>
    %sign3A_64 = arith.constant 0.000000e+00 : f32
    %sign3A_65 = vector.broadcast %sign3A_64 : f32 to vector<1024x128xf32>
    %sign3A_66 = arith.cmpf ogt, %sign3A_63, %sign3A_65 : vector<1024x128xf32>
    %sign3A_67 = arith.select %sign3A_66, %sign3A_62, %sub3A_55 : vector<1024x128xi1>, vector<1024x128xf32>
    %swap3A = arith.constant 0 : index
    %swap3A_68 = arith.constant 0 : index
    %swap3A_69 = vector.load %arg7[%swap3A, %swap3A_68] : memref<1024x128xf32, #tpu.memory_space<vmem>>, vector<1024x128xf32>
    tpu.vector_store %arg7[%swap3A, %swap3A_68], %sign3A_67 {strides = array<i32>} : memref<1024x128xf32, #tpu.memory_space<vmem>>, vector<1024x128xf32>,
    %sub3A_70 = vector.broadcast %div3A_54 : vector<1x128xf32> to vector<1024x128xf32>
    %sub3A_71 = arith.subf %slice3A_43, %sub3A_70 : vector<1024x128xf32>
    %sign3A_72 = tpu.bitcast %sub3A_71 : vector<1024x128xf32> -> vector<1024x128xi32>
    %sign3A_73 = arith.constant -2147483648 : i32
    %sign3A_74 = vector.broadcast %sign3A_73 : i32 to vector<1024x128xi32>
    %sign3A_75 = arith.andi %sign3A_72, %sign3A_74 : vector<1024x128xi32>
    %sign3A_76 = arith.constant 1065353216 : i32
    %sign3A_77 = vector.broadcast %sign3A_76 : i32 to vector<1024x128xi32>
    %sign3A_78 = arith.ori %sign3A_77, %sign3A_75 : vector<1024x128xi32>
    %sign3A_79 = tpu.bitcast %sign3A_78 : vector<1024x128xi32> -> vector<1024x128xf32>
    %sign3A_80 = math.absf %sub3A_71 : vector<1024x128xf32>
    %sign3A_81 = arith.constant 0.000000e+00 : f32
    %sign3A_82 = vector.broadcast %sign3A_81 : f32 to vector<1024x128xf32>
    %sign3A_83 = arith.cmpf ogt, %sign3A_80, %sign3A_82 : vector<1024x128xf32>
    %sign3A_84 = arith.select %sign3A_83, %sign3A_79, %sub3A_71 : vector<1024x128xi1>, vector<1024x128xf32>
    %swap3A_85 = arith.constant 0 : index
    %swap3A_86 = arith.constant 0 : index
    %swap3A_87 = vector.load %arg8[%swap3A_85, %swap3A_86] : memref<1024x128xf32, #tpu.memory_space<vmem>>, vector<1024x128xf32>
    tpu.vector_store %arg8[%swap3A_85, %swap3A_86], %sign3A_84 {strides = array<i32>} : memref<1024x128xf32, #tpu.memory_space<vmem>>, vector<1024x128xf32>,
    return
  }
}

module attributes {stable_mosaic.version = 14 : i64} {
  func.func @_tc_l2a_body(%arg0: memref<2048x128xf32, #tpu.memory_space<vmem>>, %arg1: memref<2048x128xf32, #tpu.memory_space<vmem>>, %arg2: memref<1024x128xf32, #tpu.memory_space<vmem>>, %arg3: memref<1024x128xf32, #tpu.memory_space<vmem>>) attributes {dimension_semantics = [], scalar_prefetch = 0 : i64, scratch_operands = 0 : i64, tpu.core_type = #tpu.core_type<tc>} {
    %get3A = arith.constant 0 : index
    %get3A_0 = arith.constant 0 : index
    %get3A_1 = vector.load %arg0[%get3A, %get3A_0] : memref<2048x128xf32, #tpu.memory_space<vmem>>, vector<2048x128xf32>
    %slice3A = vector.extract_strided_slice %get3A_1 {offsets = [0, 0], sizes = [1024, 128], strides = [1, 1]} : vector<2048x128xf32> to vector<1024x128xf32>
    %slice3A_2 = vector.extract_strided_slice %get3A_1 {offsets = [1024, 0], sizes = [1024, 128], strides = [1, 1]} : vector<2048x128xf32> to vector<1024x128xf32>
    %add3A = arith.addf %slice3A, %slice3A_2 : vector<1024x128xf32>
    %get3A_3 = arith.constant 0 : index
    %get3A_4 = arith.constant 0 : index
    %get3A_5 = vector.load %arg1[%get3A_3, %get3A_4] : memref<2048x128xf32, #tpu.memory_space<vmem>>, vector<2048x128xf32>
    %slice3A_6 = vector.extract_strided_slice %get3A_5 {offsets = [0, 0], sizes = [2048, 1], strides = [1, 1]} : vector<2048x128xf32> to vector<2048x1xf32>
    %slice3A_7 = vector.extract_strided_slice %slice3A_6 {offsets = [0, 0], sizes = [1024, 1], strides = [1, 1]} : vector<2048x1xf32> to vector<1024x1xf32>
    %slice3A_8 = vector.extract_strided_slice %slice3A_6 {offsets = [1024, 0], sizes = [1024, 1], strides = [1, 1]} : vector<2048x1xf32> to vector<1024x1xf32>
    %add3A_9 = arith.addf %slice3A_7, %slice3A_8 : vector<1024x1xf32>
    %get3A_10 = arith.constant 0 : index
    %get3A_11 = arith.constant 0 : index
    %get3A_12 = vector.load %arg2[%get3A_10, %get3A_11] : memref<1024x128xf32, #tpu.memory_space<vmem>>, vector<1024x128xf32>
    %add3A_13 = arith.addf %add3A, %get3A_12 : vector<1024x128xf32>
    %add3A_14 = arith.constant 1.000000e+00 : f32
    %add3A_15 = vector.broadcast %add3A_14 : f32 to vector<1024x1xf32>
    %add3A_16 = arith.addf %add3A_9, %add3A_15 : vector<1024x1xf32>
    %div3A = vector.broadcast %add3A_16 : vector<1024x1xf32> to vector<1024x128xf32>
    %div3A_17 = arith.divf %add3A_13, %div3A : vector<1024x128xf32>
    %swap3A = arith.constant 0 : index
    %swap3A_18 = arith.constant 0 : index
    %swap3A_19 = vector.load %arg3[%swap3A, %swap3A_18] : memref<1024x128xf32, #tpu.memory_space<vmem>>, vector<1024x128xf32>
    tpu.vector_store %arg3[%swap3A, %swap3A_18], %div3A_17 {strides = array<i32>} : memref<1024x128xf32, #tpu.memory_space<vmem>>, vector<1024x128xf32>,
    return
  }
}

module attributes {stable_mosaic.version = 14 : i64} {
  func.func @_tc_l2b_body(%arg0: memref<2048x128xf32, #tpu.memory_space<vmem>>, %arg1: memref<2048x128xf32, #tpu.memory_space<vmem>>, %arg2: memref<1024x128xf32, #tpu.memory_space<vmem>>, %arg3: memref<128x128xf32, #tpu.memory_space<vmem>>, %arg4: memref<128xf32, #tpu.memory_space<vmem>>, %arg5: memref<128x128xf32, #tpu.memory_space<vmem>>, %arg6: memref<128xf32, #tpu.memory_space<vmem>>, %arg7: memref<1024x128xf32, #tpu.memory_space<vmem>>) attributes {dimension_semantics = [], scalar_prefetch = 0 : i64, scratch_operands = 0 : i64, tpu.core_type = #tpu.core_type<tc>} {
    %get3A = arith.constant 0 : index
    %get3A_0 = arith.constant 0 : index
    %get3A_1 = vector.load %arg0[%get3A, %get3A_0] : memref<2048x128xf32, #tpu.memory_space<vmem>>, vector<2048x128xf32>
    %slice3A = vector.extract_strided_slice %get3A_1 {offsets = [0, 0], sizes = [1024, 128], strides = [1, 1]} : vector<2048x128xf32> to vector<1024x128xf32>
    %get3A_2 = arith.constant 0 : index
    %get3A_3 = arith.constant 0 : index
    %get3A_4 = vector.load %arg0[%get3A_2, %get3A_3] : memref<2048x128xf32, #tpu.memory_space<vmem>>, vector<2048x128xf32>
    %slice3A_5 = vector.extract_strided_slice %get3A_4 {offsets = [1024, 0], sizes = [1024, 128], strides = [1, 1]} : vector<2048x128xf32> to vector<1024x128xf32>
    %add3A = arith.addf %slice3A, %slice3A_5 : vector<1024x128xf32>
    %get3A_6 = arith.constant 0 : index
    %get3A_7 = arith.constant 0 : index
    %get3A_8 = vector.load %arg1[%get3A_6, %get3A_7] : memref<2048x128xf32, #tpu.memory_space<vmem>>, vector<2048x128xf32>
    %slice3A_9 = vector.extract_strided_slice %get3A_8 {offsets = [0, 0], sizes = [2048, 1], strides = [1, 1]} : vector<2048x128xf32> to vector<2048x1xf32>
    %slice3A_10 = vector.extract_strided_slice %slice3A_9 {offsets = [0, 0], sizes = [1024, 1], strides = [1, 1]} : vector<2048x1xf32> to vector<1024x1xf32>
    %slice3A_11 = vector.extract_strided_slice %slice3A_9 {offsets = [1024, 0], sizes = [1024, 1], strides = [1, 1]} : vector<2048x1xf32> to vector<1024x1xf32>
    %add3A_12 = arith.addf %slice3A_10, %slice3A_11 : vector<1024x1xf32>
    %get3A_13 = arith.constant 0 : index
    %get3A_14 = arith.constant 0 : index
    %get3A_15 = vector.load %arg2[%get3A_13, %get3A_14] : memref<1024x128xf32, #tpu.memory_space<vmem>>, vector<1024x128xf32>
    %add3A_16 = arith.addf %add3A, %get3A_15 : vector<1024x128xf32>
    %add3A_17 = arith.constant 1.000000e+00 : f32
    %add3A_18 = vector.broadcast %add3A_17 : f32 to vector<1024x1xf32>
    %add3A_19 = arith.addf %add3A_12, %add3A_18 : vector<1024x1xf32>
    %div3A = vector.broadcast %add3A_19 : vector<1024x1xf32> to vector<1024x128xf32>
    %div3A_20 = arith.divf %add3A_16, %div3A : vector<1024x128xf32>
    %get3A_21 = arith.constant 0 : index
    %get3A_22 = arith.constant 0 : index
    %get3A_23 = vector.load %arg3[%get3A_21, %get3A_22] : memref<128x128xf32, #tpu.memory_space<vmem>>, vector<128x128xf32>
    %dot_general3A = arith.constant dense<0.000000e+00> : vector<1024x128xf32>
    %dot_general3A_24 = tpu.matmul %div3A_20, %get3A_23, %dot_general3A {dimension_numbers = #tpu.dot_dimension_numbers<[1], [0], [0], [1], [0, 0, 1, 1], [], []>, transpose_lhs_hint = false} : vector<1024x128xf32>, vector<128x128xf32>, vector<1024x128xf32> -> vector<1024x128xf32>
    %get3A_25 = arith.constant 0 : index
    %get3A_26 = vector.load %arg4[%get3A_25] : memref<128xf32, #tpu.memory_space<vmem>>, vector<128xf32>
    %broadcast_in_dim3A = vector.shape_cast %get3A_26 : vector<128xf32> to vector<1x128xf32>
    %add3A_27 = vector.broadcast %broadcast_in_dim3A : vector<1x128xf32> to vector<1024x128xf32>
    %add3A_28 = arith.addf %dot_general3A_24, %add3A_27 : vector<1024x128xf32>
    %get3A_29 = arith.constant 0 : index
    %get3A_30 = arith.constant 0 : index
    %get3A_31 = vector.load %arg5[%get3A_29, %get3A_30] : memref<128x128xf32, #tpu.memory_space<vmem>>, vector<128x128xf32>
    %dot_general3A_32 = arith.constant dense<0.000000e+00> : vector<1024x128xf32>
    %dot_general3A_33 = tpu.matmul %add3A_28, %get3A_31, %dot_general3A_32 {dimension_numbers = #tpu.dot_dimension_numbers<[1], [0], [0], [1], [0, 0, 1, 1], [], []>, transpose_lhs_hint = false} : vector<1024x128xf32>, vector<128x128xf32>, vector<1024x128xf32> -> vector<1024x128xf32>
    %get3A_34 = arith.constant 0 : index
    %get3A_35 = vector.load %arg6[%get3A_34] : memref<128xf32, #tpu.memory_space<vmem>>, vector<128xf32>
    %broadcast_in_dim3A_36 = vector.shape_cast %get3A_35 : vector<128xf32> to vector<1x128xf32>
    %add3A_37 = vector.broadcast %broadcast_in_dim3A_36 : vector<1x128xf32> to vector<1024x128xf32>
    %add3A_38 = arith.addf %dot_general3A_33, %add3A_37 : vector<1024x128xf32>
    %reduce_max3A = arith.constant dense<0xFF800000> : vector<1024xf32>
    %reduce_max3A_39 = vector.multi_reduction <maximumf>, %add3A_38, %reduce_max3A [1] : vector<1024x128xf32> to vector<1024xf32>
    %broadcast_in_dim3A_40 = vector.shape_cast %reduce_max3A_39 : vector<1024xf32> to vector<1024x1xf32>
    %sub3A = vector.broadcast %broadcast_in_dim3A_40 : vector<1024x1xf32> to vector<1024x128xf32>
    %sub3A_41 = arith.subf %add3A_38, %sub3A : vector<1024x128xf32>
    %exp3A = math.exp %sub3A_41 : vector<1024x128xf32>
    %reduce_sum3A = arith.constant dense<0.000000e+00> : vector<1024xf32>
    %reduce_sum3A_42 = vector.multi_reduction <add>, %exp3A, %reduce_sum3A [1] : vector<1024x128xf32> to vector<1024xf32>
    %broadcast_in_dim3A_43 = vector.shape_cast %reduce_sum3A_42 : vector<1024xf32> to vector<1024x1xf32>
    %log3A = math.log %broadcast_in_dim3A_43 : vector<1024x1xf32>
    %sub3A_44 = vector.broadcast %log3A : vector<1024x1xf32> to vector<1024x128xf32>
    %sub3A_45 = arith.subf %sub3A_41, %sub3A_44 : vector<1024x128xf32>
    %swap3A = arith.constant 0 : index
    %swap3A_46 = arith.constant 0 : index
    %swap3A_47 = vector.load %arg7[%swap3A, %swap3A_46] : memref<1024x128xf32, #tpu.memory_space<vmem>>, vector<1024x128xf32>
    tpu.vector_store %arg7[%swap3A, %swap3A_46], %sub3A_45 {strides = array<i32>} : memref<1024x128xf32, #tpu.memory_space<vmem>>, vector<1024x128xf32>,
    return
  }
}

</mosaic_0001>

<sc_bundles>
// kernel: kernel.12.cloned.1.call-start
scs
__scs_entry_jumppad:
0x0: {  	(pc) =	sbr.rel $0x88, $3  }
0x1: {  	(tag) =	ssettag $0x0;
	lr =	simm.s32 $0x1  }
0x2: {  	[smem:$0x3F96] =	sst lr;
	_ =	strace $0xD0000000  }
0x3: {  	_ = 	snop  }
0x4: {  	_ = 	snop  }
0x5: {  	_ = 	snop  }
0x6: {  	_ = 	snop  }
0x7: {  	_ = 	snop  }
__scs_overlays_trampoline_lowered:
0x8: {  	[smem:$0x3FA5] =	sst s0  }
0x9: {  	[smem:$0x3FA6] =	sst s1  }
0xa: {  	[smem:$0x3FA7] =	sst s2  }
0xb: {  	[smem:$0x3FA8] =	sst s3  }
0xc: {  	[smem:$0x3FA9] =	sst s4  }
0xd: {  	[smem:$0x3FAA] =	sst s5  }
0xe: {  	[smem:$0x3FAB] =	sst s6  }
0xf: {  	[smem:$0x3FAC] =	sst s7  }
0x10: {  	[smem:$0x3FAD] =	sst s8  }
0x11: {  	[smem:$0x3FAE] =	sst s9;
	s0 =	simm.s32 @!p0 $0x0  }
0x12: {  	s1 =	sld [smem:$0x3F94];
	s0 =	simm.s32 @p0 $0x1  }
0x13: {  	[smem:$0x3FAF] =	sst s0;
	s0 =	simm.s32 @!p1 $0x0  }
0x14: {  	s2 =	sld [smem:$0x3F93];
	s0 =	simm.s32 @p1 $0x1  }
0x15: {  	[smem:$0x3FB0] =	sst s0;
	s0 =	simm.s32 @!p2 $0x0  }
0x16: {  	s3 =	sld [smem:$0x3FDB];
	s0 =	simm.s32 @p2 $0x1  }
0x17: {  	s4 =	simm.s32 $0x1BF5;
	[smem:$0x3FB2] =	sst s0  }
0x18: {  	s0 =	sld [smem:$0x3F95];
	_ =	swait.ge [sflag:s4], $0x0  }
0x19: {  	s7 =	sld [smem:$0x3F96]  }
0x1a: {  	s8 =	sadd.s32 $0xFFFFE003, lr  }
0x1b: {  	s9 =	sadd.s32 $0xFFFFFEF7, lr;
	s5 =	simm.s32 $0xFFFFFFFF;
	p2 =	slt.u32 s8, $0xFFFFF086  }
0x1c: {  	p1 =	slt.u32 s9, $0xF7A;
	s5 =	simm.s32 @!p2 $0x0  }
0x1d: {  	s5 =	simm.s32 @p1 $0x1;
	p0 =	seq.s32 s7, s2  }
0x1e: {  	s7 =	smul.u32 @!p0 $0xF7A, s2;
	p2 =	seq.s32 @!p0 s5, $0x0  }
0x1f: {  	s9 =	smul.u32 $0xF7A, s1;
	s8 =	simm.s32 @!p0 $0x1BF5;
	p2 =	por !p2, p0  }
0x20: {  	[sflag:s8] =	ssyncset.s32 @!p0 $0xFFFFF086;
	s6 =	sadd.s32 @!p0 s3, s7;
	s7 =	simm.s32 @!p0 $0x108  }
0x21: {  	s3 =	sadd.s32 s3, s9;
	s6 =	sadd.s32 @!p0 $0x88, s6;
	s7 =	simm.s32 @p2 $0x1082  }
0x22: {  	[simem:s7], [sflag:s8] =	dma.local @!p0 [hbm:s6], $0xF7A  }
0x23: {  	s9 =	sor.u32 $0xD0000000, s2;
	s6 =	simm.s32 $0x108;
	_ =	swait.ge @!p0 [sflag:s8], $0x0  }
0x24: {  	s3 =	sadd.s32 $0x88, s3;
	s6 =	simm.s32 @!p1 $0x1082;
	[sflag:s4] =	ssyncset.s32 $0xFFFFF086  }
0x25: {  	[simem:s6], [sflag:s4] =	dma.local [hbm:s3], $0xF7A  }
0x26: {  	[smem:$0x3F96] =	sst s1;
	(tag) =	ssettag s2;
	_ =	strace s9  }
0x27: {  	s1 =	sld [smem:$0x3FA6]  }
0x28: {  	s2 =	sld [smem:$0x3FA7]  }
0x29: {  	s4 =	sld [smem:$0x3FA9]  }
0x2a: {  	p0 =	seq.s32 s5, $0x0;
	s5 =	sld [smem:$0x3FAA]  }
0x2b: {  	s6 =	sld [smem:$0x3FAB]  }
0x2c: {  	s7 =	sld [smem:$0x3FAC]  }
0x2d: {  	s3 =	simm.s32 $0x108;
	s8 =	sld [smem:$0x3FAD]  }
0x2e: {  	s3 =	simm.s32 @!p0 $0x1082;
	s9 =	sld [smem:$0x3FAE]  }
0x2f: {  	lr =	sadd.s32 s0, s3;
	s0 =	sld [smem:$0x3FA5]  }
0x30: {  	s3 =	sld [smem:$0x3FA8]  }
0x31: {  	[smem:$0x3FB1] =	sst s10  }
0x32: {  	s10 =	sld [smem:$0x3FAF];
	_ =	sdelay $0x3  }
0x33: {  	p0 =	seq.s32 s10, $0x1;
	s10 =	sld [smem:$0x3FB1];
	_ =	sdelay $0x3  }
0x34: {  	[smem:$0x3FB1] =	sst s10  }
0x35: {  	s10 =	sld [smem:$0x3FB0];
	_ =	sdelay $0x3  }
0x36: {  	p1 =	seq.s32 s10, $0x1;
	s10 =	sld [smem:$0x3FB1];
	_ =	sdelay $0x3  }
0x37: {  	[smem:$0x3FB1] =	sst s10  }
0x38: {  	s10 =	sld [smem:$0x3FB2]  }
0x39: {  	_ = 	snop;
	(pc) =	sbr.ind lr, $3  }
0x3a: {  	_ = 	snop  }
0x3b: {  	_ = 	snop  }
0x3c: {  	p2 =	seq.s32 s10, $0x1;
	s10 =	sld [smem:$0x3FB1]  }
0x3d: {  	_ =	shalt  }
0x3e: {  	_ =	shalt  }
0x3f: {  	_ =	shalt  }
0x40: {  	_ =	shalt  }
0x41: {  	_ =	shalt  }
0x42: {  	_ =	shalt  }
0x43: {  	_ =	shalt  }
0x44: {  	_ =	shalt  }
0x45: {  	_ =	shalt  }
0x46: {  	_ =	shalt  }
0x47: {  	_ =	shalt  }
0x48: {  	_ =	shalt  }
0x49: {  	_ =	shalt  }
0x4a: {  	_ =	shalt  }
0x4b: {  	_ =	shalt  }
0x4c: {  	_ =	shalt  }
0x4d: {  	_ =	shalt  }
0x4e: {  	_ =	shalt  }
0x4f: {  	_ =	shalt  }
0x50: {  	_ =	shalt  }
0x51: {  	_ =	shalt  }
0x52: {  	_ =	shalt  }
0x53: {  	_ =	shalt  }
0x54: {  	_ =	shalt  }
0x55: {  	_ =	shalt  }
0x56: {  	_ =	shalt  }
0x57: {  	_ =	shalt  }
0x58: {  	_ =	shalt  }
0x59: {  	_ =	shalt  }
0x5a: {  	_ =	shalt  }
0x5b: {  	_ =	shalt  }
0x5c: {  	_ =	shalt  }
0x5d: {  	_ =	shalt  }
0x5e: {  	_ =	shalt  }
0x5f: {  	_ =	shalt  }
0x60: {  	_ =	shalt  }
0x61: {  	_ =	shalt  }
0x62: {  	_ =	shalt  }
0x63: {  	_ =	shalt  }
0x64: {  	_ =	shalt  }
0x65: {  	_ =	shalt  }
0x66: {  	_ =	shalt  }
0x67: {  	_ =	shalt  }
0x68: {  	_ =	shalt  }
0x69: {  	_ =	shalt  }
0x6a: {  	_ =	shalt  }
0x6b: {  	_ =	shalt  }
0x6c: {  	_ =	shalt  }
0x6d: {  	_ =	shalt  }
0x6e: {  	_ =	shalt  }
0x6f: {  	_ =	shalt  }
0x70: {  	_ =	shalt  }
0x71: {  	_ =	shalt  }
0x72: {  	_ =	shalt  }
0x73: {  	_ =	shalt  }
0x74: {  	_ =	shalt  }
0x75: {  	_ =	shalt  }
0x76: {  	_ =	shalt  }
0x77: {  	_ =	shalt  }
0x78: {  	_ =	shalt  }
0x79: {  	_ =	shalt  }
0x7a: {  	_ =	shalt  }
0x7b: {  	_ =	shalt  }
0x7c: {  	_ =	shalt  }
0x7d: {  	_ =	shalt  }
0x7e: {  	_ =	shalt  }
0x7f: {  	_ =	shalt  }
0x80: {  	_ =	shalt  }
0x81: {  	_ =	shalt  }
0x82: {  	_ =	shalt  }
0x83: {  	_ =	shalt  }
0x84: {  	_ =	shalt  }
0x85: {  	_ =	shalt  }
0x86: {  	_ =	shalt  }
0x87: {  	_ =	shalt  }
.Lfunc_end0:
.L_simem_size_0:
called_computation_lowered:
.L_overlay_start_0:
0x88: {  	s2 =	sld [smem:$0x3FD9]  }
0x89: {  	s3 =	sld [smem:$0x3FFE];
	_ =	sdelay $0x1  }
0x8a: {  	s1 =	srdreg.scid  }
0x8b: {  	s0 =	sand.u32 $0x1, s1  }
0x8c: {  	s17 =	sshll.u32 s0, $0xA;
	s2 =	sadd.s32 s3, s2  }
0x8d: {  	s2 =	sadd.s32 s2, s17  }
0x8e: {  	[smem:$0x3FBD] =	sst s2  }
0x8f: {  	_ = 	snop  }
0x90: {  	s18 =	sld [smem:$0x3FD0];
	(tm) =	ssettm $0x1  }
0x91: {  	s19 =	sld [smem:$0x3FFB];
	_ =	sdelay $0x3  }
0x92: {  	_ =	strace s19  }
0x93: {  	s2 =	sld [smem:$0x3FFC];
	_ =	sdelay $0x3  }
0x94: {  	_ =	strace s2  }
0x95: {  	s2 =	sld [smem:$0x3FFD];
	_ =	sdelay $0x3  }
0x96: {  	_ =	strace s2  }
0x97: {  	_ =	strace $0x8FFFFFFF  }
0x98: {  	s20 =	sld [smem:$0x3FDB];
	_ =	sdelay $0x1  }
0x99: {  	s4 =	simm.s32 $_scs_section_size  }
0x9a: {  	s5 =	simm.s32 $_size__tile_overlayer_lowered;
	s6 =	simm.s32 $_tile_overlayer_lowered  }
0x9b: {  	s7 =	simm.s32 $0x1BFF;
	s21 =	sshll.u32 s6, $0x1;
	s4 =	sadd.s32 s4, s20  }
0x9c: {  	s22 =	simm.s32 $0x0;
	s5 =	sshll.u32 s5, $0x1;
	s6 =	sadd.s32 s21, s4  }
0x9d: {  	[timem:s22], [sflag:s7] =	dma.local [hbm:s6], s5  }
0x9e: {  	_ =	swait.ge [sflag:s7], s5  }
0x9f: {  	s5 =	ssub.s32 $0x0, s5;
	[sflag:s7] =	ssyncset.done $0x0  }
0xa0: {  	[sflag:s7] =	ssyncadd.s32 s5;
	_ =	sdelay $0x1  }
0xa1: {  	s23 =	simm.s32 $0x1B8B  }
0xa2: {  	_ =	swait.ge [sflag:s23], $0x1  }
0xa3: {  	[sflag:s23] =	ssyncset.done $0x0  }
0xa4: {  	[sflag:s23] =	ssyncadd.s32 $0xFFFFFFFF  }
0xa5: {  	s5 =	sld [smem:$0x0]  }
0xa6: {  	s6 =	sand.u32 $0xFFFFFFFE, s1  }
0xa7: {  	p0 =	sne.s32 s1, s6  }
0xa8: {  	s6 =	sshll.u32 @p0 s6, $0xE  }
0xa9: {  	s6 =	sadd.s32 @p0 $0x11B8D, s6;
	s7 =	sshll.u32 @p0 s5, $0x11  }
0xaa: {  	s6 =	sor.u32 @p0 s7, s6  }
0xab: {  	[sflag:s6] =	ssyncadd.remote.s32 @p0 $0x1;
	_ =	sdelay $0x1  }
0xac: {  	s6 =	simm.s32 @p0 $0x1B8D  }
0xad: {  	_ =	swait.eq @p0 [sflag:s6], $0x1  }
0xae: {  	[sflag:s6] =	ssyncadd.s32 @p0 $0xFFFFFFFF  }
0xaf: {  	s7 =	sshll.u32 @!p0 s1, $0xE  }
0xb0: {  	s7 =	sor.u32 @!p0 $0x4000, s7;
	s6 =	simm.s32 @!p0 $0x1B8D  }
0xb1: {  	s5 =	sshll.u32 @!p0 s5, $0x11;
	s7 =	sadd.s32 @!p0 $0x11B8D, s7;
	_ =	swait.eq @!p0 [sflag:s6], $0x1  }
0xb2: {  	s5 =	sor.u32 @!p0 s5, s7;
	[sflag:s6] =	ssyncadd.s32 @!p0 $0xFFFFFFFF  }
0xb3: {  	s25 =	simm.s32 $0x1B8E;
	s24 =	sld [smem:$0x3FFE];
	[sflag:s5] =	ssyncadd.remote.s32 @!p0 $0x1  }
0xb4: {  	s26 =	simm.s32 $execute0_lowered;
	[smem:$0x3FD2] =	sst s25  }
0xb5: {  	s6 =	sshll.u32 s26, $0x1;
	_ =	strace $0x80000049;
	[dreg:$0x1] =	wrdreg $0xFFFFFFFF  }
0xb6: {  	s28 =	simm.s32 $_size_execute0_lowered;
	s4 =	sadd.s32 s4, s6;
	[dreg:$0x0] =	wrdreg $0x0  }
0xb7: {  	s6 =	sshll.u32 s28, $0x1;
	[dreg:$0x2] =	wrdreg s4  }
0xb8: {  	[dreg:$0x3] =	wrdreg s6  }
0xb9: {  	[dreg:$0x4] =	wrdreg $0xC0  }
0xba: {  	_ =	task [dreg:s22], $0x5FFFF  }
0xbb: {  	[dreg:$0x1] =	wrdreg $0xFFFFFFFF  }
0xbc: {  	[dreg:$0x0] =	wrdreg $0x60  }
0xbd: {  	[dreg:$0x2] =	wrdreg s24  }
0xbe: {  	[dreg:$0x3] =	wrdreg s18  }
0xbf: {  	[dreg:$0x4] =	wrdreg $0x42000  }
0xc0: {  	[dreg:$0x5] =	wrdreg $0xC2000  }
0xc1: {  	[dreg:$0x6] =	wrdreg $0x9  }
0xc2: {  	_ =	task.clear_ibuf [dreg:s22], $0x7FFFF;
	_ =	strace $0x90000049  }
0xc3: {  	s29 =	simm.s32 $0x9;
	_ =	strace $0x8000004B  }
0xc4: {  	_ =	swait.ge [sflag:s29], $0x1  }
0xc5: {  	[sflag:s29] =	ssyncadd.s32 $0xFFFFFFFF  }
0xc6: {  	_ =	strace $0x9000004B  }
0xc7: {  	_ =	sfence  }
0xc8: {  	s30 =	sld [smem:$0x0];
	_ =	sdelay $0x2  }
0xc9: {  	s31 =	sshll.u32 s1, $0xD;
	s1 =	sshrl.u32 s1, $0x2  }
0xca: {  	s4 =	sand.u32 $0x4000, s31;
	s1 =	sadd.s32 s1, s30  }
0xcb: {  	s0 =	sor.u32 s4, s0;
	s1 =	sshll.u32 s1, $0x11  }
0xcc: {  	s0 =	sor.u32 s1, s0  }
0xcd: {  	s0 =	sadd.s32 $0x8F2B, s0  }
0xce: {  	[sflag:s0] =	ssyncadd.remote.s32 $0x1  }
0xcf: {  	_ =	sfence.sel $0xFFFF  }
0xd0: {  	[dreg:$0x0] =	wrdreg $0xFFFFFFFF;
	(pc) =	sbr.abs _section_cstart, $3  }
0xd1: {  	[dreg:$0x1] =	wrdreg $0xFFFFFFFF  }
0xd2: {  	_ =	task.clear_ibuf [dreg:s22], $0x2FFFF;
	_ =	strace $0x9FFFFFFF  }
0xd3: {  	(tm) =	ssettm $0x7FFFFFFF  }
tec
execute0_lowered:
.L_overlay_start_1:
0x0: {  	(tag) =	ssettag $0x1  }
0x1: {  	s0 =	rddreg [dreg:$0x0]  }
0x2: {  	s2 =	rddreg [dreg:$0x2]  }
0x3: {  	s3 =	rddreg [dreg:$0x3]  }
0x4: {  	s1 =	srdreg.scid;
	s5 =	simm.s32 $0x0;
	s16 =	stileid.u32  }
0x5: {  	s30 =	simm.s32 $0x9;
	s31 =	simm.s32 $0x200;
	s1 =	sand.u32 $0x1, s1  }
0x6: {  	[smem:$0x7FF] =	sst s5;
	s6 =	sadd.s32 $0x19400, s0;
	s8 =	sshll.u32 s16, $0xF  }
0x7: {  	s10 =	sadd.s32 $0x1E400, s0;
	s11 =	sshll.u32 s16, $0xA;
	s23 =	sshll.u32 s16, $0xC  }
0x8: {  	s14 =	sshll.u32 s16, $0x6;
	s4 =	sshll.u32 s1, $0x4;
	_ =	strace $0x8000004A  }
0x9: {  	s9 =	sshll.u32 s1, $0x13;
	s12 =	ssub.s32 $0x2, s1;
	s22 =	sadd.s32 s8, s2  }
0xa: {  	s15 =	sshrl.u32 s8, $0x2;
	s24 =	sadd.s32 s10, s23;
	s10 =	sadd.s32 s10, s11  }
0xb: {  	s26 =	smul.u32 $0x280, s1;
	s1 =	sshll.u32 s1, $0xE;
	s4 =	sor.u32 s16, s4  }
0xc: {  	s9 =	sor.u32 s8, s9;
	s13 =	sshrl.u32 s12, $0x1;
	[dreg:$0x5] =	wrdreg s22  }
0xd: {  	[dreg:$0x6] =	wrdreg s24;
	s8 =	sor.u32 $0x1C09, s14;
	s25 =	sadd.s32 s15, s3  }
0xe: {  	[dreg:$0x8] =	wrdreg s10;
	s16 =	smul.u32 $0x28, s16;
	s10 =	simm.s32 $0x4  }
0xf: {  	s7 =	sshll.u32 s4, $0x7;
	s9 =	sshrl.u32 s9, $0x3;
	s12 =	ssub.s32 s12, s13  }
0x10: {  	s4 =	smul.u32 $0x280, s4;
	[dreg:$0x7] =	wrdreg s25;
	s13 =	simm.s32 $0x6  }
0x11: {  	s7 =	sadd.s32 s7, s0;
	s9 =	sadd.s32 s9, s0;
	s0 =	sadd.s32 s11, s0  }
0x12: {  	s11 =	sadd.s32 s6, s4;
	s17 =	sadd.s32 $0x4F400, s7;
	s18 =	sadd.s32 $0x4F410, s7  }
0x13: {  	s19 =	sadd.s32 $0x4F420, s7;
	s20 =	sadd.s32 $0x4F430, s7;
	[dreg:$0xb] =	wrdreg s17  }
0x14: {  	s4 =	sadd.s32 s16, s26;
	s21 =	sadd.s32 $0x4F440, s7;
	[dreg:$0xc] =	wrdreg s18  }
0x15: {  	s0 =	sadd.s32 s1, s0;
	s23 =	sadd.s32 $0x4F450, s7;
	[dreg:$0xd] =	wrdreg s19  }
0x16: {  	s24 =	sadd.s32 $0x4F460, s7;
	s25 =	sadd.s32 $0x4F470, s7;
	[dreg:$0xe] =	wrdreg s20  }
0x17: {  	s26 =	sadd.s32 $0x50400, s9;
	s1 =	simm.s32 $0x180;
	[dreg:$0xf] =	wrdreg s21  }
0x18: {  	s7 =	simm.s32 $0x2;
	s9 =	simm.s32 $0x3;
	[dreg:$0x10] =	wrdreg s23  }
0x19: {  	s16 =	simm.s32 $0x0;
	s14 =	sadd.s32 $0x10, s11;
	[dreg:$0x11] =	wrdreg s24  }
0x1a: {  	s15 =	sadd.s32 $0x20, s11;
	s22 =	sshll.u32 s4, $0x4;
	[dreg:$0x12] =	wrdreg s25  }
0x1b: {  	[dreg:$0x13] =	wrdreg s26;
	s24 =	sadd.s32 $0x70400, s0;
	s25 =	smax.u32 s12, $0x1  }
0x1c: {  	s26 =	sadd.s32 $0x30, s11;
	s0 =	simm.s32 $0x80;
	[dreg:$0x9] =	wrdreg s14  }
0x1d: {  	s4 =	simm.s32 $0x100;
	s12 =	simm.s32 $0x5;
	[dreg:$0xa] =	wrdreg s15  }
0x1e: {  	s20 =	sadd.s32 s22, s6;
	s6 =	simm.s32 $0x1;
	s14 =	simm.s32 $0x7  }
0x1f: {  	s15 =	simm.s32 $0x8;
	s28 =	sadd.s32 $0x60, s20;
	s29 =	sadd.s32 $0x40, s20  }
.LBB2_1:
0x20: {  	s17 =	rddreg [dreg:$0x5]  }
0x21: {  	s18 =	rddreg [dreg:$0x6];
	s17 =	sshrl.u32 s17, $0x3  }
0x22: {  	[spmem:s17], [sflag:s8] =	dma.local [hbm:s18], $0x1000  }
0x23: {  	_ =	swait.ge [sflag:s30], $0x1000  }
0x24: {  	[sflag:s30] =	ssyncset.done $0x0;
	s19 =	rddreg [dreg:$0x7]  }
0x25: {  	[sflag:s30] =	ssyncadd.s32 $0xFFFFF000;
	s18 =	sshrl.u32 s19, $0x3;
	s19 =	rddreg [dreg:$0x8]  }
0x26: {  	[spmem:s18], [sflag:s8] =	dma.local [hbm:s19], $0x400  }
0x27: {  	_ =	swait.ge [sflag:s30], $0x400  }
0x28: {  	[sflag:s30] =	ssyncset.done $0x0  }
0x29: {  	[sflag:s30] =	ssyncadd.s32 $0xFFFFFC00  }
0x2a: {  	s21 =	rddreg [dreg:$0x1]  }
0x2b: {  	[tilespmem:s31], [sflag:$0x9] =	stream.linear.gather [hbm4b:s21+s5], $0x4000, $0x38;
	[tilespmem:$0xE200] =	vst v63  }
0x2c: {  	_ =	swait.ge [sflag:s30], $0x4000  }
0x2d: {  	[sflag:s30] =	ssyncset.done $0x0  }
0x2e: {  	[sflag:s30] =	ssyncadd.s32 $0xFFFFC000  }
0x2f: {  	[bflag:$0x0] =	sbarrier.arrive $0xFFFF  }
0x30: {  	[tilespmem:s5], [sflag:$0x1] =	stream.linear.gather [hbm4b:s11+s5], $0x80, $0x38;
	[tilespmem:$0xE200] =	vst v63  }
0x31: {  	s22 =	rddreg [dreg:$0x9]  }
0x32: {  	[tilespmem:s0], [sflag:$0x2] =	stream.linear.gather [hbm4b:s22+s5], $0x80, $0x38;
	[tilespmem:$0xE200] =	vst v63  }
0x33: {  	s23 =	rddreg [dreg:$0xa]  }
0x34: {  	[tilespmem:s4], [sflag:$0x3] =	stream.linear.gather [hbm4b:s23+s5], $0x80, $0x38;
	[tilespmem:$0xE200] =	vst v63  }
0x35: {  	_ = 	snop  }
0x36: {  	[tilespmem:s1], [sflag:$0x4] =	stream.linear.gather [hbm4b:s26+s5], $0x80, $0x38;
	[tilespmem:$0xE200] =	vst v63  }
0x37: {  	_ =	swait.ge [sflag:s6], $0x80  }
0x38: {  	[sflag:s6] =	ssyncset.done $0x0  }
0x39: {  	[sflag:s6] =	ssyncadd.s32 $0xFFFFFF80  }
0x3a: {  	[spmem:s2] =	stream.indirect.scatter.add.f32 [tilespmem:s31], [sflag:$0x5], $0x80, s5, s0, $0xb8;
	[tilespmem:$0xE200] =	vst v63  }
0x3b: {  	_ =	swait.ge [sflag:s7], $0x80  }
0x3c: {  	[sflag:s7] =	ssyncset.done $0x0  }
0x3d: {  	[sflag:s7] =	ssyncadd.s32 $0xFFFFFF80  }
0x3e: {  	[spmem:s2] =	stream.indirect.scatter.add.f32 [tilespmem:s31], [sflag:$0x6], $0x80, s0, s0, $0xb8;
	[tilespmem:$0xE200] =	vst v63  }
0x3f: {  	_ =	swait.ge [sflag:s9], $0x80  }
0x40: {  	[sflag:s9] =	ssyncset.done $0x0  }
0x41: {  	[sflag:s9] =	ssyncadd.s32 $0xFFFFFF80  }
0x42: {  	[spmem:s2] =	stream.indirect.scatter.add.f32 [tilespmem:s31], [sflag:$0x7], $0x80, s4, s0, $0xb8;
	[tilespmem:$0xE200] =	vst v63  }
0x43: {  	_ =	swait.ge [sflag:s10], $0x80  }
0x44: {  	[sflag:s10] =	ssyncset.done $0x0  }
0x45: {  	[sflag:s10] =	ssyncadd.s32 $0xFFFFFF80  }
0x46: {  	[spmem:s2] =	stream.indirect.scatter.add.f32 [tilespmem:s31], [sflag:$0x8], $0x80, s1, s0, $0xb8;
	[tilespmem:$0xE200] =	vst v63  }
0x47: {  	_ =	swait.ge [sflag:s12], $0x4000  }
0x48: {  	[sflag:s12] =	ssyncset.done $0x0  }
0x49: {  	s21 =	sadd.s32 $0x0, s29;
	[sflag:s12] =	ssyncadd.s32 $0xFFFFC000  }
0x4a: {  	[tilespmem:s5], [sflag:$0x1] =	stream.linear.gather [hbm4b:s21+s5], $0x80, $0x38;
	[tilespmem:$0xE200] =	vst v63  }
0x4b: {  	_ =	swait.ge [sflag:s13], $0x4000  }
0x4c: {  	s21 =	sadd.s32 $0x0, s20;
	[sflag:s13] =	ssyncset.done $0x0  }
0x4d: {  	s22 =	sadd.s32 $0x50, s21;
	[sflag:s13] =	ssyncadd.s32 $0xFFFFC000  }
0x4e: {  	[tilespmem:s0], [sflag:$0x2] =	stream.linear.gather [hbm4b:s22+s5], $0x80, $0x38;
	[tilespmem:$0xE200] =	vst v63  }
0x4f: {  	_ =	swait.ge [sflag:s14], $0x4000  }
0x50: {  	[sflag:s14] =	ssyncset.done $0x0  }
0x51: {  	s23 =	sadd.s32 $0x0, s28;
	[sflag:s14] =	ssyncadd.s32 $0xFFFFC000  }
0x52: {  	[tilespmem:s4], [sflag:$0x3] =	stream.linear.gather [hbm4b:s23+s5], $0x80, $0x38;
	[tilespmem:$0xE200] =	vst v63  }
0x53: {  	_ =	swait.ge [sflag:s15], $0x4000  }
0x54: {  	[sflag:s15] =	ssyncset.done $0x0  }
0x55: {  	s19 =	simm.s32 $0x40;
	s21 =	sadd.s32 $0x70, s21;
	[sflag:s15] =	ssyncadd.s32 $0xFFFFC000  }
.LBB2_2:
0x56: {  	[tilespmem:s1], [sflag:$0x4] =	stream.linear.gather [hbm4b:s21+s5], $0x80, $0x38;
	[tilespmem:$0xE200] =	vst v63  }
0x57: {  	s21 =	smov.u32 s19  }
0x58: {  	p0 =	sne.s32 s19, $0x200;
	s19 =	sadd.s32 $0x40, s19;
	_ =	swait.ge [sflag:s6], $0x80  }
0x59: {  	[sflag:s6] =	ssyncset.done $0x0  }
0x5a: {  	[sflag:s6] =	ssyncadd.s32 $0xFFFFFF80  }
0x5b: {  	[spmem:s2] =	stream.indirect.scatter.add.f32 [tilespmem:s31], [sflag:$0x5], $0x80, s5, s0, $0xb8;
	[tilespmem:$0xE200] =	vst v63  }
0x5c: {  	_ =	swait.ge [sflag:s7], $0x80  }
0x5d: {  	[sflag:s7] =	ssyncset.done $0x0  }
0x5e: {  	[sflag:s7] =	ssyncadd.s32 $0xFFFFFF80  }
0x5f: {  	[spmem:s2] =	stream.indirect.scatter.add.f32 [tilespmem:s31], [sflag:$0x6], $0x80, s0, s0, $0xb8;
	[tilespmem:$0xE200] =	vst v63  }
0x60: {  	_ =	swait.ge [sflag:s9], $0x80  }
0x61: {  	[sflag:s9] =	ssyncset.done $0x0  }
0x62: {  	[sflag:s9] =	ssyncadd.s32 $0xFFFFFF80  }
0x63: {  	[spmem:s2] =	stream.indirect.scatter.add.f32 [tilespmem:s31], [sflag:$0x7], $0x80, s4, s0, $0xb8;
	[tilespmem:$0xE200] =	vst v63  }
0x64: {  	_ =	swait.ge [sflag:s10], $0x80  }
0x65: {  	[sflag:s10] =	ssyncset.done $0x0  }
0x66: {  	[sflag:s10] =	ssyncadd.s32 $0xFFFFFF80  }
0x67: {  	[spmem:s2] =	stream.indirect.scatter.add.f32 [tilespmem:s31], [sflag:$0x8], $0x80, s1, s0, $0xb8;
	[tilespmem:$0xE200] =	vst v63  }
0x68: {  	_ =	swait.ge [sflag:s12], $0x4000  }
0x69: {  	[sflag:s12] =	ssyncset.done $0x0  }
0x6a: {  	s22 =	sadd.s32 s21, s29;
	[sflag:s12] =	ssyncadd.s32 $0xFFFFC000  }
0x6b: {  	[tilespmem:s5], [sflag:$0x1] =	stream.linear.gather [hbm4b:s22+s5], $0x80, $0x38;
	[tilespmem:$0xE200] =	vst v63  }
0x6c: {  	_ =	swait.ge [sflag:s13], $0x4000  }
0x6d: {  	s22 =	sadd.s32 s21, s20;
	[sflag:s13] =	ssyncset.done $0x0  }
0x6e: {  	s23 =	sadd.s32 $0x50, s22;
	[sflag:s13] =	ssyncadd.s32 $0xFFFFC000  }
0x6f: {  	[tilespmem:s0], [sflag:$0x2] =	stream.linear.gather [hbm4b:s23+s5], $0x80, $0x38;
	[tilespmem:$0xE200] =	vst v63  }
0x70: {  	_ =	swait.ge [sflag:s14], $0x4000  }
0x71: {  	[sflag:s14] =	ssyncset.done $0x0  }
.Ltmp0:
0x72: {  	s21 =	sadd.s32 s21, s28;
	[sflag:s14] =	ssyncadd.s32 $0xFFFFC000;
	(pc) =	sbr.rel @p0 .LBB2_2-.Ltmp0, $4  }
0x73: {  	[tilespmem:s4], [sflag:$0x3] =	stream.linear.gather [hbm4b:s21+s5], $0x80, $0x38;
	[tilespmem:$0xE200] =	vst v63  }
0x74: {  	_ =	swait.ge [sflag:s15], $0x4000  }
0x75: {  	[sflag:s15] =	ssyncset.done $0x0  }
0x76: {  	s21 =	sadd.s32 $0x70, s22;
	[sflag:s15] =	ssyncadd.s32 $0xFFFFC000  }
0x77: {  	[tilespmem:s1], [sflag:$0x4] =	stream.linear.gather [hbm4b:s21+s5], $0x80, $0x38;
	[tilespmem:$0xE200] =	vst v63  }
0x78: {  	_ =	swait.ge [sflag:s6], $0x80  }
0x79: {  	[sflag:s6] =	ssyncset.done $0x0  }
0x7a: {  	[sflag:s6] =	ssyncadd.s32 $0xFFFFFF80  }
0x7b: {  	[spmem:s2] =	stream.indirect.scatter.add.f32 [tilespmem:s31], [sflag:$0x5], $0x80, s5, s0, $0xb8;
	[tilespmem:$0xE200] =	vst v63  }
0x7c: {  	_ =	swait.ge [sflag:s7], $0x80  }
0x7d: {  	[sflag:s7] =	ssyncset.done $0x0  }
0x7e: {  	[sflag:s7] =	ssyncadd.s32 $0xFFFFFF80  }
0x7f: {  	[spmem:s2] =	stream.indirect.scatter.add.f32 [tilespmem:s31], [sflag:$0x6], $0x80, s0, s0, $0xb8;
	[tilespmem:$0xE200] =	vst v63  }
0x80: {  	_ =	swait.ge [sflag:s9], $0x80  }
0x81: {  	[sflag:s9] =	ssyncset.done $0x0  }
0x82: {  	[sflag:s9] =	ssyncadd.s32 $0xFFFFFF80  }
0x83: {  	[spmem:s2] =	stream.indirect.scatter.add.f32 [tilespmem:s31], [sflag:$0x7], $0x80, s4, s0, $0xb8;
	[tilespmem:$0xE200] =	vst v63  }
0x84: {  	_ =	swait.ge [sflag:s10], $0x80  }
0x85: {  	[sflag:s10] =	ssyncset.done $0x0  }
0x86: {  	[sflag:s10] =	ssyncadd.s32 $0xFFFFFF80  }
0x87: {  	[spmem:s2] =	stream.indirect.scatter.add.f32 [tilespmem:s31], [sflag:$0x8], $0x80, s1, s0, $0xb8;
	[tilespmem:$0xE200] =	vst v63  }
0x88: {  	_ =	swait.ge [sflag:s12], $0x4000  }
0x89: {  	[sflag:s12] =	ssyncset.done $0x0  }
0x8a: {  	[sflag:s12] =	ssyncadd.s32 $0xFFFFC000  }
0x8b: {  	_ =	swait.ge [sflag:s13], $0x4000  }
0x8c: {  	[sflag:s13] =	ssyncset.done $0x0  }
0x8d: {  	[sflag:s13] =	ssyncadd.s32 $0xFFFFC000  }
0x8e: {  	_ =	swait.ge [sflag:s14], $0x4000  }
0x8f: {  	[sflag:s14] =	ssyncset.done $0x0  }
0x90: {  	[sflag:s14] =	ssyncadd.s32 $0xFFFFC000  }
0x91: {  	_ =	swait.ge [sflag:s15], $0x4000  }
0x92: {  	[sflag:s15] =	ssyncset.done $0x0  }
0x93: {  	s19 =	rddreg [dreg:$0xb];
	[sflag:s15] =	ssyncadd.s32 $0xFFFFC000  }
0x94: {  	[tilespmem:s5], [sflag:$0x1] =	stream.linear.gather [hbm4b:s19+s5], $0x80, $0x38;
	[tilespmem:$0xE200] =	vst v63  }
0x95: {  	s22 =	rddreg [dreg:$0xc]  }
0x96: {  	[tilespmem:s0], [sflag:$0x2] =	stream.linear.gather [hbm4b:s22+s5], $0x80, $0x38;
	[tilespmem:$0xE200] =	vst v63  }
0x97: {  	s23 =	rddreg [dreg:$0xd]  }
0x98: {  	[tilespmem:s4], [sflag:$0x3] =	stream.linear.gather [hbm4b:s23+s5], $0x80, $0x38;
	[tilespmem:$0xE200] =	vst v63  }
0x99: {  	s21 =	rddreg [dreg:$0xe]  }
0x9a: {  	[tilespmem:s1], [sflag:$0x4] =	stream.linear.gather [hbm4b:s21+s5], $0x80, $0x38;
	[tilespmem:$0xE200] =	vst v63  }
0x9b: {  	_ =	swait.ge [sflag:s6], $0x80  }
0x9c: {  	[sflag:s6] =	ssyncset.done $0x0  }
0x9d: {  	[sflag:s6] =	ssyncadd.s32 $0xFFFFFF80  }
0x9e: {  	[spmem:s3] =	stream.indirect.scatter.add.f32 [tilespmem:s31], [sflag:$0x5], $0x80, s5, s0, $0xb8;
	[tilespmem:$0xE200] =	vst v63  }
0x9f: {  	_ =	swait.ge [sflag:s7], $0x80  }
0xa0: {  	[sflag:s7] =	ssyncset.done $0x0  }
0xa1: {  	[sflag:s7] =	ssyncadd.s32 $0xFFFFFF80  }
0xa2: {  	[spmem:s3] =	stream.indirect.scatter.add.f32 [tilespmem:s31], [sflag:$0x6], $0x80, s0, s0, $0xb8;
	[tilespmem:$0xE200] =	vst v63  }
0xa3: {  	_ =	swait.ge [sflag:s9], $0x80  }
0xa4: {  	[sflag:s9] =	ssyncset.done $0x0  }
0xa5: {  	[sflag:s9] =	ssyncadd.s32 $0xFFFFFF80  }
0xa6: {  	[spmem:s3] =	stream.indirect.scatter.add.f32 [tilespmem:s31], [sflag:$0x7], $0x80, s4, s0, $0xb8;
	[tilespmem:$0xE200] =	vst v63  }
0xa7: {  	_ =	swait.ge [sflag:s10], $0x80  }
0xa8: {  	[sflag:s10] =	ssyncset.done $0x0  }
0xa9: {  	[sflag:s10] =	ssyncadd.s32 $0xFFFFFF80  }
0xaa: {  	[spmem:s3] =	stream.indirect.scatter.add.f32 [tilespmem:s31], [sflag:$0x8], $0x80, s1, s0, $0xb8;
	[tilespmem:$0xE200] =	vst v63  }
0xab: {  	_ =	swait.ge [sflag:s12], $0x4000  }
0xac: {  	[sflag:s12] =	ssyncset.done $0x0  }
0xad: {  	s22 =	rddreg [dreg:$0xf];
	[sflag:s12] =	ssyncadd.s32 $0xFFFFC000  }
0xae: {  	[tilespmem:s5], [sflag:$0x1] =	stream.linear.gather [hbm4b:s22+s5], $0x80, $0x38;
	[tilespmem:$0xE200] =	vst v63  }
0xaf: {  	_ =	swait.ge [sflag:s13], $0x4000  }
0xb0: {  	[sflag:s13] =	ssyncset.done $0x0  }
0xb1: {  	s23 =	rddreg [dreg:$0x10];
	[sflag:s13] =	ssyncadd.s32 $0xFFFFC000  }
0xb2: {  	[tilespmem:s0], [sflag:$0x2] =	stream.linear.gather [hbm4b:s23+s5], $0x80, $0x38;
	[tilespmem:$0xE200] =	vst v63  }
0xb3: {  	_ =	swait.ge [sflag:s14], $0x4000  }
0xb4: {  	[sflag:s14] =	ssyncset.done $0x0  }
0xb5: {  	s21 =	rddreg [dreg:$0x11];
	[sflag:s14] =	ssyncadd.s32 $0xFFFFC000  }
0xb6: {  	[tilespmem:s4], [sflag:$0x3] =	stream.linear.gather [hbm4b:s21+s5], $0x80, $0x38;
	[tilespmem:$0xE200] =	vst v63  }
0xb7: {  	_ =	swait.ge [sflag:s15], $0x4000  }
0xb8: {  	[sflag:s15] =	ssyncset.done $0x0  }
0xb9: {  	s22 =	rddreg [dreg:$0x12];
	[sflag:s15] =	ssyncadd.s32 $0xFFFFC000  }
0xba: {  	[tilespmem:s1], [sflag:$0x4] =	stream.linear.gather [hbm4b:s22+s5], $0x80, $0x38;
	[tilespmem:$0xE200] =	vst v63  }
0xbb: {  	_ =	swait.ge [sflag:s6], $0x80  }
0xbc: {  	[sflag:s6] =	ssyncset.done $0x0  }
0xbd: {  	[sflag:s6] =	ssyncadd.s32 $0xFFFFFF80  }
0xbe: {  	[spmem:s3] =	stream.indirect.scatter.add.f32 [tilespmem:s31], [sflag:$0x5], $0x80, s5, s0, $0xb8;
	[tilespmem:$0xE200] =	vst v63  }
0xbf: {  	_ =	swait.ge [sflag:s7], $0x80  }
0xc0: {  	[sflag:s7] =	ssyncset.done $0x0  }
0xc1: {  	[sflag:s7] =	ssyncadd.s32 $0xFFFFFF80  }
0xc2: {  	[spmem:s3] =	stream.indirect.scatter.add.f32 [tilespmem:s31], [sflag:$0x6], $0x80, s0, s0, $0xb8;
	[tilespmem:$0xE200] =	vst v63  }
0xc3: {  	_ =	swait.ge [sflag:s9], $0x80  }
0xc4: {  	[sflag:s9] =	ssyncset.done $0x0  }
0xc5: {  	[sflag:s9] =	ssyncadd.s32 $0xFFFFFF80  }
0xc6: {  	[spmem:s3] =	stream.indirect.scatter.add.f32 [tilespmem:s31], [sflag:$0x7], $0x80, s4, s0, $0xb8;
	[tilespmem:$0xE200] =	vst v63  }
0xc7: {  	_ =	swait.ge [sflag:s10], $0x80  }
0xc8: {  	[sflag:s10] =	ssyncset.done $0x0  }
0xc9: {  	[sflag:s10] =	ssyncadd.s32 $0xFFFFFF80  }
0xca: {  	[spmem:s3] =	stream.indirect.scatter.add.f32 [tilespmem:s31], [sflag:$0x8], $0x80, s1, s0, $0xb8;
	[tilespmem:$0xE200] =	vst v63  }
0xcb: {  	_ =	swait.ge [sflag:s12], $0x4000  }
0xcc: {  	[sflag:s12] =	ssyncset.done $0x0  }
0xcd: {  	[sflag:s12] =	ssyncadd.s32 $0xFFFFC000  }
0xce: {  	_ =	swait.ge [sflag:s13], $0x4000  }
0xcf: {  	[sflag:s13] =	ssyncset.done $0x0  }
0xd0: {  	[sflag:s13] =	ssyncadd.s32 $0xFFFFC000  }
0xd1: {  	_ =	swait.ge [sflag:s14], $0x4000  }
0xd2: {  	[sflag:s14] =	ssyncset.done $0x0  }
0xd3: {  	[sflag:s14] =	ssyncadd.s32 $0xFFFFC000  }
0xd4: {  	_ =	swait.ge [sflag:s15], $0x4000  }
0xd5: {  	[sflag:s15] =	ssyncset.done $0x0  }
0xd6: {  	[sflag:s15] =	ssyncadd.s32 $0xFFFFC000  }
0xd7: {  	[bflag:$0x0] =	sbarrier.arrive $0xFFFF  }
0xd8: {  	s23 =	rddreg [dreg:$0x13]  }
0xd9: {  	[hbm:s23], [sflag:s8] =	dma.local [spmem:s17], $0x1000  }
0xda: {  	s16 =	sadd.s32 $0x1, s16;
	_ =	swait.ge [sflag:s30], $0x1000  }
0xdb: {  	p0 =	sne.s32 s16, s25;
	[sflag:s30] =	ssyncset.done $0x0  }
.Ltmp1:
0xdc: {  	[sflag:s30] =	ssyncadd.s32 $0xFFFFF000;
	(pc) =	sbr.rel @p0 .LBB2_1-.Ltmp1, $4  }
0xdd: {  	[hbm:s24], [sflag:s8] =	dma.local [spmem:s18], $0x400  }
0xde: {  	_ =	swait.ge [sflag:s30], $0x400  }
0xdf: {  	[sflag:s30] =	ssyncset.done $0x0  }
0xe0: {  	[sflag:s30] =	ssyncadd.s32 $0xFFFFFC00  }
0xe1: {  	_ =	sfence.sel $0x180000  }
0xe2: {  	[bflag:$0x0] =	sbarrier.arrive $0xFFFF  }
0xe3: {  	_ =	strace $0x9000004A  }
0xe4: {  	s0 =	stileid.u32;
	[bflag:$0x2] =	sbarrier.arrive $0xFFFF  }
0xe5: {  	p0 =	sne.s32 s0, $0x0;
	s0 =	rddreg [dreg:$0x4]  }
0xe6: {  	s0 =	sadd.s32 @!p0 $0x100000, s0  }
0xe7: {  	[sflag:s0] =	ssyncadd.tile.s32 @!p0 $0x1;
	_ =	shalt  }
.Lfunc_end2:
_tile_overlayer_lowered:
.L_overlay_start_2:
0xe8: {  	(tag) =	ssettag $0x2  }
0xe9: {  	s0 =	rddreg [dreg:$0x0];
	s2 =	stileid.u32  }
0xea: {  	s1 =	rddreg [dreg:$0x1];
	p0 =	sne.s32 s2, $0x0  }
0xeb: {  	s3 =	rddreg [dreg:$0x2];
	[bflag:$0x3] =	sbarrier.arrive $0xFFFF;
	s2 =	simm.s32 @!p0 $0x1C09  }
0xec: {  	[timem:s3], [sflag:s2] =	dma.local @!p0 [hbm:s0], s1  }
0xed: {  	s0 =	simm.s32 @!p0 $0x9  }
0xee: {  	_ =	swait.ge @!p0 [sflag:s0], s1  }
0xef: {  	s1 =	ssub.s32 @!p0 $0x0, s1;
	[sflag:s0] =	ssyncset.done @!p0 $0x0  }
0xf0: {  	[sflag:s0] =	ssyncadd.s32 @!p0 s1  }
0xf1: {  	[bflag:$0x3] =	sbarrier.arrive $0xFFFF  }
0xf2: {  	_ =	shalt  }

// kernel: kernel.15.cloned.1.call-start
scs
__scs_entry_jumppad:
0x0: {  	(pc) =	sbr.rel $0x88, $3  }
0x1: {  	(tag) =	ssettag $0x0;
	lr =	simm.s32 $0x1  }
0x2: {  	[smem:$0x3F96] =	sst lr;
	_ =	strace $0xD0000000  }
0x3: {  	_ = 	snop  }
0x4: {  	_ = 	snop  }
0x5: {  	_ = 	snop  }
0x6: {  	_ = 	snop  }
0x7: {  	_ = 	snop  }
__scs_overlays_trampoline_lowered:
0x8: {  	[smem:$0x3FA5] =	sst s0  }
0x9: {  	[smem:$0x3FA6] =	sst s1  }
0xa: {  	[smem:$0x3FA7] =	sst s2  }
0xb: {  	[smem:$0x3FA8] =	sst s3  }
0xc: {  	[smem:$0x3FA9] =	sst s4  }
0xd: {  	[smem:$0x3FAA] =	sst s5  }
0xe: {  	[smem:$0x3FAB] =	sst s6  }
0xf: {  	[smem:$0x3FAC] =	sst s7  }
0x10: {  	[smem:$0x3FAD] =	sst s8  }
0x11: {  	[smem:$0x3FAE] =	sst s9;
	s0 =	simm.s32 @!p0 $0x0  }
0x12: {  	s1 =	sld [smem:$0x3F94];
	s0 =	simm.s32 @p0 $0x1  }
0x13: {  	[smem:$0x3FAF] =	sst s0;
	s0 =	simm.s32 @!p1 $0x0  }
0x14: {  	s2 =	sld [smem:$0x3F93];
	s0 =	simm.s32 @p1 $0x1  }
0x15: {  	[smem:$0x3FB0] =	sst s0;
	s0 =	simm.s32 @!p2 $0x0  }
0x16: {  	s3 =	sld [smem:$0x3FDB];
	s0 =	simm.s32 @p2 $0x1  }
0x17: {  	s4 =	simm.s32 $0x1BF5;
	[smem:$0x3FB2] =	sst s0  }
0x18: {  	s0 =	sld [smem:$0x3F95];
	_ =	swait.ge [sflag:s4], $0x0  }
0x19: {  	s7 =	sld [smem:$0x3F96]  }
0x1a: {  	s8 =	sadd.s32 $0xFFFFE003, lr  }
0x1b: {  	s9 =	sadd.s32 $0xFFFFFEF7, lr;
	s5 =	simm.s32 $0xFFFFFFFF;
	p2 =	slt.u32 s8, $0xFFFFF086  }
0x1c: {  	p1 =	slt.u32 s9, $0xF7A;
	s5 =	simm.s32 @!p2 $0x0  }
0x1d: {  	s5 =	simm.s32 @p1 $0x1;
	p0 =	seq.s32 s7, s2  }
0x1e: {  	s7 =	smul.u32 @!p0 $0xF7A, s2;
	p2 =	seq.s32 @!p0 s5, $0x0  }
0x1f: {  	s9 =	smul.u32 $0xF7A, s1;
	s8 =	simm.s32 @!p0 $0x1BF5;
	p2 =	por !p2, p0  }
0x20: {  	[sflag:s8] =	ssyncset.s32 @!p0 $0xFFFFF086;
	s6 =	sadd.s32 @!p0 s3, s7;
	s7 =	simm.s32 @!p0 $0x108  }
0x21: {  	s3 =	sadd.s32 s3, s9;
	s6 =	sadd.s32 @!p0 $0x88, s6;
	s7 =	simm.s32 @p2 $0x1082  }
0x22: {  	[simem:s7], [sflag:s8] =	dma.local @!p0 [hbm:s6], $0xF7A  }
0x23: {  	s9 =	sor.u32 $0xD0000000, s2;
	s6 =	simm.s32 $0x108;
	_ =	swait.ge @!p0 [sflag:s8], $0x0  }
0x24: {  	s3 =	sadd.s32 $0x88, s3;
	s6 =	simm.s32 @!p1 $0x1082;
	[sflag:s4] =	ssyncset.s32 $0xFFFFF086  }
0x25: {  	[simem:s6], [sflag:s4] =	dma.local [hbm:s3], $0xF7A  }
0x26: {  	[smem:$0x3F96] =	sst s1;
	(tag) =	ssettag s2;
	_ =	strace s9  }
0x27: {  	s1 =	sld [smem:$0x3FA6]  }
0x28: {  	s2 =	sld [smem:$0x3FA7]  }
0x29: {  	s4 =	sld [smem:$0x3FA9]  }
0x2a: {  	p0 =	seq.s32 s5, $0x0;
	s5 =	sld [smem:$0x3FAA]  }
0x2b: {  	s6 =	sld [smem:$0x3FAB]  }
0x2c: {  	s7 =	sld [smem:$0x3FAC]  }
0x2d: {  	s3 =	simm.s32 $0x108;
	s8 =	sld [smem:$0x3FAD]  }
0x2e: {  	s3 =	simm.s32 @!p0 $0x1082;
	s9 =	sld [smem:$0x3FAE]  }
0x2f: {  	lr =	sadd.s32 s0, s3;
	s0 =	sld [smem:$0x3FA5]  }
0x30: {  	s3 =	sld [smem:$0x3FA8]  }
0x31: {  	[smem:$0x3FB1] =	sst s10  }
0x32: {  	s10 =	sld [smem:$0x3FAF];
	_ =	sdelay $0x3  }
0x33: {  	p0 =	seq.s32 s10, $0x1;
	s10 =	sld [smem:$0x3FB1];
	_ =	sdelay $0x3  }
0x34: {  	[smem:$0x3FB1] =	sst s10  }
0x35: {  	s10 =	sld [smem:$0x3FB0];
	_ =	sdelay $0x3  }
0x36: {  	p1 =	seq.s32 s10, $0x1;
	s10 =	sld [smem:$0x3FB1];
	_ =	sdelay $0x3  }
0x37: {  	[smem:$0x3FB1] =	sst s10  }
0x38: {  	s10 =	sld [smem:$0x3FB2]  }
0x39: {  	_ = 	snop;
	(pc) =	sbr.ind lr, $3  }
0x3a: {  	_ = 	snop  }
0x3b: {  	_ = 	snop  }
0x3c: {  	p2 =	seq.s32 s10, $0x1;
	s10 =	sld [smem:$0x3FB1]  }
0x3d: {  	_ =	shalt  }
0x3e: {  	_ =	shalt  }
0x3f: {  	_ =	shalt  }
0x40: {  	_ =	shalt  }
0x41: {  	_ =	shalt  }
0x42: {  	_ =	shalt  }
0x43: {  	_ =	shalt  }
0x44: {  	_ =	shalt  }
0x45: {  	_ =	shalt  }
0x46: {  	_ =	shalt  }
0x47: {  	_ =	shalt  }
0x48: {  	_ =	shalt  }
0x49: {  	_ =	shalt  }
0x4a: {  	_ =	shalt  }
0x4b: {  	_ =	shalt  }
0x4c: {  	_ =	shalt  }
0x4d: {  	_ =	shalt  }
0x4e: {  	_ =	shalt  }
0x4f: {  	_ =	shalt  }
0x50: {  	_ =	shalt  }
0x51: {  	_ =	shalt  }
0x52: {  	_ =	shalt  }
0x53: {  	_ =	shalt  }
0x54: {  	_ =	shalt  }
0x55: {  	_ =	shalt  }
0x56: {  	_ =	shalt  }
0x57: {  	_ =	shalt  }
0x58: {  	_ =	shalt  }
0x59: {  	_ =	shalt  }
0x5a: {  	_ =	shalt  }
0x5b: {  	_ =	shalt  }
0x5c: {  	_ =	shalt  }
0x5d: {  	_ =	shalt  }
0x5e: {  	_ =	shalt  }
0x5f: {  	_ =	shalt  }
0x60: {  	_ =	shalt  }
0x61: {  	_ =	shalt  }
0x62: {  	_ =	shalt  }
0x63: {  	_ =	shalt  }
0x64: {  	_ =	shalt  }
0x65: {  	_ =	shalt  }
0x66: {  	_ =	shalt  }
0x67: {  	_ =	shalt  }
0x68: {  	_ =	shalt  }
0x69: {  	_ =	shalt  }
0x6a: {  	_ =	shalt  }
0x6b: {  	_ =	shalt  }
0x6c: {  	_ =	shalt  }
0x6d: {  	_ =	shalt  }
0x6e: {  	_ =	shalt  }
0x6f: {  	_ =	shalt  }
0x70: {  	_ =	shalt  }
0x71: {  	_ =	shalt  }
0x72: {  	_ =	shalt  }
0x73: {  	_ =	shalt  }
0x74: {  	_ =	shalt  }
0x75: {  	_ =	shalt  }
0x76: {  	_ =	shalt  }
0x77: {  	_ =	shalt  }
0x78: {  	_ =	shalt  }
0x79: {  	_ =	shalt  }
0x7a: {  	_ =	shalt  }
0x7b: {  	_ =	shalt  }
0x7c: {  	_ =	shalt  }
0x7d: {  	_ =	shalt  }
0x7e: {  	_ =	shalt  }
0x7f: {  	_ =	shalt  }
0x80: {  	_ =	shalt  }
0x81: {  	_ =	shalt  }
0x82: {  	_ =	shalt  }
0x83: {  	_ =	shalt  }
0x84: {  	_ =	shalt  }
0x85: {  	_ =	shalt  }
0x86: {  	_ =	shalt  }
0x87: {  	_ =	shalt  }
.Lfunc_end0:
.L_simem_size_0:
called_computation.1_lowered:
.L_overlay_start_0:
0x88: {  	s2 =	sld [smem:$0x3FD9]  }
0x89: {  	s3 =	sld [smem:$0x3FFE];
	_ =	sdelay $0x1  }
0x8a: {  	s1 =	srdreg.scid  }
0x8b: {  	s0 =	sand.u32 $0x1, s1  }
0x8c: {  	s16 =	sshll.u32 s0, $0xA;
	s2 =	sadd.s32 s3, s2  }
0x8d: {  	s2 =	sadd.s32 s2, s16  }
0x8e: {  	[smem:$0x3FBD] =	sst s2  }
0x8f: {  	_ = 	snop  }
0x90: {  	(tm) =	ssettm $0x1  }
0x91: {  	s17 =	sld [smem:$0x3FFB];
	_ =	sdelay $0x3  }
0x92: {  	_ =	strace s17  }
0x93: {  	s2 =	sld [smem:$0x3FFC];
	_ =	sdelay $0x3  }
0x94: {  	_ =	strace s2  }
0x95: {  	s2 =	sld [smem:$0x3FFD];
	_ =	sdelay $0x3  }
0x96: {  	_ =	strace s2  }
0x97: {  	_ =	strace $0x8FFFFFFF  }
0x98: {  	s18 =	sld [smem:$0x3FDB];
	_ =	sdelay $0x1  }
0x99: {  	s19 =	simm.s32 $_scs_section_size  }
0x9a: {  	s4 =	simm.s32 $_size__tile_overlayer_lowered;
	s5 =	simm.s32 $_tile_overlayer_lowered  }
0x9b: {  	s22 =	simm.s32 $0x1BFF;
	s21 =	sshll.u32 s5, $0x1;
	s2 =	sadd.s32 s19, s18  }
0x9c: {  	s6 =	simm.s32 $0x0;
	s20 =	sshll.u32 s4, $0x1;
	s4 =	sadd.s32 s21, s2  }
0x9d: {  	[timem:s6], [sflag:s22] =	dma.local [hbm:s4], s20  }
0x9e: {  	_ =	swait.ge [sflag:s22], s20  }
0x9f: {  	s3 =	ssub.s32 $0x0, s20;
	[sflag:s22] =	ssyncset.done $0x0  }
0xa0: {  	[sflag:s22] =	ssyncadd.s32 s3;
	_ =	sdelay $0x1  }
0xa1: {  	s23 =	simm.s32 $0x1B8B  }
0xa2: {  	_ =	swait.ge [sflag:s23], $0x1  }
0xa3: {  	[sflag:s23] =	ssyncset.done $0x0  }
0xa4: {  	s25 =	simm.s32 $0x1B8E;
	s24 =	sld [smem:$0x3FFE];
	[sflag:s23] =	ssyncadd.s32 $0xFFFFFFFF  }
0xa5: {  	s26 =	simm.s32 $execute0_lowered;
	[smem:$0x3FD2] =	sst s25  }
0xa6: {  	s4 =	sshll.u32 s26, $0x1;
	_ =	strace $0x80000046;
	[dreg:$0x1] =	wrdreg $0xFFFFFFFF  }
0xa7: {  	s28 =	simm.s32 $_size_execute0_lowered;
	s2 =	sadd.s32 s2, s4;
	[dreg:$0x0] =	wrdreg $0x0  }
0xa8: {  	s4 =	sshll.u32 s28, $0x1;
	[dreg:$0x2] =	wrdreg s2  }
0xa9: {  	[dreg:$0x3] =	wrdreg s4  }
0xaa: {  	[dreg:$0x4] =	wrdreg $0xC0  }
0xab: {  	_ =	task [dreg:s6], $0x5FFFF  }
0xac: {  	[dreg:$0x1] =	wrdreg $0xFFFFFFFF  }
0xad: {  	[dreg:$0x0] =	wrdreg $0x60  }
0xae: {  	[dreg:$0x2] =	wrdreg s24  }
0xaf: {  	[dreg:$0x3] =	wrdreg $0x82000  }
0xb0: {  	[dreg:$0x4] =	wrdreg $0xFF000  }
0xb1: {  	[dreg:$0x5] =	wrdreg $0xA  }
0xb2: {  	_ =	task.clear_ibuf [dreg:s6], $0x6FFFF;
	_ =	strace $0x90000046  }
0xb3: {  	s29 =	simm.s32 $0xA;
	_ =	strace $0x80000048  }
0xb4: {  	_ =	swait.ge [sflag:s29], $0x1  }
0xb5: {  	[sflag:s29] =	ssyncadd.s32 $0xFFFFFFFF  }
0xb6: {  	_ =	strace $0x90000048  }
0xb7: {  	_ =	sfence  }
0xb8: {  	s30 =	sld [smem:$0x0];
	_ =	sdelay $0x2  }
0xb9: {  	s31 =	sshll.u32 s1, $0xD;
	s1 =	sshrl.u32 s1, $0x2  }
0xba: {  	s3 =	sand.u32 $0x4000, s31;
	s1 =	sadd.s32 s1, s30  }
0xbb: {  	s0 =	sor.u32 s3, s0;
	s1 =	sshll.u32 s1, $0x11  }
0xbc: {  	s0 =	sor.u32 s1, s0  }
0xbd: {  	s0 =	sadd.s32 $0x8F2B, s0  }
0xbe: {  	[sflag:s0] =	ssyncadd.remote.s32 $0x1  }
0xbf: {  	_ =	sfence.sel $0xFFFF  }
0xc0: {  	[dreg:$0x0] =	wrdreg $0xFFFFFFFF;
	(pc) =	sbr.abs _section_cstart, $3  }
0xc1: {  	[dreg:$0x1] =	wrdreg $0xFFFFFFFF  }
0xc2: {  	_ =	task.clear_ibuf [dreg:s6], $0x2FFFF;
	_ =	strace $0x9FFFFFFF  }
0xc3: {  	(tm) =	ssettm $0x7FFFFFFF  }
tec
execute0_lowered:
.L_overlay_start_1:
0x0: {  	(tag) =	ssettag $0x1  }
0x1: {  	s0 =	rddreg [dreg:$0x0]  }
0x2: {  	s2 =	rddreg [dreg:$0x1]  }
0x3: {  	s3 =	rddreg [dreg:$0x2];
	s17 =	stileid.u32;
	s4 =	simm.s32 $0x0  }
0x4: {  	s5 =	srdreg.scid;
	s28 =	simm.s32 $0x2;
	s29 =	simm.s32 $0x4200  }
0x5: {  	s30 =	simm.s32 $0x3;
	s31 =	simm.s32 $0x4;
	s1 =	smul.u32 $0xF80, s17  }
0x6: {  	[smem:$0x7FF] =	sst s4;
	s6 =	sadd.s32 $0x14400, s0;
	s18 =	sadd.s32 $0x19400, s0  }
0x7: {  	s5 =	sand.u32 $0x1, s5;
	s7 =	sshll.u32 s17, $0xC;
	s9 =	smul.u32 $0x1F000, s17  }
0x8: {  	s19 =	sadd.s32 $0x74400, s2;
	s21 =	sshll.u32 s17, $0xF;
	s23 =	smul.u32 $0x28, s17  }
0x9: {  	p0 =	seq.s32 s17, $0xF;
	_ =	strace $0x80000047;
	s8 =	ssub.s32 $0x2, s5  }
0xa: {  	s12 =	sadd.s32 s7, s0;
	s10 =	sshll.u32 s5, $0x4;
	s22 =	sadd.s32 s21, s3  }
0xb: {  	s19 =	sshrl.u32 @p0 s19, $0x3;
	s21 =	simm.s32 $0x5;
	s1 =	sadd.s32 s1, s0  }
0xc: {  	s11 =	sshrl.u32 s8, $0x1;
	s13 =	sshrl.u32 s9, $0x2;
	s15 =	sor.u32 s17, s10  }
0xd: {  	s0 =	sadd.s32 $0x12C80, s0;
	[dreg:$0x6] =	wrdreg s22;
	s24 =	sadd.s32 $0x1E400, s12  }
0xe: {  	s22 =	simm.s32 $0x100;
	s14 =	ssub.s32 s8, s11;
	s20 =	sadd.s32 s13, s2  }
0xf: {  	s1 =	sadd.s32 $0x4400, s1;
	s16 =	smul.u32 $0x280, s15;
	[dreg:$0x5] =	wrdreg s0  }
0x10: {  	s11 =	smul.u32 $0x280, s5;
	[dreg:$0x7] =	wrdreg s24;
	s5 =	sshll.u32 s5, $0x10  }
0x11: {  	s24 =	simm.s32 $0x80;
	[dreg:$0x4] =	wrdreg s1;
	s5 =	sadd.s32 s5, s12  }
0x12: {  	s14 =	smax.u32 s14, $0x1;
	s20 =	sshrl.u32 @!p0 s20, $0x3;
	s9 =	sadd.s32 s6, s16  }
0x13: {  	s10 =	sadd.s32 s18, s16;
	s1 =	sor.u32 $0x10, s16;
	s0 =	sadd.s32 s23, s11  }
0x14: {  	s13 =	sadd.s32 $0x2E400, s5;
	s23 =	simm.s32 $0x1;
	s0 =	sshll.u32 s0, $0x4  }
0x15: {  	s11 =	sadd.s32 s6, s1;
	s12 =	sadd.s32 s18, s1;
	s25 =	sadd.s32 s0, s6  }
0x16: {  	s26 =	sadd.s32 s0, s18;
	s0 =	sor.u32 $0x20, s0;
	s15 =	sadd.s32 $0x30, s25  }
0x17: {  	s16 =	sadd.s32 $0x30, s26;
	s17 =	sadd.s32 s0, s6;
	s18 =	sadd.s32 s0, s18  }
0x18: {  	s25 =	simm.s32 $0x200;
	s26 =	simm.s32 $0x180;
	s0 =	simm.s32 $0x0  }
.LBB2_1:
0x19: {  	s1 =	simm.s32 @p0 $0x1FC5;
	s5 =	rddreg [dreg:$0x5]  }
0x1a: {  	[spmem:s19], [sflag:s1] =	dma.local @p0 [hbm:s5], $0x1180  }
0x1b: {  	s1 =	simm.s32 @p0 $0x5  }
0x1c: {  	s6 =	stileid.u32;
	_ =	swait.ge @p0 [sflag:s1], $0x1180  }
0x1d: {  	s5 =	sshll.u32 @!p0 s6, $0x6;
	[sflag:s1] =	ssyncset.done @p0 $0x0  }
0x1e: {  	[sflag:s1] =	ssyncadd.s32 @p0 $0xFFFFEE80;
	s1 =	sor.u32 @!p0 $0x1C05, s5;
	s5 =	rddreg [dreg:$0x4]  }
0x1f: {  	[spmem:s20], [sflag:s1] =	dma.local @!p0 [hbm:s5], $0xF80  }
0x20: {  	s1 =	simm.s32 @!p0 $0x5  }
0x21: {  	s6 =	sshll.u32 s6, $0x6;
	_ =	swait.ge @!p0 [sflag:s1], $0xF80  }
0x22: {  	s5 =	sor.u32 $0x1C05, s6;
	[sflag:s1] =	ssyncset.done @!p0 $0x0;
	s7 =	rddreg [dreg:$0x6]  }
0x23: {  	s8 =	rddreg [dreg:$0x7];
	[sflag:s1] =	ssyncadd.s32 @!p0 $0xFFFFF080;
	s1 =	sshrl.u32 s7, $0x3  }
0x24: {  	[spmem:s1], [sflag:s5] =	dma.local [hbm:s8], $0x1000  }
0x25: {  	_ =	swait.ge [sflag:s21], $0x1000  }
0x26: {  	[sflag:s21] =	ssyncset.done $0x0  }
0x27: {  	[sflag:s21] =	ssyncadd.s32 $0xFFFFF000  }
0x28: {  	[bflag:$0x0] =	sbarrier.arrive $0xFFFF  }
0x29: {  	[tilespmem:s4], [sflag:$0x1] =	stream.linear.gather [hbm4b:s9+s4], $0x80, $0x38;
	[tilespmem:$0x17F00] =	vst v63  }
0x2a: {  	_ = 	snop  }
0x2b: {  	[tilespmem:s22], [sflag:$0x1] =	stream.linear.gather [hbm4b:s10+s4], $0x80, $0x38;
	[tilespmem:$0x17F00] =	vst v63  }
0x2c: {  	_ =	swait.ge [sflag:s23], $0x80  }
0x2d: {  	[sflag:s23] =	ssyncset.done $0x0  }
0x2e: {  	[sflag:s23] =	ssyncadd.s32 $0xFFFFFF80  }
0x2f: {  	_ =	swait.ge [sflag:s23], $0x80  }
0x30: {  	[sflag:s23] =	ssyncset.done $0x0  }
0x31: {  	[sflag:s23] =	ssyncadd.s32 $0xFFFFFF80  }
0x32: {  	[tilespmem:s25], [sflag:$0x3] =	stream.indirect.gather [spmem:s2], $0x80, s4, s24, $0xb8;
	[tilespmem:$0x17F00] =	vst v63  }
0x33: {  	_ = 	snop  }
0x34: {  	[tilespmem:s24], [sflag:$0x2] =	stream.linear.gather [hbm4b:s11+s4], $0x80, $0x38;
	[tilespmem:$0x17F00] =	vst v63  }
0x35: {  	_ = 	snop  }
0x36: {  	[tilespmem:s26], [sflag:$0x2] =	stream.linear.gather [hbm4b:s12+s4], $0x80, $0x38;
	[tilespmem:$0x17F00] =	vst v63  }
0x37: {  	_ =	swait.ge [sflag:s28], $0x80  }
0x38: {  	[sflag:s28] =	ssyncset.done $0x0  }
0x39: {  	[sflag:s28] =	ssyncadd.s32 $0xFFFFFF80  }
0x3a: {  	_ =	swait.ge [sflag:s28], $0x80  }
0x3b: {  	[sflag:s28] =	ssyncset.done $0x0  }
0x3c: {  	[sflag:s28] =	ssyncadd.s32 $0xFFFFFF80  }
0x3d: {  	[tilespmem:s29], [sflag:$0x4] =	stream.indirect.gather [spmem:s2], $0x80, s24, s24, $0xb8;
	[tilespmem:$0x17F00] =	vst v63  }
0x3e: {  	_ =	swait.ge [sflag:s30], $0x4000  }
0x3f: {  	[sflag:s30] =	ssyncset.done $0x0  }
0x40: {  	[sflag:s30] =	ssyncadd.s32 $0xFFFFC000  }
0x41: {  	[spmem:s3] =	stream.indirect.scatter.add.f32 [tilespmem:s25], [sflag:$0x5], $0x80, s22, s24, $0xb8;
	[tilespmem:$0x17F00] =	vst v63  }
0x42: {  	_ =	swait.ge [sflag:s21], $0x4000  }
0x43: {  	[sflag:s21] =	ssyncset.done $0x0  }
0x44: {  	s7 =	sadd.s32 $0x0, s17;
	[sflag:s21] =	ssyncadd.s32 $0xFFFFC000  }
0x45: {  	[tilespmem:s4], [sflag:$0x1] =	stream.linear.gather [hbm4b:s7+s4], $0x80, $0x38;
	[tilespmem:$0x17F00] =	vst v63  }
0x46: {  	s8 =	sadd.s32 $0x0, s18  }
0x47: {  	[tilespmem:s22], [sflag:$0x1] =	stream.linear.gather [hbm4b:s8+s4], $0x80, $0x38;
	[tilespmem:$0x17F00] =	vst v63  }
0x48: {  	_ =	swait.ge [sflag:s23], $0x80  }
0x49: {  	[sflag:s23] =	ssyncset.done $0x0  }
0x4a: {  	[sflag:s23] =	ssyncadd.s32 $0xFFFFFF80  }
0x4b: {  	_ =	swait.ge [sflag:s23], $0x80  }
0x4c: {  	[sflag:s23] =	ssyncset.done $0x0  }
0x4d: {  	[sflag:s23] =	ssyncadd.s32 $0xFFFFFF80  }
0x4e: {  	[tilespmem:s25], [sflag:$0x3] =	stream.indirect.gather [spmem:s2], $0x80, s4, s24, $0xb8;
	[tilespmem:$0x17F00] =	vst v63  }
0x4f: {  	_ =	swait.ge [sflag:s31], $0x4000  }
0x50: {  	[sflag:s31] =	ssyncset.done $0x0  }
0x51: {  	[sflag:s31] =	ssyncadd.s32 $0xFFFFC000  }
0x52: {  	[spmem:s3] =	stream.indirect.scatter.add.f32 [tilespmem:s29], [sflag:$0x5], $0x80, s26, s24, $0xb8;
	[tilespmem:$0x17F00] =	vst v63  }
0x53: {  	_ =	swait.ge [sflag:s21], $0x4000  }
0x54: {  	[sflag:s21] =	ssyncset.done $0x0  }
0x55: {  	s7 =	sadd.s32 $0x0, s15;
	[sflag:s21] =	ssyncadd.s32 $0xFFFFC000  }
0x56: {  	[tilespmem:s24], [sflag:$0x2] =	stream.linear.gather [hbm4b:s7+s4], $0x80, $0x38;
	[tilespmem:$0x17F00] =	vst v63  }
0x57: {  	s8 =	sadd.s32 $0x0, s16  }
0x58: {  	[tilespmem:s26], [sflag:$0x2] =	stream.linear.gather [hbm4b:s8+s4], $0x80, $0x38;
	[tilespmem:$0x17F00] =	vst v63  }
0x59: {  	_ =	swait.ge [sflag:s28], $0x80  }
0x5a: {  	[sflag:s28] =	ssyncset.done $0x0  }
0x5b: {  	[sflag:s28] =	ssyncadd.s32 $0xFFFFFF80  }
0x5c: {  	_ =	swait.ge [sflag:s28], $0x80  }
0x5d: {  	[sflag:s28] =	ssyncset.done $0x0  }
0x5e: {  	s6 =	simm.s32 $0x20;
	[sflag:s28] =	ssyncadd.s32 $0xFFFFFF80  }
.LBB2_2:
0x5f: {  	[tilespmem:s29], [sflag:$0x4] =	stream.indirect.gather [spmem:s2], $0x80, s24, s24, $0xb8;
	[tilespmem:$0x17F00] =	vst v63  }
0x60: {  	s7 =	smov.u32 s6  }
0x61: {  	p1 =	sne.s32 s6, $0x240;
	s6 =	sadd.s32 $0x20, s6;
	_ =	swait.ge [sflag:s30], $0x4000  }
0x62: {  	[sflag:s30] =	ssyncset.done $0x0  }
0x63: {  	[sflag:s30] =	ssyncadd.s32 $0xFFFFC000  }
0x64: {  	[spmem:s3] =	stream.indirect.scatter.add.f32 [tilespmem:s25], [sflag:$0x5], $0x80, s22, s24, $0xb8;
	[tilespmem:$0x17F00] =	vst v63  }
0x65: {  	_ =	swait.ge [sflag:s21], $0x4000  }
0x66: {  	[sflag:s21] =	ssyncset.done $0x0  }
0x67: {  	s8 =	sadd.s32 s7, s17;
	[sflag:s21] =	ssyncadd.s32 $0xFFFFC000  }
0x68: {  	[tilespmem:s4], [sflag:$0x1] =	stream.linear.gather [hbm4b:s8+s4], $0x80, $0x38;
	[tilespmem:$0x17F00] =	vst v63  }
0x69: {  	s8 =	sadd.s32 s7, s18  }
0x6a: {  	[tilespmem:s22], [sflag:$0x1] =	stream.linear.gather [hbm4b:s8+s4], $0x80, $0x38;
	[tilespmem:$0x17F00] =	vst v63  }
0x6b: {  	_ =	swait.ge [sflag:s23], $0x80  }
0x6c: {  	[sflag:s23] =	ssyncset.done $0x0  }
0x6d: {  	[sflag:s23] =	ssyncadd.s32 $0xFFFFFF80  }
0x6e: {  	_ =	swait.ge [sflag:s23], $0x80  }
0x6f: {  	[sflag:s23] =	ssyncset.done $0x0  }
0x70: {  	[sflag:s23] =	ssyncadd.s32 $0xFFFFFF80  }
0x71: {  	[tilespmem:s25], [sflag:$0x3] =	stream.indirect.gather [spmem:s2], $0x80, s4, s24, $0xb8;
	[tilespmem:$0x17F00] =	vst v63  }
0x72: {  	_ =	swait.ge [sflag:s31], $0x4000  }
0x73: {  	[sflag:s31] =	ssyncset.done $0x0  }
0x74: {  	[sflag:s31] =	ssyncadd.s32 $0xFFFFC000  }
0x75: {  	[spmem:s3] =	stream.indirect.scatter.add.f32 [tilespmem:s29], [sflag:$0x5], $0x80, s26, s24, $0xb8;
	[tilespmem:$0x17F00] =	vst v63  }
0x76: {  	_ =	swait.ge [sflag:s21], $0x4000  }
0x77: {  	[sflag:s21] =	ssyncset.done $0x0  }
0x78: {  	s8 =	sadd.s32 s7, s15;
	[sflag:s21] =	ssyncadd.s32 $0xFFFFC000  }
0x79: {  	[tilespmem:s24], [sflag:$0x2] =	stream.linear.gather [hbm4b:s8+s4], $0x80, $0x38;
	[tilespmem:$0x17F00] =	vst v63  }
0x7a: {  	s7 =	sadd.s32 s7, s16  }
0x7b: {  	[tilespmem:s26], [sflag:$0x2] =	stream.linear.gather [hbm4b:s7+s4], $0x80, $0x38;
	[tilespmem:$0x17F00] =	vst v63  }
0x7c: {  	_ =	swait.ge [sflag:s28], $0x80  }
.Ltmp0:
0x7d: {  	[sflag:s28] =	ssyncset.done $0x0;
	(pc) =	sbr.rel @p1 .LBB2_2-.Ltmp0, $4  }
0x7e: {  	[sflag:s28] =	ssyncadd.s32 $0xFFFFFF80  }
0x7f: {  	_ =	swait.ge [sflag:s28], $0x80  }
0x80: {  	[sflag:s28] =	ssyncset.done $0x0  }
0x81: {  	[sflag:s28] =	ssyncadd.s32 $0xFFFFFF80  }
0x82: {  	[tilespmem:s29], [sflag:$0x4] =	stream.indirect.gather [spmem:s2], $0x80, s24, s24, $0xb8;
	[tilespmem:$0x17F00] =	vst v63  }
0x83: {  	_ =	swait.ge [sflag:s30], $0x4000  }
0x84: {  	[sflag:s30] =	ssyncset.done $0x0  }
0x85: {  	[sflag:s30] =	ssyncadd.s32 $0xFFFFC000  }
0x86: {  	[spmem:s3] =	stream.indirect.scatter.add.f32 [tilespmem:s25], [sflag:$0x5], $0x80, s22, s24, $0xb8;
	[tilespmem:$0x17F00] =	vst v63  }
0x87: {  	_ =	swait.ge [sflag:s21], $0x4000  }
0x88: {  	[sflag:s21] =	ssyncset.done $0x0  }
0x89: {  	[sflag:s21] =	ssyncadd.s32 $0xFFFFC000  }
0x8a: {  	_ =	swait.ge [sflag:s31], $0x4000  }
0x8b: {  	[sflag:s31] =	ssyncset.done $0x0  }
0x8c: {  	[sflag:s31] =	ssyncadd.s32 $0xFFFFC000  }
0x8d: {  	[spmem:s3] =	stream.indirect.scatter.add.f32 [tilespmem:s29], [sflag:$0x5], $0x80, s26, s24, $0xb8;
	[tilespmem:$0x17F00] =	vst v63  }
0x8e: {  	_ =	swait.ge [sflag:s21], $0x4000  }
0x8f: {  	s0 =	sadd.s32 $0x1, s0;
	[sflag:s21] =	ssyncset.done $0x0  }
0x90: {  	p1 =	sne.s32 s0, s14;
	[sflag:s21] =	ssyncadd.s32 $0xFFFFC000  }
.Ltmp1:
0x91: {  	[bflag:$0x0] =	sbarrier.arrive $0xFFFF;
	(pc) =	sbr.rel @p1 .LBB2_1-.Ltmp1, $4  }
0x92: {  	[hbm:s13], [sflag:s5] =	dma.local [spmem:s1], $0x1000  }
0x93: {  	_ =	swait.ge [sflag:s21], $0x1000  }
0x94: {  	[sflag:s21] =	ssyncset.done $0x0  }
0x95: {  	[sflag:s21] =	ssyncadd.s32 $0xFFFFF000  }
0x96: {  	_ =	sfence.sel $0x180000  }
0x97: {  	[bflag:$0x0] =	sbarrier.arrive $0xFFFF  }
0x98: {  	_ =	strace $0x90000047  }
0x99: {  	s0 =	stileid.u32;
	[bflag:$0x2] =	sbarrier.arrive $0xFFFF  }
0x9a: {  	p0 =	sne.s32 s0, $0x0;
	s0 =	rddreg [dreg:$0x3]  }
0x9b: {  	s0 =	sadd.s32 @!p0 $0x100000, s0  }
0x9c: {  	[sflag:s0] =	ssyncadd.tile.s32 @!p0 $0x1;
	_ =	shalt  }
.Lfunc_end2:
_tile_overlayer_lowered:
.L_overlay_start_2:
0x9d: {  	(tag) =	ssettag $0x2  }
0x9e: {  	s0 =	rddreg [dreg:$0x0];
	s2 =	stileid.u32  }
0x9f: {  	s1 =	rddreg [dreg:$0x1];
	p0 =	sne.s32 s2, $0x0  }
0xa0: {  	s3 =	rddreg [dreg:$0x2];
	[bflag:$0x3] =	sbarrier.arrive $0xFFFF;
	s2 =	simm.s32 @!p0 $0x1C05  }
0xa1: {  	[timem:s3], [sflag:s2] =	dma.local @!p0 [hbm:s0], s1  }
0xa2: {  	s0 =	simm.s32 @!p0 $0x5  }
0xa3: {  	_ =	swait.ge @!p0 [sflag:s0], s1  }
0xa4: {  	s1 =	ssub.s32 @!p0 $0x0, s1;
	[sflag:s0] =	ssyncset.done @!p0 $0x0  }
0xa5: {  	[sflag:s0] =	ssyncadd.s32 @!p0 s1  }
0xa6: {  	[bflag:$0x3] =	sbarrier.arrive $0xFFFF  }
0xa7: {  	_ =	shalt  }

// kernel: kernel.18.cloned.1.call-start
scs
__scs_entry_jumppad:
0x0: {  	(pc) =	sbr.rel $0x88, $3  }
0x1: {  	(tag) =	ssettag $0x0;
	lr =	simm.s32 $0x1  }
0x2: {  	[smem:$0x3F96] =	sst lr;
	_ =	strace $0xD0000000  }
0x3: {  	_ = 	snop  }
0x4: {  	_ = 	snop  }
0x5: {  	_ = 	snop  }
0x6: {  	_ = 	snop  }
0x7: {  	_ = 	snop  }
__scs_overlays_trampoline_lowered:
0x8: {  	[smem:$0x3FA5] =	sst s0  }
0x9: {  	[smem:$0x3FA6] =	sst s1  }
0xa: {  	[smem:$0x3FA7] =	sst s2  }
0xb: {  	[smem:$0x3FA8] =	sst s3  }
0xc: {  	[smem:$0x3FA9] =	sst s4  }
0xd: {  	[smem:$0x3FAA] =	sst s5  }
0xe: {  	[smem:$0x3FAB] =	sst s6  }
0xf: {  	[smem:$0x3FAC] =	sst s7  }
0x10: {  	[smem:$0x3FAD] =	sst s8  }
0x11: {  	[smem:$0x3FAE] =	sst s9;
	s0 =	simm.s32 @!p0 $0x0  }
0x12: {  	s1 =	sld [smem:$0x3F94];
	s0 =	simm.s32 @p0 $0x1  }
0x13: {  	[smem:$0x3FAF] =	sst s0;
	s0 =	simm.s32 @!p1 $0x0  }
0x14: {  	s2 =	sld [smem:$0x3F93];
	s0 =	simm.s32 @p1 $0x1  }
0x15: {  	[smem:$0x3FB0] =	sst s0;
	s0 =	simm.s32 @!p2 $0x0  }
0x16: {  	s3 =	sld [smem:$0x3FDB];
	s0 =	simm.s32 @p2 $0x1  }
0x17: {  	s4 =	simm.s32 $0x1BF5;
	[smem:$0x3FB2] =	sst s0  }
0x18: {  	s0 =	sld [smem:$0x3F95];
	_ =	swait.ge [sflag:s4], $0x0  }
0x19: {  	s7 =	sld [smem:$0x3F96]  }
0x1a: {  	s8 =	sadd.s32 $0xFFFFE003, lr  }
0x1b: {  	s9 =	sadd.s32 $0xFFFFFEF7, lr;
	s5 =	simm.s32 $0xFFFFFFFF;
	p2 =	slt.u32 s8, $0xFFFFF086  }
0x1c: {  	p1 =	slt.u32 s9, $0xF7A;
	s5 =	simm.s32 @!p2 $0x0  }
0x1d: {  	s5 =	simm.s32 @p1 $0x1;
	p0 =	seq.s32 s7, s2  }
0x1e: {  	s7 =	smul.u32 @!p0 $0xF7A, s2;
	p2 =	seq.s32 @!p0 s5, $0x0  }
0x1f: {  	s9 =	smul.u32 $0xF7A, s1;
	s8 =	simm.s32 @!p0 $0x1BF5;
	p2 =	por !p2, p0  }
0x20: {  	[sflag:s8] =	ssyncset.s32 @!p0 $0xFFFFF086;
	s6 =	sadd.s32 @!p0 s3, s7;
	s7 =	simm.s32 @!p0 $0x108  }
0x21: {  	s3 =	sadd.s32 s3, s9;
	s6 =	sadd.s32 @!p0 $0x88, s6;
	s7 =	simm.s32 @p2 $0x1082  }
0x22: {  	[simem:s7], [sflag:s8] =	dma.local @!p0 [hbm:s6], $0xF7A  }
0x23: {  	s9 =	sor.u32 $0xD0000000, s2;
	s6 =	simm.s32 $0x108;
	_ =	swait.ge @!p0 [sflag:s8], $0x0  }
0x24: {  	s3 =	sadd.s32 $0x88, s3;
	s6 =	simm.s32 @!p1 $0x1082;
	[sflag:s4] =	ssyncset.s32 $0xFFFFF086  }
0x25: {  	[simem:s6], [sflag:s4] =	dma.local [hbm:s3], $0xF7A  }
0x26: {  	[smem:$0x3F96] =	sst s1;
	(tag) =	ssettag s2;
	_ =	strace s9  }
0x27: {  	s1 =	sld [smem:$0x3FA6]  }
0x28: {  	s2 =	sld [smem:$0x3FA7]  }
0x29: {  	s4 =	sld [smem:$0x3FA9]  }
0x2a: {  	p0 =	seq.s32 s5, $0x0;
	s5 =	sld [smem:$0x3FAA]  }
0x2b: {  	s6 =	sld [smem:$0x3FAB]  }
0x2c: {  	s7 =	sld [smem:$0x3FAC]  }
0x2d: {  	s3 =	simm.s32 $0x108;
	s8 =	sld [smem:$0x3FAD]  }
0x2e: {  	s3 =	simm.s32 @!p0 $0x1082;
	s9 =	sld [smem:$0x3FAE]  }
0x2f: {  	lr =	sadd.s32 s0, s3;
	s0 =	sld [smem:$0x3FA5]  }
0x30: {  	s3 =	sld [smem:$0x3FA8]  }
0x31: {  	[smem:$0x3FB1] =	sst s10  }
0x32: {  	s10 =	sld [smem:$0x3FAF];
	_ =	sdelay $0x3  }
0x33: {  	p0 =	seq.s32 s10, $0x1;
	s10 =	sld [smem:$0x3FB1];
	_ =	sdelay $0x3  }
0x34: {  	[smem:$0x3FB1] =	sst s10  }
0x35: {  	s10 =	sld [smem:$0x3FB0];
	_ =	sdelay $0x3  }
0x36: {  	p1 =	seq.s32 s10, $0x1;
	s10 =	sld [smem:$0x3FB1];
	_ =	sdelay $0x3  }
0x37: {  	[smem:$0x3FB1] =	sst s10  }
0x38: {  	s10 =	sld [smem:$0x3FB2]  }
0x39: {  	_ = 	snop;
	(pc) =	sbr.ind lr, $3  }
0x3a: {  	_ = 	snop  }
0x3b: {  	_ = 	snop  }
0x3c: {  	p2 =	seq.s32 s10, $0x1;
	s10 =	sld [smem:$0x3FB1]  }
0x3d: {  	_ =	shalt  }
0x3e: {  	_ =	shalt  }
0x3f: {  	_ =	shalt  }
0x40: {  	_ =	shalt  }
0x41: {  	_ =	shalt  }
0x42: {  	_ =	shalt  }
0x43: {  	_ =	shalt  }
0x44: {  	_ =	shalt  }
0x45: {  	_ =	shalt  }
0x46: {  	_ =	shalt  }
0x47: {  	_ =	shalt  }
0x48: {  	_ =	shalt  }
0x49: {  	_ =	shalt  }
0x4a: {  	_ =	shalt  }
0x4b: {  	_ =	shalt  }
0x4c: {  	_ =	shalt  }
0x4d: {  	_ =	shalt  }
0x4e: {  	_ =	shalt  }
0x4f: {  	_ =	shalt  }
0x50: {  	_ =	shalt  }
0x51: {  	_ =	shalt  }
0x52: {  	_ =	shalt  }
0x53: {  	_ =	shalt  }
0x54: {  	_ =	shalt  }
0x55: {  	_ =	shalt  }
0x56: {  	_ =	shalt  }
0x57: {  	_ =	shalt  }
0x58: {  	_ =	shalt  }
0x59: {  	_ =	shalt  }
0x5a: {  	_ =	shalt  }
0x5b: {  	_ =	shalt  }
0x5c: {  	_ =	shalt  }
0x5d: {  	_ =	shalt  }
0x5e: {  	_ =	shalt  }
0x5f: {  	_ =	shalt  }
0x60: {  	_ =	shalt  }
0x61: {  	_ =	shalt  }
0x62: {  	_ =	shalt  }
0x63: {  	_ =	shalt  }
0x64: {  	_ =	shalt  }
0x65: {  	_ =	shalt  }
0x66: {  	_ =	shalt  }
0x67: {  	_ =	shalt  }
0x68: {  	_ =	shalt  }
0x69: {  	_ =	shalt  }
0x6a: {  	_ =	shalt  }
0x6b: {  	_ =	shalt  }
0x6c: {  	_ =	shalt  }
0x6d: {  	_ =	shalt  }
0x6e: {  	_ =	shalt  }
0x6f: {  	_ =	shalt  }
0x70: {  	_ =	shalt  }
0x71: {  	_ =	shalt  }
0x72: {  	_ =	shalt  }
0x73: {  	_ =	shalt  }
0x74: {  	_ =	shalt  }
0x75: {  	_ =	shalt  }
0x76: {  	_ =	shalt  }
0x77: {  	_ =	shalt  }
0x78: {  	_ =	shalt  }
0x79: {  	_ =	shalt  }
0x7a: {  	_ =	shalt  }
0x7b: {  	_ =	shalt  }
0x7c: {  	_ =	shalt  }
0x7d: {  	_ =	shalt  }
0x7e: {  	_ =	shalt  }
0x7f: {  	_ =	shalt  }
0x80: {  	_ =	shalt  }
0x81: {  	_ =	shalt  }
0x82: {  	_ =	shalt  }
0x83: {  	_ =	shalt  }
0x84: {  	_ =	shalt  }
0x85: {  	_ =	shalt  }
0x86: {  	_ =	shalt  }
0x87: {  	_ =	shalt  }
.Lfunc_end0:
.L_simem_size_0:
called_computation.2_lowered:
.L_overlay_start_0:
0x88: {  	s2 =	sld [smem:$0x3FD9]  }
0x89: {  	s3 =	sld [smem:$0x3FFE];
	_ =	sdelay $0x1  }
0x8a: {  	s1 =	srdreg.scid  }
0x8b: {  	s0 =	sand.u32 $0x1, s1  }
0x8c: {  	s16 =	sshll.u32 s0, $0xA;
	s2 =	sadd.s32 s3, s2  }
0x8d: {  	s2 =	sadd.s32 s2, s16  }
0x8e: {  	[smem:$0x3FBD] =	sst s2  }
0x8f: {  	_ = 	snop  }
0x90: {  	(tm) =	ssettm $0x1  }
0x91: {  	s17 =	sld [smem:$0x3FFB];
	_ =	sdelay $0x3  }
0x92: {  	_ =	strace s17  }
0x93: {  	s2 =	sld [smem:$0x3FFC];
	_ =	sdelay $0x3  }
0x94: {  	_ =	strace s2  }
0x95: {  	s2 =	sld [smem:$0x3FFD];
	_ =	sdelay $0x3  }
0x96: {  	_ =	strace s2  }
0x97: {  	_ =	strace $0x8FFFFFFF  }
0x98: {  	s18 =	sld [smem:$0x3FDB];
	_ =	sdelay $0x1  }
0x99: {  	s19 =	simm.s32 $_scs_section_size  }
0x9a: {  	s4 =	simm.s32 $_size__tile_overlayer_lowered;
	s5 =	simm.s32 $_tile_overlayer_lowered  }
0x9b: {  	s22 =	simm.s32 $0x1BFF;
	s21 =	sshll.u32 s5, $0x1;
	s2 =	sadd.s32 s19, s18  }
0x9c: {  	s6 =	simm.s32 $0x0;
	s20 =	sshll.u32 s4, $0x1;
	s4 =	sadd.s32 s21, s2  }
0x9d: {  	[timem:s6], [sflag:s22] =	dma.local [hbm:s4], s20  }
0x9e: {  	_ =	swait.ge [sflag:s22], s20  }
0x9f: {  	s3 =	ssub.s32 $0x0, s20;
	[sflag:s22] =	ssyncset.done $0x0  }
0xa0: {  	[sflag:s22] =	ssyncadd.s32 s3;
	_ =	sdelay $0x1  }
0xa1: {  	s23 =	simm.s32 $0x1B8B  }
0xa2: {  	_ =	swait.ge [sflag:s23], $0x1  }
0xa3: {  	[sflag:s23] =	ssyncset.done $0x0  }
0xa4: {  	s25 =	simm.s32 $0x1B8E;
	s24 =	sld [smem:$0x3FFE];
	[sflag:s23] =	ssyncadd.s32 $0xFFFFFFFF  }
0xa5: {  	s26 =	simm.s32 $execute0_lowered;
	[smem:$0x3FD2] =	sst s25  }
0xa6: {  	s4 =	sshll.u32 s26, $0x1;
	_ =	strace $0x8000004C;
	[dreg:$0x1] =	wrdreg $0xFFFFFFFF  }
0xa7: {  	s28 =	simm.s32 $_size_execute0_lowered;
	s2 =	sadd.s32 s2, s4;
	[dreg:$0x0] =	wrdreg $0x0  }
0xa8: {  	s4 =	sshll.u32 s28, $0x1;
	[dreg:$0x2] =	wrdreg s2  }
0xa9: {  	[dreg:$0x3] =	wrdreg s4  }
0xaa: {  	[dreg:$0x4] =	wrdreg $0xC0  }
0xab: {  	_ =	task [dreg:s6], $0x5FFFF  }
0xac: {  	[dreg:$0x1] =	wrdreg $0xFFFFFFFF  }
0xad: {  	[dreg:$0x0] =	wrdreg $0x60  }
0xae: {  	[dreg:$0x2] =	wrdreg s24  }
0xaf: {  	[dreg:$0x3] =	wrdreg $0x82000  }
0xb0: {  	[dreg:$0x4] =	wrdreg $0xFF000  }
0xb1: {  	[dreg:$0x5] =	wrdreg $0x9  }
0xb2: {  	_ =	task.clear_ibuf [dreg:s6], $0x6FFFF;
	_ =	strace $0x9000004C  }
0xb3: {  	s29 =	simm.s32 $0x9;
	_ =	strace $0x8000004E  }
0xb4: {  	_ =	swait.ge [sflag:s29], $0x1  }
0xb5: {  	[sflag:s29] =	ssyncadd.s32 $0xFFFFFFFF  }
0xb6: {  	_ =	strace $0x9000004E  }
0xb7: {  	_ =	sfence  }
0xb8: {  	s30 =	sld [smem:$0x0];
	_ =	sdelay $0x2  }
0xb9: {  	s31 =	sshll.u32 s1, $0xD;
	s1 =	sshrl.u32 s1, $0x2  }
0xba: {  	s3 =	sand.u32 $0x4000, s31;
	s1 =	sadd.s32 s1, s30  }
0xbb: {  	s0 =	sor.u32 s3, s0;
	s1 =	sshll.u32 s1, $0x11  }
0xbc: {  	s0 =	sor.u32 s1, s0  }
0xbd: {  	s0 =	sadd.s32 $0x8F2B, s0  }
0xbe: {  	[sflag:s0] =	ssyncadd.remote.s32 $0x1  }
0xbf: {  	_ =	sfence.sel $0xFFFF  }
0xc0: {  	[dreg:$0x0] =	wrdreg $0xFFFFFFFF;
	(pc) =	sbr.abs _section_cstart, $3  }
0xc1: {  	[dreg:$0x1] =	wrdreg $0xFFFFFFFF  }
0xc2: {  	_ =	task.clear_ibuf [dreg:s6], $0x2FFFF;
	_ =	strace $0x9FFFFFFF  }
0xc3: {  	(tm) =	ssettm $0x7FFFFFFF  }
tec
execute0_lowered:
.L_overlay_start_1:
0x0: {  	(tag) =	ssettag $0x1  }
0x1: {  	s0 =	rddreg [dreg:$0x0]  }
0x2: {  	s2 =	rddreg [dreg:$0x1]  }
0x3: {  	s3 =	rddreg [dreg:$0x2];
	s17 =	stileid.u32;
	s4 =	simm.s32 $0x0  }
0x4: {  	s5 =	srdreg.scid;
	s28 =	simm.s32 $0x2;
	s29 =	simm.s32 $0x4200  }
0x5: {  	s30 =	simm.s32 $0x3;
	s31 =	simm.s32 $0x4;
	s1 =	smul.u32 $0xF80, s17  }
0x6: {  	[smem:$0x7FF] =	sst s4;
	s6 =	sadd.s32 $0x14400, s0;
	s18 =	sadd.s32 $0x19400, s0  }
0x7: {  	s5 =	sand.u32 $0x1, s5;
	s7 =	sshll.u32 s17, $0xC;
	s9 =	smul.u32 $0x1F000, s17  }
0x8: {  	s19 =	sadd.s32 $0x74400, s2;
	s21 =	sshll.u32 s17, $0xF;
	s23 =	smul.u32 $0x28, s17  }
0x9: {  	p0 =	seq.s32 s17, $0xF;
	_ =	strace $0x8000004D;
	s8 =	ssub.s32 $0x2, s5  }
0xa: {  	s12 =	sadd.s32 s7, s0;
	s10 =	sshll.u32 s5, $0x4;
	s22 =	sadd.s32 s21, s3  }
0xb: {  	s19 =	sshrl.u32 @p0 s19, $0x3;
	s21 =	simm.s32 $0x5;
	s1 =	sadd.s32 s1, s0  }
0xc: {  	s11 =	sshrl.u32 s8, $0x1;
	s13 =	sshrl.u32 s9, $0x2;
	s15 =	sor.u32 s17, s10  }
0xd: {  	s0 =	sadd.s32 $0x12C80, s0;
	[dreg:$0x6] =	wrdreg s22;
	s24 =	sadd.s32 $0x1E400, s12  }
0xe: {  	s22 =	simm.s32 $0x100;
	s14 =	ssub.s32 s8, s11;
	s20 =	sadd.s32 s13, s2  }
0xf: {  	s1 =	sadd.s32 $0x4400, s1;
	s16 =	smul.u32 $0x280, s15;
	[dreg:$0x5] =	wrdreg s0  }
0x10: {  	s11 =	smul.u32 $0x280, s5;
	[dreg:$0x7] =	wrdreg s24;
	s5 =	sshll.u32 s5, $0x10  }
0x11: {  	s24 =	simm.s32 $0x80;
	[dreg:$0x4] =	wrdreg s1;
	s5 =	sadd.s32 s5, s12  }
0x12: {  	s14 =	smax.u32 s14, $0x1;
	s20 =	sshrl.u32 @!p0 s20, $0x3;
	s9 =	sadd.s32 s6, s16  }
0x13: {  	s10 =	sadd.s32 s18, s16;
	s1 =	sor.u32 $0x10, s16;
	s0 =	sadd.s32 s23, s11  }
0x14: {  	s13 =	sadd.s32 $0x2E400, s5;
	s23 =	simm.s32 $0x1;
	s0 =	sshll.u32 s0, $0x4  }
0x15: {  	s11 =	sadd.s32 s6, s1;
	s12 =	sadd.s32 s18, s1;
	s25 =	sadd.s32 s0, s6  }
0x16: {  	s26 =	sadd.s32 s0, s18;
	s0 =	sor.u32 $0x20, s0;
	s15 =	sadd.s32 $0x30, s25  }
0x17: {  	s16 =	sadd.s32 $0x30, s26;
	s17 =	sadd.s32 s0, s6;
	s18 =	sadd.s32 s0, s18  }
0x18: {  	s25 =	simm.s32 $0x200;
	s26 =	simm.s32 $0x180;
	s0 =	simm.s32 $0x0  }
.LBB2_1:
0x19: {  	s1 =	simm.s32 @p0 $0x1FC5;
	s5 =	rddreg [dreg:$0x5]  }
0x1a: {  	[spmem:s19], [sflag:s1] =	dma.local @p0 [hbm:s5], $0x1180  }
0x1b: {  	s1 =	simm.s32 @p0 $0x5  }
0x1c: {  	s6 =	stileid.u32;
	_ =	swait.ge @p0 [sflag:s1], $0x1180  }
0x1d: {  	s5 =	sshll.u32 @!p0 s6, $0x6;
	[sflag:s1] =	ssyncset.done @p0 $0x0  }
0x1e: {  	[sflag:s1] =	ssyncadd.s32 @p0 $0xFFFFEE80;
	s1 =	sor.u32 @!p0 $0x1C05, s5;
	s5 =	rddreg [dreg:$0x4]  }
0x1f: {  	[spmem:s20], [sflag:s1] =	dma.local @!p0 [hbm:s5], $0xF80  }
0x20: {  	s1 =	simm.s32 @!p0 $0x5  }
0x21: {  	s6 =	sshll.u32 s6, $0x6;
	_ =	swait.ge @!p0 [sflag:s1], $0xF80  }
0x22: {  	s5 =	sor.u32 $0x1C05, s6;
	[sflag:s1] =	ssyncset.done @!p0 $0x0;
	s7 =	rddreg [dreg:$0x6]  }
0x23: {  	s8 =	rddreg [dreg:$0x7];
	[sflag:s1] =	ssyncadd.s32 @!p0 $0xFFFFF080;
	s1 =	sshrl.u32 s7, $0x3  }
0x24: {  	[spmem:s1], [sflag:s5] =	dma.local [hbm:s8], $0x1000  }
0x25: {  	_ =	swait.ge [sflag:s21], $0x1000  }
0x26: {  	[sflag:s21] =	ssyncset.done $0x0  }
0x27: {  	[sflag:s21] =	ssyncadd.s32 $0xFFFFF000  }
0x28: {  	[bflag:$0x0] =	sbarrier.arrive $0xFFFF  }
0x29: {  	[tilespmem:s4], [sflag:$0x1] =	stream.linear.gather [hbm4b:s9+s4], $0x80, $0x38;
	[tilespmem:$0x17F00] =	vst v63  }
0x2a: {  	_ = 	snop  }
0x2b: {  	[tilespmem:s22], [sflag:$0x1] =	stream.linear.gather [hbm4b:s10+s4], $0x80, $0x38;
	[tilespmem:$0x17F00] =	vst v63  }
0x2c: {  	_ =	swait.ge [sflag:s23], $0x80  }
0x2d: {  	[sflag:s23] =	ssyncset.done $0x0  }
0x2e: {  	[sflag:s23] =	ssyncadd.s32 $0xFFFFFF80  }
0x2f: {  	_ =	swait.ge [sflag:s23], $0x80  }
0x30: {  	[sflag:s23] =	ssyncset.done $0x0  }
0x31: {  	[sflag:s23] =	ssyncadd.s32 $0xFFFFFF80  }
0x32: {  	[tilespmem:s25], [sflag:$0x3] =	stream.indirect.gather [spmem:s2], $0x80, s4, s24, $0xb8;
	[tilespmem:$0x17F00] =	vst v63  }
0x33: {  	_ = 	snop  }
0x34: {  	[tilespmem:s24], [sflag:$0x2] =	stream.linear.gather [hbm4b:s11+s4], $0x80, $0x38;
	[tilespmem:$0x17F00] =	vst v63  }
0x35: {  	_ = 	snop  }
0x36: {  	[tilespmem:s26], [sflag:$0x2] =	stream.linear.gather [hbm4b:s12+s4], $0x80, $0x38;
	[tilespmem:$0x17F00] =	vst v63  }
0x37: {  	_ =	swait.ge [sflag:s28], $0x80  }
0x38: {  	[sflag:s28] =	ssyncset.done $0x0  }
0x39: {  	[sflag:s28] =	ssyncadd.s32 $0xFFFFFF80  }
0x3a: {  	_ =	swait.ge [sflag:s28], $0x80  }
0x3b: {  	[sflag:s28] =	ssyncset.done $0x0  }
0x3c: {  	[sflag:s28] =	ssyncadd.s32 $0xFFFFFF80  }
0x3d: {  	[tilespmem:s29], [sflag:$0x4] =	stream.indirect.gather [spmem:s2], $0x80, s24, s24, $0xb8;
	[tilespmem:$0x17F00] =	vst v63  }
0x3e: {  	_ =	swait.ge [sflag:s30], $0x4000  }
0x3f: {  	[sflag:s30] =	ssyncset.done $0x0  }
0x40: {  	[sflag:s30] =	ssyncadd.s32 $0xFFFFC000  }
0x41: {  	[spmem:s3] =	stream.indirect.scatter.add.f32 [tilespmem:s25], [sflag:$0x5], $0x80, s22, s24, $0xb8;
	[tilespmem:$0x17F00] =	vst v63  }
0x42: {  	_ =	swait.ge [sflag:s21], $0x4000  }
0x43: {  	[sflag:s21] =	ssyncset.done $0x0  }
0x44: {  	s7 =	sadd.s32 $0x0, s17;
	[sflag:s21] =	ssyncadd.s32 $0xFFFFC000  }
0x45: {  	[tilespmem:s4], [sflag:$0x1] =	stream.linear.gather [hbm4b:s7+s4], $0x80, $0x38;
	[tilespmem:$0x17F00] =	vst v63  }
0x46: {  	s8 =	sadd.s32 $0x0, s18  }
0x47: {  	[tilespmem:s22], [sflag:$0x1] =	stream.linear.gather [hbm4b:s8+s4], $0x80, $0x38;
	[tilespmem:$0x17F00] =	vst v63  }
0x48: {  	_ =	swait.ge [sflag:s23], $0x80  }
0x49: {  	[sflag:s23] =	ssyncset.done $0x0  }
0x4a: {  	[sflag:s23] =	ssyncadd.s32 $0xFFFFFF80  }
0x4b: {  	_ =	swait.ge [sflag:s23], $0x80  }
0x4c: {  	[sflag:s23] =	ssyncset.done $0x0  }
0x4d: {  	[sflag:s23] =	ssyncadd.s32 $0xFFFFFF80  }
0x4e: {  	[tilespmem:s25], [sflag:$0x3] =	stream.indirect.gather [spmem:s2], $0x80, s4, s24, $0xb8;
	[tilespmem:$0x17F00] =	vst v63  }
0x4f: {  	_ =	swait.ge [sflag:s31], $0x4000  }
0x50: {  	[sflag:s31] =	ssyncset.done $0x0  }
0x51: {  	[sflag:s31] =	ssyncadd.s32 $0xFFFFC000  }
0x52: {  	[spmem:s3] =	stream.indirect.scatter.add.f32 [tilespmem:s29], [sflag:$0x5], $0x80, s26, s24, $0xb8;
	[tilespmem:$0x17F00] =	vst v63  }
0x53: {  	_ =	swait.ge [sflag:s21], $0x4000  }
0x54: {  	[sflag:s21] =	ssyncset.done $0x0  }
0x55: {  	s7 =	sadd.s32 $0x0, s15;
	[sflag:s21] =	ssyncadd.s32 $0xFFFFC000  }
0x56: {  	[tilespmem:s24], [sflag:$0x2] =	stream.linear.gather [hbm4b:s7+s4], $0x80, $0x38;
	[tilespmem:$0x17F00] =	vst v63  }
0x57: {  	s8 =	sadd.s32 $0x0, s16  }
0x58: {  	[tilespmem:s26], [sflag:$0x2] =	stream.linear.gather [hbm4b:s8+s4], $0x80, $0x38;
	[tilespmem:$0x17F00] =	vst v63  }
0x59: {  	_ =	swait.ge [sflag:s28], $0x80  }
0x5a: {  	[sflag:s28] =	ssyncset.done $0x0  }
0x5b: {  	[sflag:s28] =	ssyncadd.s32 $0xFFFFFF80  }
0x5c: {  	_ =	swait.ge [sflag:s28], $0x80  }
0x5d: {  	[sflag:s28] =	ssyncset.done $0x0  }
0x5e: {  	s6 =	simm.s32 $0x20;
	[sflag:s28] =	ssyncadd.s32 $0xFFFFFF80  }
.LBB2_2:
0x5f: {  	[tilespmem:s29], [sflag:$0x4] =	stream.indirect.gather [spmem:s2], $0x80, s24, s24, $0xb8;
	[tilespmem:$0x17F00] =	vst v63  }
0x60: {  	s7 =	smov.u32 s6  }
0x61: {  	p1 =	sne.s32 s6, $0x240;
	s6 =	sadd.s32 $0x20, s6;
	_ =	swait.ge [sflag:s30], $0x4000  }
0x62: {  	[sflag:s30] =	ssyncset.done $0x0  }
0x63: {  	[sflag:s30] =	ssyncadd.s32 $0xFFFFC000  }
0x64: {  	[spmem:s3] =	stream.indirect.scatter.add.f32 [tilespmem:s25], [sflag:$0x5], $0x80, s22, s24, $0xb8;
	[tilespmem:$0x17F00] =	vst v63  }
0x65: {  	_ =	swait.ge [sflag:s21], $0x4000  }
0x66: {  	[sflag:s21] =	ssyncset.done $0x0  }
0x67: {  	s8 =	sadd.s32 s7, s17;
	[sflag:s21] =	ssyncadd.s32 $0xFFFFC000  }
0x68: {  	[tilespmem:s4], [sflag:$0x1] =	stream.linear.gather [hbm4b:s8+s4], $0x80, $0x38;
	[tilespmem:$0x17F00] =	vst v63  }
0x69: {  	s8 =	sadd.s32 s7, s18  }
0x6a: {  	[tilespmem:s22], [sflag:$0x1] =	stream.linear.gather [hbm4b:s8+s4], $0x80, $0x38;
	[tilespmem:$0x17F00] =	vst v63  }
0x6b: {  	_ =	swait.ge [sflag:s23], $0x80  }
0x6c: {  	[sflag:s23] =	ssyncset.done $0x0  }
0x6d: {  	[sflag:s23] =	ssyncadd.s32 $0xFFFFFF80  }
0x6e: {  	_ =	swait.ge [sflag:s23], $0x80  }
0x6f: {  	[sflag:s23] =	ssyncset.done $0x0  }
0x70: {  	[sflag:s23] =	ssyncadd.s32 $0xFFFFFF80  }
0x71: {  	[tilespmem:s25], [sflag:$0x3] =	stream.indirect.gather [spmem:s2], $0x80, s4, s24, $0xb8;
	[tilespmem:$0x17F00] =	vst v63  }
0x72: {  	_ =	swait.ge [sflag:s31], $0x4000  }
0x73: {  	[sflag:s31] =	ssyncset.done $0x0  }
0x74: {  	[sflag:s31] =	ssyncadd.s32 $0xFFFFC000  }
0x75: {  	[spmem:s3] =	stream.indirect.scatter.add.f32 [tilespmem:s29], [sflag:$0x5], $0x80, s26, s24, $0xb8;
	[tilespmem:$0x17F00] =	vst v63  }
0x76: {  	_ =	swait.ge [sflag:s21], $0x4000  }
0x77: {  	[sflag:s21] =	ssyncset.done $0x0  }
0x78: {  	s8 =	sadd.s32 s7, s15;
	[sflag:s21] =	ssyncadd.s32 $0xFFFFC000  }
0x79: {  	[tilespmem:s24], [sflag:$0x2] =	stream.linear.gather [hbm4b:s8+s4], $0x80, $0x38;
	[tilespmem:$0x17F00] =	vst v63  }
0x7a: {  	s7 =	sadd.s32 s7, s16  }
0x7b: {  	[tilespmem:s26], [sflag:$0x2] =	stream.linear.gather [hbm4b:s7+s4], $0x80, $0x38;
	[tilespmem:$0x17F00] =	vst v63  }
0x7c: {  	_ =	swait.ge [sflag:s28], $0x80  }
.Ltmp0:
0x7d: {  	[sflag:s28] =	ssyncset.done $0x0;
	(pc) =	sbr.rel @p1 .LBB2_2-.Ltmp0, $4  }
0x7e: {  	[sflag:s28] =	ssyncadd.s32 $0xFFFFFF80  }
0x7f: {  	_ =	swait.ge [sflag:s28], $0x80  }
0x80: {  	[sflag:s28] =	ssyncset.done $0x0  }
0x81: {  	[sflag:s28] =	ssyncadd.s32 $0xFFFFFF80  }
0x82: {  	[tilespmem:s29], [sflag:$0x4] =	stream.indirect.gather [spmem:s2], $0x80, s24, s24, $0xb8;
	[tilespmem:$0x17F00] =	vst v63  }
0x83: {  	_ =	swait.ge [sflag:s30], $0x4000  }
0x84: {  	[sflag:s30] =	ssyncset.done $0x0  }
0x85: {  	[sflag:s30] =	ssyncadd.s32 $0xFFFFC000  }
0x86: {  	[spmem:s3] =	stream.indirect.scatter.add.f32 [tilespmem:s25], [sflag:$0x5], $0x80, s22, s24, $0xb8;
	[tilespmem:$0x17F00] =	vst v63  }
0x87: {  	_ =	swait.ge [sflag:s21], $0x4000  }
0x88: {  	[sflag:s21] =	ssyncset.done $0x0  }
0x89: {  	[sflag:s21] =	ssyncadd.s32 $0xFFFFC000  }
0x8a: {  	_ =	swait.ge [sflag:s31], $0x4000  }
0x8b: {  	[sflag:s31] =	ssyncset.done $0x0  }
0x8c: {  	[sflag:s31] =	ssyncadd.s32 $0xFFFFC000  }
0x8d: {  	[spmem:s3] =	stream.indirect.scatter.add.f32 [tilespmem:s29], [sflag:$0x5], $0x80, s26, s24, $0xb8;
	[tilespmem:$0x17F00] =	vst v63  }
0x8e: {  	_ =	swait.ge [sflag:s21], $0x4000  }
0x8f: {  	s0 =	sadd.s32 $0x1, s0;
	[sflag:s21] =	ssyncset.done $0x0  }
0x90: {  	p1 =	sne.s32 s0, s14;
	[sflag:s21] =	ssyncadd.s32 $0xFFFFC000  }
.Ltmp1:
0x91: {  	[bflag:$0x0] =	sbarrier.arrive $0xFFFF;
	(pc) =	sbr.rel @p1 .LBB2_1-.Ltmp1, $4  }
0x92: {  	[hbm:s13], [sflag:s5] =	dma.local [spmem:s1], $0x1000  }
0x93: {  	_ =	swait.ge [sflag:s21], $0x1000  }
0x94: {  	[sflag:s21] =	ssyncset.done $0x0  }
0x95: {  	[sflag:s21] =	ssyncadd.s32 $0xFFFFF000  }
0x96: {  	_ =	sfence.sel $0x180000  }
0x97: {  	[bflag:$0x0] =	sbarrier.arrive $0xFFFF  }
0x98: {  	_ =	strace $0x9000004D  }
0x99: {  	s0 =	stileid.u32;
	[bflag:$0x2] =	sbarrier.arrive $0xFFFF  }
0x9a: {  	p0 =	sne.s32 s0, $0x0;
	s0 =	rddreg [dreg:$0x3]  }
0x9b: {  	s0 =	sadd.s32 @!p0 $0x100000, s0  }
0x9c: {  	[sflag:s0] =	ssyncadd.tile.s32 @!p0 $0x1;
	_ =	shalt  }
.Lfunc_end2:
_tile_overlayer_lowered:
.L_overlay_start_2:
0x9d: {  	(tag) =	ssettag $0x2  }
0x9e: {  	s0 =	rddreg [dreg:$0x0];
	s2 =	stileid.u32  }
0x9f: {  	s1 =	rddreg [dreg:$0x1];
	p0 =	sne.s32 s2, $0x0  }
0xa0: {  	s3 =	rddreg [dreg:$0x2];
	[bflag:$0x3] =	sbarrier.arrive $0xFFFF;
	s2 =	simm.s32 @!p0 $0x1C05  }
0xa1: {  	[timem:s3], [sflag:s2] =	dma.local @!p0 [hbm:s0], s1  }
0xa2: {  	s0 =	simm.s32 @!p0 $0x5  }
0xa3: {  	_ =	swait.ge @!p0 [sflag:s0], s1  }
0xa4: {  	s1 =	ssub.s32 @!p0 $0x0, s1;
	[sflag:s0] =	ssyncset.done @!p0 $0x0  }
0xa5: {  	[sflag:s0] =	ssyncadd.s32 @!p0 s1  }
0xa6: {  	[bflag:$0x3] =	sbarrier.arrive $0xFFFF  }
0xa7: {  	_ =	shalt  }

// kernel: kernel.21.cloned.1.call-start
scs
__scs_entry_jumppad:
0x0: {  	(pc) =	sbr.rel $0x88, $3  }
0x1: {  	(tag) =	ssettag $0x0;
	lr =	simm.s32 $0x1  }
0x2: {  	[smem:$0x3F96] =	sst lr;
	_ =	strace $0xD0000000  }
0x3: {  	_ = 	snop  }
0x4: {  	_ = 	snop  }
0x5: {  	_ = 	snop  }
0x6: {  	_ = 	snop  }
0x7: {  	_ = 	snop  }
__scs_overlays_trampoline_lowered:
0x8: {  	[smem:$0x3FA5] =	sst s0  }
0x9: {  	[smem:$0x3FA6] =	sst s1  }
0xa: {  	[smem:$0x3FA7] =	sst s2  }
0xb: {  	[smem:$0x3FA8] =	sst s3  }
0xc: {  	[smem:$0x3FA9] =	sst s4  }
0xd: {  	[smem:$0x3FAA] =	sst s5  }
0xe: {  	[smem:$0x3FAB] =	sst s6  }
0xf: {  	[smem:$0x3FAC] =	sst s7  }
0x10: {  	[smem:$0x3FAD] =	sst s8  }
0x11: {  	[smem:$0x3FAE] =	sst s9;
	s0 =	simm.s32 @!p0 $0x0  }
0x12: {  	s1 =	sld [smem:$0x3F94];
	s0 =	simm.s32 @p0 $0x1  }
0x13: {  	[smem:$0x3FAF] =	sst s0;
	s0 =	simm.s32 @!p1 $0x0  }
0x14: {  	s2 =	sld [smem:$0x3F93];
	s0 =	simm.s32 @p1 $0x1  }
0x15: {  	[smem:$0x3FB0] =	sst s0;
	s0 =	simm.s32 @!p2 $0x0  }
0x16: {  	s3 =	sld [smem:$0x3FDB];
	s0 =	simm.s32 @p2 $0x1  }
0x17: {  	s4 =	simm.s32 $0x1BF5;
	[smem:$0x3FB2] =	sst s0  }
0x18: {  	s0 =	sld [smem:$0x3F95];
	_ =	swait.ge [sflag:s4], $0x0  }
0x19: {  	s7 =	sld [smem:$0x3F96]  }
0x1a: {  	s8 =	sadd.s32 $0xFFFFE003, lr  }
0x1b: {  	s9 =	sadd.s32 $0xFFFFFEF7, lr;
	s5 =	simm.s32 $0xFFFFFFFF;
	p2 =	slt.u32 s8, $0xFFFFF086  }
0x1c: {  	p1 =	slt.u32 s9, $0xF7A;
	s5 =	simm.s32 @!p2 $0x0  }
0x1d: {  	s5 =	simm.s32 @p1 $0x1;
	p0 =	seq.s32 s7, s2  }
0x1e: {  	s7 =	smul.u32 @!p0 $0xF7A, s2;
	p2 =	seq.s32 @!p0 s5, $0x0  }
0x1f: {  	s9 =	smul.u32 $0xF7A, s1;
	s8 =	simm.s32 @!p0 $0x1BF5;
	p2 =	por !p2, p0  }
0x20: {  	[sflag:s8] =	ssyncset.s32 @!p0 $0xFFFFF086;
	s6 =	sadd.s32 @!p0 s3, s7;
	s7 =	simm.s32 @!p0 $0x108  }
0x21: {  	s3 =	sadd.s32 s3, s9;
	s6 =	sadd.s32 @!p0 $0x88, s6;
	s7 =	simm.s32 @p2 $0x1082  }
0x22: {  	[simem:s7], [sflag:s8] =	dma.local @!p0 [hbm:s6], $0xF7A  }
0x23: {  	s9 =	sor.u32 $0xD0000000, s2;
	s6 =	simm.s32 $0x108;
	_ =	swait.ge @!p0 [sflag:s8], $0x0  }
0x24: {  	s3 =	sadd.s32 $0x88, s3;
	s6 =	simm.s32 @!p1 $0x1082;
	[sflag:s4] =	ssyncset.s32 $0xFFFFF086  }
0x25: {  	[simem:s6], [sflag:s4] =	dma.local [hbm:s3], $0xF7A  }
0x26: {  	[smem:$0x3F96] =	sst s1;
	(tag) =	ssettag s2;
	_ =	strace s9  }
0x27: {  	s1 =	sld [smem:$0x3FA6]  }
0x28: {  	s2 =	sld [smem:$0x3FA7]  }
0x29: {  	s4 =	sld [smem:$0x3FA9]  }
0x2a: {  	p0 =	seq.s32 s5, $0x0;
	s5 =	sld [smem:$0x3FAA]  }
0x2b: {  	s6 =	sld [smem:$0x3FAB]  }
0x2c: {  	s7 =	sld [smem:$0x3FAC]  }
0x2d: {  	s3 =	simm.s32 $0x108;
	s8 =	sld [smem:$0x3FAD]  }
0x2e: {  	s3 =	simm.s32 @!p0 $0x1082;
	s9 =	sld [smem:$0x3FAE]  }
0x2f: {  	lr =	sadd.s32 s0, s3;
	s0 =	sld [smem:$0x3FA5]  }
0x30: {  	s3 =	sld [smem:$0x3FA8]  }
0x31: {  	[smem:$0x3FB1] =	sst s10  }
0x32: {  	s10 =	sld [smem:$0x3FAF];
	_ =	sdelay $0x3  }
0x33: {  	p0 =	seq.s32 s10, $0x1;
	s10 =	sld [smem:$0x3FB1];
	_ =	sdelay $0x3  }
0x34: {  	[smem:$0x3FB1] =	sst s10  }
0x35: {  	s10 =	sld [smem:$0x3FB0];
	_ =	sdelay $0x3  }
0x36: {  	p1 =	seq.s32 s10, $0x1;
	s10 =	sld [smem:$0x3FB1];
	_ =	sdelay $0x3  }
0x37: {  	[smem:$0x3FB1] =	sst s10  }
0x38: {  	s10 =	sld [smem:$0x3FB2]  }
0x39: {  	_ = 	snop;
	(pc) =	sbr.ind lr, $3  }
0x3a: {  	_ = 	snop  }
0x3b: {  	_ = 	snop  }
0x3c: {  	p2 =	seq.s32 s10, $0x1;
	s10 =	sld [smem:$0x3FB1]  }
0x3d: {  	_ =	shalt  }
0x3e: {  	_ =	shalt  }
0x3f: {  	_ =	shalt  }
0x40: {  	_ =	shalt  }
0x41: {  	_ =	shalt  }
0x42: {  	_ =	shalt  }
0x43: {  	_ =	shalt  }
0x44: {  	_ =	shalt  }
0x45: {  	_ =	shalt  }
0x46: {  	_ =	shalt  }
0x47: {  	_ =	shalt  }
0x48: {  	_ =	shalt  }
0x49: {  	_ =	shalt  }
0x4a: {  	_ =	shalt  }
0x4b: {  	_ =	shalt  }
0x4c: {  	_ =	shalt  }
0x4d: {  	_ =	shalt  }
0x4e: {  	_ =	shalt  }
0x4f: {  	_ =	shalt  }
0x50: {  	_ =	shalt  }
0x51: {  	_ =	shalt  }
0x52: {  	_ =	shalt  }
0x53: {  	_ =	shalt  }
0x54: {  	_ =	shalt  }
0x55: {  	_ =	shalt  }
0x56: {  	_ =	shalt  }
0x57: {  	_ =	shalt  }
0x58: {  	_ =	shalt  }
0x59: {  	_ =	shalt  }
0x5a: {  	_ =	shalt  }
0x5b: {  	_ =	shalt  }
0x5c: {  	_ =	shalt  }
0x5d: {  	_ =	shalt  }
0x5e: {  	_ =	shalt  }
0x5f: {  	_ =	shalt  }
0x60: {  	_ =	shalt  }
0x61: {  	_ =	shalt  }
0x62: {  	_ =	shalt  }
0x63: {  	_ =	shalt  }
0x64: {  	_ =	shalt  }
0x65: {  	_ =	shalt  }
0x66: {  	_ =	shalt  }
0x67: {  	_ =	shalt  }
0x68: {  	_ =	shalt  }
0x69: {  	_ =	shalt  }
0x6a: {  	_ =	shalt  }
0x6b: {  	_ =	shalt  }
0x6c: {  	_ =	shalt  }
0x6d: {  	_ =	shalt  }
0x6e: {  	_ =	shalt  }
0x6f: {  	_ =	shalt  }
0x70: {  	_ =	shalt  }
0x71: {  	_ =	shalt  }
0x72: {  	_ =	shalt  }
0x73: {  	_ =	shalt  }
0x74: {  	_ =	shalt  }
0x75: {  	_ =	shalt  }
0x76: {  	_ =	shalt  }
0x77: {  	_ =	shalt  }
0x78: {  	_ =	shalt  }
0x79: {  	_ =	shalt  }
0x7a: {  	_ =	shalt  }
0x7b: {  	_ =	shalt  }
0x7c: {  	_ =	shalt  }
0x7d: {  	_ =	shalt  }
0x7e: {  	_ =	shalt  }
0x7f: {  	_ =	shalt  }
0x80: {  	_ =	shalt  }
0x81: {  	_ =	shalt  }
0x82: {  	_ =	shalt  }
0x83: {  	_ =	shalt  }
0x84: {  	_ =	shalt  }
0x85: {  	_ =	shalt  }
0x86: {  	_ =	shalt  }
0x87: {  	_ =	shalt  }
.Lfunc_end0:
.L_simem_size_0:
called_computation.3_lowered:
.L_overlay_start_0:
0x88: {  	s2 =	sld [smem:$0x3FD9]  }
0x89: {  	s3 =	sld [smem:$0x3FFE];
	_ =	sdelay $0x1  }
0x8a: {  	s1 =	srdreg.scid  }
0x8b: {  	s0 =	sand.u32 $0x1, s1  }
0x8c: {  	s17 =	sshll.u32 s0, $0xA;
	s2 =	sadd.s32 s3, s2  }
0x8d: {  	s2 =	sadd.s32 s2, s17  }
0x8e: {  	[smem:$0x3FBD] =	sst s2  }
0x8f: {  	_ = 	snop  }
0x90: {  	s2 =	sld [smem:$0x3FD0];
	(tm) =	ssettm $0x1  }
0x91: {  	s18 =	sld [smem:$0x3FFB];
	_ =	sdelay $0x3  }
0x92: {  	_ =	strace s18  }
0x93: {  	s3 =	sld [smem:$0x3FFC];
	_ =	sdelay $0x3  }
0x94: {  	_ =	strace s3  }
0x95: {  	s3 =	sld [smem:$0x3FFD];
	_ =	sdelay $0x3  }
0x96: {  	_ =	strace s3  }
0x97: {  	_ =	strace $0x8FFFFFFF  }
0x98: {  	s19 =	sld [smem:$0x3FDB];
	_ =	sdelay $0x1  }
0x99: {  	s4 =	simm.s32 $_scs_section_size  }
0x9a: {  	s5 =	simm.s32 $_size__tile_overlayer_lowered;
	s6 =	simm.s32 $_tile_overlayer_lowered  }
0x9b: {  	s22 =	simm.s32 $0x1BFF;
	s21 =	sshll.u32 s6, $0x1;
	s3 =	sadd.s32 s4, s19  }
0x9c: {  	s7 =	simm.s32 $0x0;
	s20 =	sshll.u32 s5, $0x1;
	s5 =	sadd.s32 s21, s3  }
0x9d: {  	[timem:s7], [sflag:s22] =	dma.local [hbm:s5], s20  }
0x9e: {  	_ =	swait.ge [sflag:s22], s20  }
0x9f: {  	s4 =	ssub.s32 $0x0, s20;
	[sflag:s22] =	ssyncset.done $0x0  }
0xa0: {  	[sflag:s22] =	ssyncadd.s32 s4;
	_ =	sdelay $0x1  }
0xa1: {  	s23 =	simm.s32 $0x1B8B  }
0xa2: {  	_ =	swait.ge [sflag:s23], $0x1  }
0xa3: {  	[sflag:s23] =	ssyncset.done $0x0  }
0xa4: {  	s25 =	simm.s32 $0x1B8E;
	s24 =	sld [smem:$0x3FFE];
	[sflag:s23] =	ssyncadd.s32 $0xFFFFFFFF  }
0xa5: {  	s26 =	simm.s32 $execute0_lowered;
	[smem:$0x3FD2] =	sst s25  }
0xa6: {  	s5 =	sshll.u32 s26, $0x1;
	_ =	strace $0x8000004F;
	[dreg:$0x1] =	wrdreg $0xFFFFFFFF  }
0xa7: {  	s28 =	simm.s32 $_size_execute0_lowered;
	s3 =	sadd.s32 s3, s5;
	[dreg:$0x0] =	wrdreg $0x0  }
0xa8: {  	s5 =	sshll.u32 s28, $0x1;
	[dreg:$0x2] =	wrdreg s3  }
0xa9: {  	[dreg:$0x3] =	wrdreg s5  }
0xaa: {  	[dreg:$0x4] =	wrdreg $0xC0  }
0xab: {  	_ =	task [dreg:s7], $0x5FFFF  }
0xac: {  	[dreg:$0x1] =	wrdreg $0xFFFFFFFF  }
0xad: {  	[dreg:$0x0] =	wrdreg $0x60  }
0xae: {  	[dreg:$0x2] =	wrdreg s2  }
0xaf: {  	[dreg:$0x3] =	wrdreg s24  }
0xb0: {  	[dreg:$0x4] =	wrdreg $0x82000  }
0xb1: {  	[dreg:$0x5] =	wrdreg $0xA2000  }
0xb2: {  	[dreg:$0x6] =	wrdreg $0x9  }
0xb3: {  	_ =	task.clear_ibuf [dreg:s7], $0x7FFFF;
	_ =	strace $0x9000004F  }
0xb4: {  	s29 =	simm.s32 $0x9;
	_ =	strace $0x80000051  }
0xb5: {  	_ =	swait.ge [sflag:s29], $0x1  }
0xb6: {  	[sflag:s29] =	ssyncadd.s32 $0xFFFFFFFF  }
0xb7: {  	_ =	strace $0x90000051  }
0xb8: {  	_ =	sfence  }
0xb9: {  	s30 =	sld [smem:$0x0];
	_ =	sdelay $0x2  }
0xba: {  	s31 =	sshll.u32 s1, $0xD;
	s1 =	sshrl.u32 s1, $0x2  }
0xbb: {  	s3 =	sand.u32 $0x4000, s31;
	s1 =	sadd.s32 s1, s30  }
0xbc: {  	s0 =	sor.u32 s3, s0;
	s1 =	sshll.u32 s1, $0x11  }
0xbd: {  	s0 =	sor.u32 s1, s0  }
0xbe: {  	s0 =	sadd.s32 $0x8F2B, s0  }
0xbf: {  	[sflag:s0] =	ssyncadd.remote.s32 $0x1  }
0xc0: {  	_ =	sfence.sel $0xFFFF  }
0xc1: {  	[dreg:$0x0] =	wrdreg $0xFFFFFFFF;
	(pc) =	sbr.abs _section_cstart, $3  }
0xc2: {  	[dreg:$0x1] =	wrdreg $0xFFFFFFFF  }
0xc3: {  	_ =	task.clear_ibuf [dreg:s7], $0x2FFFF;
	_ =	strace $0x9FFFFFFF  }
0xc4: {  	(tm) =	ssettm $0x7FFFFFFF  }
0xc5: {  	_ =	shalt  }
tec
execute0_lowered:
.L_overlay_start_1:
0x0: {  	(tag) =	ssettag $0x1  }
0x1: {  	s5 =	rddreg [dreg:$0x0]  }
0x2: {  	s6 =	rddreg [dreg:$0x1]  }
0x3: {  	s2 =	rddreg [dreg:$0x2]  }
0x4: {  	s3 =	rddreg [dreg:$0x3]  }
0x5: {  	s4 =	simm.s32 $0x0;
	s11 =	stileid.u32;
	s0 =	srdreg.scid  }
0x6: {  	[smem:$0x7FF] =	sst s4;
	s7 =	sshll.u32 s11, $0xA;
	s0 =	sand.u32 $0x1, s0  }
0x7: {  	s9 =	sshll.u32 s11, $0x7;
	s30 =	sadd.s32 $0x4E400, s6;
	s31 =	sadd.s32 $0x4F400, s6  }
0x8: {  	s21 =	sshll.u32 s11, $0xD;
	s23 =	sshll.u32 s11, $0x6;
	_ =	strace $0x80000050  }
0x9: {  	s8 =	sadd.s32 s7, s6;
	s1 =	sshll.u32 s0, $0xB;
	s5 =	sadd.s32 s7, s5  }
0xa: {  	s10 =	sadd.s32 $0x50400, s8;
	s1 =	sor.u32 s9, s1;
	[dreg:$0xb] =	wrdreg s5  }
0xb: {  	s18 =	sshll.u32 s0, $0xE;
	[dreg:$0x5] =	wrdreg s10;
	s15 =	sadd.s32 s30, s1  }
0xc: {  	s8 =	sadd.s32 s18, s8;
	s16 =	sadd.s32 s31, s1;
	[dreg:$0x6] =	wrdreg s15  }
0xd: {  	s9 =	sor.u32 $0x10, s1;
	s20 =	sadd.s32 $0x54400, s8;
	[dreg:$0x7] =	wrdreg s16  }
0xe: {  	s22 =	sadd.s32 s21, s2;
	s17 =	sadd.s32 s30, s9;
	[dreg:$0xa] =	wrdreg s20  }
0xf: {  	s6 =	sor.u32 $0x1C05, s23;
	s19 =	sadd.s32 s31, s9;
	[dreg:$0x8] =	wrdreg s17  }
0x10: {  	s7 =	simm.s32 $0x5;
	s24 =	sshrl.u32 s22, $0x3;
	[dreg:$0x9] =	wrdreg s19  }
0x11: {  	[spmem:s24], [sflag:s6] =	dma.local [hbm:s5], $0x400  }
0x12: {  	_ =	swait.ge [sflag:s7], $0x400  }
0x13: {  	s9 =	sadd.s32 s21, s3;
	[sflag:s7] =	ssyncset.done $0x0  }
0x14: {  	s9 =	sshrl.u32 s9, $0x3;
	s25 =	rddreg [dreg:$0x5];
	[sflag:s7] =	ssyncadd.s32 $0xFFFFFC00  }
0x15: {  	[spmem:s9], [sflag:s6] =	dma.local [hbm:s25], $0x400  }
0x16: {  	_ =	swait.ge [sflag:s7], $0x400  }
0x17: {  	[sflag:s7] =	ssyncset.done $0x0  }
0x18: {  	[sflag:s7] =	ssyncadd.s32 $0xFFFFFC00  }
0x19: {  	[bflag:$0x0] =	sbarrier.arrive $0xFFFF  }
0x1a: {  	s26 =	rddreg [dreg:$0x6]  }
0x1b: {  	[tilespmem:s4], [sflag:$0x1] =	stream.linear.gather [hbm4b:s26+s4], $0x80, $0x38;
	[tilespmem:$0xC200] =	vst v63  }
0x1c: {  	s11 =	simm.s32 $0x1;
	s10 =	simm.s32 $0x100;
	s12 =	rddreg [dreg:$0x7]  }
0x1d: {  	[tilespmem:s10], [sflag:$0x1] =	stream.linear.gather [hbm4b:s12+s4], $0x80, $0x38;
	[tilespmem:$0xC200] =	vst v63  }
0x1e: {  	_ =	swait.ge [sflag:s11], $0x80  }
0x1f: {  	[sflag:s11] =	ssyncset.done $0x0  }
0x20: {  	[sflag:s11] =	ssyncadd.s32 $0xFFFFFF80  }
0x21: {  	_ =	swait.ge [sflag:s11], $0x80  }
0x22: {  	[sflag:s11] =	ssyncset.done $0x0  }
0x23: {  	s13 =	simm.s32 $0x200;
	s12 =	simm.s32 $0x80;
	[sflag:s11] =	ssyncadd.s32 $0xFFFFFF80  }
0x24: {  	[tilespmem:s13], [sflag:$0x3] =	stream.indirect.gather [spmem:s2], $0x80, s4, s12, $0xb8;
	[tilespmem:$0xC200] =	vst v63  }
0x25: {  	s14 =	rddreg [dreg:$0x8]  }
0x26: {  	[tilespmem:s12], [sflag:$0x2] =	stream.linear.gather [hbm4b:s14+s4], $0x80, $0x38;
	[tilespmem:$0xC200] =	vst v63  }
0x27: {  	s15 =	simm.s32 $0x2;
	s16 =	rddreg [dreg:$0x9];
	s14 =	simm.s32 $0x180  }
0x28: {  	[tilespmem:s14], [sflag:$0x2] =	stream.linear.gather [hbm4b:s16+s4], $0x80, $0x38;
	[tilespmem:$0xC200] =	vst v63  }
0x29: {  	_ =	swait.ge [sflag:s15], $0x80  }
0x2a: {  	[sflag:s15] =	ssyncset.done $0x0  }
0x2b: {  	[sflag:s15] =	ssyncadd.s32 $0xFFFFFF80  }
0x2c: {  	_ =	swait.ge [sflag:s15], $0x80  }
0x2d: {  	[sflag:s15] =	ssyncset.done $0x0  }
0x2e: {  	s17 =	simm.s32 $0x3;
	s16 =	simm.s32 $0x4200;
	[sflag:s15] =	ssyncadd.s32 $0xFFFFFF80  }
0x2f: {  	[tilespmem:s16], [sflag:$0x4] =	stream.indirect.gather [spmem:s2], $0x80, s12, s12, $0xb8;
	[tilespmem:$0xC200] =	vst v63  }
0x30: {  	_ =	swait.ge [sflag:s17], $0x4000  }
0x31: {  	[sflag:s17] =	ssyncset.done $0x0  }
0x32: {  	[sflag:s17] =	ssyncadd.s32 $0xFFFFC000  }
0x33: {  	[spmem:s3] =	stream.indirect.scatter.add.f32 [tilespmem:s13], [sflag:$0x5], $0x80, s10, s12, $0xb8;
	[tilespmem:$0xC200] =	vst v63  }
0x34: {  	_ =	swait.ge [sflag:s7], $0x4000  }
0x35: {  	s19 =	sor.u32 $0x20, s1;
	[sflag:s7] =	ssyncset.done $0x0  }
0x36: {  	s18 =	sadd.s32 s30, s19;
	[sflag:s7] =	ssyncadd.s32 $0xFFFFC000  }
0x37: {  	[tilespmem:s4], [sflag:$0x1] =	stream.linear.gather [hbm4b:s18+s4], $0x80, $0x38;
	[tilespmem:$0xC200] =	vst v63  }
0x38: {  	s19 =	sadd.s32 s31, s19  }
0x39: {  	[tilespmem:s10], [sflag:$0x1] =	stream.linear.gather [hbm4b:s19+s4], $0x80, $0x38;
	[tilespmem:$0xC200] =	vst v63  }
0x3a: {  	_ =	swait.ge [sflag:s11], $0x80  }
0x3b: {  	[sflag:s11] =	ssyncset.done $0x0  }
0x3c: {  	[sflag:s11] =	ssyncadd.s32 $0xFFFFFF80  }
0x3d: {  	_ =	swait.ge [sflag:s11], $0x80  }
0x3e: {  	[sflag:s11] =	ssyncset.done $0x0  }
0x3f: {  	s20 =	simm.s32 $0x4;
	[sflag:s11] =	ssyncadd.s32 $0xFFFFFF80  }
0x40: {  	[tilespmem:s13], [sflag:$0x3] =	stream.indirect.gather [spmem:s2], $0x80, s4, s12, $0xb8;
	[tilespmem:$0xC200] =	vst v63  }
0x41: {  	_ =	swait.ge [sflag:s20], $0x4000  }
0x42: {  	[sflag:s20] =	ssyncset.done $0x0  }
0x43: {  	[sflag:s20] =	ssyncadd.s32 $0xFFFFC000  }
0x44: {  	[spmem:s3] =	stream.indirect.scatter.add.f32 [tilespmem:s16], [sflag:$0x5], $0x80, s14, s12, $0xb8;
	[tilespmem:$0xC200] =	vst v63  }
0x45: {  	_ =	swait.ge [sflag:s7], $0x4000  }
0x46: {  	s22 =	sor.u32 $0x30, s1;
	[sflag:s7] =	ssyncset.done $0x0  }
0x47: {  	s21 =	sadd.s32 s30, s22;
	[sflag:s7] =	ssyncadd.s32 $0xFFFFC000  }
0x48: {  	[tilespmem:s12], [sflag:$0x2] =	stream.linear.gather [hbm4b:s21+s4], $0x80, $0x38;
	[tilespmem:$0xC200] =	vst v63  }
0x49: {  	s22 =	sadd.s32 s31, s22  }
0x4a: {  	[tilespmem:s14], [sflag:$0x2] =	stream.linear.gather [hbm4b:s22+s4], $0x80, $0x38;
	[tilespmem:$0xC200] =	vst v63  }
0x4b: {  	_ =	swait.ge [sflag:s15], $0x80  }
0x4c: {  	[sflag:s15] =	ssyncset.done $0x0  }
0x4d: {  	[sflag:s15] =	ssyncadd.s32 $0xFFFFFF80  }
0x4e: {  	_ =	swait.ge [sflag:s15], $0x80  }
0x4f: {  	[sflag:s15] =	ssyncset.done $0x0  }
0x50: {  	[sflag:s15] =	ssyncadd.s32 $0xFFFFFF80  }
0x51: {  	[tilespmem:s16], [sflag:$0x4] =	stream.indirect.gather [spmem:s2], $0x80, s12, s12, $0xb8;
	[tilespmem:$0xC200] =	vst v63  }
0x52: {  	_ =	swait.ge [sflag:s17], $0x4000  }
0x53: {  	[sflag:s17] =	ssyncset.done $0x0  }
0x54: {  	[sflag:s17] =	ssyncadd.s32 $0xFFFFC000  }
0x55: {  	[spmem:s3] =	stream.indirect.scatter.add.f32 [tilespmem:s13], [sflag:$0x5], $0x80, s10, s12, $0xb8;
	[tilespmem:$0xC200] =	vst v63  }
0x56: {  	_ =	swait.ge [sflag:s7], $0x4000  }
0x57: {  	s8 =	smov.u32 s24;
	s24 =	sor.u32 $0x40, s1;
	[sflag:s7] =	ssyncset.done $0x0  }
0x58: {  	s23 =	sadd.s32 s30, s24;
	[sflag:s7] =	ssyncadd.s32 $0xFFFFC000  }
0x59: {  	[tilespmem:s4], [sflag:$0x1] =	stream.linear.gather [hbm4b:s23+s4], $0x80, $0x38;
	[tilespmem:$0xC200] =	vst v63  }
0x5a: {  	s24 =	sadd.s32 s31, s24  }
0x5b: {  	[tilespmem:s10], [sflag:$0x1] =	stream.linear.gather [hbm4b:s24+s4], $0x80, $0x38;
	[tilespmem:$0xC200] =	vst v63  }
0x5c: {  	_ =	swait.ge [sflag:s11], $0x80  }
0x5d: {  	[sflag:s11] =	ssyncset.done $0x0  }
0x5e: {  	[sflag:s11] =	ssyncadd.s32 $0xFFFFFF80  }
0x5f: {  	_ =	swait.ge [sflag:s11], $0x80  }
0x60: {  	[sflag:s11] =	ssyncset.done $0x0  }
0x61: {  	[sflag:s11] =	ssyncadd.s32 $0xFFFFFF80  }
0x62: {  	[tilespmem:s13], [sflag:$0x3] =	stream.indirect.gather [spmem:s2], $0x80, s4, s12, $0xb8;
	[tilespmem:$0xC200] =	vst v63  }
0x63: {  	_ =	swait.ge [sflag:s20], $0x4000  }
0x64: {  	[sflag:s20] =	ssyncset.done $0x0  }
0x65: {  	[sflag:s20] =	ssyncadd.s32 $0xFFFFC000  }
0x66: {  	[spmem:s3] =	stream.indirect.scatter.add.f32 [tilespmem:s16], [sflag:$0x5], $0x80, s14, s12, $0xb8;
	[tilespmem:$0xC200] =	vst v63  }
0x67: {  	_ =	swait.ge [sflag:s7], $0x4000  }
0x68: {  	s26 =	sor.u32 $0x50, s1;
	[sflag:s7] =	ssyncset.done $0x0  }
0x69: {  	s25 =	sadd.s32 s30, s26;
	[sflag:s7] =	ssyncadd.s32 $0xFFFFC000  }
0x6a: {  	[tilespmem:s12], [sflag:$0x2] =	stream.linear.gather [hbm4b:s25+s4], $0x80, $0x38;
	[tilespmem:$0xC200] =	vst v63  }
0x6b: {  	s26 =	sadd.s32 s31, s26  }
0x6c: {  	[tilespmem:s14], [sflag:$0x2] =	stream.linear.gather [hbm4b:s26+s4], $0x80, $0x38;
	[tilespmem:$0xC200] =	vst v63  }
0x6d: {  	_ =	swait.ge [sflag:s15], $0x80  }
0x6e: {  	[sflag:s15] =	ssyncset.done $0x0  }
0x6f: {  	[sflag:s15] =	ssyncadd.s32 $0xFFFFFF80  }
0x70: {  	_ =	swait.ge [sflag:s15], $0x80  }
0x71: {  	[sflag:s15] =	ssyncset.done $0x0  }
0x72: {  	[sflag:s15] =	ssyncadd.s32 $0xFFFFFF80  }
0x73: {  	[tilespmem:s16], [sflag:$0x4] =	stream.indirect.gather [spmem:s2], $0x80, s12, s12, $0xb8;
	[tilespmem:$0xC200] =	vst v63  }
0x74: {  	_ =	swait.ge [sflag:s17], $0x4000  }
0x75: {  	[sflag:s17] =	ssyncset.done $0x0  }
0x76: {  	[sflag:s17] =	ssyncadd.s32 $0xFFFFC000  }
0x77: {  	[spmem:s3] =	stream.indirect.scatter.add.f32 [tilespmem:s13], [sflag:$0x5], $0x80, s10, s12, $0xb8;
	[tilespmem:$0xC200] =	vst v63  }
0x78: {  	_ =	swait.ge [sflag:s7], $0x4000  }
0x79: {  	s29 =	sor.u32 $0x60, s1;
	[sflag:s7] =	ssyncset.done $0x0  }
0x7a: {  	s28 =	sadd.s32 s30, s29;
	[sflag:s7] =	ssyncadd.s32 $0xFFFFC000  }
0x7b: {  	[tilespmem:s4], [sflag:$0x1] =	stream.linear.gather [hbm4b:s28+s4], $0x80, $0x38;
	[tilespmem:$0xC200] =	vst v63  }
0x7c: {  	s29 =	sadd.s32 s31, s29  }
0x7d: {  	[tilespmem:s10], [sflag:$0x1] =	stream.linear.gather [hbm4b:s29+s4], $0x80, $0x38;
	[tilespmem:$0xC200] =	vst v63  }
0x7e: {  	_ =	swait.ge [sflag:s11], $0x80  }
0x7f: {  	[sflag:s11] =	ssyncset.done $0x0  }
0x80: {  	[sflag:s11] =	ssyncadd.s32 $0xFFFFFF80  }
0x81: {  	_ =	swait.ge [sflag:s11], $0x80  }
0x82: {  	[sflag:s11] =	ssyncset.done $0x0  }
0x83: {  	[sflag:s11] =	ssyncadd.s32 $0xFFFFFF80  }
0x84: {  	[tilespmem:s13], [sflag:$0x3] =	stream.indirect.gather [spmem:s2], $0x80, s4, s12, $0xb8;
	[tilespmem:$0xC200] =	vst v63  }
0x85: {  	_ =	swait.ge [sflag:s20], $0x4000  }
0x86: {  	[sflag:s20] =	ssyncset.done $0x0  }
0x87: {  	[sflag:s20] =	ssyncadd.s32 $0xFFFFC000  }
0x88: {  	[spmem:s3] =	stream.indirect.scatter.add.f32 [tilespmem:s16], [sflag:$0x5], $0x80, s14, s12, $0xb8;
	[tilespmem:$0xC200] =	vst v63  }
0x89: {  	_ =	swait.ge [sflag:s7], $0x4000  }
0x8a: {  	s1 =	sor.u32 $0x70, s1;
	[sflag:s7] =	ssyncset.done $0x0  }
0x8b: {  	s30 =	sadd.s32 s30, s1;
	[sflag:s7] =	ssyncadd.s32 $0xFFFFC000  }
0x8c: {  	[tilespmem:s12], [sflag:$0x2] =	stream.linear.gather [hbm4b:s30+s4], $0x80, $0x38;
	[tilespmem:$0xC200] =	vst v63  }
0x8d: {  	s31 =	sadd.s32 s31, s1  }
0x8e: {  	[tilespmem:s14], [sflag:$0x2] =	stream.linear.gather [hbm4b:s31+s4], $0x80, $0x38;
	[tilespmem:$0xC200] =	vst v63  }
0x8f: {  	_ =	swait.ge [sflag:s15], $0x80  }
0x90: {  	[sflag:s15] =	ssyncset.done $0x0  }
0x91: {  	[sflag:s15] =	ssyncadd.s32 $0xFFFFFF80  }
0x92: {  	_ =	swait.ge [sflag:s15], $0x80  }
0x93: {  	[sflag:s15] =	ssyncset.done $0x0  }
0x94: {  	[sflag:s15] =	ssyncadd.s32 $0xFFFFFF80  }
0x95: {  	[tilespmem:s16], [sflag:$0x4] =	stream.indirect.gather [spmem:s2], $0x80, s12, s12, $0xb8;
	[tilespmem:$0xC200] =	vst v63  }
0x96: {  	_ =	swait.ge [sflag:s17], $0x4000  }
0x97: {  	[sflag:s17] =	ssyncset.done $0x0  }
0x98: {  	[sflag:s17] =	ssyncadd.s32 $0xFFFFC000  }
0x99: {  	[spmem:s3] =	stream.indirect.scatter.add.f32 [tilespmem:s13], [sflag:$0x5], $0x80, s10, s12, $0xb8;
	[tilespmem:$0xC200] =	vst v63  }
0x9a: {  	_ =	swait.ge [sflag:s7], $0x4000  }
0x9b: {  	[sflag:s7] =	ssyncset.done $0x0  }
0x9c: {  	[sflag:s7] =	ssyncadd.s32 $0xFFFFC000  }
0x9d: {  	_ =	swait.ge [sflag:s20], $0x4000  }
0x9e: {  	s0 =	ssub.s32 $0x2, s0;
	[sflag:s20] =	ssyncset.done $0x0  }
0x9f: {  	s1 =	sshrl.u32 s0, $0x1;
	[sflag:s20] =	ssyncadd.s32 $0xFFFFC000  }
0xa0: {  	[spmem:s3] =	stream.indirect.scatter.add.f32 [tilespmem:s16], [sflag:$0x5], $0x80, s14, s12, $0xb8;
	[tilespmem:$0xC200] =	vst v63  }
0xa1: {  	s0 =	ssub.s32 s0, s1;
	_ =	swait.ge [sflag:s7], $0x4000  }
0xa2: {  	s0 =	smax.u32 s0, $0x1;
	[sflag:s7] =	ssyncset.done $0x0  }
0xa3: {  	p0 =	sne.s32 s0, $0x1;
	[sflag:s7] =	ssyncadd.s32 $0xFFFFC000  }
.Ltmp0:
0xa4: {  	[bflag:$0x0] =	sbarrier.arrive $0xFFFF;
	(pc) =	sbr.rel @!p0 .LBB2_2-.Ltmp0, $4  }
0xa5: {  	s5 =	rddreg [dreg:$0xa]  }
0xa6: {  	[hbm:s5], [sflag:s6] =	dma.local [spmem:s9], $0x400  }
0xa7: {  	_ =	swait.ge [sflag:s7], $0x400  }
0xa8: {  	s0 =	sadd.s32 $0xFFFFFFFF, s0;
	[sflag:s7] =	ssyncset.done $0x0  }
.LBB2_1:
0xa9: {  	[sflag:s7] =	ssyncadd.s32 $0xFFFFFC00;
	s1 =	rddreg [dreg:$0xb]  }
0xaa: {  	[spmem:s8], [sflag:s6] =	dma.local [hbm:s1], $0x400  }
0xab: {  	_ =	swait.ge [sflag:s7], $0x400  }
0xac: {  	[sflag:s7] =	ssyncset.done $0x0  }
0xad: {  	s5 =	rddreg [dreg:$0x5];
	[sflag:s7] =	ssyncadd.s32 $0xFFFFFC00  }
0xae: {  	[spmem:s9], [sflag:s6] =	dma.local [hbm:s5], $0x400  }
0xaf: {  	_ =	swait.ge [sflag:s7], $0x400  }
0xb0: {  	[sflag:s7] =	ssyncset.done $0x0  }
0xb1: {  	[sflag:s7] =	ssyncadd.s32 $0xFFFFFC00  }
0xb2: {  	[bflag:$0x0] =	sbarrier.arrive $0xFFFF  }
0xb3: {  	s1 =	rddreg [dreg:$0x6]  }
0xb4: {  	[tilespmem:s4], [sflag:$0x1] =	stream.linear.gather [hbm4b:s1+s4], $0x80, $0x38;
	[tilespmem:$0xC200] =	vst v63  }
0xb5: {  	s5 =	rddreg [dreg:$0x7]  }
0xb6: {  	[tilespmem:s10], [sflag:$0x1] =	stream.linear.gather [hbm4b:s5+s4], $0x80, $0x38;
	[tilespmem:$0xC200] =	vst v63  }
0xb7: {  	_ =	swait.ge [sflag:s11], $0x80  }
0xb8: {  	[sflag:s11] =	ssyncset.done $0x0  }
0xb9: {  	[sflag:s11] =	ssyncadd.s32 $0xFFFFFF80  }
0xba: {  	_ =	swait.ge [sflag:s11], $0x80  }
0xbb: {  	[sflag:s11] =	ssyncset.done $0x0  }
0xbc: {  	[sflag:s11] =	ssyncadd.s32 $0xFFFFFF80  }
0xbd: {  	[tilespmem:s13], [sflag:$0x3] =	stream.indirect.gather [spmem:s2], $0x80, s4, s12, $0xb8;
	[tilespmem:$0xC200] =	vst v63  }
0xbe: {  	s1 =	rddreg [dreg:$0x8]  }
0xbf: {  	[tilespmem:s12], [sflag:$0x2] =	stream.linear.gather [hbm4b:s1+s4], $0x80, $0x38;
	[tilespmem:$0xC200] =	vst v63  }
0xc0: {  	s5 =	rddreg [dreg:$0x9]  }
0xc1: {  	[tilespmem:s14], [sflag:$0x2] =	stream.linear.gather [hbm4b:s5+s4], $0x80, $0x38;
	[tilespmem:$0xC200] =	vst v63  }
0xc2: {  	_ =	swait.ge [sflag:s15], $0x80  }
0xc3: {  	[sflag:s15] =	ssyncset.done $0x0  }
0xc4: {  	[sflag:s15] =	ssyncadd.s32 $0xFFFFFF80  }
0xc5: {  	_ =	swait.ge [sflag:s15], $0x80  }
0xc6: {  	[sflag:s15] =	ssyncset.done $0x0  }
0xc7: {  	[sflag:s15] =	ssyncadd.s32 $0xFFFFFF80  }
0xc8: {  	[tilespmem:s16], [sflag:$0x4] =	stream.indirect.gather [spmem:s2], $0x80, s12, s12, $0xb8;
	[tilespmem:$0xC200] =	vst v63  }
0xc9: {  	_ =	swait.ge [sflag:s17], $0x4000  }
0xca: {  	[sflag:s17] =	ssyncset.done $0x0  }
0xcb: {  	[sflag:s17] =	ssyncadd.s32 $0xFFFFC000  }
0xcc: {  	[spmem:s3] =	stream.indirect.scatter.add.f32 [tilespmem:s13], [sflag:$0x5], $0x80, s10, s12, $0xb8;
	[tilespmem:$0xC200] =	vst v63  }
0xcd: {  	_ =	swait.ge [sflag:s7], $0x4000  }
0xce: {  	[sflag:s7] =	ssyncset.done $0x0  }
0xcf: {  	[sflag:s7] =	ssyncadd.s32 $0xFFFFC000  }
0xd0: {  	[tilespmem:s4], [sflag:$0x1] =	stream.linear.gather [hbm4b:s18+s4], $0x80, $0x38;
	[tilespmem:$0xC200] =	vst v63  }
0xd1: {  	_ = 	snop  }
0xd2: {  	[tilespmem:s10], [sflag:$0x1] =	stream.linear.gather [hbm4b:s19+s4], $0x80, $0x38;
	[tilespmem:$0xC200] =	vst v63  }
0xd3: {  	_ =	swait.ge [sflag:s11], $0x80  }
0xd4: {  	[sflag:s11] =	ssyncset.done $0x0  }
0xd5: {  	[sflag:s11] =	ssyncadd.s32 $0xFFFFFF80  }
0xd6: {  	_ =	swait.ge [sflag:s11], $0x80  }
0xd7: {  	[sflag:s11] =	ssyncset.done $0x0  }
0xd8: {  	[sflag:s11] =	ssyncadd.s32 $0xFFFFFF80  }
0xd9: {  	[tilespmem:s13], [sflag:$0x3] =	stream.indirect.gather [spmem:s2], $0x80, s4, s12, $0xb8;
	[tilespmem:$0xC200] =	vst v63  }
0xda: {  	_ =	swait.ge [sflag:s20], $0x4000  }
0xdb: {  	[sflag:s20] =	ssyncset.done $0x0  }
0xdc: {  	[sflag:s20] =	ssyncadd.s32 $0xFFFFC000  }
0xdd: {  	[spmem:s3] =	stream.indirect.scatter.add.f32 [tilespmem:s16], [sflag:$0x5], $0x80, s14, s12, $0xb8;
	[tilespmem:$0xC200] =	vst v63  }
0xde: {  	_ =	swait.ge [sflag:s7], $0x4000  }
0xdf: {  	[sflag:s7] =	ssyncset.done $0x0  }
0xe0: {  	[sflag:s7] =	ssyncadd.s32 $0xFFFFC000  }
0xe1: {  	[tilespmem:s12], [sflag:$0x2] =	stream.linear.gather [hbm4b:s21+s4], $0x80, $0x38;
	[tilespmem:$0xC200] =	vst v63  }
0xe2: {  	_ = 	snop  }
0xe3: {  	[tilespmem:s14], [sflag:$0x2] =	stream.linear.gather [hbm4b:s22+s4], $0x80, $0x38;
	[tilespmem:$0xC200] =	vst v63  }
0xe4: {  	_ =	swait.ge [sflag:s15], $0x80  }
0xe5: {  	[sflag:s15] =	ssyncset.done $0x0  }
0xe6: {  	[sflag:s15] =	ssyncadd.s32 $0xFFFFFF80  }
0xe7: {  	_ =	swait.ge [sflag:s15], $0x80  }
0xe8: {  	[sflag:s15] =	ssyncset.done $0x0  }
0xe9: {  	[sflag:s15] =	ssyncadd.s32 $0xFFFFFF80  }
0xea: {  	[tilespmem:s16], [sflag:$0x4] =	stream.indirect.gather [spmem:s2], $0x80, s12, s12, $0xb8;
	[tilespmem:$0xC200] =	vst v63  }
0xeb: {  	_ =	swait.ge [sflag:s17], $0x4000  }
0xec: {  	[sflag:s17] =	ssyncset.done $0x0  }
0xed: {  	[sflag:s17] =	ssyncadd.s32 $0xFFFFC000  }
0xee: {  	[spmem:s3] =	stream.indirect.scatter.add.f32 [tilespmem:s13], [sflag:$0x5], $0x80, s10, s12, $0xb8;
	[tilespmem:$0xC200] =	vst v63  }
0xef: {  	_ =	swait.ge [sflag:s7], $0x4000  }
0xf0: {  	[sflag:s7] =	ssyncset.done $0x0  }
0xf1: {  	[sflag:s7] =	ssyncadd.s32 $0xFFFFC000  }
0xf2: {  	[tilespmem:s4], [sflag:$0x1] =	stream.linear.gather [hbm4b:s23+s4], $0x80, $0x38;
	[tilespmem:$0xC200] =	vst v63  }
0xf3: {  	_ = 	snop  }
0xf4: {  	[tilespmem:s10], [sflag:$0x1] =	stream.linear.gather [hbm4b:s24+s4], $0x80, $0x38;
	[tilespmem:$0xC200] =	vst v63  }
0xf5: {  	_ =	swait.ge [sflag:s11], $0x80  }
0xf6: {  	[sflag:s11] =	ssyncset.done $0x0  }
0xf7: {  	[sflag:s11] =	ssyncadd.s32 $0xFFFFFF80  }
0xf8: {  	_ =	swait.ge [sflag:s11], $0x80  }
0xf9: {  	[sflag:s11] =	ssyncset.done $0x0  }
0xfa: {  	[sflag:s11] =	ssyncadd.s32 $0xFFFFFF80  }
0xfb: {  	[tilespmem:s13], [sflag:$0x3] =	stream.indirect.gather [spmem:s2], $0x80, s4, s12, $0xb8;
	[tilespmem:$0xC200] =	vst v63  }
0xfc: {  	_ =	swait.ge [sflag:s20], $0x4000  }
0xfd: {  	[sflag:s20] =	ssyncset.done $0x0  }
0xfe: {  	[sflag:s20] =	ssyncadd.s32 $0xFFFFC000  }
0xff: {  	[spmem:s3] =	stream.indirect.scatter.add.f32 [tilespmem:s16], [sflag:$0x5], $0x80, s14, s12, $0xb8;
	[tilespmem:$0xC200] =	vst v63  }
0x100: {  	_ =	swait.ge [sflag:s7], $0x4000  }
0x101: {  	[sflag:s7] =	ssyncset.done $0x0  }
0x102: {  	[sflag:s7] =	ssyncadd.s32 $0xFFFFC000  }
0x103: {  	[tilespmem:s12], [sflag:$0x2] =	stream.linear.gather [hbm4b:s25+s4], $0x80, $0x38;
	[tilespmem:$0xC200] =	vst v63  }
0x104: {  	_ = 	snop  }
0x105: {  	[tilespmem:s14], [sflag:$0x2] =	stream.linear.gather [hbm4b:s26+s4], $0x80, $0x38;
	[tilespmem:$0xC200] =	vst v63  }
0x106: {  	_ =	swait.ge [sflag:s15], $0x80  }
0x107: {  	[sflag:s15] =	ssyncset.done $0x0  }
0x108: {  	[sflag:s15] =	ssyncadd.s32 $0xFFFFFF80  }
0x109: {  	_ =	swait.ge [sflag:s15], $0x80  }
0x10a: {  	[sflag:s15] =	ssyncset.done $0x0  }
0x10b: {  	[sflag:s15] =	ssyncadd.s32 $0xFFFFFF80  }
0x10c: {  	[tilespmem:s16], [sflag:$0x4] =	stream.indirect.gather [spmem:s2], $0x80, s12, s12, $0xb8;
	[tilespmem:$0xC200] =	vst v63  }
0x10d: {  	_ =	swait.ge [sflag:s17], $0x4000  }
0x10e: {  	[sflag:s17] =	ssyncset.done $0x0  }
0x10f: {  	[sflag:s17] =	ssyncadd.s32 $0xFFFFC000  }
0x110: {  	[spmem:s3] =	stream.indirect.scatter.add.f32 [tilespmem:s13], [sflag:$0x5], $0x80, s10, s12, $0xb8;
	[tilespmem:$0xC200] =	vst v63  }
0x111: {  	_ =	swait.ge [sflag:s7], $0x4000  }
0x112: {  	[sflag:s7] =	ssyncset.done $0x0  }
0x113: {  	[sflag:s7] =	ssyncadd.s32 $0xFFFFC000  }
0x114: {  	[tilespmem:s4], [sflag:$0x1] =	stream.linear.gather [hbm4b:s28+s4], $0x80, $0x38;
	[tilespmem:$0xC200] =	vst v63  }
0x115: {  	_ = 	snop  }
0x116: {  	[tilespmem:s10], [sflag:$0x1] =	stream.linear.gather [hbm4b:s29+s4], $0x80, $0x38;
	[tilespmem:$0xC200] =	vst v63  }
0x117: {  	_ =	swait.ge [sflag:s11], $0x80  }
0x118: {  	[sflag:s11] =	ssyncset.done $0x0  }
0x119: {  	[sflag:s11] =	ssyncadd.s32 $0xFFFFFF80  }
0x11a: {  	_ =	swait.ge [sflag:s11], $0x80  }
0x11b: {  	[sflag:s11] =	ssyncset.done $0x0  }
0x11c: {  	[sflag:s11] =	ssyncadd.s32 $0xFFFFFF80  }
0x11d: {  	[tilespmem:s13], [sflag:$0x3] =	stream.indirect.gather [spmem:s2], $0x80, s4, s12, $0xb8;
	[tilespmem:$0xC200] =	vst v63  }
0x11e: {  	_ =	swait.ge [sflag:s20], $0x4000  }
0x11f: {  	[sflag:s20] =	ssyncset.done $0x0  }
0x120: {  	[sflag:s20] =	ssyncadd.s32 $0xFFFFC000  }
0x121: {  	[spmem:s3] =	stream.indirect.scatter.add.f32 [tilespmem:s16], [sflag:$0x5], $0x80, s14, s12, $0xb8;
	[tilespmem:$0xC200] =	vst v63  }
0x122: {  	_ =	swait.ge [sflag:s7], $0x4000  }
0x123: {  	[sflag:s7] =	ssyncset.done $0x0  }
0x124: {  	[sflag:s7] =	ssyncadd.s32 $0xFFFFC000  }
0x125: {  	[tilespmem:s12], [sflag:$0x2] =	stream.linear.gather [hbm4b:s30+s4], $0x80, $0x38;
	[tilespmem:$0xC200] =	vst v63  }
0x126: {  	_ = 	snop  }
0x127: {  	[tilespmem:s14], [sflag:$0x2] =	stream.linear.gather [hbm4b:s31+s4], $0x80, $0x38;
	[tilespmem:$0xC200] =	vst v63  }
0x128: {  	_ =	swait.ge [sflag:s15], $0x80  }
0x129: {  	[sflag:s15] =	ssyncset.done $0x0  }
0x12a: {  	[sflag:s15] =	ssyncadd.s32 $0xFFFFFF80  }
0x12b: {  	_ =	swait.ge [sflag:s15], $0x80  }
0x12c: {  	[sflag:s15] =	ssyncset.done $0x0  }
0x12d: {  	[sflag:s15] =	ssyncadd.s32 $0xFFFFFF80  }
0x12e: {  	[tilespmem:s16], [sflag:$0x4] =	stream.indirect.gather [spmem:s2], $0x80, s12, s12, $0xb8;
	[tilespmem:$0xC200] =	vst v63  }
0x12f: {  	_ =	swait.ge [sflag:s17], $0x4000  }
0x130: {  	[sflag:s17] =	ssyncset.done $0x0  }
0x131: {  	[sflag:s17] =	ssyncadd.s32 $0xFFFFC000  }
0x132: {  	[spmem:s3] =	stream.indirect.scatter.add.f32 [tilespmem:s13], [sflag:$0x5], $0x80, s10, s12, $0xb8;
	[tilespmem:$0xC200] =	vst v63  }
0x133: {  	_ =	swait.ge [sflag:s7], $0x4000  }
0x134: {  	[sflag:s7] =	ssyncset.done $0x0  }
0x135: {  	[sflag:s7] =	ssyncadd.s32 $0xFFFFC000  }
0x136: {  	_ =	swait.ge [sflag:s20], $0x4000  }
0x137: {  	[sflag:s20] =	ssyncset.done $0x0  }
0x138: {  	[sflag:s20] =	ssyncadd.s32 $0xFFFFC000  }
0x139: {  	[spmem:s3] =	stream.indirect.scatter.add.f32 [tilespmem:s16], [sflag:$0x5], $0x80, s14, s12, $0xb8;
	[tilespmem:$0xC200] =	vst v63  }
0x13a: {  	_ =	swait.ge [sflag:s7], $0x4000  }
0x13b: {  	[sflag:s7] =	ssyncset.done $0x0  }
0x13c: {  	p0 =	sne.s32 s0, $0x1;
	[sflag:s7] =	ssyncadd.s32 $0xFFFFC000  }
.Ltmp1:
0x13d: {  	[bflag:$0x0] =	sbarrier.arrive $0xFFFF;
	(pc) =	sbr.rel @p0 .LBB2_1-.Ltmp1, $4  }
0x13e: {  	s5 =	rddreg [dreg:$0xa]  }
0x13f: {  	[hbm:s5], [sflag:s6] =	dma.local [spmem:s9], $0x400  }
0x140: {  	_ =	swait.ge [sflag:s7], $0x400  }
0x141: {  	s0 =	sadd.s32 $0xFFFFFFFF, s0;
	[sflag:s7] =	ssyncset.done $0x0  }
.LBB2_2:
0x142: {  	[sflag:s7] =	ssyncadd.s32 $0xFFFFFC00  }
0x143: {  	_ =	sfence.sel $0x180000  }
0x144: {  	[bflag:$0x0] =	sbarrier.arrive $0xFFFF  }
0x145: {  	_ =	strace $0x90000050  }
0x146: {  	s0 =	stileid.u32;
	[bflag:$0x2] =	sbarrier.arrive $0xFFFF  }
0x147: {  	p0 =	sne.s32 s0, $0x0;
	s0 =	rddreg [dreg:$0x4]  }
0x148: {  	s0 =	sadd.s32 @!p0 $0x100000, s0  }
0x149: {  	[sflag:s0] =	ssyncadd.tile.s32 @!p0 $0x1;
	_ =	shalt  }
.Lfunc_end2:
_tile_overlayer_lowered:
.L_overlay_start_2:
0x14a: {  	(tag) =	ssettag $0x2  }
0x14b: {  	s0 =	rddreg [dreg:$0x0];
	s2 =	stileid.u32  }
0x14c: {  	s1 =	rddreg [dreg:$0x1];
	p0 =	sne.s32 s2, $0x0  }
0x14d: {  	s3 =	rddreg [dreg:$0x2];
	[bflag:$0x3] =	sbarrier.arrive $0xFFFF;
	s2 =	simm.s32 @!p0 $0x1C05  }
0x14e: {  	[timem:s3], [sflag:s2] =	dma.local @!p0 [hbm:s0], s1  }
0x14f: {  	s0 =	simm.s32 @!p0 $0x5  }
0x150: {  	_ =	swait.ge @!p0 [sflag:s0], s1  }
0x151: {  	s1 =	ssub.s32 @!p0 $0x0, s1;
	[sflag:s0] =	ssyncset.done @!p0 $0x0  }
0x152: {  	[sflag:s0] =	ssyncadd.s32 @!p0 s1  }
0x153: {  	[bflag:$0x3] =	sbarrier.arrive $0xFFFF  }
0x154: {  	_ =	shalt  }

// kernel: kernel.24.cloned.1.call-start
scs
__scs_entry_jumppad:
0x0: {  	(pc) =	sbr.rel $0x88, $3  }
0x1: {  	(tag) =	ssettag $0x0;
	lr =	simm.s32 $0x1  }
0x2: {  	[smem:$0x3F96] =	sst lr;
	_ =	strace $0xD0000000  }
0x3: {  	_ = 	snop  }
0x4: {  	_ = 	snop  }
0x5: {  	_ = 	snop  }
0x6: {  	_ = 	snop  }
0x7: {  	_ = 	snop  }
__scs_overlays_trampoline_lowered:
0x8: {  	[smem:$0x3FA5] =	sst s0  }
0x9: {  	[smem:$0x3FA6] =	sst s1  }
0xa: {  	[smem:$0x3FA7] =	sst s2  }
0xb: {  	[smem:$0x3FA8] =	sst s3  }
0xc: {  	[smem:$0x3FA9] =	sst s4  }
0xd: {  	[smem:$0x3FAA] =	sst s5  }
0xe: {  	[smem:$0x3FAB] =	sst s6  }
0xf: {  	[smem:$0x3FAC] =	sst s7  }
0x10: {  	[smem:$0x3FAD] =	sst s8  }
0x11: {  	[smem:$0x3FAE] =	sst s9;
	s0 =	simm.s32 @!p0 $0x0  }
0x12: {  	s1 =	sld [smem:$0x3F94];
	s0 =	simm.s32 @p0 $0x1  }
0x13: {  	[smem:$0x3FAF] =	sst s0;
	s0 =	simm.s32 @!p1 $0x0  }
0x14: {  	s2 =	sld [smem:$0x3F93];
	s0 =	simm.s32 @p1 $0x1  }
0x15: {  	[smem:$0x3FB0] =	sst s0;
	s0 =	simm.s32 @!p2 $0x0  }
0x16: {  	s3 =	sld [smem:$0x3FDB];
	s0 =	simm.s32 @p2 $0x1  }
0x17: {  	s4 =	simm.s32 $0x1BF5;
	[smem:$0x3FB2] =	sst s0  }
0x18: {  	s0 =	sld [smem:$0x3F95];
	_ =	swait.ge [sflag:s4], $0x0  }
0x19: {  	s7 =	sld [smem:$0x3F96]  }
0x1a: {  	s8 =	sadd.s32 $0xFFFFE003, lr  }
0x1b: {  	s9 =	sadd.s32 $0xFFFFFEF7, lr;
	s5 =	simm.s32 $0xFFFFFFFF;
	p2 =	slt.u32 s8, $0xFFFFF086  }
0x1c: {  	p1 =	slt.u32 s9, $0xF7A;
	s5 =	simm.s32 @!p2 $0x0  }
0x1d: {  	s5 =	simm.s32 @p1 $0x1;
	p0 =	seq.s32 s7, s2  }
0x1e: {  	s7 =	smul.u32 @!p0 $0xF7A, s2;
	p2 =	seq.s32 @!p0 s5, $0x0  }
0x1f: {  	s9 =	smul.u32 $0xF7A, s1;
	s8 =	simm.s32 @!p0 $0x1BF5;
	p2 =	por !p2, p0  }
0x20: {  	[sflag:s8] =	ssyncset.s32 @!p0 $0xFFFFF086;
	s6 =	sadd.s32 @!p0 s3, s7;
	s7 =	simm.s32 @!p0 $0x108  }
0x21: {  	s3 =	sadd.s32 s3, s9;
	s6 =	sadd.s32 @!p0 $0x88, s6;
	s7 =	simm.s32 @p2 $0x1082  }
0x22: {  	[simem:s7], [sflag:s8] =	dma.local @!p0 [hbm:s6], $0xF7A  }
0x23: {  	s9 =	sor.u32 $0xD0000000, s2;
	s6 =	simm.s32 $0x108;
	_ =	swait.ge @!p0 [sflag:s8], $0x0  }
0x24: {  	s3 =	sadd.s32 $0x88, s3;
	s6 =	simm.s32 @!p1 $0x1082;
	[sflag:s4] =	ssyncset.s32 $0xFFFFF086  }
0x25: {  	[simem:s6], [sflag:s4] =	dma.local [hbm:s3], $0xF7A  }
0x26: {  	[smem:$0x3F96] =	sst s1;
	(tag) =	ssettag s2;
	_ =	strace s9  }
0x27: {  	s1 =	sld [smem:$0x3FA6]  }
0x28: {  	s2 =	sld [smem:$0x3FA7]  }
0x29: {  	s4 =	sld [smem:$0x3FA9]  }
0x2a: {  	p0 =	seq.s32 s5, $0x0;
	s5 =	sld [smem:$0x3FAA]  }
0x2b: {  	s6 =	sld [smem:$0x3FAB]  }
0x2c: {  	s7 =	sld [smem:$0x3FAC]  }
0x2d: {  	s3 =	simm.s32 $0x108;
	s8 =	sld [smem:$0x3FAD]  }
0x2e: {  	s3 =	simm.s32 @!p0 $0x1082;
	s9 =	sld [smem:$0x3FAE]  }
0x2f: {  	lr =	sadd.s32 s0, s3;
	s0 =	sld [smem:$0x3FA5]  }
0x30: {  	s3 =	sld [smem:$0x3FA8]  }
0x31: {  	[smem:$0x3FB1] =	sst s10  }
0x32: {  	s10 =	sld [smem:$0x3FAF];
	_ =	sdelay $0x3  }
0x33: {  	p0 =	seq.s32 s10, $0x1;
	s10 =	sld [smem:$0x3FB1];
	_ =	sdelay $0x3  }
0x34: {  	[smem:$0x3FB1] =	sst s10  }
0x35: {  	s10 =	sld [smem:$0x3FB0];
	_ =	sdelay $0x3  }
0x36: {  	p1 =	seq.s32 s10, $0x1;
	s10 =	sld [smem:$0x3FB1];
	_ =	sdelay $0x3  }
0x37: {  	[smem:$0x3FB1] =	sst s10  }
0x38: {  	s10 =	sld [smem:$0x3FB2]  }
0x39: {  	_ = 	snop;
	(pc) =	sbr.ind lr, $3  }
0x3a: {  	_ = 	snop  }
0x3b: {  	_ = 	snop  }
0x3c: {  	p2 =	seq.s32 s10, $0x1;
	s10 =	sld [smem:$0x3FB1]  }
0x3d: {  	_ =	shalt  }
0x3e: {  	_ =	shalt  }
0x3f: {  	_ =	shalt  }
0x40: {  	_ =	shalt  }
0x41: {  	_ =	shalt  }
0x42: {  	_ =	shalt  }
0x43: {  	_ =	shalt  }
0x44: {  	_ =	shalt  }
0x45: {  	_ =	shalt  }
0x46: {  	_ =	shalt  }
0x47: {  	_ =	shalt  }
0x48: {  	_ =	shalt  }
0x49: {  	_ =	shalt  }
0x4a: {  	_ =	shalt  }
0x4b: {  	_ =	shalt  }
0x4c: {  	_ =	shalt  }
0x4d: {  	_ =	shalt  }
0x4e: {  	_ =	shalt  }
0x4f: {  	_ =	shalt  }
0x50: {  	_ =	shalt  }
0x51: {  	_ =	shalt  }
0x52: {  	_ =	shalt  }
0x53: {  	_ =	shalt  }
0x54: {  	_ =	shalt  }
0x55: {  	_ =	shalt  }
0x56: {  	_ =	shalt  }
0x57: {  	_ =	shalt  }
0x58: {  	_ =	shalt  }
0x59: {  	_ =	shalt  }
0x5a: {  	_ =	shalt  }
0x5b: {  	_ =	shalt  }
0x5c: {  	_ =	shalt  }
0x5d: {  	_ =	shalt  }
0x5e: {  	_ =	shalt  }
0x5f: {  	_ =	shalt  }
0x60: {  	_ =	shalt  }
0x61: {  	_ =	shalt  }
0x62: {  	_ =	shalt  }
0x63: {  	_ =	shalt  }
0x64: {  	_ =	shalt  }
0x65: {  	_ =	shalt  }
0x66: {  	_ =	shalt  }
0x67: {  	_ =	shalt  }
0x68: {  	_ =	shalt  }
0x69: {  	_ =	shalt  }
0x6a: {  	_ =	shalt  }
0x6b: {  	_ =	shalt  }
0x6c: {  	_ =	shalt  }
0x6d: {  	_ =	shalt  }
0x6e: {  	_ =	shalt  }
0x6f: {  	_ =	shalt  }
0x70: {  	_ =	shalt  }
0x71: {  	_ =	shalt  }
0x72: {  	_ =	shalt  }
0x73: {  	_ =	shalt  }
0x74: {  	_ =	shalt  }
0x75: {  	_ =	shalt  }
0x76: {  	_ =	shalt  }
0x77: {  	_ =	shalt  }
0x78: {  	_ =	shalt  }
0x79: {  	_ =	shalt  }
0x7a: {  	_ =	shalt  }
0x7b: {  	_ =	shalt  }
0x7c: {  	_ =	shalt  }
0x7d: {  	_ =	shalt  }
0x7e: {  	_ =	shalt  }
0x7f: {  	_ =	shalt  }
0x80: {  	_ =	shalt  }
0x81: {  	_ =	shalt  }
0x82: {  	_ =	shalt  }
0x83: {  	_ =	shalt  }
0x84: {  	_ =	shalt  }
0x85: {  	_ =	shalt  }
0x86: {  	_ =	shalt  }
0x87: {  	_ =	shalt  }
.Lfunc_end0:
.L_simem_size_0:
called_computation.4_lowered:
.L_overlay_start_0:
0x88: {  	s2 =	sld [smem:$0x3FD9]  }
0x89: {  	s3 =	sld [smem:$0x3FFE];
	_ =	sdelay $0x1  }
0x8a: {  	s1 =	srdreg.scid  }
0x8b: {  	s0 =	sand.u32 $0x1, s1  }
0x8c: {  	s17 =	sshll.u32 s0, $0xA;
	s2 =	sadd.s32 s3, s2  }
0x8d: {  	s2 =	sadd.s32 s2, s17  }
0x8e: {  	[smem:$0x3FBD] =	sst s2  }
0x8f: {  	_ = 	snop  }
0x90: {  	s2 =	sld [smem:$0x3FD0];
	(tm) =	ssettm $0x1  }
0x91: {  	s18 =	sld [smem:$0x3FFB];
	_ =	sdelay $0x3  }
0x92: {  	_ =	strace s18  }
0x93: {  	s3 =	sld [smem:$0x3FFC];
	_ =	sdelay $0x3  }
0x94: {  	_ =	strace s3  }
0x95: {  	s3 =	sld [smem:$0x3FFD];
	_ =	sdelay $0x3  }
0x96: {  	_ =	strace s3  }
0x97: {  	_ =	strace $0x8FFFFFFF  }
0x98: {  	s19 =	sld [smem:$0x3FDB];
	_ =	sdelay $0x1  }
0x99: {  	s4 =	simm.s32 $_scs_section_size  }
0x9a: {  	s5 =	simm.s32 $_size__tile_overlayer_lowered;
	s6 =	simm.s32 $_tile_overlayer_lowered  }
0x9b: {  	s22 =	simm.s32 $0x1BFF;
	s21 =	sshll.u32 s6, $0x1;
	s3 =	sadd.s32 s4, s19  }
0x9c: {  	s7 =	simm.s32 $0x0;
	s20 =	sshll.u32 s5, $0x1;
	s5 =	sadd.s32 s21, s3  }
0x9d: {  	[timem:s7], [sflag:s22] =	dma.local [hbm:s5], s20  }
0x9e: {  	_ =	swait.ge [sflag:s22], s20  }
0x9f: {  	s4 =	ssub.s32 $0x0, s20;
	[sflag:s22] =	ssyncset.done $0x0  }
0xa0: {  	[sflag:s22] =	ssyncadd.s32 s4;
	_ =	sdelay $0x1  }
0xa1: {  	s23 =	simm.s32 $0x1B8B  }
0xa2: {  	_ =	swait.ge [sflag:s23], $0x1  }
0xa3: {  	[sflag:s23] =	ssyncset.done $0x0  }
0xa4: {  	s25 =	simm.s32 $0x1B8E;
	s24 =	sld [smem:$0x3FFE];
	[sflag:s23] =	ssyncadd.s32 $0xFFFFFFFF  }
0xa5: {  	s26 =	simm.s32 $execute0_lowered;
	[smem:$0x3FD2] =	sst s25  }
0xa6: {  	s5 =	sshll.u32 s26, $0x1;
	_ =	strace $0x80000052;
	[dreg:$0x1] =	wrdreg $0xFFFFFFFF  }
0xa7: {  	s28 =	simm.s32 $_size_execute0_lowered;
	s3 =	sadd.s32 s3, s5;
	[dreg:$0x0] =	wrdreg $0x0  }
0xa8: {  	s5 =	sshll.u32 s28, $0x1;
	[dreg:$0x2] =	wrdreg s3  }
0xa9: {  	[dreg:$0x3] =	wrdreg s5  }
0xaa: {  	[dreg:$0x4] =	wrdreg $0xC0  }
0xab: {  	_ =	task [dreg:s7], $0x5FFFF  }
0xac: {  	[dreg:$0x1] =	wrdreg $0xFFFFFFFF  }
0xad: {  	[dreg:$0x0] =	wrdreg $0x60  }
0xae: {  	[dreg:$0x2] =	wrdreg s2  }
0xaf: {  	[dreg:$0x3] =	wrdreg s24  }
0xb0: {  	[dreg:$0x4] =	wrdreg $0x82000  }
0xb1: {  	[dreg:$0x5] =	wrdreg $0xA2000  }
0xb2: {  	[dreg:$0x6] =	wrdreg $0x9  }
0xb3: {  	_ =	task.clear_ibuf [dreg:s7], $0x7FFFF;
	_ =	strace $0x90000052  }
0xb4: {  	s29 =	simm.s32 $0x9;
	_ =	strace $0x80000054  }
0xb5: {  	_ =	swait.ge [sflag:s29], $0x1  }
0xb6: {  	[sflag:s29] =	ssyncadd.s32 $0xFFFFFFFF  }
0xb7: {  	_ =	strace $0x90000054  }
0xb8: {  	_ =	sfence  }
0xb9: {  	s30 =	sld [smem:$0x0];
	_ =	sdelay $0x2  }
0xba: {  	s31 =	sshll.u32 s1, $0xD;
	s1 =	sshrl.u32 s1, $0x2  }
0xbb: {  	s3 =	sand.u32 $0x4000, s31;
	s1 =	sadd.s32 s1, s30  }
0xbc: {  	s0 =	sor.u32 s3, s0;
	s1 =	sshll.u32 s1, $0x11  }
0xbd: {  	s0 =	sor.u32 s1, s0  }
0xbe: {  	s0 =	sadd.s32 $0x8F2B, s0  }
0xbf: {  	[sflag:s0] =	ssyncadd.remote.s32 $0x1  }
0xc0: {  	_ =	sfence.sel $0xFFFF  }
0xc1: {  	[dreg:$0x0] =	wrdreg $0xFFFFFFFF;
	(pc) =	sbr.abs _section_cstart, $3  }
0xc2: {  	[dreg:$0x1] =	wrdreg $0xFFFFFFFF  }
0xc3: {  	_ =	task.clear_ibuf [dreg:s7], $0x2FFFF;
	_ =	strace $0x9FFFFFFF  }
0xc4: {  	(tm) =	ssettm $0x7FFFFFFF  }
0xc5: {  	_ =	shalt  }
tec
execute0_lowered:
.L_overlay_start_1:
0x0: {  	(tag) =	ssettag $0x1  }
0x1: {  	s5 =	rddreg [dreg:$0x0]  }
0x2: {  	s6 =	rddreg [dreg:$0x1]  }
0x3: {  	s2 =	rddreg [dreg:$0x2]  }
0x4: {  	s3 =	rddreg [dreg:$0x3]  }
0x5: {  	s4 =	simm.s32 $0x0;
	s11 =	stileid.u32;
	s0 =	srdreg.scid  }
0x6: {  	[smem:$0x7FF] =	sst s4;
	s7 =	sshll.u32 s11, $0xA;
	s0 =	sand.u32 $0x1, s0  }
0x7: {  	s9 =	sshll.u32 s11, $0x7;
	s30 =	sadd.s32 $0x4E400, s6;
	s31 =	sadd.s32 $0x4F400, s6  }
0x8: {  	s21 =	sshll.u32 s11, $0xD;
	s23 =	sshll.u32 s11, $0x6;
	_ =	strace $0x80000053  }
0x9: {  	s8 =	sadd.s32 s7, s6;
	s1 =	sshll.u32 s0, $0xB;
	s5 =	sadd.s32 s7, s5  }
0xa: {  	s10 =	sadd.s32 $0x50400, s8;
	s1 =	sor.u32 s9, s1;
	[dreg:$0xb] =	wrdreg s5  }
0xb: {  	s18 =	sshll.u32 s0, $0xE;
	[dreg:$0x5] =	wrdreg s10;
	s15 =	sadd.s32 s30, s1  }
0xc: {  	s8 =	sadd.s32 s18, s8;
	s16 =	sadd.s32 s31, s1;
	[dreg:$0x6] =	wrdreg s15  }
0xd: {  	s9 =	sor.u32 $0x10, s1;
	s20 =	sadd.s32 $0x4400, s8;
	[dreg:$0x7] =	wrdreg s16  }
0xe: {  	s22 =	sadd.s32 s21, s2;
	s17 =	sadd.s32 s30, s9;
	[dreg:$0xa] =	wrdreg s20  }
0xf: {  	s6 =	sor.u32 $0x1C05, s23;
	s19 =	sadd.s32 s31, s9;
	[dreg:$0x8] =	wrdreg s17  }
0x10: {  	s7 =	simm.s32 $0x5;
	s24 =	sshrl.u32 s22, $0x3;
	[dreg:$0x9] =	wrdreg s19  }
0x11: {  	[spmem:s24], [sflag:s6] =	dma.local [hbm:s5], $0x400  }
0x12: {  	_ =	swait.ge [sflag:s7], $0x400  }
0x13: {  	s9 =	sadd.s32 s21, s3;
	[sflag:s7] =	ssyncset.done $0x0  }
0x14: {  	s9 =	sshrl.u32 s9, $0x3;
	s25 =	rddreg [dreg:$0x5];
	[sflag:s7] =	ssyncadd.s32 $0xFFFFFC00  }
0x15: {  	[spmem:s9], [sflag:s6] =	dma.local [hbm:s25], $0x400  }
0x16: {  	_ =	swait.ge [sflag:s7], $0x400  }
0x17: {  	[sflag:s7] =	ssyncset.done $0x0  }
0x18: {  	[sflag:s7] =	ssyncadd.s32 $0xFFFFFC00  }
0x19: {  	[bflag:$0x0] =	sbarrier.arrive $0xFFFF  }
0x1a: {  	s26 =	rddreg [dreg:$0x6]  }
0x1b: {  	[tilespmem:s4], [sflag:$0x1] =	stream.linear.gather [hbm4b:s26+s4], $0x80, $0x38;
	[tilespmem:$0xC200] =	vst v63  }
0x1c: {  	s11 =	simm.s32 $0x1;
	s10 =	simm.s32 $0x100;
	s12 =	rddreg [dreg:$0x7]  }
0x1d: {  	[tilespmem:s10], [sflag:$0x1] =	stream.linear.gather [hbm4b:s12+s4], $0x80, $0x38;
	[tilespmem:$0xC200] =	vst v63  }
0x1e: {  	_ =	swait.ge [sflag:s11], $0x80  }
0x1f: {  	[sflag:s11] =	ssyncset.done $0x0  }
0x20: {  	[sflag:s11] =	ssyncadd.s32 $0xFFFFFF80  }
0x21: {  	_ =	swait.ge [sflag:s11], $0x80  }
0x22: {  	[sflag:s11] =	ssyncset.done $0x0  }
0x23: {  	s13 =	simm.s32 $0x200;
	s12 =	simm.s32 $0x80;
	[sflag:s11] =	ssyncadd.s32 $0xFFFFFF80  }
0x24: {  	[tilespmem:s13], [sflag:$0x3] =	stream.indirect.gather [spmem:s2], $0x80, s4, s12, $0xb8;
	[tilespmem:$0xC200] =	vst v63  }
0x25: {  	s14 =	rddreg [dreg:$0x8]  }
0x26: {  	[tilespmem:s12], [sflag:$0x2] =	stream.linear.gather [hbm4b:s14+s4], $0x80, $0x38;
	[tilespmem:$0xC200] =	vst v63  }
0x27: {  	s15 =	simm.s32 $0x2;
	s16 =	rddreg [dreg:$0x9];
	s14 =	simm.s32 $0x180  }
0x28: {  	[tilespmem:s14], [sflag:$0x2] =	stream.linear.gather [hbm4b:s16+s4], $0x80, $0x38;
	[tilespmem:$0xC200] =	vst v63  }
0x29: {  	_ =	swait.ge [sflag:s15], $0x80  }
0x2a: {  	[sflag:s15] =	ssyncset.done $0x0  }
0x2b: {  	[sflag:s15] =	ssyncadd.s32 $0xFFFFFF80  }
0x2c: {  	_ =	swait.ge [sflag:s15], $0x80  }
0x2d: {  	[sflag:s15] =	ssyncset.done $0x0  }
0x2e: {  	s17 =	simm.s32 $0x3;
	s16 =	simm.s32 $0x4200;
	[sflag:s15] =	ssyncadd.s32 $0xFFFFFF80  }
0x2f: {  	[tilespmem:s16], [sflag:$0x4] =	stream.indirect.gather [spmem:s2], $0x80, s12, s12, $0xb8;
	[tilespmem:$0xC200] =	vst v63  }
0x30: {  	_ =	swait.ge [sflag:s17], $0x4000  }
0x31: {  	[sflag:s17] =	ssyncset.done $0x0  }
0x32: {  	[sflag:s17] =	ssyncadd.s32 $0xFFFFC000  }
0x33: {  	[spmem:s3] =	stream.indirect.scatter.add.f32 [tilespmem:s13], [sflag:$0x5], $0x80, s10, s12, $0xb8;
	[tilespmem:$0xC200] =	vst v63  }
0x34: {  	_ =	swait.ge [sflag:s7], $0x4000  }
0x35: {  	s19 =	sor.u32 $0x20, s1;
	[sflag:s7] =	ssyncset.done $0x0  }
0x36: {  	s18 =	sadd.s32 s30, s19;
	[sflag:s7] =	ssyncadd.s32 $0xFFFFC000  }
0x37: {  	[tilespmem:s4], [sflag:$0x1] =	stream.linear.gather [hbm4b:s18+s4], $0x80, $0x38;
	[tilespmem:$0xC200] =	vst v63  }
0x38: {  	s19 =	sadd.s32 s31, s19  }
0x39: {  	[tilespmem:s10], [sflag:$0x1] =	stream.linear.gather [hbm4b:s19+s4], $0x80, $0x38;
	[tilespmem:$0xC200] =	vst v63  }
0x3a: {  	_ =	swait.ge [sflag:s11], $0x80  }
0x3b: {  	[sflag:s11] =	ssyncset.done $0x0  }
0x3c: {  	[sflag:s11] =	ssyncadd.s32 $0xFFFFFF80  }
0x3d: {  	_ =	swait.ge [sflag:s11], $0x80  }
0x3e: {  	[sflag:s11] =	ssyncset.done $0x0  }
0x3f: {  	s20 =	simm.s32 $0x4;
	[sflag:s11] =	ssyncadd.s32 $0xFFFFFF80  }
0x40: {  	[tilespmem:s13], [sflag:$0x3] =	stream.indirect.gather [spmem:s2], $0x80, s4, s12, $0xb8;
	[tilespmem:$0xC200] =	vst v63  }
0x41: {  	_ =	swait.ge [sflag:s20], $0x4000  }
0x42: {  	[sflag:s20] =	ssyncset.done $0x0  }
0x43: {  	[sflag:s20] =	ssyncadd.s32 $0xFFFFC000  }
0x44: {  	[spmem:s3] =	stream.indirect.scatter.add.f32 [tilespmem:s16], [sflag:$0x5], $0x80, s14, s12, $0xb8;
	[tilespmem:$0xC200] =	vst v63  }
0x45: {  	_ =	swait.ge [sflag:s7], $0x4000  }
0x46: {  	s22 =	sor.u32 $0x30, s1;
	[sflag:s7] =	ssyncset.done $0x0  }
0x47: {  	s21 =	sadd.s32 s30, s22;
	[sflag:s7] =	ssyncadd.s32 $0xFFFFC000  }
0x48: {  	[tilespmem:s12], [sflag:$0x2] =	stream.linear.gather [hbm4b:s21+s4], $0x80, $0x38;
	[tilespmem:$0xC200] =	vst v63  }
0x49: {  	s22 =	sadd.s32 s31, s22  }
0x4a: {  	[tilespmem:s14], [sflag:$0x2] =	stream.linear.gather [hbm4b:s22+s4], $0x80, $0x38;
	[tilespmem:$0xC200] =	vst v63  }
0x4b: {  	_ =	swait.ge [sflag:s15], $0x80  }
0x4c: {  	[sflag:s15] =	ssyncset.done $0x0  }
0x4d: {  	[sflag:s15] =	ssyncadd.s32 $0xFFFFFF80  }
0x4e: {  	_ =	swait.ge [sflag:s15], $0x80  }
0x4f: {  	[sflag:s15] =	ssyncset.done $0x0  }
0x50: {  	[sflag:s15] =	ssyncadd.s32 $0xFFFFFF80  }
0x51: {  	[tilespmem:s16], [sflag:$0x4] =	stream.indirect.gather [spmem:s2], $0x80, s12, s12, $0xb8;
	[tilespmem:$0xC200] =	vst v63  }
0x52: {  	_ =	swait.ge [sflag:s17], $0x4000  }
0x53: {  	[sflag:s17] =	ssyncset.done $0x0  }
0x54: {  	[sflag:s17] =	ssyncadd.s32 $0xFFFFC000  }
0x55: {  	[spmem:s3] =	stream.indirect.scatter.add.f32 [tilespmem:s13], [sflag:$0x5], $0x80, s10, s12, $0xb8;
	[tilespmem:$0xC200] =	vst v63  }
0x56: {  	_ =	swait.ge [sflag:s7], $0x4000  }
0x57: {  	s8 =	smov.u32 s24;
	s24 =	sor.u32 $0x40, s1;
	[sflag:s7] =	ssyncset.done $0x0  }
0x58: {  	s23 =	sadd.s32 s30, s24;
	[sflag:s7] =	ssyncadd.s32 $0xFFFFC000  }
0x59: {  	[tilespmem:s4], [sflag:$0x1] =	stream.linear.gather [hbm4b:s23+s4], $0x80, $0x38;
	[tilespmem:$0xC200] =	vst v63  }
0x5a: {  	s24 =	sadd.s32 s31, s24  }
0x5b: {  	[tilespmem:s10], [sflag:$0x1] =	stream.linear.gather [hbm4b:s24+s4], $0x80, $0x38;
	[tilespmem:$0xC200] =	vst v63  }
0x5c: {  	_ =	swait.ge [sflag:s11], $0x80  }
0x5d: {  	[sflag:s11] =	ssyncset.done $0x0  }
0x5e: {  	[sflag:s11] =	ssyncadd.s32 $0xFFFFFF80  }
0x5f: {  	_ =	swait.ge [sflag:s11], $0x80  }
0x60: {  	[sflag:s11] =	ssyncset.done $0x0  }
0x61: {  	[sflag:s11] =	ssyncadd.s32 $0xFFFFFF80  }
0x62: {  	[tilespmem:s13], [sflag:$0x3] =	stream.indirect.gather [spmem:s2], $0x80, s4, s12, $0xb8;
	[tilespmem:$0xC200] =	vst v63  }
0x63: {  	_ =	swait.ge [sflag:s20], $0x4000  }
0x64: {  	[sflag:s20] =	ssyncset.done $0x0  }
0x65: {  	[sflag:s20] =	ssyncadd.s32 $0xFFFFC000  }
0x66: {  	[spmem:s3] =	stream.indirect.scatter.add.f32 [tilespmem:s16], [sflag:$0x5], $0x80, s14, s12, $0xb8;
	[tilespmem:$0xC200] =	vst v63  }
0x67: {  	_ =	swait.ge [sflag:s7], $0x4000  }
0x68: {  	s26 =	sor.u32 $0x50, s1;
	[sflag:s7] =	ssyncset.done $0x0  }
0x69: {  	s25 =	sadd.s32 s30, s26;
	[sflag:s7] =	ssyncadd.s32 $0xFFFFC000  }
0x6a: {  	[tilespmem:s12], [sflag:$0x2] =	stream.linear.gather [hbm4b:s25+s4], $0x80, $0x38;
	[tilespmem:$0xC200] =	vst v63  }
0x6b: {  	s26 =	sadd.s32 s31, s26  }
0x6c: {  	[tilespmem:s14], [sflag:$0x2] =	stream.linear.gather [hbm4b:s26+s4], $0x80, $0x38;
	[tilespmem:$0xC200] =	vst v63  }
0x6d: {  	_ =	swait.ge [sflag:s15], $0x80  }
0x6e: {  	[sflag:s15] =	ssyncset.done $0x0  }
0x6f: {  	[sflag:s15] =	ssyncadd.s32 $0xFFFFFF80  }
0x70: {  	_ =	swait.ge [sflag:s15], $0x80  }
0x71: {  	[sflag:s15] =	ssyncset.done $0x0  }
0x72: {  	[sflag:s15] =	ssyncadd.s32 $0xFFFFFF80  }
0x73: {  	[tilespmem:s16], [sflag:$0x4] =	stream.indirect.gather [spmem:s2], $0x80, s12, s12, $0xb8;
	[tilespmem:$0xC200] =	vst v63  }
0x74: {  	_ =	swait.ge [sflag:s17], $0x4000  }
0x75: {  	[sflag:s17] =	ssyncset.done $0x0  }
0x76: {  	[sflag:s17] =	ssyncadd.s32 $0xFFFFC000  }
0x77: {  	[spmem:s3] =	stream.indirect.scatter.add.f32 [tilespmem:s13], [sflag:$0x5], $0x80, s10, s12, $0xb8;
	[tilespmem:$0xC200] =	vst v63  }
0x78: {  	_ =	swait.ge [sflag:s7], $0x4000  }
0x79: {  	s29 =	sor.u32 $0x60, s1;
	[sflag:s7] =	ssyncset.done $0x0  }
0x7a: {  	s28 =	sadd.s32 s30, s29;
	[sflag:s7] =	ssyncadd.s32 $0xFFFFC000  }
0x7b: {  	[tilespmem:s4], [sflag:$0x1] =	stream.linear.gather [hbm4b:s28+s4], $0x80, $0x38;
	[tilespmem:$0xC200] =	vst v63  }
0x7c: {  	s29 =	sadd.s32 s31, s29  }
0x7d: {  	[tilespmem:s10], [sflag:$0x1] =	stream.linear.gather [hbm4b:s29+s4], $0x80, $0x38;
	[tilespmem:$0xC200] =	vst v63  }
0x7e: {  	_ =	swait.ge [sflag:s11], $0x80  }
0x7f: {  	[sflag:s11] =	ssyncset.done $0x0  }
0x80: {  	[sflag:s11] =	ssyncadd.s32 $0xFFFFFF80  }
0x81: {  	_ =	swait.ge [sflag:s11], $0x80  }
0x82: {  	[sflag:s11] =	ssyncset.done $0x0  }
0x83: {  	[sflag:s11] =	ssyncadd.s32 $0xFFFFFF80  }
0x84: {  	[tilespmem:s13], [sflag:$0x3] =	stream.indirect.gather [spmem:s2], $0x80, s4, s12, $0xb8;
	[tilespmem:$0xC200] =	vst v63  }
0x85: {  	_ =	swait.ge [sflag:s20], $0x4000  }
0x86: {  	[sflag:s20] =	ssyncset.done $0x0  }
0x87: {  	[sflag:s20] =	ssyncadd.s32 $0xFFFFC000  }
0x88: {  	[spmem:s3] =	stream.indirect.scatter.add.f32 [tilespmem:s16], [sflag:$0x5], $0x80, s14, s12, $0xb8;
	[tilespmem:$0xC200] =	vst v63  }
0x89: {  	_ =	swait.ge [sflag:s7], $0x4000  }
0x8a: {  	s1 =	sor.u32 $0x70, s1;
	[sflag:s7] =	ssyncset.done $0x0  }
0x8b: {  	s30 =	sadd.s32 s30, s1;
	[sflag:s7] =	ssyncadd.s32 $0xFFFFC000  }
0x8c: {  	[tilespmem:s12], [sflag:$0x2] =	stream.linear.gather [hbm4b:s30+s4], $0x80, $0x38;
	[tilespmem:$0xC200] =	vst v63  }
0x8d: {  	s31 =	sadd.s32 s31, s1  }
0x8e: {  	[tilespmem:s14], [sflag:$0x2] =	stream.linear.gather [hbm4b:s31+s4], $0x80, $0x38;
	[tilespmem:$0xC200] =	vst v63  }
0x8f: {  	_ =	swait.ge [sflag:s15], $0x80  }
0x90: {  	[sflag:s15] =	ssyncset.done $0x0  }
0x91: {  	[sflag:s15] =	ssyncadd.s32 $0xFFFFFF80  }
0x92: {  	_ =	swait.ge [sflag:s15], $0x80  }
0x93: {  	[sflag:s15] =	ssyncset.done $0x0  }
0x94: {  	[sflag:s15] =	ssyncadd.s32 $0xFFFFFF80  }
0x95: {  	[tilespmem:s16], [sflag:$0x4] =	stream.indirect.gather [spmem:s2], $0x80, s12, s12, $0xb8;
	[tilespmem:$0xC200] =	vst v63  }
0x96: {  	_ =	swait.ge [sflag:s17], $0x4000  }
0x97: {  	[sflag:s17] =	ssyncset.done $0x0  }
0x98: {  	[sflag:s17] =	ssyncadd.s32 $0xFFFFC000  }
0x99: {  	[spmem:s3] =	stream.indirect.scatter.add.f32 [tilespmem:s13], [sflag:$0x5], $0x80, s10, s12, $0xb8;
	[tilespmem:$0xC200] =	vst v63  }
0x9a: {  	_ =	swait.ge [sflag:s7], $0x4000  }
0x9b: {  	[sflag:s7] =	ssyncset.done $0x0  }
0x9c: {  	[sflag:s7] =	ssyncadd.s32 $0xFFFFC000  }
0x9d: {  	_ =	swait.ge [sflag:s20], $0x4000  }
0x9e: {  	s0 =	ssub.s32 $0x2, s0;
	[sflag:s20] =	ssyncset.done $0x0  }
0x9f: {  	s1 =	sshrl.u32 s0, $0x1;
	[sflag:s20] =	ssyncadd.s32 $0xFFFFC000  }
0xa0: {  	[spmem:s3] =	stream.indirect.scatter.add.f32 [tilespmem:s16], [sflag:$0x5], $0x80, s14, s12, $0xb8;
	[tilespmem:$0xC200] =	vst v63  }
0xa1: {  	s0 =	ssub.s32 s0, s1;
	_ =	swait.ge [sflag:s7], $0x4000  }
0xa2: {  	s0 =	smax.u32 s0, $0x1;
	[sflag:s7] =	ssyncset.done $0x0  }
0xa3: {  	p0 =	sne.s32 s0, $0x1;
	[sflag:s7] =	ssyncadd.s32 $0xFFFFC000  }
.Ltmp0:
0xa4: {  	[bflag:$0x0] =	sbarrier.arrive $0xFFFF;
	(pc) =	sbr.rel @!p0 .LBB2_2-.Ltmp0, $4  }
0xa5: {  	s5 =	rddreg [dreg:$0xa]  }
0xa6: {  	[hbm:s5], [sflag:s6] =	dma.local [spmem:s9], $0x400  }
0xa7: {  	_ =	swait.ge [sflag:s7], $0x400  }
0xa8: {  	s0 =	sadd.s32 $0xFFFFFFFF, s0;
	[sflag:s7] =	ssyncset.done $0x0  }
.LBB2_1:
0xa9: {  	[sflag:s7] =	ssyncadd.s32 $0xFFFFFC00;
	s1 =	rddreg [dreg:$0xb]  }
0xaa: {  	[spmem:s8], [sflag:s6] =	dma.local [hbm:s1], $0x400  }
0xab: {  	_ =	swait.ge [sflag:s7], $0x400  }
0xac: {  	[sflag:s7] =	ssyncset.done $0x0  }
0xad: {  	s5 =	rddreg [dreg:$0x5];
	[sflag:s7] =	ssyncadd.s32 $0xFFFFFC00  }
0xae: {  	[spmem:s9], [sflag:s6] =	dma.local [hbm:s5], $0x400  }
0xaf: {  	_ =	swait.ge [sflag:s7], $0x400  }
0xb0: {  	[sflag:s7] =	ssyncset.done $0x0  }
0xb1: {  	[sflag:s7] =	ssyncadd.s32 $0xFFFFFC00  }
0xb2: {  	[bflag:$0x0] =	sbarrier.arrive $0xFFFF  }
0xb3: {  	s1 =	rddreg [dreg:$0x6]  }
0xb4: {  	[tilespmem:s4], [sflag:$0x1] =	stream.linear.gather [hbm4b:s1+s4], $0x80, $0x38;
	[tilespmem:$0xC200] =	vst v63  }
0xb5: {  	s5 =	rddreg [dreg:$0x7]  }
0xb6: {  	[tilespmem:s10], [sflag:$0x1] =	stream.linear.gather [hbm4b:s5+s4], $0x80, $0x38;
	[tilespmem:$0xC200] =	vst v63  }
0xb7: {  	_ =	swait.ge [sflag:s11], $0x80  }
0xb8: {  	[sflag:s11] =	ssyncset.done $0x0  }
0xb9: {  	[sflag:s11] =	ssyncadd.s32 $0xFFFFFF80  }
0xba: {  	_ =	swait.ge [sflag:s11], $0x80  }
0xbb: {  	[sflag:s11] =	ssyncset.done $0x0  }
0xbc: {  	[sflag:s11] =	ssyncadd.s32 $0xFFFFFF80  }
0xbd: {  	[tilespmem:s13], [sflag:$0x3] =	stream.indirect.gather [spmem:s2], $0x80, s4, s12, $0xb8;
	[tilespmem:$0xC200] =	vst v63  }
0xbe: {  	s1 =	rddreg [dreg:$0x8]  }
0xbf: {  	[tilespmem:s12], [sflag:$0x2] =	stream.linear.gather [hbm4b:s1+s4], $0x80, $0x38;
	[tilespmem:$0xC200] =	vst v63  }
0xc0: {  	s5 =	rddreg [dreg:$0x9]  }
0xc1: {  	[tilespmem:s14], [sflag:$0x2] =	stream.linear.gather [hbm4b:s5+s4], $0x80, $0x38;
	[tilespmem:$0xC200] =	vst v63  }
0xc2: {  	_ =	swait.ge [sflag:s15], $0x80  }
0xc3: {  	[sflag:s15] =	ssyncset.done $0x0  }
0xc4: {  	[sflag:s15] =	ssyncadd.s32 $0xFFFFFF80  }
0xc5: {  	_ =	swait.ge [sflag:s15], $0x80  }
0xc6: {  	[sflag:s15] =	ssyncset.done $0x0  }
0xc7: {  	[sflag:s15] =	ssyncadd.s32 $0xFFFFFF80  }
0xc8: {  	[tilespmem:s16], [sflag:$0x4] =	stream.indirect.gather [spmem:s2], $0x80, s12, s12, $0xb8;
	[tilespmem:$0xC200] =	vst v63  }
0xc9: {  	_ =	swait.ge [sflag:s17], $0x4000  }
0xca: {  	[sflag:s17] =	ssyncset.done $0x0  }
0xcb: {  	[sflag:s17] =	ssyncadd.s32 $0xFFFFC000  }
0xcc: {  	[spmem:s3] =	stream.indirect.scatter.add.f32 [tilespmem:s13], [sflag:$0x5], $0x80, s10, s12, $0xb8;
	[tilespmem:$0xC200] =	vst v63  }
0xcd: {  	_ =	swait.ge [sflag:s7], $0x4000  }
0xce: {  	[sflag:s7] =	ssyncset.done $0x0  }
0xcf: {  	[sflag:s7] =	ssyncadd.s32 $0xFFFFC000  }
0xd0: {  	[tilespmem:s4], [sflag:$0x1] =	stream.linear.gather [hbm4b:s18+s4], $0x80, $0x38;
	[tilespmem:$0xC200] =	vst v63  }
0xd1: {  	_ = 	snop  }
0xd2: {  	[tilespmem:s10], [sflag:$0x1] =	stream.linear.gather [hbm4b:s19+s4], $0x80, $0x38;
	[tilespmem:$0xC200] =	vst v63  }
0xd3: {  	_ =	swait.ge [sflag:s11], $0x80  }
0xd4: {  	[sflag:s11] =	ssyncset.done $0x0  }
0xd5: {  	[sflag:s11] =	ssyncadd.s32 $0xFFFFFF80  }
0xd6: {  	_ =	swait.ge [sflag:s11], $0x80  }
0xd7: {  	[sflag:s11] =	ssyncset.done $0x0  }
0xd8: {  	[sflag:s11] =	ssyncadd.s32 $0xFFFFFF80  }
0xd9: {  	[tilespmem:s13], [sflag:$0x3] =	stream.indirect.gather [spmem:s2], $0x80, s4, s12, $0xb8;
	[tilespmem:$0xC200] =	vst v63  }
0xda: {  	_ =	swait.ge [sflag:s20], $0x4000  }
0xdb: {  	[sflag:s20] =	ssyncset.done $0x0  }
0xdc: {  	[sflag:s20] =	ssyncadd.s32 $0xFFFFC000  }
0xdd: {  	[spmem:s3] =	stream.indirect.scatter.add.f32 [tilespmem:s16], [sflag:$0x5], $0x80, s14, s12, $0xb8;
	[tilespmem:$0xC200] =	vst v63  }
0xde: {  	_ =	swait.ge [sflag:s7], $0x4000  }
0xdf: {  	[sflag:s7] =	ssyncset.done $0x0  }
0xe0: {  	[sflag:s7] =	ssyncadd.s32 $0xFFFFC000  }
0xe1: {  	[tilespmem:s12], [sflag:$0x2] =	stream.linear.gather [hbm4b:s21+s4], $0x80, $0x38;
	[tilespmem:$0xC200] =	vst v63  }
0xe2: {  	_ = 	snop  }
0xe3: {  	[tilespmem:s14], [sflag:$0x2] =	stream.linear.gather [hbm4b:s22+s4], $0x80, $0x38;
	[tilespmem:$0xC200] =	vst v63  }
0xe4: {  	_ =	swait.ge [sflag:s15], $0x80  }
0xe5: {  	[sflag:s15] =	ssyncset.done $0x0  }
0xe6: {  	[sflag:s15] =	ssyncadd.s32 $0xFFFFFF80  }
0xe7: {  	_ =	swait.ge [sflag:s15], $0x80  }
0xe8: {  	[sflag:s15] =	ssyncset.done $0x0  }
0xe9: {  	[sflag:s15] =	ssyncadd.s32 $0xFFFFFF80  }
0xea: {  	[tilespmem:s16], [sflag:$0x4] =	stream.indirect.gather [spmem:s2], $0x80, s12, s12, $0xb8;
	[tilespmem:$0xC200] =	vst v63  }
0xeb: {  	_ =	swait.ge [sflag:s17], $0x4000  }
0xec: {  	[sflag:s17] =	ssyncset.done $0x0  }
0xed: {  	[sflag:s17] =	ssyncadd.s32 $0xFFFFC000  }
0xee: {  	[spmem:s3] =	stream.indirect.scatter.add.f32 [tilespmem:s13], [sflag:$0x5], $0x80, s10, s12, $0xb8;
	[tilespmem:$0xC200] =	vst v63  }
0xef: {  	_ =	swait.ge [sflag:s7], $0x4000  }
0xf0: {  	[sflag:s7] =	ssyncset.done $0x0  }
0xf1: {  	[sflag:s7] =	ssyncadd.s32 $0xFFFFC000  }
0xf2: {  	[tilespmem:s4], [sflag:$0x1] =	stream.linear.gather [hbm4b:s23+s4], $0x80, $0x38;
	[tilespmem:$0xC200] =	vst v63  }
0xf3: {  	_ = 	snop  }
0xf4: {  	[tilespmem:s10], [sflag:$0x1] =	stream.linear.gather [hbm4b:s24+s4], $0x80, $0x38;
	[tilespmem:$0xC200] =	vst v63  }
0xf5: {  	_ =	swait.ge [sflag:s11], $0x80  }
0xf6: {  	[sflag:s11] =	ssyncset.done $0x0  }
0xf7: {  	[sflag:s11] =	ssyncadd.s32 $0xFFFFFF80  }
0xf8: {  	_ =	swait.ge [sflag:s11], $0x80  }
0xf9: {  	[sflag:s11] =	ssyncset.done $0x0  }
0xfa: {  	[sflag:s11] =	ssyncadd.s32 $0xFFFFFF80  }
0xfb: {  	[tilespmem:s13], [sflag:$0x3] =	stream.indirect.gather [spmem:s2], $0x80, s4, s12, $0xb8;
	[tilespmem:$0xC200] =	vst v63  }
0xfc: {  	_ =	swait.ge [sflag:s20], $0x4000  }
0xfd: {  	[sflag:s20] =	ssyncset.done $0x0  }
0xfe: {  	[sflag:s20] =	ssyncadd.s32 $0xFFFFC000  }
0xff: {  	[spmem:s3] =	stream.indirect.scatter.add.f32 [tilespmem:s16], [sflag:$0x5], $0x80, s14, s12, $0xb8;
	[tilespmem:$0xC200] =	vst v63  }
0x100: {  	_ =	swait.ge [sflag:s7], $0x4000  }
0x101: {  	[sflag:s7] =	ssyncset.done $0x0  }
0x102: {  	[sflag:s7] =	ssyncadd.s32 $0xFFFFC000  }
0x103: {  	[tilespmem:s12], [sflag:$0x2] =	stream.linear.gather [hbm4b:s25+s4], $0x80, $0x38;
	[tilespmem:$0xC200] =	vst v63  }
0x104: {  	_ = 	snop  }
0x105: {  	[tilespmem:s14], [sflag:$0x2] =	stream.linear.gather [hbm4b:s26+s4], $0x80, $0x38;
	[tilespmem:$0xC200] =	vst v63  }
0x106: {  	_ =	swait.ge [sflag:s15], $0x80  }
0x107: {  	[sflag:s15] =	ssyncset.done $0x0  }
0x108: {  	[sflag:s15] =	ssyncadd.s32 $0xFFFFFF80  }
0x109: {  	_ =	swait.ge [sflag:s15], $0x80  }
0x10a: {  	[sflag:s15] =	ssyncset.done $0x0  }
0x10b: {  	[sflag:s15] =	ssyncadd.s32 $0xFFFFFF80  }
0x10c: {  	[tilespmem:s16], [sflag:$0x4] =	stream.indirect.gather [spmem:s2], $0x80, s12, s12, $0xb8;
	[tilespmem:$0xC200] =	vst v63  }
0x10d: {  	_ =	swait.ge [sflag:s17], $0x4000  }
0x10e: {  	[sflag:s17] =	ssyncset.done $0x0  }
0x10f: {  	[sflag:s17] =	ssyncadd.s32 $0xFFFFC000  }
0x110: {  	[spmem:s3] =	stream.indirect.scatter.add.f32 [tilespmem:s13], [sflag:$0x5], $0x80, s10, s12, $0xb8;
	[tilespmem:$0xC200] =	vst v63  }
0x111: {  	_ =	swait.ge [sflag:s7], $0x4000  }
0x112: {  	[sflag:s7] =	ssyncset.done $0x0  }
0x113: {  	[sflag:s7] =	ssyncadd.s32 $0xFFFFC000  }
0x114: {  	[tilespmem:s4], [sflag:$0x1] =	stream.linear.gather [hbm4b:s28+s4], $0x80, $0x38;
	[tilespmem:$0xC200] =	vst v63  }
0x115: {  	_ = 	snop  }
0x116: {  	[tilespmem:s10], [sflag:$0x1] =	stream.linear.gather [hbm4b:s29+s4], $0x80, $0x38;
	[tilespmem:$0xC200] =	vst v63  }
0x117: {  	_ =	swait.ge [sflag:s11], $0x80  }
0x118: {  	[sflag:s11] =	ssyncset.done $0x0  }
0x119: {  	[sflag:s11] =	ssyncadd.s32 $0xFFFFFF80  }
0x11a: {  	_ =	swait.ge [sflag:s11], $0x80  }
0x11b: {  	[sflag:s11] =	ssyncset.done $0x0  }
0x11c: {  	[sflag:s11] =	ssyncadd.s32 $0xFFFFFF80  }
0x11d: {  	[tilespmem:s13], [sflag:$0x3] =	stream.indirect.gather [spmem:s2], $0x80, s4, s12, $0xb8;
	[tilespmem:$0xC200] =	vst v63  }
0x11e: {  	_ =	swait.ge [sflag:s20], $0x4000  }
0x11f: {  	[sflag:s20] =	ssyncset.done $0x0  }
0x120: {  	[sflag:s20] =	ssyncadd.s32 $0xFFFFC000  }
0x121: {  	[spmem:s3] =	stream.indirect.scatter.add.f32 [tilespmem:s16], [sflag:$0x5], $0x80, s14, s12, $0xb8;
	[tilespmem:$0xC200] =	vst v63  }
0x122: {  	_ =	swait.ge [sflag:s7], $0x4000  }
0x123: {  	[sflag:s7] =	ssyncset.done $0x0  }
0x124: {  	[sflag:s7] =	ssyncadd.s32 $0xFFFFC000  }
0x125: {  	[tilespmem:s12], [sflag:$0x2] =	stream.linear.gather [hbm4b:s30+s4], $0x80, $0x38;
	[tilespmem:$0xC200] =	vst v63  }
0x126: {  	_ = 	snop  }
0x127: {  	[tilespmem:s14], [sflag:$0x2] =	stream.linear.gather [hbm4b:s31+s4], $0x80, $0x38;
	[tilespmem:$0xC200] =	vst v63  }
0x128: {  	_ =	swait.ge [sflag:s15], $0x80  }
0x129: {  	[sflag:s15] =	ssyncset.done $0x0  }
0x12a: {  	[sflag:s15] =	ssyncadd.s32 $0xFFFFFF80  }
0x12b: {  	_ =	swait.ge [sflag:s15], $0x80  }
0x12c: {  	[sflag:s15] =	ssyncset.done $0x0  }
0x12d: {  	[sflag:s15] =	ssyncadd.s32 $0xFFFFFF80  }
0x12e: {  	[tilespmem:s16], [sflag:$0x4] =	stream.indirect.gather [spmem:s2], $0x80, s12, s12, $0xb8;
	[tilespmem:$0xC200] =	vst v63  }
0x12f: {  	_ =	swait.ge [sflag:s17], $0x4000  }
0x130: {  	[sflag:s17] =	ssyncset.done $0x0  }
0x131: {  	[sflag:s17] =	ssyncadd.s32 $0xFFFFC000  }
0x132: {  	[spmem:s3] =	stream.indirect.scatter.add.f32 [tilespmem:s13], [sflag:$0x5], $0x80, s10, s12, $0xb8;
	[tilespmem:$0xC200] =	vst v63  }
0x133: {  	_ =	swait.ge [sflag:s7], $0x4000  }
0x134: {  	[sflag:s7] =	ssyncset.done $0x0  }
0x135: {  	[sflag:s7] =	ssyncadd.s32 $0xFFFFC000  }
0x136: {  	_ =	swait.ge [sflag:s20], $0x4000  }
0x137: {  	[sflag:s20] =	ssyncset.done $0x0  }
0x138: {  	[sflag:s20] =	ssyncadd.s32 $0xFFFFC000  }
0x139: {  	[spmem:s3] =	stream.indirect.scatter.add.f32 [tilespmem:s16], [sflag:$0x5], $0x80, s14, s12, $0xb8;
	[tilespmem:$0xC200] =	vst v63  }
0x13a: {  	_ =	swait.ge [sflag:s7], $0x4000  }
0x13b: {  	[sflag:s7] =	ssyncset.done $0x0  }
0x13c: {  	p0 =	sne.s32 s0, $0x1;
	[sflag:s7] =	ssyncadd.s32 $0xFFFFC000  }
.Ltmp1:
0x13d: {  	[bflag:$0x0] =	sbarrier.arrive $0xFFFF;
	(pc) =	sbr.rel @p0 .LBB2_1-.Ltmp1, $4  }
0x13e: {  	s5 =	rddreg [dreg:$0xa]  }
0x13f: {  	[hbm:s5], [sflag:s6] =	dma.local [spmem:s9], $0x400  }
0x140: {  	_ =	swait.ge [sflag:s7], $0x400  }
0x141: {  	s0 =	sadd.s32 $0xFFFFFFFF, s0;
	[sflag:s7] =	ssyncset.done $0x0  }
.LBB2_2:
0x142: {  	[sflag:s7] =	ssyncadd.s32 $0xFFFFFC00  }
0x143: {  	_ =	sfence.sel $0x180000  }
0x144: {  	[bflag:$0x0] =	sbarrier.arrive $0xFFFF  }
0x145: {  	_ =	strace $0x90000053  }
0x146: {  	s0 =	stileid.u32;
	[bflag:$0x2] =	sbarrier.arrive $0xFFFF  }
0x147: {  	p0 =	sne.s32 s0, $0x0;
	s0 =	rddreg [dreg:$0x4]  }
0x148: {  	s0 =	sadd.s32 @!p0 $0x100000, s0  }
0x149: {  	[sflag:s0] =	ssyncadd.tile.s32 @!p0 $0x1;
	_ =	shalt  }
.Lfunc_end2:
_tile_overlayer_lowered:
.L_overlay_start_2:
0x14a: {  	(tag) =	ssettag $0x2  }
0x14b: {  	s0 =	rddreg [dreg:$0x0];
	s2 =	stileid.u32  }
0x14c: {  	s1 =	rddreg [dreg:$0x1];
	p0 =	sne.s32 s2, $0x0  }
0x14d: {  	s3 =	rddreg [dreg:$0x2];
	[bflag:$0x3] =	sbarrier.arrive $0xFFFF;
	s2 =	simm.s32 @!p0 $0x1C05  }
0x14e: {  	[timem:s3], [sflag:s2] =	dma.local @!p0 [hbm:s0], s1  }
0x14f: {  	s0 =	simm.s32 @!p0 $0x5  }
0x150: {  	_ =	swait.ge @!p0 [sflag:s0], s1  }
0x151: {  	s1 =	ssub.s32 @!p0 $0x0, s1;
	[sflag:s0] =	ssyncset.done @!p0 $0x0  }
0x152: {  	[sflag:s0] =	ssyncadd.s32 @!p0 s1  }
0x153: {  	[bflag:$0x3] =	sbarrier.arrive $0xFFFF  }
0x154: {  	_ =	shalt  }

</sc_bundles>
